<compile_context>
chip_gen: v7x
topology: tpu7x:2x2x1
jax: 0.10.2.dev20260603
libtpu: 0.0.44.dev20260713+nightly
codegen_flags: <defaults>
</compile_context>

<pallas_src>
import dataclasses
import functools

import jax
import jax.numpy as jnp
from jax import lax
from jax.experimental import pallas as pl
from jax.experimental.pallas import tpu as pltpu
from jax.experimental.pallas import tpu_sc as plsc

N_NODES = 10000
N_EDGES = 320000
HID = 128
NGRAPH = 16
BN_EPS_C = 1e-5

_NODE_BLOCK = 1000
_EDGE_BLOCK = 3200
_CHUNK = 64
_NCHUNK = N_EDGES // _CHUNK
_NTILE = 16
_NWORKER = 2 * _NTILE
_ROWS_MAIN = 624
_TAIL0 = _ROWS_MAIN * _NTILE
_TAIL = N_NODES - _TAIL0



def _edge_pack_body(x_ref, wa_ref, ba_ref, wb_ref, bb_ref, o_ref):
    acc_a = (
        jnp.dot(x_ref[...], wa_ref[...], preferred_element_type=jnp.float32)
        + ba_ref[...]
    )
    acc_b = (
        jnp.dot(x_ref[...], wb_ref[...], preferred_element_type=jnp.float32)
        + bb_ref[...]
    )
    lo = lax.bitcast_convert_type(acc_a.astype(jnp.bfloat16),
                                  jnp.uint16).astype(jnp.uint32)
    hi = lax.bitcast_convert_type(acc_b.astype(jnp.bfloat16),
                                  jnp.uint16).astype(jnp.uint32)
    o_ref[...] = (lo | (hi << 16)).astype(jnp.int32)


def _tc_edge_pack(x, WA, bA, WB, bB):
    n, k = x.shape
    m = WA.shape[1]
    return pl.pallas_call(
        _edge_pack_body,
        grid=(n // _EDGE_BLOCK,),
        in_specs=[
            pl.BlockSpec((_EDGE_BLOCK, k), lambda i: (i, 0)),
            pl.BlockSpec((k, m), lambda i: (0, 0)),
            pl.BlockSpec((1, m), lambda i: (0, 0)),
            pl.BlockSpec((k, m), lambda i: (0, 0)),
            pl.BlockSpec((1, m), lambda i: (0, 0)),
        ],
        out_specs=pl.BlockSpec((_EDGE_BLOCK, m), lambda i: (i, 0)),
        out_shape=jax.ShapeDtypeStruct((n, m), jnp.int32),
    )(x, WA, bA.reshape(1, -1), WB, bB.reshape(1, -1))


def _linear_body(x_ref, w_ref, b_ref, o_ref):
    acc = (
        jnp.dot(x_ref[...], w_ref[...], preferred_element_type=jnp.float32)
        + b_ref[...]
    )
    o_ref[...] = acc.astype(o_ref.dtype)


def _tc_linear(x, W, b, block_rows, out_dtype=jnp.float32):
    n, k = x.shape
    m = W.shape[1]
    return pl.pallas_call(
        _linear_body,
        grid=(n // block_rows,),
        in_specs=[
            pl.BlockSpec((block_rows, k), lambda i: (i, 0)),
            pl.BlockSpec((k, m), lambda i: (0, 0)),
            pl.BlockSpec((1, m), lambda i: (0, 0)),
        ],
        out_specs=pl.BlockSpec((block_rows, m), lambda i: (i, 0)),
        out_shape=jax.ShapeDtypeStruct((n, m), out_dtype),
    )(x, W, b)



def _node_mlp_body(h_ref, agg_ref, w1_ref, b1_ref, w2_ref, b2_ref,
                   g_ref, be_ref, mu_ref, var_ref, eps_ref, o_ref):
    a = agg_ref[0] + agg_ref[1]
    z = (1.0 + eps_ref[0]) * h_ref[...] + a
    u = jnp.maximum(
        jnp.dot(z, w1_ref[...], preferred_element_type=jnp.float32) + b1_ref[...],
        0.0,
    )
    v = jnp.dot(u, w2_ref[...], preferred_element_type=jnp.float32) + b2_ref[...]
    scale = g_ref[...] * lax.rsqrt(var_ref[...] + BN_EPS_C)
    shift = be_ref[...] - mu_ref[...] * scale
    o_ref[...] = jnp.maximum(v * scale + shift, 0.0)


def _tc_node_mlp(h, agg2, W1i, b1i, W2i, b2i, gi, bei, mui, vari, epsi):
    n = h.shape[0]
    nb = n // _NODE_BLOCK
    row = lambda a: a.reshape(1, -1)
    return pl.pallas_call(
        _node_mlp_body,
        grid=(nb,),
        in_specs=[
            pl.BlockSpec((_NODE_BLOCK, HID), lambda i: (i, 0)),
            pl.BlockSpec((2, _NODE_BLOCK, HID), lambda i: (0, i, 0)),
            pl.BlockSpec((HID, 2 * HID), lambda i: (0, 0)),
            pl.BlockSpec((1, 2 * HID), lambda i: (0, 0)),
            pl.BlockSpec((2 * HID, HID), lambda i: (0, 0)),
            pl.BlockSpec((1, HID), lambda i: (0, 0)),
            pl.BlockSpec((1, HID), lambda i: (0, 0)),
            pl.BlockSpec((1, HID), lambda i: (0, 0)),
            pl.BlockSpec((1, HID), lambda i: (0, 0)),
            pl.BlockSpec((1, HID), lambda i: (0, 0)),
            pl.BlockSpec(memory_space=pltpu.SMEM),
        ],
        out_specs=pl.BlockSpec((_NODE_BLOCK, HID), lambda i: (i, 0)),
        out_shape=jax.ShapeDtypeStruct((n, HID), jnp.float32),
    )(h, agg2, W1i, row(b1i), W2i, row(b2i), row(gi), row(bei), row(mui),
      row(vari), epsi.reshape(1))



def _pool_body(h_ref, b3_ref, wf_ref, bf_ref, o_ref, sums_ref, cnts_ref):
    i = pl.program_id(0)
    nb = pl.num_programs(0)

    @pl.when(i == 0)
    def _():
        sums_ref[...] = jnp.zeros_like(sums_ref)
        cnts_ref[...] = jnp.zeros_like(cnts_ref)

    seg = b3_ref[0]
    gids = lax.broadcasted_iota(jnp.int32, (NGRAPH, seg.shape[1]), 0)
    onehot = (gids == seg).astype(jnp.float32)
    sums_ref[...] += jnp.dot(onehot, h_ref[...],
                             preferred_element_type=jnp.float32)
    cnts_ref[...] += jnp.sum(onehot, axis=1, keepdims=True)

    @pl.when(i == nb - 1)
    def _():
        pooled = sums_ref[...] / jnp.clip(cnts_ref[...], 1.0, None)
        o_ref[...] = (
            jnp.dot(pooled, wf_ref[...], preferred_element_type=jnp.float32)
            + bf_ref[...]
        )


def _tc_pool(h, batch3, W_final, b_final):
    n = h.shape[0]
    nb = n // _NODE_BLOCK
    return pl.pallas_call(
        _pool_body,
        grid=(nb,),
        in_specs=[
            pl.BlockSpec((_NODE_BLOCK, HID), lambda i: (i, 0)),
            pl.BlockSpec((1, 1, _NODE_BLOCK), lambda i: (i, 0, 0)),
            pl.BlockSpec((HID, HID), lambda i: (0, 0)),
            pl.BlockSpec((1, HID), lambda i: (0, 0)),
        ],
        out_specs=pl.BlockSpec((NGRAPH, HID), lambda i: (0, 0)),
        out_shape=jax.ShapeDtypeStruct((NGRAPH, HID), jnp.float32),
        scratch_shapes=[
            pltpu.VMEM((NGRAPH, HID), jnp.float32),
            pltpu.VMEM((NGRAPH, 1), jnp.float32),
        ],
    )(h, batch3, W_final, b_final.reshape(1, -1))



_SC_MESH = plsc.VectorSubcoreMesh(core_axis_name="c", subcore_axis_name="s")

_SC_CP = pltpu.CompilerParams()
if "needs_layout_passes" in pltpu.CompilerParams.__dataclass_fields__:
    _SC_CP = dataclasses.replace(_SC_CP, needs_layout_passes=False)


_NPW = -(-_NCHUNK // _NWORKER)
_NPW3 = _NPW + (-_NPW) % 3


@functools.partial(
    pl.kernel,
    out_type=jax.ShapeDtypeStruct((2, N_NODES, HID), jnp.float32),
    mesh=_SC_MESH,
    compiler_params=_SC_CP,
    scratch_types=[
        pltpu.VMEM((2 * _CHUNK,), jnp.int32),
        pltpu.VMEM((2 * _CHUNK,), jnp.int32),
        pltpu.VMEM((2 * _CHUNK,), jnp.int32),
        pltpu.VMEM((_CHUNK,), jnp.int32),
        pltpu.VMEM((_CHUNK,), jnp.int32),
        pltpu.VMEM((_CHUNK,), jnp.int32),
        pltpu.VMEM((3, _CHUNK, HID), jnp.float32),
        pltpu.VMEM((3, _CHUNK, HID // 2), jnp.int32),
        pltpu.VMEM_SHARED((N_NODES, HID), jnp.float32),
        pltpu.SemaphoreType.DMA,
        pltpu.SemaphoreType.DMA,
        pltpu.SemaphoreType.DMA,
        pltpu.SemaphoreType.DMA,
        pltpu.SemaphoreType.DMA,
        pltpu.SemaphoreType.DMA,
        pltpu.SemaphoreType.DMA,
        pltpu.SemaphoreType.DMA,
        pltpu.SemaphoreType.DMA,
        pltpu.SemaphoreType.DMA,
        pltpu.SemaphoreType.DMA,
        pltpu.SemaphoreType.DMA,
    ],
)
def _sc_msg_agg(h_hbm, e_hbm, ids_hbm, zeros_hbm, out_hbm,
                id0, id1, id2, dn0, dn1, dn2,
                rows_v, e_v, agg_sh,
                si0, si1, si2, sg0, sg1, sg2, se0, se1, se2, ss0, ss1, ss2):
    ids = (id0, id1, id2)
    dsts = (dn0, dn1, dn2)
    cid = lax.axis_index("c")
    sid = lax.axis_index("s")
    wid = cid * _NTILE + sid
    row0 = sid * _ROWS_MAIN

    si = (si0, si1, si2)
    sg = (sg0, sg1, sg2)
    se = (se0, se1, se2)
    ss = (ss0, ss1, ss2)

    pltpu.sync_copy(zeros_hbm, agg_sh.at[pl.ds(row0, _ROWS_MAIN)])

    @pl.when(sid == _NTILE - 1)
    def _():
        pltpu.sync_copy(zeros_hbm.at[pl.ds(0, _TAIL)],
                        agg_sh.at[pl.ds(_TAIL0, _TAIL)])

    plsc.subcore_barrier()

    def chunk_of(q):
        return q * _NWORKER + wid

    def idx_copy(q, b):
        base = chunk_of(q) * 2 * _CHUNK
        return pltpu.make_async_copy(ids_hbm.at[pl.ds(base, 2 * _CHUNK)],
                                     ids[b], si[b])

    def issue_idx(q, b):
        idx_copy(q, b).start()

    def wait_idx(q, b):
        idx_copy(q, b).wait()

    def issue_body(q, b):
        pltpu.async_copy(h_hbm.at[ids[b].at[pl.ds(0, _CHUNK)]],
                         rows_v.at[b], sg[b])
        pltpu.async_copy(
            e_hbm.at[pl.ds(chunk_of(q) * _CHUNK, _CHUNK)], e_v.at[b], se[b])

    def wait_scatter(b):
        pltpu.make_async_copy(
            rows_v.at[b], agg_sh.at[dsts[b]], ss[b]).wait()

    issue_idx(0, 0)
    wait_idx(0, 0)
    issue_body(0, 0)
    issue_idx(1, 1)
    issue_idx(2, 2)

    def substep(q, b):
        b1 = (b + 1) % 3

        @pl.when(chunk_of(q + 1) < _NCHUNK)
        def _():
            wait_idx(q + 1, b1)

            @pl.when(q >= 2)
            def _():
                wait_scatter(b1)

            issue_body(q + 1, b1)

        @pl.when(chunk_of(q) < _NCHUNK)
        def _():
            pltpu.make_async_copy(h_hbm.at[ids[b].at[pl.ds(0, _CHUNK)]],
                                  rows_v.at[b], sg[b]).wait()
            pltpu.make_async_copy(
                e_hbm.at[pl.ds(chunk_of(q) * _CHUNK, _CHUNK)], e_v.at[b],
                se[b]).wait()

            for k in range(_CHUNK // 16):
                dsts[b][pl.ds(k * 16, 16)] = ids[b][pl.ds(_CHUNK + k * 16, 16)]

            @pl.loop(0, _CHUNK)
            def _(r):
                for k in range(HID // 32):
                    ew = e_v[b, r, pl.ds(k * 16, 16)]
                    ebf = plsc.bitcast(ew, jnp.bfloat16)
                    e0, e1 = plsc.unpack(
                        ebf, format=plsc.PackFormat.INTERLEAVED)
                    lo = pl.ds(k * 32, 16)
                    hi = pl.ds(k * 32 + 16, 16)
                    rows_v[b, r, lo] = jnp.maximum(rows_v[b, r, lo] + e0, 0.0)
                    rows_v[b, r, hi] = jnp.maximum(rows_v[b, r, hi] + e1, 0.0)

            pltpu.async_copy(rows_v.at[b], agg_sh.at[dsts[b]],
                             ss[b], add=True)

        @pl.when(chunk_of(q + 3) < _NCHUNK)
        def _():
            issue_idx(q + 3, b)

    @pl.loop(0, _NPW3, step=3)
    def _(q):
        substep(q, 0)
        substep(q + 1, 1)
        substep(q + 2, 2)

    for b in range(3):
        wait_scatter(b)

    plsc.subcore_barrier()
    pltpu.sync_copy(agg_sh.at[pl.ds(row0, _ROWS_MAIN)],
                    out_hbm.at[cid, pl.ds(row0, _ROWS_MAIN)])

    @pl.when(sid == _NTILE - 1)
    def _():
        pltpu.sync_copy(agg_sh.at[pl.ds(_TAIL0, _TAIL)],
                        out_hbm.at[cid, pl.ds(_TAIL0, _TAIL)])



def kernel(x, edge_index, batch, edge_attr, W_init, b_init, eps,
           W_edge, b_edge, W1, b1, W2, b2, bn_gamma, bn_beta, bn_mean,
           bn_var, W_final, b_final):
    eidx = edge_index.astype(jnp.int32)
    ids_flat = eidx.reshape(2, _NCHUNK, _CHUNK).transpose(1, 0, 2).reshape(-1)
    batch3 = batch.astype(jnp.int32).reshape(
        N_NODES // _NODE_BLOCK, 1, _NODE_BLOCK)
    zeros = jnp.zeros((_ROWS_MAIN, HID), jnp.float32)

    cols_a = []
    cols_b = []
    for g in range(HID // 32):
        cols_a.extend(range(g * 32, g * 32 + 16))
        cols_b.extend(range(g * 32 + 16, g * 32 + 32))
    cols_a = jnp.asarray(cols_a, dtype=jnp.int32)
    cols_b = jnp.asarray(cols_b, dtype=jnp.int32)

    h = _tc_linear(x, W_init, b_init.reshape(1, -1), _NODE_BLOCK)
    gate = x[0, 0]
    for i in range(W_edge.shape[0]):
        ea, _ = lax.optimization_barrier((edge_attr, gate))
        e = _tc_edge_pack(ea, W_edge[i][:, cols_a], b_edge[i][cols_a],
                          W_edge[i][:, cols_b], b_edge[i][cols_b])
        agg2 = _sc_msg_agg(h, e, ids_flat, zeros)
        gate = agg2[0, 0, 0]
        h = _tc_node_mlp(h, agg2, W1[i], b1[i], W2[i], b2[i],
                         bn_gamma[i], bn_beta[i], bn_mean[i], bn_var[i],
                         eps[i])
    return _tc_pool(h, batch3, W_final, b_final)

# --- scband reference (transcript-rebuilt; emitter-appended) ---
"""Pipeline reference for scband-graph-net-78761110274299 (READ-ONLY COPY).

The authoritative reference and input builder live on the scoring server;
editing this copy changes nothing except your own understanding.
"""

import jax, jax.numpy as jnp
import numpy as np

N = 10000
E = 320000
D = 128
H = 128
DOUT = 128
ECH = 16
L = 3
G = 16
BN_EPS = 1e-5


def setup_inputs(seed: int = 0) -> dict:
    key = jax.random.key(seed)
    ks = jax.random.split(key, 16)
    x = jax.random.normal(ks[0], (N, D), dtype=jnp.float32)
    edge_index = jax.random.randint(ks[1], (2, E), 0, N, dtype=jnp.int64)
    batch = jnp.sort(jax.random.randint(ks[2], (N,), 0, G, dtype=jnp.int64))
    edge_attr = jax.random.normal(ks[3], (E, ECH), dtype=jnp.float32)
    s = 0.05
    W_init = jax.random.normal(ks[4], (D, H), dtype=jnp.float32) * s
    b_init = jnp.zeros((H,), dtype=jnp.float32)
    eps = jnp.zeros((L,), dtype=jnp.float32)
    W_edge = jax.random.normal(ks[5], (L, ECH, H), dtype=jnp.float32) * s
    b_edge = jnp.zeros((L, H), dtype=jnp.float32)
    W1 = jax.random.normal(ks[6], (L, H, 2 * H), dtype=jnp.float32) * s
    b1 = jnp.zeros((L, 2 * H), dtype=jnp.float32)
    W2 = jax.random.normal(ks[7], (L, 2 * H, H), dtype=jnp.float32) * s
    b2 = jnp.zeros((L, H), dtype=jnp.float32)
    bn_gamma = jnp.ones((L, H), dtype=jnp.float32)
    bn_beta = jnp.zeros((L, H), dtype=jnp.float32)
    bn_mean = jnp.zeros((L, H), dtype=jnp.float32)
    bn_var = jnp.ones((L, H), dtype=jnp.float32)
    W_final = jax.random.normal(ks[8], (H, DOUT), dtype=jnp.float32) * s
    b_final = jnp.zeros((DOUT,), dtype=jnp.float32)
    return {
        "x": x, "edge_index": edge_index, "batch": batch, "edge_attr": edge_attr,
        "W_init": W_init, "b_init": b_init, "eps": eps,
        "W_edge": W_edge, "b_edge": b_edge,
        "W1": W1, "b1": b1, "W2": W2, "b2": b2,
        "bn_gamma": bn_gamma, "bn_beta": bn_beta, "bn_mean": bn_mean, "bn_var": bn_var,
        "W_final": W_final, "b_final": b_final,
    }


def reference(x, edge_index, batch, edge_attr, W_init, b_init, eps, W_edge, b_edge,
              W1, b1, W2, b2, bn_gamma, bn_beta, bn_mean, bn_var, W_final, b_final):
    # Eval-mode forward (dropout off, BatchNorm uses running stats)
    src = edge_index[0]
    dst = edge_index[1]
    h = x @ W_init + b_init
    for i in range(L):
        # GINEConv: message = ReLU(x_j + lin_edge(edge_attr)); sum-aggregate at dst
        e = edge_attr @ W_edge[i] + b_edge[i]
        msg = jax.nn.relu(h[src] + e)
        agg = jnp.zeros_like(h).at[dst].add(msg)
        z = (1.0 + eps[i]) * h + agg
        # GIN MLP: Linear(H, 2H) -> ReLU -> Linear(2H, H)
        z = jax.nn.relu(z @ W1[i] + b1[i]) @ W2[i] + b2[i]
        # BatchNorm1d (eval)
        z = (z - bn_mean[i]) / jnp.sqrt(bn_var[i] + BN_EPS) * bn_gamma[i] + bn_beta[i]
        h = jax.nn.relu(z)
    # global_mean_pool over batch assignment
    sums = jax.ops.segment_sum(h, batch, num_segments=G)
    counts = jax.ops.segment_sum(jnp.ones((h.shape[0],), dtype=h.dtype), batch, num_segments=G)
    pooled = sums / jnp.clip(counts, 1.0, None)[:, None]
    out = pooled @ W_final + b_final
    return out

if __name__ == "__main__":
    import jax
    _d = setup_inputs()
    print(jax.jit(kernel)(*tuple(_d.values())))

</pallas_src>

<mosaic_0001>
#map = affine_map<(d0, d1) -> (0, 0)>
#map1 = affine_map<(d0, d1) -> (0)>
#map2 = affine_map<(d0, d1) -> (0, 0, 0)>
module attributes {stable_mosaic.version = 14 : i64} {
  func.func @_sc_msg_agg(%arg0: i32, %arg1: i32, %arg2: memref<10000x128xf32, #tpu.memory_space<hbm>>, %arg3: memref<320000x64xi32, #tpu.memory_space<hbm>>, %arg4: memref<640000xi32, #tpu.memory_space<hbm>>, %arg5: memref<624x128xf32, #tpu.memory_space<hbm>>, %arg6: memref<2x10000x128xf32, #tpu.memory_space<hbm>>, %arg7: memref<128xi32, #tpu.memory_space<vmem>>, %arg8: memref<128xi32, #tpu.memory_space<vmem>>, %arg9: memref<128xi32, #tpu.memory_space<vmem>>, %arg10: memref<64xi32, #tpu.memory_space<vmem>>, %arg11: memref<64xi32, #tpu.memory_space<vmem>>, %arg12: memref<64xi32, #tpu.memory_space<vmem>>, %arg13: memref<3x64x128xf32, #tpu.memory_space<vmem>>, %arg14: memref<3x64x64xi32, #tpu.memory_space<vmem>>, %arg15: memref<10000x128xf32, #tpu.memory_space<vmem_shared>>, %arg16: memref<!tpu.dma_semaphore, #tpu.memory_space<semaphore_mem>>, %arg17: memref<!tpu.dma_semaphore, #tpu.memory_space<semaphore_mem>>, %arg18: memref<!tpu.dma_semaphore, #tpu.memory_space<semaphore_mem>>, %arg19: memref<!tpu.dma_semaphore, #tpu.memory_space<semaphore_mem>>, %arg20: memref<!tpu.dma_semaphore, #tpu.memory_space<semaphore_mem>>, %arg21: memref<!tpu.dma_semaphore, #tpu.memory_space<semaphore_mem>>, %arg22: memref<!tpu.dma_semaphore, #tpu.memory_space<semaphore_mem>>, %arg23: memref<!tpu.dma_semaphore, #tpu.memory_space<semaphore_mem>>, %arg24: memref<!tpu.dma_semaphore, #tpu.memory_space<semaphore_mem>>, %arg25: memref<!tpu.dma_semaphore, #tpu.memory_space<semaphore_mem>>, %arg26: memref<!tpu.dma_semaphore, #tpu.memory_space<semaphore_mem>>, %arg27: memref<!tpu.dma_semaphore, #tpu.memory_space<semaphore_mem>>) attributes {dimension_semantics = [#tpu.dimension_semantics<core_parallel>, #tpu.dimension_semantics<subcore_parallel>], iteration_bounds = array<i64: 2, 16>, scalar_prefetch = 0 : i64, scratch_operands = 21 : i64, tpu.core_type = #tpu.core_type<sc_vector_subcore>, window_params = [{transform_indices = #map}, {transform_indices = #map}, {transform_indices = #map1}, {transform_indices = #map}, {transform_indices = #map2}]} {
    %mul3A = arith.constant 16 : i32
    %mul3A_0 = arith.muli %arg0, %mul3A : i32
    %add3A = arith.addi %mul3A_0, %arg1 : i32
    %mul3A_1 = arith.constant 624 : i32
    %mul3A_2 = arith.muli %arg1, %mul3A_1 : i32
    "tpu.region"() ({
      %run_scoped3A = tpu.sem_alloc : memref<!tpu.dma_semaphore, #tpu.memory_space<semaphore_mem>>
      %dma_start3A_96 = arith.constant 0 : i32
      %dma_start3A_97 = tpu.memref_slice %arg15[%mul3A_2, %dma_start3A_96] : memref<10000x128xf32, #tpu.memory_space<vmem_shared>> -> memref<624x128xf32, #tpu.memory_space<vmem_shared>>
      tpu.enqueue_dma source(%arg5 : memref<624x128xf32, #tpu.memory_space<hbm>>) target(%dma_start3A_97 : memref<624x128xf32, #tpu.memory_space<vmem_shared>>) target_semaphore(%run_scoped3A : memref<!tpu.dma_semaphore, #tpu.memory_space<semaphore_mem>>)
      %dma_wait3A_98 = arith.constant 0 : i32
      %dma_wait3A_99 = tpu.memref_slice %arg15[%mul3A_2, %dma_wait3A_98] : memref<10000x128xf32, #tpu.memory_space<vmem_shared>> -> memref<624x128xf32, #tpu.memory_space<vmem_shared>>
      tpu.wait_dma2 semaphore(%run_scoped3A : memref<!tpu.dma_semaphore, #tpu.memory_space<semaphore_mem>>) src(%arg5 : memref<624x128xf32, #tpu.memory_space<hbm>>) dst(%dma_wait3A_99 : memref<624x128xf32, #tpu.memory_space<vmem_shared>>)
      tpu.yield
    }) : () -> ()
    %eq3A = arith.constant 15 : i32
    %eq3A_3 = arith.cmpi eq, %arg1, %eq3A : i32
    %convert_element_type3A = arith.extui %eq3A_3 : i1 to i32
    %cond3A = arith.constant 0 : i32
    %cond3A_4 = arith.cmpi ne, %convert_element_type3A, %cond3A : i32
    scf.if %cond3A_4 {
      "tpu.region"() ({
        %run_scoped3A = tpu.sem_alloc : memref<!tpu.dma_semaphore, #tpu.memory_space<semaphore_mem>>
        %dma_start3A_96 = arith.constant 9984 : i32
        %dma_start3A_97 = arith.constant 0 : i32
        %dma_start3A_98 = tpu.memref_slice %arg15[%dma_start3A_96, %dma_start3A_97] : memref<10000x128xf32, #tpu.memory_space<vmem_shared>> -> memref<16x128xf32, #tpu.memory_space<vmem_shared>>
        %dma_start3A_99 = arith.constant 0 : i32
        %dma_start3A_100 = arith.constant 0 : i32
        %dma_start3A_101 = tpu.memref_slice %arg5[%dma_start3A_99, %dma_start3A_100] : memref<624x128xf32, #tpu.memory_space<hbm>> -> memref<16x128xf32, #tpu.memory_space<hbm>>
        tpu.enqueue_dma source(%dma_start3A_101 : memref<16x128xf32, #tpu.memory_space<hbm>>) target(%dma_start3A_98 : memref<16x128xf32, #tpu.memory_space<vmem_shared>>) target_semaphore(%run_scoped3A : memref<!tpu.dma_semaphore, #tpu.memory_space<semaphore_mem>>)
        %dma_wait3A_102 = arith.constant 9984 : i32
        %dma_wait3A_103 = arith.constant 0 : i32
        %dma_wait3A_104 = tpu.memref_slice %arg15[%dma_wait3A_102, %dma_wait3A_103] : memref<10000x128xf32, #tpu.memory_space<vmem_shared>> -> memref<16x128xf32, #tpu.memory_space<vmem_shared>>
        %dma_wait3A_105 = arith.constant 0 : i32
        %dma_wait3A_106 = arith.constant 0 : i32
        %dma_wait3A_107 = tpu.memref_slice %arg5[%dma_wait3A_105, %dma_wait3A_106] : memref<624x128xf32, #tpu.memory_space<hbm>> -> memref<16x128xf32, #tpu.memory_space<hbm>>
        tpu.wait_dma2 semaphore(%run_scoped3A : memref<!tpu.dma_semaphore, #tpu.memory_space<semaphore_mem>>) src(%dma_wait3A_107 : memref<16x128xf32, #tpu.memory_space<hbm>>) dst(%dma_wait3A_104 : memref<16x128xf32, #tpu.memory_space<vmem_shared>>)
        tpu.yield
      }) : () -> ()
    } else {
    }
    %barrier3A = arith.constant 0 : index
    tpu.barrier barrier_id(%barrier3A)
    %add3A_5 = arith.constant 0 : i32
    %add3A_6 = arith.addi %add3A_5, %add3A : i32
    %mul3A_7 = arith.constant 2 : i32
    %mul3A_8 = arith.muli %add3A_6, %mul3A_7 : i32
    %mul3A_9 = arith.constant 64 : i32
    %mul3A_10 = arith.muli %mul3A_8, %mul3A_9 : i32
    %dma_start3A = tpu.memref_slice %arg4[%mul3A_10] : memref<640000xi32, #tpu.memory_space<hbm>> -> memref<128xi32, #tpu.memory_space<hbm>>
    %dma_start3A_11 = tpu.memref_slice %arg4[%mul3A_10] : memref<640000xi32, #tpu.memory_space<hbm>> -> memref<128xi32, #tpu.memory_space<hbm>>
    tpu.enqueue_dma source(%dma_start3A_11 : memref<128xi32, #tpu.memory_space<hbm>>) target(%arg7 : memref<128xi32, #tpu.memory_space<vmem>>) target_semaphore(%arg16 : memref<!tpu.dma_semaphore, #tpu.memory_space<semaphore_mem>>)
    %add3A_12 = arith.constant 0 : i32
    %add3A_13 = arith.addi %add3A_12, %add3A : i32
    %mul3A_14 = arith.constant 2 : i32
    %mul3A_15 = arith.muli %add3A_13, %mul3A_14 : i32
    %mul3A_16 = arith.constant 64 : i32
    %mul3A_17 = arith.muli %mul3A_15, %mul3A_16 : i32
    %dma_wait3A = tpu.memref_slice %arg4[%mul3A_17] : memref<640000xi32, #tpu.memory_space<hbm>> -> memref<128xi32, #tpu.memory_space<hbm>>
    %dma_wait3A_18 = tpu.memref_slice %arg4[%mul3A_17] : memref<640000xi32, #tpu.memory_space<hbm>> -> memref<128xi32, #tpu.memory_space<hbm>>
    tpu.wait_dma2 semaphore(%arg16 : memref<!tpu.dma_semaphore, #tpu.memory_space<semaphore_mem>>) src(%dma_wait3A_18 : memref<128xi32, #tpu.memory_space<hbm>>) dst(%arg7 : memref<128xi32, #tpu.memory_space<vmem>>)
    %dma_start3A_19 = arith.constant 0 : i32
    %dma_start3A_20 = arith.constant 0 : i32
    %dma_start3A_21 = arith.constant 0 : i32
    %dma_start3A_22 = tpu.memref_slice %arg13[%dma_start3A_19, %dma_start3A_20, %dma_start3A_21] : memref<3x64x128xf32, #tpu.memory_space<vmem>> -> memref<1x64x128xf32, #tpu.memory_space<vmem>>
    %dma_start3A_23 = tpu.memref_squeeze %dma_start3A_22 : memref<1x64x128xf32, #tpu.memory_space<vmem>> -> memref<64x128xf32, #tpu.memory_space<vmem>>
    %dma_start3A_24 = arith.constant 0 : i32
    %dma_start3A_25 = tpu.memref_slice %arg7[%dma_start3A_24] : memref<128xi32, #tpu.memory_space<vmem>> -> memref<64xi32, #tpu.memory_space<vmem>>
    %dma_start3A_26 = arith.constant 0 : i32
    %dma_start3A_27 = arith.constant 0 : i32
    %dma_start3A_28 = tpu.memref_slice %arg2[%dma_start3A_26, %dma_start3A_27] : memref<10000x128xf32, #tpu.memory_space<hbm>> -> memref<10000x128xf32, #tpu.memory_space<hbm>>
    tpu.enqueue_indirect_dma source(%dma_start3A_28 : memref<10000x128xf32, #tpu.memory_space<hbm>>) target(%dma_start3A_23 : memref<64x128xf32, #tpu.memory_space<vmem>>) offsets(%dma_start3A_25 : memref<64xi32, #tpu.memory_space<vmem>>) semaphore(%arg19 : memref<!tpu.dma_semaphore, #tpu.memory_space<semaphore_mem>>)
    %add3A_29 = arith.constant 0 : i32
    %add3A_30 = arith.addi %add3A_29, %add3A : i32
    %mul3A_31 = arith.constant 64 : i32
    %mul3A_32 = arith.muli %add3A_30, %mul3A_31 : i32
    %dma_start3A_33 = arith.constant 0 : i32
    %dma_start3A_34 = arith.constant 0 : i32
    %dma_start3A_35 = arith.constant 0 : i32
    %dma_start3A_36 = tpu.memref_slice %arg14[%dma_start3A_33, %dma_start3A_34, %dma_start3A_35] : memref<3x64x64xi32, #tpu.memory_space<vmem>> -> memref<1x64x64xi32, #tpu.memory_space<vmem>>
    %dma_start3A_37 = tpu.memref_squeeze %dma_start3A_36 : memref<1x64x64xi32, #tpu.memory_space<vmem>> -> memref<64x64xi32, #tpu.memory_space<vmem>>
    %dma_start3A_38 = arith.constant 0 : i32
    %dma_start3A_39 = tpu.memref_slice %arg3[%mul3A_32, %dma_start3A_38] : memref<320000x64xi32, #tpu.memory_space<hbm>> -> memref<64x64xi32, #tpu.memory_space<hbm>>
    %dma_start3A_40 = arith.constant 0 : i32
    %dma_start3A_41 = arith.constant 0 : i32
    %dma_start3A_42 = tpu.memref_slice %arg14[%dma_start3A_33, %dma_start3A_40, %dma_start3A_41] : memref<3x64x64xi32, #tpu.memory_space<vmem>> -> memref<1x64x64xi32, #tpu.memory_space<vmem>>
    %dma_start3A_43 = tpu.memref_squeeze %dma_start3A_42 : memref<1x64x64xi32, #tpu.memory_space<vmem>> -> memref<64x64xi32, #tpu.memory_space<vmem>>
    %dma_start3A_44 = arith.constant 0 : i32
    %dma_start3A_45 = tpu.memref_slice %arg3[%mul3A_32, %dma_start3A_44] : memref<320000x64xi32, #tpu.memory_space<hbm>> -> memref<64x64xi32, #tpu.memory_space<hbm>>
    tpu.enqueue_dma source(%dma_start3A_45 : memref<64x64xi32, #tpu.memory_space<hbm>>) target(%dma_start3A_43 : memref<64x64xi32, #tpu.memory_space<vmem>>) target_semaphore(%arg22 : memref<!tpu.dma_semaphore, #tpu.memory_space<semaphore_mem>>)
    %add3A_46 = arith.constant 32 : i32
    %add3A_47 = arith.addi %add3A_46, %add3A : i32
    %mul3A_48 = arith.constant 2 : i32
    %mul3A_49 = arith.muli %add3A_47, %mul3A_48 : i32
    %mul3A_50 = arith.constant 64 : i32
    %mul3A_51 = arith.muli %mul3A_49, %mul3A_50 : i32
    %dma_start3A_52 = tpu.memref_slice %arg4[%mul3A_51] : memref<640000xi32, #tpu.memory_space<hbm>> -> memref<128xi32, #tpu.memory_space<hbm>>
    %dma_start3A_53 = tpu.memref_slice %arg4[%mul3A_51] : memref<640000xi32, #tpu.memory_space<hbm>> -> memref<128xi32, #tpu.memory_space<hbm>>
    tpu.enqueue_dma source(%dma_start3A_53 : memref<128xi32, #tpu.memory_space<hbm>>) target(%arg8 : memref<128xi32, #tpu.memory_space<vmem>>) target_semaphore(%arg17 : memref<!tpu.dma_semaphore, #tpu.memory_space<semaphore_mem>>)
    %add3A_54 = arith.constant 64 : i32
    %add3A_55 = arith.addi %add3A_54, %add3A : i32
    %mul3A_56 = arith.constant 2 : i32
    %mul3A_57 = arith.muli %add3A_55, %mul3A_56 : i32
    %mul3A_58 = arith.constant 64 : i32
    %mul3A_59 = arith.muli %mul3A_57, %mul3A_58 : i32
    %dma_start3A_60 = tpu.memref_slice %arg4[%mul3A_59] : memref<640000xi32, #tpu.memory_space<hbm>> -> memref<128xi32, #tpu.memory_space<hbm>>
    %dma_start3A_61 = tpu.memref_slice %arg4[%mul3A_59] : memref<640000xi32, #tpu.memory_space<hbm>> -> memref<128xi32, #tpu.memory_space<hbm>>
    tpu.enqueue_dma source(%dma_start3A_61 : memref<128xi32, #tpu.memory_space<hbm>>) target(%arg9 : memref<128xi32, #tpu.memory_space<vmem>>) target_semaphore(%arg18 : memref<!tpu.dma_semaphore, #tpu.memory_space<semaphore_mem>>)
    %scan3A = arith.constant 0 : i32
    %scan3A_62 = arith.constant 53 : i32
    %scan3A_63 = arith.addi %scan3A, %scan3A_62 : i32
    %scan3A_64 = arith.constant 1 : i32
    scf.for %scan3A_96 = %scan3A to %scan3A_63 step %scan3A_64  : i32 {
      %mul3A_97 = arith.constant 3 : i32
      %mul3A_98 = arith.muli %scan3A_96, %mul3A_97 : i32
      %add3A_99 = arith.constant 0 : i32
      %add3A_100 = arith.addi %add3A_99, %mul3A_98 : i32
      %add3A_101 = arith.constant 1 : i32
      %add3A_102 = arith.addi %add3A_100, %add3A_101 : i32
      %mul3A_103 = arith.constant 32 : i32
      %mul3A_104 = arith.muli %add3A_102, %mul3A_103 : i32
      %add3A_105 = arith.addi %mul3A_104, %add3A : i32
      %lt3A = arith.constant 5000 : i32
      %lt3A_106 = arith.cmpi slt, %add3A_105, %lt3A : i32
      %convert_element_type3A_107 = arith.extui %lt3A_106 : i1 to i32
      %cond3A_108 = arith.constant 0 : i32
      %cond3A_109 = arith.cmpi ne, %convert_element_type3A_107, %cond3A_108 : i32
      scf.if %cond3A_109 {
        %add3A_188 = arith.constant 1 : i32
        %add3A_189 = arith.addi %add3A_100, %add3A_188 : i32
        %mul3A_190 = arith.constant 32 : i32
        %mul3A_191 = arith.muli %add3A_189, %mul3A_190 : i32
        %add3A_192 = arith.addi %mul3A_191, %add3A : i32
        %mul3A_193 = arith.constant 2 : i32
        %mul3A_194 = arith.muli %add3A_192, %mul3A_193 : i32
        %mul3A_195 = arith.constant 64 : i32
        %mul3A_196 = arith.muli %mul3A_194, %mul3A_195 : i32
        %dma_wait3A_197 = tpu.memref_slice %arg4[%mul3A_196] : memref<640000xi32, #tpu.memory_space<hbm>> -> memref<128xi32, #tpu.memory_space<hbm>>
        %dma_wait3A_198 = tpu.memref_slice %arg4[%mul3A_196] : memref<640000xi32, #tpu.memory_space<hbm>> -> memref<128xi32, #tpu.memory_space<hbm>>
        tpu.wait_dma2 semaphore(%arg17 : memref<!tpu.dma_semaphore, #tpu.memory_space<semaphore_mem>>) src(%dma_wait3A_198 : memref<128xi32, #tpu.memory_space<hbm>>) dst(%arg8 : memref<128xi32, #tpu.memory_space<vmem>>)
        %ge3A = arith.constant 2 : i32
        %ge3A_199 = arith.cmpi sge, %add3A_100, %ge3A : i32
        %convert_element_type3A_200 = arith.extui %ge3A_199 : i1 to i32
        %cond3A_201 = arith.constant 0 : i32
        %cond3A_202 = arith.cmpi ne, %convert_element_type3A_200, %cond3A_201 : i32
        scf.if %cond3A_202 {
          %dma_wait3A_233 = arith.constant 1 : i32
          %dma_wait3A_234 = arith.constant 0 : i32
          %dma_wait3A_235 = arith.constant 0 : i32
          %dma_wait3A_236 = tpu.memref_slice %arg13[%dma_wait3A_233, %dma_wait3A_234, %dma_wait3A_235] : memref<3x64x128xf32, #tpu.memory_space<vmem>> -> memref<1x64x128xf32, #tpu.memory_space<vmem>>
          %dma_wait3A_237 = tpu.memref_squeeze %dma_wait3A_236 : memref<1x64x128xf32, #tpu.memory_space<vmem>> -> memref<64x128xf32, #tpu.memory_space<vmem>>
          %dma_wait3A_238 = arith.constant 0 : i32
          %dma_wait3A_239 = arith.constant 0 : i32
          %dma_wait3A_240 = tpu.memref_slice %arg15[%dma_wait3A_238, %dma_wait3A_239] : memref<10000x128xf32, #tpu.memory_space<vmem_shared>> -> memref<10000x128xf32, #tpu.memory_space<vmem_shared>>
          tpu.wait_indirect_dma semaphore(%arg26 : memref<!tpu.dma_semaphore, #tpu.memory_space<semaphore_mem>>) src(%dma_wait3A_237 : memref<64x128xf32, #tpu.memory_space<vmem>>) dst(%dma_wait3A_240 : memref<10000x128xf32, #tpu.memory_space<vmem_shared>>)
        } else {
        }
        %add3A_203 = arith.constant 1 : i32
        %add3A_204 = arith.addi %add3A_100, %add3A_203 : i32
        %dma_start3A_205 = arith.constant 1 : i32
        %dma_start3A_206 = arith.constant 0 : i32
        %dma_start3A_207 = arith.constant 0 : i32
        %dma_start3A_208 = tpu.memref_slice %arg13[%dma_start3A_205, %dma_start3A_206, %dma_start3A_207] : memref<3x64x128xf32, #tpu.memory_space<vmem>> -> memref<1x64x128xf32, #tpu.memory_space<vmem>>
        %dma_start3A_209 = tpu.memref_squeeze %dma_start3A_208 : memref<1x64x128xf32, #tpu.memory_space<vmem>> -> memref<64x128xf32, #tpu.memory_space<vmem>>
        %dma_start3A_210 = arith.constant 0 : i32
        %dma_start3A_211 = tpu.memref_slice %arg8[%dma_start3A_210] : memref<128xi32, #tpu.memory_space<vmem>> -> memref<64xi32, #tpu.memory_space<vmem>>
        %dma_start3A_212 = arith.constant 0 : i32
        %dma_start3A_213 = arith.constant 0 : i32
        %dma_start3A_214 = tpu.memref_slice %arg2[%dma_start3A_212, %dma_start3A_213] : memref<10000x128xf32, #tpu.memory_space<hbm>> -> memref<10000x128xf32, #tpu.memory_space<hbm>>
        tpu.enqueue_indirect_dma source(%dma_start3A_214 : memref<10000x128xf32, #tpu.memory_space<hbm>>) target(%dma_start3A_209 : memref<64x128xf32, #tpu.memory_space<vmem>>) offsets(%dma_start3A_211 : memref<64xi32, #tpu.memory_space<vmem>>) semaphore(%arg20 : memref<!tpu.dma_semaphore, #tpu.memory_space<semaphore_mem>>)
        %mul3A_215 = arith.constant 32 : i32
        %mul3A_216 = arith.muli %add3A_204, %mul3A_215 : i32
        %add3A_217 = arith.addi %mul3A_216, %add3A : i32
        %mul3A_218 = arith.constant 64 : i32
        %mul3A_219 = arith.muli %add3A_217, %mul3A_218 : i32
        %dma_start3A_220 = arith.constant 1 : i32
        %dma_start3A_221 = arith.constant 0 : i32
        %dma_start3A_222 = arith.constant 0 : i32
        %dma_start3A_223 = tpu.memref_slice %arg14[%dma_start3A_220, %dma_start3A_221, %dma_start3A_222] : memref<3x64x64xi32, #tpu.memory_space<vmem>> -> memref<1x64x64xi32, #tpu.memory_space<vmem>>
        %dma_start3A_224 = tpu.memref_squeeze %dma_start3A_223 : memref<1x64x64xi32, #tpu.memory_space<vmem>> -> memref<64x64xi32, #tpu.memory_space<vmem>>
        %dma_start3A_225 = arith.constant 0 : i32
        %dma_start3A_226 = tpu.memref_slice %arg3[%mul3A_219, %dma_start3A_225] : memref<320000x64xi32, #tpu.memory_space<hbm>> -> memref<64x64xi32, #tpu.memory_space<hbm>>
        %dma_start3A_227 = arith.constant 0 : i32
        %dma_start3A_228 = arith.constant 0 : i32
        %dma_start3A_229 = tpu.memref_slice %arg14[%dma_start3A_220, %dma_start3A_227, %dma_start3A_228] : memref<3x64x64xi32, #tpu.memory_space<vmem>> -> memref<1x64x64xi32, #tpu.memory_space<vmem>>
        %dma_start3A_230 = tpu.memref_squeeze %dma_start3A_229 : memref<1x64x64xi32, #tpu.memory_space<vmem>> -> memref<64x64xi32, #tpu.memory_space<vmem>>
        %dma_start3A_231 = arith.constant 0 : i32
        %dma_start3A_232 = tpu.memref_slice %arg3[%mul3A_219, %dma_start3A_231] : memref<320000x64xi32, #tpu.memory_space<hbm>> -> memref<64x64xi32, #tpu.memory_space<hbm>>
        tpu.enqueue_dma source(%dma_start3A_232 : memref<64x64xi32, #tpu.memory_space<hbm>>) target(%dma_start3A_230 : memref<64x64xi32, #tpu.memory_space<vmem>>) target_semaphore(%arg23 : memref<!tpu.dma_semaphore, #tpu.memory_space<semaphore_mem>>)
      } else {
      }
      %mul3A_110 = arith.constant 32 : i32
      %mul3A_111 = arith.muli %add3A_100, %mul3A_110 : i32
      %add3A_112 = arith.addi %mul3A_111, %add3A : i32
      %lt3A_113 = arith.constant 5000 : i32
      %lt3A_114 = arith.cmpi slt, %add3A_112, %lt3A_113 : i32
      %convert_element_type3A_115 = arith.extui %lt3A_114 : i1 to i32
      %cond3A_116 = arith.constant 0 : i32
      %cond3A_117 = arith.cmpi ne, %convert_element_type3A_115, %cond3A_116 : i32
      scf.if %cond3A_117 {
        %dma_wait3A_188 = arith.constant 0 : i32
        %dma_wait3A_189 = arith.constant 0 : i32
        %dma_wait3A_190 = arith.constant 0 : i32
        %dma_wait3A_191 = tpu.memref_slice %arg13[%dma_wait3A_188, %dma_wait3A_189, %dma_wait3A_190] : memref<3x64x128xf32, #tpu.memory_space<vmem>> -> memref<1x64x128xf32, #tpu.memory_space<vmem>>
        %dma_wait3A_192 = tpu.memref_squeeze %dma_wait3A_191 : memref<1x64x128xf32, #tpu.memory_space<vmem>> -> memref<64x128xf32, #tpu.memory_space<vmem>>
        %dma_wait3A_193 = arith.constant 0 : i32
        %dma_wait3A_194 = tpu.memref_slice %arg7[%dma_wait3A_193] : memref<128xi32, #tpu.memory_space<vmem>> -> memref<64xi32, #tpu.memory_space<vmem>>
        %dma_wait3A_195 = arith.constant 0 : i32
        %dma_wait3A_196 = arith.constant 0 : i32
        %dma_wait3A_197 = tpu.memref_slice %arg2[%dma_wait3A_195, %dma_wait3A_196] : memref<10000x128xf32, #tpu.memory_space<hbm>> -> memref<10000x128xf32, #tpu.memory_space<hbm>>
        tpu.wait_indirect_dma semaphore(%arg19 : memref<!tpu.dma_semaphore, #tpu.memory_space<semaphore_mem>>) src(%dma_wait3A_197 : memref<10000x128xf32, #tpu.memory_space<hbm>>) dst(%dma_wait3A_192 : memref<64x128xf32, #tpu.memory_space<vmem>>)
        %mul3A_198 = arith.constant 32 : i32
        %mul3A_199 = arith.muli %add3A_100, %mul3A_198 : i32
        %add3A_200 = arith.addi %mul3A_199, %add3A : i32
        %mul3A_201 = arith.constant 64 : i32
        %mul3A_202 = arith.muli %add3A_200, %mul3A_201 : i32
        %dma_wait3A_203 = arith.constant 0 : i32
        %dma_wait3A_204 = arith.constant 0 : i32
        %dma_wait3A_205 = arith.constant 0 : i32
        %dma_wait3A_206 = tpu.memref_slice %arg14[%dma_wait3A_203, %dma_wait3A_204, %dma_wait3A_205] : memref<3x64x64xi32, #tpu.memory_space<vmem>> -> memref<1x64x64xi32, #tpu.memory_space<vmem>>
        %dma_wait3A_207 = tpu.memref_squeeze %dma_wait3A_206 : memref<1x64x64xi32, #tpu.memory_space<vmem>> -> memref<64x64xi32, #tpu.memory_space<vmem>>
        %dma_wait3A_208 = arith.constant 0 : i32
        %dma_wait3A_209 = tpu.memref_slice %arg3[%mul3A_202, %dma_wait3A_208] : memref<320000x64xi32, #tpu.memory_space<hbm>> -> memref<64x64xi32, #tpu.memory_space<hbm>>
        %dma_wait3A_210 = arith.constant 0 : i32
        %dma_wait3A_211 = arith.constant 0 : i32
        %dma_wait3A_212 = tpu.memref_slice %arg14[%dma_wait3A_203, %dma_wait3A_210, %dma_wait3A_211] : memref<3x64x64xi32, #tpu.memory_space<vmem>> -> memref<1x64x64xi32, #tpu.memory_space<vmem>>
        %dma_wait3A_213 = tpu.memref_squeeze %dma_wait3A_212 : memref<1x64x64xi32, #tpu.memory_space<vmem>> -> memref<64x64xi32, #tpu.memory_space<vmem>>
        %dma_wait3A_214 = arith.constant 0 : i32
        %dma_wait3A_215 = tpu.memref_slice %arg3[%mul3A_202, %dma_wait3A_214] : memref<320000x64xi32, #tpu.memory_space<hbm>> -> memref<64x64xi32, #tpu.memory_space<hbm>>
        tpu.wait_dma2 semaphore(%arg22 : memref<!tpu.dma_semaphore, #tpu.memory_space<semaphore_mem>>) src(%dma_wait3A_215 : memref<64x64xi32, #tpu.memory_space<hbm>>) dst(%dma_wait3A_213 : memref<64x64xi32, #tpu.memory_space<vmem>>)
        %get3A = arith.constant 64 : index
        %get3A_216 = tpu.vector_load %arg7[%get3A] {strides = array<i32>} : memref<128xi32, #tpu.memory_space<vmem>>, vector<16xi32>,
        %swap3A = arith.constant 0 : index
        %swap3A_217 = tpu.vector_load %arg10[%swap3A] {strides = array<i32>} : memref<64xi32, #tpu.memory_space<vmem>>, vector<16xi32>,
        tpu.vector_store %arg10[%swap3A], %get3A_216 {strides = array<i32>} : memref<64xi32, #tpu.memory_space<vmem>>, vector<16xi32>,
        %get3A_218 = arith.constant 80 : index
        %get3A_219 = tpu.vector_load %arg7[%get3A_218] {strides = array<i32>} : memref<128xi32, #tpu.memory_space<vmem>>, vector<16xi32>,
        %swap3A_220 = arith.constant 16 : index
        %swap3A_221 = tpu.vector_load %arg10[%swap3A_220] {strides = array<i32>} : memref<64xi32, #tpu.memory_space<vmem>>, vector<16xi32>,
        tpu.vector_store %arg10[%swap3A_220], %get3A_219 {strides = array<i32>} : memref<64xi32, #tpu.memory_space<vmem>>, vector<16xi32>,
        %get3A_222 = arith.constant 96 : index
        %get3A_223 = tpu.vector_load %arg7[%get3A_222] {strides = array<i32>} : memref<128xi32, #tpu.memory_space<vmem>>, vector<16xi32>,
        %swap3A_224 = arith.constant 32 : index
        %swap3A_225 = tpu.vector_load %arg10[%swap3A_224] {strides = array<i32>} : memref<64xi32, #tpu.memory_space<vmem>>, vector<16xi32>,
        tpu.vector_store %arg10[%swap3A_224], %get3A_223 {strides = array<i32>} : memref<64xi32, #tpu.memory_space<vmem>>, vector<16xi32>,
        %get3A_226 = arith.constant 112 : index
        %get3A_227 = tpu.vector_load %arg7[%get3A_226] {strides = array<i32>} : memref<128xi32, #tpu.memory_space<vmem>>, vector<16xi32>,
        %swap3A_228 = arith.constant 48 : index
        %swap3A_229 = tpu.vector_load %arg10[%swap3A_228] {strides = array<i32>} : memref<64xi32, #tpu.memory_space<vmem>>, vector<16xi32>,
        tpu.vector_store %arg10[%swap3A_228], %get3A_227 {strides = array<i32>} : memref<64xi32, #tpu.memory_space<vmem>>, vector<16xi32>,
        %scan3A_230 = arith.constant 0 : i32
        %scan3A_231 = arith.constant 64 : i32
        %scan3A_232 = arith.addi %scan3A_230, %scan3A_231 : i32
        %scan3A_233 = arith.constant 1 : i32
        scf.for %scan3A_243 = %scan3A_230 to %scan3A_232 step %scan3A_233  : i32 {
          %mul3A_244 = arith.constant 1 : i32
          %mul3A_245 = arith.muli %scan3A_243, %mul3A_244 : i32
          %add3A_246 = arith.constant 0 : i32
          %add3A_247 = arith.addi %add3A_246, %mul3A_245 : i32
          %get3A_248 = arith.constant 0 : i32
          %get3A_249 = arith.index_cast %get3A_248 : i32 to index
          %get3A_250 = arith.index_cast %add3A_247 : i32 to index
          %get3A_251 = arith.constant 0 : index
          %get3A_252 = tpu.vector_load %arg14[%get3A_249, %get3A_250, %get3A_251] {strides = array<i32>} : memref<3x64x64xi32, #tpu.memory_space<vmem>>, vector<16xi32>,
          %bitcast3A = vector.bitcast %get3A_252 : vector<16xi32> to vector<32xbf16>
          %unpack3A = tpu.unpack_subelements %bitcast3A, 0 {pack_format = #tpu.pack_format<interleaved>} : vector<32xbf16> -> vector<16xf32>
          %unpack3A_253 = tpu.unpack_subelements %bitcast3A, 1 {pack_format = #tpu.pack_format<interleaved>} : vector<32xbf16> -> vector<16xf32>
          %get3A_254 = arith.constant 0 : i32
          %get3A_255 = arith.index_cast %get3A_254 : i32 to index
          %get3A_256 = arith.index_cast %add3A_247 : i32 to index
          %get3A_257 = arith.constant 0 : index
          %get3A_258 = tpu.vector_load %arg13[%get3A_255, %get3A_256, %get3A_257] {strides = array<i32>} : memref<3x64x128xf32, #tpu.memory_space<vmem>>, vector<16xf32>,
          %add3A_259 = arith.addf %get3A_258, %unpack3A : vector<16xf32>
          %max3A = arith.constant 0.000000e+00 : f32
          %max3A_260 = vector.broadcast %max3A : f32 to vector<16xf32>
          %max3A_261 = arith.maximumf %add3A_259, %max3A_260 : vector<16xf32>
          %swap3A_262 = arith.constant 0 : i32
          %swap3A_263 = arith.index_cast %swap3A_262 : i32 to index
          %swap3A_264 = arith.index_cast %add3A_247 : i32 to index
          %swap3A_265 = arith.constant 0 : index
          %swap3A_266 = tpu.vector_load %arg13[%swap3A_263, %swap3A_264, %swap3A_265] {strides = array<i32>} : memref<3x64x128xf32, #tpu.memory_space<vmem>>, vector<16xf32>,
          tpu.vector_store %arg13[%swap3A_263, %swap3A_264, %swap3A_265], %max3A_261 {strides = array<i32>} : memref<3x64x128xf32, #tpu.memory_space<vmem>>, vector<16xf32>,
          %get3A_267 = arith.constant 0 : i32
          %get3A_268 = arith.index_cast %get3A_267 : i32 to index
          %get3A_269 = arith.index_cast %add3A_247 : i32 to index
          %get3A_270 = arith.constant 16 : index
          %get3A_271 = tpu.vector_load %arg13[%get3A_268, %get3A_269, %get3A_270] {strides = array<i32>} : memref<3x64x128xf32, #tpu.memory_space<vmem>>, vector<16xf32>,
          %add3A_272 = arith.addf %get3A_271, %unpack3A_253 : vector<16xf32>
          %max3A_273 = arith.constant 0.000000e+00 : f32
          %max3A_274 = vector.broadcast %max3A_273 : f32 to vector<16xf32>
          %max3A_275 = arith.maximumf %add3A_272, %max3A_274 : vector<16xf32>
          %swap3A_276 = arith.constant 0 : i32
          %swap3A_277 = arith.index_cast %swap3A_276 : i32 to index
          %swap3A_278 = arith.index_cast %add3A_247 : i32 to index
          %swap3A_279 = arith.constant 16 : index
          %swap3A_280 = tpu.vector_load %arg13[%swap3A_277, %swap3A_278, %swap3A_279] {strides = array<i32>} : memref<3x64x128xf32, #tpu.memory_space<vmem>>, vector<16xf32>,
          tpu.vector_store %arg13[%swap3A_277, %swap3A_278, %swap3A_279], %max3A_275 {strides = array<i32>} : memref<3x64x128xf32, #tpu.memory_space<vmem>>, vector<16xf32>,
          %get3A_281 = arith.constant 0 : i32
          %get3A_282 = arith.index_cast %get3A_281 : i32 to index
          %get3A_283 = arith.index_cast %add3A_247 : i32 to index
          %get3A_284 = arith.constant 16 : index
          %get3A_285 = tpu.vector_load %arg14[%get3A_282, %get3A_283, %get3A_284] {strides = array<i32>} : memref<3x64x64xi32, #tpu.memory_space<vmem>>, vector<16xi32>,
          %bitcast3A_286 = vector.bitcast %get3A_285 : vector<16xi32> to vector<32xbf16>
          %unpack3A_287 = tpu.unpack_subelements %bitcast3A_286, 0 {pack_format = #tpu.pack_format<interleaved>} : vector<32xbf16> -> vector<16xf32>
          %unpack3A_288 = tpu.unpack_subelements %bitcast3A_286, 1 {pack_format = #tpu.pack_format<interleaved>} : vector<32xbf16> -> vector<16xf32>
          %get3A_289 = arith.constant 0 : i32
          %get3A_290 = arith.index_cast %get3A_289 : i32 to index
          %get3A_291 = arith.index_cast %add3A_247 : i32 to index
          %get3A_292 = arith.constant 32 : index
          %get3A_293 = tpu.vector_load %arg13[%get3A_290, %get3A_291, %get3A_292] {strides = array<i32>} : memref<3x64x128xf32, #tpu.memory_space<vmem>>, vector<16xf32>,
          %add3A_294 = arith.addf %get3A_293, %unpack3A_287 : vector<16xf32>
          %max3A_295 = arith.constant 0.000000e+00 : f32
          %max3A_296 = vector.broadcast %max3A_295 : f32 to vector<16xf32>
          %max3A_297 = arith.maximumf %add3A_294, %max3A_296 : vector<16xf32>
          %swap3A_298 = arith.constant 0 : i32
          %swap3A_299 = arith.index_cast %swap3A_298 : i32 to index
          %swap3A_300 = arith.index_cast %add3A_247 : i32 to index
          %swap3A_301 = arith.constant 32 : index
          %swap3A_302 = tpu.vector_load %arg13[%swap3A_299, %swap3A_300, %swap3A_301] {strides = array<i32>} : memref<3x64x128xf32, #tpu.memory_space<vmem>>, vector<16xf32>,
          tpu.vector_store %arg13[%swap3A_299, %swap3A_300, %swap3A_301], %max3A_297 {strides = array<i32>} : memref<3x64x128xf32, #tpu.memory_space<vmem>>, vector<16xf32>,
          %get3A_303 = arith.constant 0 : i32
          %get3A_304 = arith.index_cast %get3A_303 : i32 to index
          %get3A_305 = arith.index_cast %add3A_247 : i32 to index
          %get3A_306 = arith.constant 48 : index
          %get3A_307 = tpu.vector_load %arg13[%get3A_304, %get3A_305, %get3A_306] {strides = array<i32>} : memref<3x64x128xf32, #tpu.memory_space<vmem>>, vector<16xf32>,
          %add3A_308 = arith.addf %get3A_307, %unpack3A_288 : vector<16xf32>
          %max3A_309 = arith.constant 0.000000e+00 : f32
          %max3A_310 = vector.broadcast %max3A_309 : f32 to vector<16xf32>
          %max3A_311 = arith.maximumf %add3A_308, %max3A_310 : vector<16xf32>
          %swap3A_312 = arith.constant 0 : i32
          %swap3A_313 = arith.index_cast %swap3A_312 : i32 to index
          %swap3A_314 = arith.index_cast %add3A_247 : i32 to index
          %swap3A_315 = arith.constant 48 : index
          %swap3A_316 = tpu.vector_load %arg13[%swap3A_313, %swap3A_314, %swap3A_315] {strides = array<i32>} : memref<3x64x128xf32, #tpu.memory_space<vmem>>, vector<16xf32>,
          tpu.vector_store %arg13[%swap3A_313, %swap3A_314, %swap3A_315], %max3A_311 {strides = array<i32>} : memref<3x64x128xf32, #tpu.memory_space<vmem>>, vector<16xf32>,
          %get3A_317 = arith.constant 0 : i32
          %get3A_318 = arith.index_cast %get3A_317 : i32 to index
          %get3A_319 = arith.index_cast %add3A_247 : i32 to index
          %get3A_320 = arith.constant 32 : index
          %get3A_321 = tpu.vector_load %arg14[%get3A_318, %get3A_319, %get3A_320] {strides = array<i32>} : memref<3x64x64xi32, #tpu.memory_space<vmem>>, vector<16xi32>,
          %bitcast3A_322 = vector.bitcast %get3A_321 : vector<16xi32> to vector<32xbf16>
          %unpack3A_323 = tpu.unpack_subelements %bitcast3A_322, 0 {pack_format = #tpu.pack_format<interleaved>} : vector<32xbf16> -> vector<16xf32>
          %unpack3A_324 = tpu.unpack_subelements %bitcast3A_322, 1 {pack_format = #tpu.pack_format<interleaved>} : vector<32xbf16> -> vector<16xf32>
          %get3A_325 = arith.constant 0 : i32
          %get3A_326 = arith.index_cast %get3A_325 : i32 to index
          %get3A_327 = arith.index_cast %add3A_247 : i32 to index
          %get3A_328 = arith.constant 64 : index
          %get3A_329 = tpu.vector_load %arg13[%get3A_326, %get3A_327, %get3A_328] {strides = array<i32>} : memref<3x64x128xf32, #tpu.memory_space<vmem>>, vector<16xf32>,
          %add3A_330 = arith.addf %get3A_329, %unpack3A_323 : vector<16xf32>
          %max3A_331 = arith.constant 0.000000e+00 : f32
          %max3A_332 = vector.broadcast %max3A_331 : f32 to vector<16xf32>
          %max3A_333 = arith.maximumf %add3A_330, %max3A_332 : vector<16xf32>
          %swap3A_334 = arith.constant 0 : i32
          %swap3A_335 = arith.index_cast %swap3A_334 : i32 to index
          %swap3A_336 = arith.index_cast %add3A_247 : i32 to index
          %swap3A_337 = arith.constant 64 : index
          %swap3A_338 = tpu.vector_load %arg13[%swap3A_335, %swap3A_336, %swap3A_337] {strides = array<i32>} : memref<3x64x128xf32, #tpu.memory_space<vmem>>, vector<16xf32>,
          tpu.vector_store %arg13[%swap3A_335, %swap3A_336, %swap3A_337], %max3A_333 {strides = array<i32>} : memref<3x64x128xf32, #tpu.memory_space<vmem>>, vector<16xf32>,
          %get3A_339 = arith.constant 0 : i32
          %get3A_340 = arith.index_cast %get3A_339 : i32 to index
          %get3A_341 = arith.index_cast %add3A_247 : i32 to index
          %get3A_342 = arith.constant 80 : index
          %get3A_343 = tpu.vector_load %arg13[%get3A_340, %get3A_341, %get3A_342] {strides = array<i32>} : memref<3x64x128xf32, #tpu.memory_space<vmem>>, vector<16xf32>,
          %add3A_344 = arith.addf %get3A_343, %unpack3A_324 : vector<16xf32>
          %max3A_345 = arith.constant 0.000000e+00 : f32
          %max3A_346 = vector.broadcast %max3A_345 : f32 to vector<16xf32>
          %max3A_347 = arith.maximumf %add3A_344, %max3A_346 : vector<16xf32>
          %swap3A_348 = arith.constant 0 : i32
          %swap3A_349 = arith.index_cast %swap3A_348 : i32 to index
          %swap3A_350 = arith.index_cast %add3A_247 : i32 to index
          %swap3A_351 = arith.constant 80 : index
          %swap3A_352 = tpu.vector_load %arg13[%swap3A_349, %swap3A_350, %swap3A_351] {strides = array<i32>} : memref<3x64x128xf32, #tpu.memory_space<vmem>>, vector<16xf32>,
          tpu.vector_store %arg13[%swap3A_349, %swap3A_350, %swap3A_351], %max3A_347 {strides = array<i32>} : memref<3x64x128xf32, #tpu.memory_space<vmem>>, vector<16xf32>,
          %get3A_353 = arith.constant 0 : i32
          %get3A_354 = arith.index_cast %get3A_353 : i32 to index
          %get3A_355 = arith.index_cast %add3A_247 : i32 to index
          %get3A_356 = arith.constant 48 : index
          %get3A_357 = tpu.vector_load %arg14[%get3A_354, %get3A_355, %get3A_356] {strides = array<i32>} : memref<3x64x64xi32, #tpu.memory_space<vmem>>, vector<16xi32>,
          %bitcast3A_358 = vector.bitcast %get3A_357 : vector<16xi32> to vector<32xbf16>
          %unpack3A_359 = tpu.unpack_subelements %bitcast3A_358, 0 {pack_format = #tpu.pack_format<interleaved>} : vector<32xbf16> -> vector<16xf32>
          %unpack3A_360 = tpu.unpack_subelements %bitcast3A_358, 1 {pack_format = #tpu.pack_format<interleaved>} : vector<32xbf16> -> vector<16xf32>
          %get3A_361 = arith.constant 0 : i32
          %get3A_362 = arith.index_cast %get3A_361 : i32 to index
          %get3A_363 = arith.index_cast %add3A_247 : i32 to index
          %get3A_364 = arith.constant 96 : index
          %get3A_365 = tpu.vector_load %arg13[%get3A_362, %get3A_363, %get3A_364] {strides = array<i32>} : memref<3x64x128xf32, #tpu.memory_space<vmem>>, vector<16xf32>,
          %add3A_366 = arith.addf %get3A_365, %unpack3A_359 : vector<16xf32>
          %max3A_367 = arith.constant 0.000000e+00 : f32
          %max3A_368 = vector.broadcast %max3A_367 : f32 to vector<16xf32>
          %max3A_369 = arith.maximumf %add3A_366, %max3A_368 : vector<16xf32>
          %swap3A_370 = arith.constant 0 : i32
          %swap3A_371 = arith.index_cast %swap3A_370 : i32 to index
          %swap3A_372 = arith.index_cast %add3A_247 : i32 to index
          %swap3A_373 = arith.constant 96 : index
          %swap3A_374 = tpu.vector_load %arg13[%swap3A_371, %swap3A_372, %swap3A_373] {strides = array<i32>} : memref<3x64x128xf32, #tpu.memory_space<vmem>>, vector<16xf32>,
          tpu.vector_store %arg13[%swap3A_371, %swap3A_372, %swap3A_373], %max3A_369 {strides = array<i32>} : memref<3x64x128xf32, #tpu.memory_space<vmem>>, vector<16xf32>,
          %get3A_375 = arith.constant 0 : i32
          %get3A_376 = arith.index_cast %get3A_375 : i32 to index
          %get3A_377 = arith.index_cast %add3A_247 : i32 to index
          %get3A_378 = arith.constant 112 : index
          %get3A_379 = tpu.vector_load %arg13[%get3A_376, %get3A_377, %get3A_378] {strides = array<i32>} : memref<3x64x128xf32, #tpu.memory_space<vmem>>, vector<16xf32>,
          %add3A_380 = arith.addf %get3A_379, %unpack3A_360 : vector<16xf32>
          %max3A_381 = arith.constant 0.000000e+00 : f32
          %max3A_382 = vector.broadcast %max3A_381 : f32 to vector<16xf32>
          %max3A_383 = arith.maximumf %add3A_380, %max3A_382 : vector<16xf32>
          %swap3A_384 = arith.constant 0 : i32
          %swap3A_385 = arith.index_cast %swap3A_384 : i32 to index
          %swap3A_386 = arith.index_cast %add3A_247 : i32 to index
          %swap3A_387 = arith.constant 112 : index
          %swap3A_388 = tpu.vector_load %arg13[%swap3A_385, %swap3A_386, %swap3A_387] {strides = array<i32>} : memref<3x64x128xf32, #tpu.memory_space<vmem>>, vector<16xf32>,
          tpu.vector_store %arg13[%swap3A_385, %swap3A_386, %swap3A_387], %max3A_383 {strides = array<i32>} : memref<3x64x128xf32, #tpu.memory_space<vmem>>, vector<16xf32>,
        }
        %scan3A_234 = arith.constant 64 : i32
        %dma_start3A_235 = arith.constant 0 : i32
        %dma_start3A_236 = arith.constant 0 : i32
        %dma_start3A_237 = arith.constant 0 : i32
        %dma_start3A_238 = tpu.memref_slice %arg13[%dma_start3A_235, %dma_start3A_236, %dma_start3A_237] : memref<3x64x128xf32, #tpu.memory_space<vmem>> -> memref<1x64x128xf32, #tpu.memory_space<vmem>>
        %dma_start3A_239 = tpu.memref_squeeze %dma_start3A_238 : memref<1x64x128xf32, #tpu.memory_space<vmem>> -> memref<64x128xf32, #tpu.memory_space<vmem>>
        %dma_start3A_240 = arith.constant 0 : i32
        %dma_start3A_241 = arith.constant 0 : i32
        %dma_start3A_242 = tpu.memref_slice %arg15[%dma_start3A_240, %dma_start3A_241] : memref<10000x128xf32, #tpu.memory_space<vmem_shared>> -> memref<10000x128xf32, #tpu.memory_space<vmem_shared>>
        tpu.enqueue_indirect_dma source(%dma_start3A_239 : memref<64x128xf32, #tpu.memory_space<vmem>>) target(%dma_start3A_242 : memref<10000x128xf32, #tpu.memory_space<vmem_shared>>) offsets(%arg10 : memref<64xi32, #tpu.memory_space<vmem>>) semaphore(%arg25 : memref<!tpu.dma_semaphore, #tpu.memory_space<semaphore_mem>>) {add = true}
      } else {
      }
      %add3A_118 = arith.constant 3 : i32
      %add3A_119 = arith.addi %add3A_100, %add3A_118 : i32
      %mul3A_120 = arith.constant 32 : i32
      %mul3A_121 = arith.muli %add3A_119, %mul3A_120 : i32
      %add3A_122 = arith.addi %mul3A_121, %add3A : i32
      %lt3A_123 = arith.constant 5000 : i32
      %lt3A_124 = arith.cmpi slt, %add3A_122, %lt3A_123 : i32
      %convert_element_type3A_125 = arith.extui %lt3A_124 : i1 to i32
      %cond3A_126 = arith.constant 0 : i32
      %cond3A_127 = arith.cmpi ne, %convert_element_type3A_125, %cond3A_126 : i32
      scf.if %cond3A_127 {
        %add3A_188 = arith.constant 3 : i32
        %add3A_189 = arith.addi %add3A_100, %add3A_188 : i32
        %mul3A_190 = arith.constant 32 : i32
        %mul3A_191 = arith.muli %add3A_189, %mul3A_190 : i32
        %add3A_192 = arith.addi %mul3A_191, %add3A : i32
        %mul3A_193 = arith.constant 2 : i32
        %mul3A_194 = arith.muli %add3A_192, %mul3A_193 : i32
        %mul3A_195 = arith.constant 64 : i32
        %mul3A_196 = arith.muli %mul3A_194, %mul3A_195 : i32
        %dma_start3A_197 = tpu.memref_slice %arg4[%mul3A_196] : memref<640000xi32, #tpu.memory_space<hbm>> -> memref<128xi32, #tpu.memory_space<hbm>>
        %dma_start3A_198 = tpu.memref_slice %arg4[%mul3A_196] : memref<640000xi32, #tpu.memory_space<hbm>> -> memref<128xi32, #tpu.memory_space<hbm>>
        tpu.enqueue_dma source(%dma_start3A_198 : memref<128xi32, #tpu.memory_space<hbm>>) target(%arg7 : memref<128xi32, #tpu.memory_space<vmem>>) target_semaphore(%arg16 : memref<!tpu.dma_semaphore, #tpu.memory_space<semaphore_mem>>)
      } else {
      }
      %add3A_128 = arith.constant 1 : i32
      %add3A_129 = arith.addi %add3A_100, %add3A_128 : i32
      %add3A_130 = arith.constant 1 : i32
      %add3A_131 = arith.addi %add3A_129, %add3A_130 : i32
      %mul3A_132 = arith.constant 32 : i32
      %mul3A_133 = arith.muli %add3A_131, %mul3A_132 : i32
      %add3A_134 = arith.addi %mul3A_133, %add3A : i32
      %lt3A_135 = arith.constant 5000 : i32
      %lt3A_136 = arith.cmpi slt, %add3A_134, %lt3A_135 : i32
      %convert_element_type3A_137 = arith.extui %lt3A_136 : i1 to i32
      %cond3A_138 = arith.constant 0 : i32
      %cond3A_139 = arith.cmpi ne, %convert_element_type3A_137, %cond3A_138 : i32
      scf.if %cond3A_139 {
        %add3A_188 = arith.constant 1 : i32
        %add3A_189 = arith.addi %add3A_129, %add3A_188 : i32
        %mul3A_190 = arith.constant 32 : i32
        %mul3A_191 = arith.muli %add3A_189, %mul3A_190 : i32
        %add3A_192 = arith.addi %mul3A_191, %add3A : i32
        %mul3A_193 = arith.constant 2 : i32
        %mul3A_194 = arith.muli %add3A_192, %mul3A_193 : i32
        %mul3A_195 = arith.constant 64 : i32
        %mul3A_196 = arith.muli %mul3A_194, %mul3A_195 : i32
        %dma_wait3A_197 = tpu.memref_slice %arg4[%mul3A_196] : memref<640000xi32, #tpu.memory_space<hbm>> -> memref<128xi32, #tpu.memory_space<hbm>>
        %dma_wait3A_198 = tpu.memref_slice %arg4[%mul3A_196] : memref<640000xi32, #tpu.memory_space<hbm>> -> memref<128xi32, #tpu.memory_space<hbm>>
        tpu.wait_dma2 semaphore(%arg18 : memref<!tpu.dma_semaphore, #tpu.memory_space<semaphore_mem>>) src(%dma_wait3A_198 : memref<128xi32, #tpu.memory_space<hbm>>) dst(%arg9 : memref<128xi32, #tpu.memory_space<vmem>>)
        %ge3A = arith.constant 2 : i32
        %ge3A_199 = arith.cmpi sge, %add3A_129, %ge3A : i32
        %convert_element_type3A_200 = arith.extui %ge3A_199 : i1 to i32
        %cond3A_201 = arith.constant 0 : i32
        %cond3A_202 = arith.cmpi ne, %convert_element_type3A_200, %cond3A_201 : i32
        scf.if %cond3A_202 {
          %dma_wait3A_233 = arith.constant 2 : i32
          %dma_wait3A_234 = arith.constant 0 : i32
          %dma_wait3A_235 = arith.constant 0 : i32
          %dma_wait3A_236 = tpu.memref_slice %arg13[%dma_wait3A_233, %dma_wait3A_234, %dma_wait3A_235] : memref<3x64x128xf32, #tpu.memory_space<vmem>> -> memref<1x64x128xf32, #tpu.memory_space<vmem>>
          %dma_wait3A_237 = tpu.memref_squeeze %dma_wait3A_236 : memref<1x64x128xf32, #tpu.memory_space<vmem>> -> memref<64x128xf32, #tpu.memory_space<vmem>>
          %dma_wait3A_238 = arith.constant 0 : i32
          %dma_wait3A_239 = arith.constant 0 : i32
          %dma_wait3A_240 = tpu.memref_slice %arg15[%dma_wait3A_238, %dma_wait3A_239] : memref<10000x128xf32, #tpu.memory_space<vmem_shared>> -> memref<10000x128xf32, #tpu.memory_space<vmem_shared>>
          tpu.wait_indirect_dma semaphore(%arg27 : memref<!tpu.dma_semaphore, #tpu.memory_space<semaphore_mem>>) src(%dma_wait3A_237 : memref<64x128xf32, #tpu.memory_space<vmem>>) dst(%dma_wait3A_240 : memref<10000x128xf32, #tpu.memory_space<vmem_shared>>)
        } else {
        }
        %add3A_203 = arith.constant 1 : i32
        %add3A_204 = arith.addi %add3A_129, %add3A_203 : i32
        %dma_start3A_205 = arith.constant 2 : i32
        %dma_start3A_206 = arith.constant 0 : i32
        %dma_start3A_207 = arith.constant 0 : i32
        %dma_start3A_208 = tpu.memref_slice %arg13[%dma_start3A_205, %dma_start3A_206, %dma_start3A_207] : memref<3x64x128xf32, #tpu.memory_space<vmem>> -> memref<1x64x128xf32, #tpu.memory_space<vmem>>
        %dma_start3A_209 = tpu.memref_squeeze %dma_start3A_208 : memref<1x64x128xf32, #tpu.memory_space<vmem>> -> memref<64x128xf32, #tpu.memory_space<vmem>>
        %dma_start3A_210 = arith.constant 0 : i32
        %dma_start3A_211 = tpu.memref_slice %arg9[%dma_start3A_210] : memref<128xi32, #tpu.memory_space<vmem>> -> memref<64xi32, #tpu.memory_space<vmem>>
        %dma_start3A_212 = arith.constant 0 : i32
        %dma_start3A_213 = arith.constant 0 : i32
        %dma_start3A_214 = tpu.memref_slice %arg2[%dma_start3A_212, %dma_start3A_213] : memref<10000x128xf32, #tpu.memory_space<hbm>> -> memref<10000x128xf32, #tpu.memory_space<hbm>>
        tpu.enqueue_indirect_dma source(%dma_start3A_214 : memref<10000x128xf32, #tpu.memory_space<hbm>>) target(%dma_start3A_209 : memref<64x128xf32, #tpu.memory_space<vmem>>) offsets(%dma_start3A_211 : memref<64xi32, #tpu.memory_space<vmem>>) semaphore(%arg21 : memref<!tpu.dma_semaphore, #tpu.memory_space<semaphore_mem>>)
        %mul3A_215 = arith.constant 32 : i32
        %mul3A_216 = arith.muli %add3A_204, %mul3A_215 : i32
        %add3A_217 = arith.addi %mul3A_216, %add3A : i32
        %mul3A_218 = arith.constant 64 : i32
        %mul3A_219 = arith.muli %add3A_217, %mul3A_218 : i32
        %dma_start3A_220 = arith.constant 2 : i32
        %dma_start3A_221 = arith.constant 0 : i32
        %dma_start3A_222 = arith.constant 0 : i32
        %dma_start3A_223 = tpu.memref_slice %arg14[%dma_start3A_220, %dma_start3A_221, %dma_start3A_222] : memref<3x64x64xi32, #tpu.memory_space<vmem>> -> memref<1x64x64xi32, #tpu.memory_space<vmem>>
        %dma_start3A_224 = tpu.memref_squeeze %dma_start3A_223 : memref<1x64x64xi32, #tpu.memory_space<vmem>> -> memref<64x64xi32, #tpu.memory_space<vmem>>
        %dma_start3A_225 = arith.constant 0 : i32
        %dma_start3A_226 = tpu.memref_slice %arg3[%mul3A_219, %dma_start3A_225] : memref<320000x64xi32, #tpu.memory_space<hbm>> -> memref<64x64xi32, #tpu.memory_space<hbm>>
        %dma_start3A_227 = arith.constant 0 : i32
        %dma_start3A_228 = arith.constant 0 : i32
        %dma_start3A_229 = tpu.memref_slice %arg14[%dma_start3A_220, %dma_start3A_227, %dma_start3A_228] : memref<3x64x64xi32, #tpu.memory_space<vmem>> -> memref<1x64x64xi32, #tpu.memory_space<vmem>>
        %dma_start3A_230 = tpu.memref_squeeze %dma_start3A_229 : memref<1x64x64xi32, #tpu.memory_space<vmem>> -> memref<64x64xi32, #tpu.memory_space<vmem>>
        %dma_start3A_231 = arith.constant 0 : i32
        %dma_start3A_232 = tpu.memref_slice %arg3[%mul3A_219, %dma_start3A_231] : memref<320000x64xi32, #tpu.memory_space<hbm>> -> memref<64x64xi32, #tpu.memory_space<hbm>>
        tpu.enqueue_dma source(%dma_start3A_232 : memref<64x64xi32, #tpu.memory_space<hbm>>) target(%dma_start3A_230 : memref<64x64xi32, #tpu.memory_space<vmem>>) target_semaphore(%arg24 : memref<!tpu.dma_semaphore, #tpu.memory_space<semaphore_mem>>)
      } else {
      }
      %mul3A_140 = arith.constant 32 : i32
      %mul3A_141 = arith.muli %add3A_129, %mul3A_140 : i32
      %add3A_142 = arith.addi %mul3A_141, %add3A : i32
      %lt3A_143 = arith.constant 5000 : i32
      %lt3A_144 = arith.cmpi slt, %add3A_142, %lt3A_143 : i32
      %convert_element_type3A_145 = arith.extui %lt3A_144 : i1 to i32
      %cond3A_146 = arith.constant 0 : i32
      %cond3A_147 = arith.cmpi ne, %convert_element_type3A_145, %cond3A_146 : i32
      scf.if %cond3A_147 {
        %dma_wait3A_188 = arith.constant 1 : i32
        %dma_wait3A_189 = arith.constant 0 : i32
        %dma_wait3A_190 = arith.constant 0 : i32
        %dma_wait3A_191 = tpu.memref_slice %arg13[%dma_wait3A_188, %dma_wait3A_189, %dma_wait3A_190] : memref<3x64x128xf32, #tpu.memory_space<vmem>> -> memref<1x64x128xf32, #tpu.memory_space<vmem>>
        %dma_wait3A_192 = tpu.memref_squeeze %dma_wait3A_191 : memref<1x64x128xf32, #tpu.memory_space<vmem>> -> memref<64x128xf32, #tpu.memory_space<vmem>>
        %dma_wait3A_193 = arith.constant 0 : i32
        %dma_wait3A_194 = tpu.memref_slice %arg8[%dma_wait3A_193] : memref<128xi32, #tpu.memory_space<vmem>> -> memref<64xi32, #tpu.memory_space<vmem>>
        %dma_wait3A_195 = arith.constant 0 : i32
        %dma_wait3A_196 = arith.constant 0 : i32
        %dma_wait3A_197 = tpu.memref_slice %arg2[%dma_wait3A_195, %dma_wait3A_196] : memref<10000x128xf32, #tpu.memory_space<hbm>> -> memref<10000x128xf32, #tpu.memory_space<hbm>>
        tpu.wait_indirect_dma semaphore(%arg20 : memref<!tpu.dma_semaphore, #tpu.memory_space<semaphore_mem>>) src(%dma_wait3A_197 : memref<10000x128xf32, #tpu.memory_space<hbm>>) dst(%dma_wait3A_192 : memref<64x128xf32, #tpu.memory_space<vmem>>)
        %mul3A_198 = arith.constant 32 : i32
        %mul3A_199 = arith.muli %add3A_129, %mul3A_198 : i32
        %add3A_200 = arith.addi %mul3A_199, %add3A : i32
        %mul3A_201 = arith.constant 64 : i32
        %mul3A_202 = arith.muli %add3A_200, %mul3A_201 : i32
        %dma_wait3A_203 = arith.constant 1 : i32
        %dma_wait3A_204 = arith.constant 0 : i32
        %dma_wait3A_205 = arith.constant 0 : i32
        %dma_wait3A_206 = tpu.memref_slice %arg14[%dma_wait3A_203, %dma_wait3A_204, %dma_wait3A_205] : memref<3x64x64xi32, #tpu.memory_space<vmem>> -> memref<1x64x64xi32, #tpu.memory_space<vmem>>
        %dma_wait3A_207 = tpu.memref_squeeze %dma_wait3A_206 : memref<1x64x64xi32, #tpu.memory_space<vmem>> -> memref<64x64xi32, #tpu.memory_space<vmem>>
        %dma_wait3A_208 = arith.constant 0 : i32
        %dma_wait3A_209 = tpu.memref_slice %arg3[%mul3A_202, %dma_wait3A_208] : memref<320000x64xi32, #tpu.memory_space<hbm>> -> memref<64x64xi32, #tpu.memory_space<hbm>>
        %dma_wait3A_210 = arith.constant 0 : i32
        %dma_wait3A_211 = arith.constant 0 : i32
        %dma_wait3A_212 = tpu.memref_slice %arg14[%dma_wait3A_203, %dma_wait3A_210, %dma_wait3A_211] : memref<3x64x64xi32, #tpu.memory_space<vmem>> -> memref<1x64x64xi32, #tpu.memory_space<vmem>>
        %dma_wait3A_213 = tpu.memref_squeeze %dma_wait3A_212 : memref<1x64x64xi32, #tpu.memory_space<vmem>> -> memref<64x64xi32, #tpu.memory_space<vmem>>
        %dma_wait3A_214 = arith.constant 0 : i32
        %dma_wait3A_215 = tpu.memref_slice %arg3[%mul3A_202, %dma_wait3A_214] : memref<320000x64xi32, #tpu.memory_space<hbm>> -> memref<64x64xi32, #tpu.memory_space<hbm>>
        tpu.wait_dma2 semaphore(%arg23 : memref<!tpu.dma_semaphore, #tpu.memory_space<semaphore_mem>>) src(%dma_wait3A_215 : memref<64x64xi32, #tpu.memory_space<hbm>>) dst(%dma_wait3A_213 : memref<64x64xi32, #tpu.memory_space<vmem>>)
        %get3A = arith.constant 64 : index
        %get3A_216 = tpu.vector_load %arg8[%get3A] {strides = array<i32>} : memref<128xi32, #tpu.memory_space<vmem>>, vector<16xi32>,
        %swap3A = arith.constant 0 : index
        %swap3A_217 = tpu.vector_load %arg11[%swap3A] {strides = array<i32>} : memref<64xi32, #tpu.memory_space<vmem>>, vector<16xi32>,
        tpu.vector_store %arg11[%swap3A], %get3A_216 {strides = array<i32>} : memref<64xi32, #tpu.memory_space<vmem>>, vector<16xi32>,
        %get3A_218 = arith.constant 80 : index
        %get3A_219 = tpu.vector_load %arg8[%get3A_218] {strides = array<i32>} : memref<128xi32, #tpu.memory_space<vmem>>, vector<16xi32>,
        %swap3A_220 = arith.constant 16 : index
        %swap3A_221 = tpu.vector_load %arg11[%swap3A_220] {strides = array<i32>} : memref<64xi32, #tpu.memory_space<vmem>>, vector<16xi32>,
        tpu.vector_store %arg11[%swap3A_220], %get3A_219 {strides = array<i32>} : memref<64xi32, #tpu.memory_space<vmem>>, vector<16xi32>,
        %get3A_222 = arith.constant 96 : index
        %get3A_223 = tpu.vector_load %arg8[%get3A_222] {strides = array<i32>} : memref<128xi32, #tpu.memory_space<vmem>>, vector<16xi32>,
        %swap3A_224 = arith.constant 32 : index
        %swap3A_225 = tpu.vector_load %arg11[%swap3A_224] {strides = array<i32>} : memref<64xi32, #tpu.memory_space<vmem>>, vector<16xi32>,
        tpu.vector_store %arg11[%swap3A_224], %get3A_223 {strides = array<i32>} : memref<64xi32, #tpu.memory_space<vmem>>, vector<16xi32>,
        %get3A_226 = arith.constant 112 : index
        %get3A_227 = tpu.vector_load %arg8[%get3A_226] {strides = array<i32>} : memref<128xi32, #tpu.memory_space<vmem>>, vector<16xi32>,
        %swap3A_228 = arith.constant 48 : index
        %swap3A_229 = tpu.vector_load %arg11[%swap3A_228] {strides = array<i32>} : memref<64xi32, #tpu.memory_space<vmem>>, vector<16xi32>,
        tpu.vector_store %arg11[%swap3A_228], %get3A_227 {strides = array<i32>} : memref<64xi32, #tpu.memory_space<vmem>>, vector<16xi32>,
        %scan3A_230 = arith.constant 0 : i32
        %scan3A_231 = arith.constant 64 : i32
        %scan3A_232 = arith.addi %scan3A_230, %scan3A_231 : i32
        %scan3A_233 = arith.constant 1 : i32
        scf.for %scan3A_243 = %scan3A_230 to %scan3A_232 step %scan3A_233  : i32 {
          %mul3A_244 = arith.constant 1 : i32
          %mul3A_245 = arith.muli %scan3A_243, %mul3A_244 : i32
          %add3A_246 = arith.constant 0 : i32
          %add3A_247 = arith.addi %add3A_246, %mul3A_245 : i32
          %get3A_248 = arith.constant 1 : i32
          %get3A_249 = arith.index_cast %get3A_248 : i32 to index
          %get3A_250 = arith.index_cast %add3A_247 : i32 to index
          %get3A_251 = arith.constant 0 : index
          %get3A_252 = tpu.vector_load %arg14[%get3A_249, %get3A_250, %get3A_251] {strides = array<i32>} : memref<3x64x64xi32, #tpu.memory_space<vmem>>, vector<16xi32>,
          %bitcast3A = vector.bitcast %get3A_252 : vector<16xi32> to vector<32xbf16>
          %unpack3A = tpu.unpack_subelements %bitcast3A, 0 {pack_format = #tpu.pack_format<interleaved>} : vector<32xbf16> -> vector<16xf32>
          %unpack3A_253 = tpu.unpack_subelements %bitcast3A, 1 {pack_format = #tpu.pack_format<interleaved>} : vector<32xbf16> -> vector<16xf32>
          %get3A_254 = arith.constant 1 : i32
          %get3A_255 = arith.index_cast %get3A_254 : i32 to index
          %get3A_256 = arith.index_cast %add3A_247 : i32 to index
          %get3A_257 = arith.constant 0 : index
          %get3A_258 = tpu.vector_load %arg13[%get3A_255, %get3A_256, %get3A_257] {strides = array<i32>} : memref<3x64x128xf32, #tpu.memory_space<vmem>>, vector<16xf32>,
          %add3A_259 = arith.addf %get3A_258, %unpack3A : vector<16xf32>
          %max3A = arith.constant 0.000000e+00 : f32
          %max3A_260 = vector.broadcast %max3A : f32 to vector<16xf32>
          %max3A_261 = arith.maximumf %add3A_259, %max3A_260 : vector<16xf32>
          %swap3A_262 = arith.constant 1 : i32
          %swap3A_263 = arith.index_cast %swap3A_262 : i32 to index
          %swap3A_264 = arith.index_cast %add3A_247 : i32 to index
          %swap3A_265 = arith.constant 0 : index
          %swap3A_266 = tpu.vector_load %arg13[%swap3A_263, %swap3A_264, %swap3A_265] {strides = array<i32>} : memref<3x64x128xf32, #tpu.memory_space<vmem>>, vector<16xf32>,
          tpu.vector_store %arg13[%swap3A_263, %swap3A_264, %swap3A_265], %max3A_261 {strides = array<i32>} : memref<3x64x128xf32, #tpu.memory_space<vmem>>, vector<16xf32>,
          %get3A_267 = arith.constant 1 : i32
          %get3A_268 = arith.index_cast %get3A_267 : i32 to index
          %get3A_269 = arith.index_cast %add3A_247 : i32 to index
          %get3A_270 = arith.constant 16 : index
          %get3A_271 = tpu.vector_load %arg13[%get3A_268, %get3A_269, %get3A_270] {strides = array<i32>} : memref<3x64x128xf32, #tpu.memory_space<vmem>>, vector<16xf32>,
          %add3A_272 = arith.addf %get3A_271, %unpack3A_253 : vector<16xf32>
          %max3A_273 = arith.constant 0.000000e+00 : f32
          %max3A_274 = vector.broadcast %max3A_273 : f32 to vector<16xf32>
          %max3A_275 = arith.maximumf %add3A_272, %max3A_274 : vector<16xf32>
          %swap3A_276 = arith.constant 1 : i32
          %swap3A_277 = arith.index_cast %swap3A_276 : i32 to index
          %swap3A_278 = arith.index_cast %add3A_247 : i32 to index
          %swap3A_279 = arith.constant 16 : index
          %swap3A_280 = tpu.vector_load %arg13[%swap3A_277, %swap3A_278, %swap3A_279] {strides = array<i32>} : memref<3x64x128xf32, #tpu.memory_space<vmem>>, vector<16xf32>,
          tpu.vector_store %arg13[%swap3A_277, %swap3A_278, %swap3A_279], %max3A_275 {strides = array<i32>} : memref<3x64x128xf32, #tpu.memory_space<vmem>>, vector<16xf32>,
          %get3A_281 = arith.constant 1 : i32
          %get3A_282 = arith.index_cast %get3A_281 : i32 to index
          %get3A_283 = arith.index_cast %add3A_247 : i32 to index
          %get3A_284 = arith.constant 16 : index
          %get3A_285 = tpu.vector_load %arg14[%get3A_282, %get3A_283, %get3A_284] {strides = array<i32>} : memref<3x64x64xi32, #tpu.memory_space<vmem>>, vector<16xi32>,
          %bitcast3A_286 = vector.bitcast %get3A_285 : vector<16xi32> to vector<32xbf16>
          %unpack3A_287 = tpu.unpack_subelements %bitcast3A_286, 0 {pack_format = #tpu.pack_format<interleaved>} : vector<32xbf16> -> vector<16xf32>
          %unpack3A_288 = tpu.unpack_subelements %bitcast3A_286, 1 {pack_format = #tpu.pack_format<interleaved>} : vector<32xbf16> -> vector<16xf32>
          %get3A_289 = arith.constant 1 : i32
          %get3A_290 = arith.index_cast %get3A_289 : i32 to index
          %get3A_291 = arith.index_cast %add3A_247 : i32 to index
          %get3A_292 = arith.constant 32 : index
          %get3A_293 = tpu.vector_load %arg13[%get3A_290, %get3A_291, %get3A_292] {strides = array<i32>} : memref<3x64x128xf32, #tpu.memory_space<vmem>>, vector<16xf32>,
          %add3A_294 = arith.addf %get3A_293, %unpack3A_287 : vector<16xf32>
          %max3A_295 = arith.constant 0.000000e+00 : f32
          %max3A_296 = vector.broadcast %max3A_295 : f32 to vector<16xf32>
          %max3A_297 = arith.maximumf %add3A_294, %max3A_296 : vector<16xf32>
          %swap3A_298 = arith.constant 1 : i32
          %swap3A_299 = arith.index_cast %swap3A_298 : i32 to index
          %swap3A_300 = arith.index_cast %add3A_247 : i32 to index
          %swap3A_301 = arith.constant 32 : index
          %swap3A_302 = tpu.vector_load %arg13[%swap3A_299, %swap3A_300, %swap3A_301] {strides = array<i32>} : memref<3x64x128xf32, #tpu.memory_space<vmem>>, vector<16xf32>,
          tpu.vector_store %arg13[%swap3A_299, %swap3A_300, %swap3A_301], %max3A_297 {strides = array<i32>} : memref<3x64x128xf32, #tpu.memory_space<vmem>>, vector<16xf32>,
          %get3A_303 = arith.constant 1 : i32
          %get3A_304 = arith.index_cast %get3A_303 : i32 to index
          %get3A_305 = arith.index_cast %add3A_247 : i32 to index
          %get3A_306 = arith.constant 48 : index
          %get3A_307 = tpu.vector_load %arg13[%get3A_304, %get3A_305, %get3A_306] {strides = array<i32>} : memref<3x64x128xf32, #tpu.memory_space<vmem>>, vector<16xf32>,
          %add3A_308 = arith.addf %get3A_307, %unpack3A_288 : vector<16xf32>
          %max3A_309 = arith.constant 0.000000e+00 : f32
          %max3A_310 = vector.broadcast %max3A_309 : f32 to vector<16xf32>
          %max3A_311 = arith.maximumf %add3A_308, %max3A_310 : vector<16xf32>
          %swap3A_312 = arith.constant 1 : i32
          %swap3A_313 = arith.index_cast %swap3A_312 : i32 to index
          %swap3A_314 = arith.index_cast %add3A_247 : i32 to index
          %swap3A_315 = arith.constant 48 : index
          %swap3A_316 = tpu.vector_load %arg13[%swap3A_313, %swap3A_314, %swap3A_315] {strides = array<i32>} : memref<3x64x128xf32, #tpu.memory_space<vmem>>, vector<16xf32>,
          tpu.vector_store %arg13[%swap3A_313, %swap3A_314, %swap3A_315], %max3A_311 {strides = array<i32>} : memref<3x64x128xf32, #tpu.memory_space<vmem>>, vector<16xf32>,
          %get3A_317 = arith.constant 1 : i32
          %get3A_318 = arith.index_cast %get3A_317 : i32 to index
          %get3A_319 = arith.index_cast %add3A_247 : i32 to index
          %get3A_320 = arith.constant 32 : index
          %get3A_321 = tpu.vector_load %arg14[%get3A_318, %get3A_319, %get3A_320] {strides = array<i32>} : memref<3x64x64xi32, #tpu.memory_space<vmem>>, vector<16xi32>,
          %bitcast3A_322 = vector.bitcast %get3A_321 : vector<16xi32> to vector<32xbf16>
          %unpack3A_323 = tpu.unpack_subelements %bitcast3A_322, 0 {pack_format = #tpu.pack_format<interleaved>} : vector<32xbf16> -> vector<16xf32>
          %unpack3A_324 = tpu.unpack_subelements %bitcast3A_322, 1 {pack_format = #tpu.pack_format<interleaved>} : vector<32xbf16> -> vector<16xf32>
          %get3A_325 = arith.constant 1 : i32
          %get3A_326 = arith.index_cast %get3A_325 : i32 to index
          %get3A_327 = arith.index_cast %add3A_247 : i32 to index
          %get3A_328 = arith.constant 64 : index
          %get3A_329 = tpu.vector_load %arg13[%get3A_326, %get3A_327, %get3A_328] {strides = array<i32>} : memref<3x64x128xf32, #tpu.memory_space<vmem>>, vector<16xf32>,
          %add3A_330 = arith.addf %get3A_329, %unpack3A_323 : vector<16xf32>
          %max3A_331 = arith.constant 0.000000e+00 : f32
          %max3A_332 = vector.broadcast %max3A_331 : f32 to vector<16xf32>
          %max3A_333 = arith.maximumf %add3A_330, %max3A_332 : vector<16xf32>
          %swap3A_334 = arith.constant 1 : i32
          %swap3A_335 = arith.index_cast %swap3A_334 : i32 to index
          %swap3A_336 = arith.index_cast %add3A_247 : i32 to index
          %swap3A_337 = arith.constant 64 : index
          %swap3A_338 = tpu.vector_load %arg13[%swap3A_335, %swap3A_336, %swap3A_337] {strides = array<i32>} : memref<3x64x128xf32, #tpu.memory_space<vmem>>, vector<16xf32>,
          tpu.vector_store %arg13[%swap3A_335, %swap3A_336, %swap3A_337], %max3A_333 {strides = array<i32>} : memref<3x64x128xf32, #tpu.memory_space<vmem>>, vector<16xf32>,
          %get3A_339 = arith.constant 1 : i32
          %get3A_340 = arith.index_cast %get3A_339 : i32 to index
          %get3A_341 = arith.index_cast %add3A_247 : i32 to index
          %get3A_342 = arith.constant 80 : index
          %get3A_343 = tpu.vector_load %arg13[%get3A_340, %get3A_341, %get3A_342] {strides = array<i32>} : memref<3x64x128xf32, #tpu.memory_space<vmem>>, vector<16xf32>,
          %add3A_344 = arith.addf %get3A_343, %unpack3A_324 : vector<16xf32>
          %max3A_345 = arith.constant 0.000000e+00 : f32
          %max3A_346 = vector.broadcast %max3A_345 : f32 to vector<16xf32>
          %max3A_347 = arith.maximumf %add3A_344, %max3A_346 : vector<16xf32>
          %swap3A_348 = arith.constant 1 : i32
          %swap3A_349 = arith.index_cast %swap3A_348 : i32 to index
          %swap3A_350 = arith.index_cast %add3A_247 : i32 to index
          %swap3A_351 = arith.constant 80 : index
          %swap3A_352 = tpu.vector_load %arg13[%swap3A_349, %swap3A_350, %swap3A_351] {strides = array<i32>} : memref<3x64x128xf32, #tpu.memory_space<vmem>>, vector<16xf32>,
          tpu.vector_store %arg13[%swap3A_349, %swap3A_350, %swap3A_351], %max3A_347 {strides = array<i32>} : memref<3x64x128xf32, #tpu.memory_space<vmem>>, vector<16xf32>,
          %get3A_353 = arith.constant 1 : i32
          %get3A_354 = arith.index_cast %get3A_353 : i32 to index
          %get3A_355 = arith.index_cast %add3A_247 : i32 to index
          %get3A_356 = arith.constant 48 : index
          %get3A_357 = tpu.vector_load %arg14[%get3A_354, %get3A_355, %get3A_356] {strides = array<i32>} : memref<3x64x64xi32, #tpu.memory_space<vmem>>, vector<16xi32>,
          %bitcast3A_358 = vector.bitcast %get3A_357 : vector<16xi32> to vector<32xbf16>
          %unpack3A_359 = tpu.unpack_subelements %bitcast3A_358, 0 {pack_format = #tpu.pack_format<interleaved>} : vector<32xbf16> -> vector<16xf32>
          %unpack3A_360 = tpu.unpack_subelements %bitcast3A_358, 1 {pack_format = #tpu.pack_format<interleaved>} : vector<32xbf16> -> vector<16xf32>
          %get3A_361 = arith.constant 1 : i32
          %get3A_362 = arith.index_cast %get3A_361 : i32 to index
          %get3A_363 = arith.index_cast %add3A_247 : i32 to index
          %get3A_364 = arith.constant 96 : index
          %get3A_365 = tpu.vector_load %arg13[%get3A_362, %get3A_363, %get3A_364] {strides = array<i32>} : memref<3x64x128xf32, #tpu.memory_space<vmem>>, vector<16xf32>,
          %add3A_366 = arith.addf %get3A_365, %unpack3A_359 : vector<16xf32>
          %max3A_367 = arith.constant 0.000000e+00 : f32
          %max3A_368 = vector.broadcast %max3A_367 : f32 to vector<16xf32>
          %max3A_369 = arith.maximumf %add3A_366, %max3A_368 : vector<16xf32>
          %swap3A_370 = arith.constant 1 : i32
          %swap3A_371 = arith.index_cast %swap3A_370 : i32 to index
          %swap3A_372 = arith.index_cast %add3A_247 : i32 to index
          %swap3A_373 = arith.constant 96 : index
          %swap3A_374 = tpu.vector_load %arg13[%swap3A_371, %swap3A_372, %swap3A_373] {strides = array<i32>} : memref<3x64x128xf32, #tpu.memory_space<vmem>>, vector<16xf32>,
          tpu.vector_store %arg13[%swap3A_371, %swap3A_372, %swap3A_373], %max3A_369 {strides = array<i32>} : memref<3x64x128xf32, #tpu.memory_space<vmem>>, vector<16xf32>,
          %get3A_375 = arith.constant 1 : i32
          %get3A_376 = arith.index_cast %get3A_375 : i32 to index
          %get3A_377 = arith.index_cast %add3A_247 : i32 to index
          %get3A_378 = arith.constant 112 : index
          %get3A_379 = tpu.vector_load %arg13[%get3A_376, %get3A_377, %get3A_378] {strides = array<i32>} : memref<3x64x128xf32, #tpu.memory_space<vmem>>, vector<16xf32>,
          %add3A_380 = arith.addf %get3A_379, %unpack3A_360 : vector<16xf32>
          %max3A_381 = arith.constant 0.000000e+00 : f32
          %max3A_382 = vector.broadcast %max3A_381 : f32 to vector<16xf32>
          %max3A_383 = arith.maximumf %add3A_380, %max3A_382 : vector<16xf32>
          %swap3A_384 = arith.constant 1 : i32
          %swap3A_385 = arith.index_cast %swap3A_384 : i32 to index
          %swap3A_386 = arith.index_cast %add3A_247 : i32 to index
          %swap3A_387 = arith.constant 112 : index
          %swap3A_388 = tpu.vector_load %arg13[%swap3A_385, %swap3A_386, %swap3A_387] {strides = array<i32>} : memref<3x64x128xf32, #tpu.memory_space<vmem>>, vector<16xf32>,
          tpu.vector_store %arg13[%swap3A_385, %swap3A_386, %swap3A_387], %max3A_383 {strides = array<i32>} : memref<3x64x128xf32, #tpu.memory_space<vmem>>, vector<16xf32>,
        }
        %scan3A_234 = arith.constant 64 : i32
        %dma_start3A_235 = arith.constant 1 : i32
        %dma_start3A_236 = arith.constant 0 : i32
        %dma_start3A_237 = arith.constant 0 : i32
        %dma_start3A_238 = tpu.memref_slice %arg13[%dma_start3A_235, %dma_start3A_236, %dma_start3A_237] : memref<3x64x128xf32, #tpu.memory_space<vmem>> -> memref<1x64x128xf32, #tpu.memory_space<vmem>>
        %dma_start3A_239 = tpu.memref_squeeze %dma_start3A_238 : memref<1x64x128xf32, #tpu.memory_space<vmem>> -> memref<64x128xf32, #tpu.memory_space<vmem>>
        %dma_start3A_240 = arith.constant 0 : i32
        %dma_start3A_241 = arith.constant 0 : i32
        %dma_start3A_242 = tpu.memref_slice %arg15[%dma_start3A_240, %dma_start3A_241] : memref<10000x128xf32, #tpu.memory_space<vmem_shared>> -> memref<10000x128xf32, #tpu.memory_space<vmem_shared>>
        tpu.enqueue_indirect_dma source(%dma_start3A_239 : memref<64x128xf32, #tpu.memory_space<vmem>>) target(%dma_start3A_242 : memref<10000x128xf32, #tpu.memory_space<vmem_shared>>) offsets(%arg11 : memref<64xi32, #tpu.memory_space<vmem>>) semaphore(%arg26 : memref<!tpu.dma_semaphore, #tpu.memory_space<semaphore_mem>>) {add = true}
      } else {
      }
      %add3A_148 = arith.constant 3 : i32
      %add3A_149 = arith.addi %add3A_129, %add3A_148 : i32
      %mul3A_150 = arith.constant 32 : i32
      %mul3A_151 = arith.muli %add3A_149, %mul3A_150 : i32
      %add3A_152 = arith.addi %mul3A_151, %add3A : i32
      %lt3A_153 = arith.constant 5000 : i32
      %lt3A_154 = arith.cmpi slt, %add3A_152, %lt3A_153 : i32
      %convert_element_type3A_155 = arith.extui %lt3A_154 : i1 to i32
      %cond3A_156 = arith.constant 0 : i32
      %cond3A_157 = arith.cmpi ne, %convert_element_type3A_155, %cond3A_156 : i32
      scf.if %cond3A_157 {
        %add3A_188 = arith.constant 3 : i32
        %add3A_189 = arith.addi %add3A_129, %add3A_188 : i32
        %mul3A_190 = arith.constant 32 : i32
        %mul3A_191 = arith.muli %add3A_189, %mul3A_190 : i32
        %add3A_192 = arith.addi %mul3A_191, %add3A : i32
        %mul3A_193 = arith.constant 2 : i32
        %mul3A_194 = arith.muli %add3A_192, %mul3A_193 : i32
        %mul3A_195 = arith.constant 64 : i32
        %mul3A_196 = arith.muli %mul3A_194, %mul3A_195 : i32
        %dma_start3A_197 = tpu.memref_slice %arg4[%mul3A_196] : memref<640000xi32, #tpu.memory_space<hbm>> -> memref<128xi32, #tpu.memory_space<hbm>>
        %dma_start3A_198 = tpu.memref_slice %arg4[%mul3A_196] : memref<640000xi32, #tpu.memory_space<hbm>> -> memref<128xi32, #tpu.memory_space<hbm>>
        tpu.enqueue_dma source(%dma_start3A_198 : memref<128xi32, #tpu.memory_space<hbm>>) target(%arg8 : memref<128xi32, #tpu.memory_space<vmem>>) target_semaphore(%arg17 : memref<!tpu.dma_semaphore, #tpu.memory_space<semaphore_mem>>)
      } else {
      }
      %add3A_158 = arith.constant 2 : i32
      %add3A_159 = arith.addi %add3A_100, %add3A_158 : i32
      %add3A_160 = arith.constant 1 : i32
      %add3A_161 = arith.addi %add3A_159, %add3A_160 : i32
      %mul3A_162 = arith.constant 32 : i32
      %mul3A_163 = arith.muli %add3A_161, %mul3A_162 : i32
      %add3A_164 = arith.addi %mul3A_163, %add3A : i32
      %lt3A_165 = arith.constant 5000 : i32
      %lt3A_166 = arith.cmpi slt, %add3A_164, %lt3A_165 : i32
      %convert_element_type3A_167 = arith.extui %lt3A_166 : i1 to i32
      %cond3A_168 = arith.constant 0 : i32
      %cond3A_169 = arith.cmpi ne, %convert_element_type3A_167, %cond3A_168 : i32
      scf.if %cond3A_169 {
        %add3A_188 = arith.constant 1 : i32
        %add3A_189 = arith.addi %add3A_159, %add3A_188 : i32
        %mul3A_190 = arith.constant 32 : i32
        %mul3A_191 = arith.muli %add3A_189, %mul3A_190 : i32
        %add3A_192 = arith.addi %mul3A_191, %add3A : i32
        %mul3A_193 = arith.constant 2 : i32
        %mul3A_194 = arith.muli %add3A_192, %mul3A_193 : i32
        %mul3A_195 = arith.constant 64 : i32
        %mul3A_196 = arith.muli %mul3A_194, %mul3A_195 : i32
        %dma_wait3A_197 = tpu.memref_slice %arg4[%mul3A_196] : memref<640000xi32, #tpu.memory_space<hbm>> -> memref<128xi32, #tpu.memory_space<hbm>>
        %dma_wait3A_198 = tpu.memref_slice %arg4[%mul3A_196] : memref<640000xi32, #tpu.memory_space<hbm>> -> memref<128xi32, #tpu.memory_space<hbm>>
        tpu.wait_dma2 semaphore(%arg16 : memref<!tpu.dma_semaphore, #tpu.memory_space<semaphore_mem>>) src(%dma_wait3A_198 : memref<128xi32, #tpu.memory_space<hbm>>) dst(%arg7 : memref<128xi32, #tpu.memory_space<vmem>>)
        %ge3A = arith.constant 2 : i32
        %ge3A_199 = arith.cmpi sge, %add3A_159, %ge3A : i32
        %convert_element_type3A_200 = arith.extui %ge3A_199 : i1 to i32
        %cond3A_201 = arith.constant 0 : i32
        %cond3A_202 = arith.cmpi ne, %convert_element_type3A_200, %cond3A_201 : i32
        scf.if %cond3A_202 {
          %dma_wait3A_233 = arith.constant 0 : i32
          %dma_wait3A_234 = arith.constant 0 : i32
          %dma_wait3A_235 = arith.constant 0 : i32
          %dma_wait3A_236 = tpu.memref_slice %arg13[%dma_wait3A_233, %dma_wait3A_234, %dma_wait3A_235] : memref<3x64x128xf32, #tpu.memory_space<vmem>> -> memref<1x64x128xf32, #tpu.memory_space<vmem>>
          %dma_wait3A_237 = tpu.memref_squeeze %dma_wait3A_236 : memref<1x64x128xf32, #tpu.memory_space<vmem>> -> memref<64x128xf32, #tpu.memory_space<vmem>>
          %dma_wait3A_238 = arith.constant 0 : i32
          %dma_wait3A_239 = arith.constant 0 : i32
          %dma_wait3A_240 = tpu.memref_slice %arg15[%dma_wait3A_238, %dma_wait3A_239] : memref<10000x128xf32, #tpu.memory_space<vmem_shared>> -> memref<10000x128xf32, #tpu.memory_space<vmem_shared>>
          tpu.wait_indirect_dma semaphore(%arg25 : memref<!tpu.dma_semaphore, #tpu.memory_space<semaphore_mem>>) src(%dma_wait3A_237 : memref<64x128xf32, #tpu.memory_space<vmem>>) dst(%dma_wait3A_240 : memref<10000x128xf32, #tpu.memory_space<vmem_shared>>)
        } else {
        }
        %add3A_203 = arith.constant 1 : i32
        %add3A_204 = arith.addi %add3A_159, %add3A_203 : i32
        %dma_start3A_205 = arith.constant 0 : i32
        %dma_start3A_206 = arith.constant 0 : i32
        %dma_start3A_207 = arith.constant 0 : i32
        %dma_start3A_208 = tpu.memref_slice %arg13[%dma_start3A_205, %dma_start3A_206, %dma_start3A_207] : memref<3x64x128xf32, #tpu.memory_space<vmem>> -> memref<1x64x128xf32, #tpu.memory_space<vmem>>
        %dma_start3A_209 = tpu.memref_squeeze %dma_start3A_208 : memref<1x64x128xf32, #tpu.memory_space<vmem>> -> memref<64x128xf32, #tpu.memory_space<vmem>>
        %dma_start3A_210 = arith.constant 0 : i32
        %dma_start3A_211 = tpu.memref_slice %arg7[%dma_start3A_210] : memref<128xi32, #tpu.memory_space<vmem>> -> memref<64xi32, #tpu.memory_space<vmem>>
        %dma_start3A_212 = arith.constant 0 : i32
        %dma_start3A_213 = arith.constant 0 : i32
        %dma_start3A_214 = tpu.memref_slice %arg2[%dma_start3A_212, %dma_start3A_213] : memref<10000x128xf32, #tpu.memory_space<hbm>> -> memref<10000x128xf32, #tpu.memory_space<hbm>>
        tpu.enqueue_indirect_dma source(%dma_start3A_214 : memref<10000x128xf32, #tpu.memory_space<hbm>>) target(%dma_start3A_209 : memref<64x128xf32, #tpu.memory_space<vmem>>) offsets(%dma_start3A_211 : memref<64xi32, #tpu.memory_space<vmem>>) semaphore(%arg19 : memref<!tpu.dma_semaphore, #tpu.memory_space<semaphore_mem>>)
        %mul3A_215 = arith.constant 32 : i32
        %mul3A_216 = arith.muli %add3A_204, %mul3A_215 : i32
        %add3A_217 = arith.addi %mul3A_216, %add3A : i32
        %mul3A_218 = arith.constant 64 : i32
        %mul3A_219 = arith.muli %add3A_217, %mul3A_218 : i32
        %dma_start3A_220 = arith.constant 0 : i32
        %dma_start3A_221 = arith.constant 0 : i32
        %dma_start3A_222 = arith.constant 0 : i32
        %dma_start3A_223 = tpu.memref_slice %arg14[%dma_start3A_220, %dma_start3A_221, %dma_start3A_222] : memref<3x64x64xi32, #tpu.memory_space<vmem>> -> memref<1x64x64xi32, #tpu.memory_space<vmem>>
        %dma_start3A_224 = tpu.memref_squeeze %dma_start3A_223 : memref<1x64x64xi32, #tpu.memory_space<vmem>> -> memref<64x64xi32, #tpu.memory_space<vmem>>
        %dma_start3A_225 = arith.constant 0 : i32
        %dma_start3A_226 = tpu.memref_slice %arg3[%mul3A_219, %dma_start3A_225] : memref<320000x64xi32, #tpu.memory_space<hbm>> -> memref<64x64xi32, #tpu.memory_space<hbm>>
        %dma_start3A_227 = arith.constant 0 : i32
        %dma_start3A_228 = arith.constant 0 : i32
        %dma_start3A_229 = tpu.memref_slice %arg14[%dma_start3A_220, %dma_start3A_227, %dma_start3A_228] : memref<3x64x64xi32, #tpu.memory_space<vmem>> -> memref<1x64x64xi32, #tpu.memory_space<vmem>>
        %dma_start3A_230 = tpu.memref_squeeze %dma_start3A_229 : memref<1x64x64xi32, #tpu.memory_space<vmem>> -> memref<64x64xi32, #tpu.memory_space<vmem>>
        %dma_start3A_231 = arith.constant 0 : i32
        %dma_start3A_232 = tpu.memref_slice %arg3[%mul3A_219, %dma_start3A_231] : memref<320000x64xi32, #tpu.memory_space<hbm>> -> memref<64x64xi32, #tpu.memory_space<hbm>>
        tpu.enqueue_dma source(%dma_start3A_232 : memref<64x64xi32, #tpu.memory_space<hbm>>) target(%dma_start3A_230 : memref<64x64xi32, #tpu.memory_space<vmem>>) target_semaphore(%arg22 : memref<!tpu.dma_semaphore, #tpu.memory_space<semaphore_mem>>)
      } else {
      }
      %mul3A_170 = arith.constant 32 : i32
      %mul3A_171 = arith.muli %add3A_159, %mul3A_170 : i32
      %add3A_172 = arith.addi %mul3A_171, %add3A : i32
      %lt3A_173 = arith.constant 5000 : i32
      %lt3A_174 = arith.cmpi slt, %add3A_172, %lt3A_173 : i32
      %convert_element_type3A_175 = arith.extui %lt3A_174 : i1 to i32
      %cond3A_176 = arith.constant 0 : i32
      %cond3A_177 = arith.cmpi ne, %convert_element_type3A_175, %cond3A_176 : i32
      scf.if %cond3A_177 {
        %dma_wait3A_188 = arith.constant 2 : i32
        %dma_wait3A_189 = arith.constant 0 : i32
        %dma_wait3A_190 = arith.constant 0 : i32
        %dma_wait3A_191 = tpu.memref_slice %arg13[%dma_wait3A_188, %dma_wait3A_189, %dma_wait3A_190] : memref<3x64x128xf32, #tpu.memory_space<vmem>> -> memref<1x64x128xf32, #tpu.memory_space<vmem>>
        %dma_wait3A_192 = tpu.memref_squeeze %dma_wait3A_191 : memref<1x64x128xf32, #tpu.memory_space<vmem>> -> memref<64x128xf32, #tpu.memory_space<vmem>>
        %dma_wait3A_193 = arith.constant 0 : i32
        %dma_wait3A_194 = tpu.memref_slice %arg9[%dma_wait3A_193] : memref<128xi32, #tpu.memory_space<vmem>> -> memref<64xi32, #tpu.memory_space<vmem>>
        %dma_wait3A_195 = arith.constant 0 : i32
        %dma_wait3A_196 = arith.constant 0 : i32
        %dma_wait3A_197 = tpu.memref_slice %arg2[%dma_wait3A_195, %dma_wait3A_196] : memref<10000x128xf32, #tpu.memory_space<hbm>> -> memref<10000x128xf32, #tpu.memory_space<hbm>>
        tpu.wait_indirect_dma semaphore(%arg21 : memref<!tpu.dma_semaphore, #tpu.memory_space<semaphore_mem>>) src(%dma_wait3A_197 : memref<10000x128xf32, #tpu.memory_space<hbm>>) dst(%dma_wait3A_192 : memref<64x128xf32, #tpu.memory_space<vmem>>)
        %mul3A_198 = arith.constant 32 : i32
        %mul3A_199 = arith.muli %add3A_159, %mul3A_198 : i32
        %add3A_200 = arith.addi %mul3A_199, %add3A : i32
        %mul3A_201 = arith.constant 64 : i32
        %mul3A_202 = arith.muli %add3A_200, %mul3A_201 : i32
        %dma_wait3A_203 = arith.constant 2 : i32
        %dma_wait3A_204 = arith.constant 0 : i32
        %dma_wait3A_205 = arith.constant 0 : i32
        %dma_wait3A_206 = tpu.memref_slice %arg14[%dma_wait3A_203, %dma_wait3A_204, %dma_wait3A_205] : memref<3x64x64xi32, #tpu.memory_space<vmem>> -> memref<1x64x64xi32, #tpu.memory_space<vmem>>
        %dma_wait3A_207 = tpu.memref_squeeze %dma_wait3A_206 : memref<1x64x64xi32, #tpu.memory_space<vmem>> -> memref<64x64xi32, #tpu.memory_space<vmem>>
        %dma_wait3A_208 = arith.constant 0 : i32
        %dma_wait3A_209 = tpu.memref_slice %arg3[%mul3A_202, %dma_wait3A_208] : memref<320000x64xi32, #tpu.memory_space<hbm>> -> memref<64x64xi32, #tpu.memory_space<hbm>>
        %dma_wait3A_210 = arith.constant 0 : i32
        %dma_wait3A_211 = arith.constant 0 : i32
        %dma_wait3A_212 = tpu.memref_slice %arg14[%dma_wait3A_203, %dma_wait3A_210, %dma_wait3A_211] : memref<3x64x64xi32, #tpu.memory_space<vmem>> -> memref<1x64x64xi32, #tpu.memory_space<vmem>>
        %dma_wait3A_213 = tpu.memref_squeeze %dma_wait3A_212 : memref<1x64x64xi32, #tpu.memory_space<vmem>> -> memref<64x64xi32, #tpu.memory_space<vmem>>
        %dma_wait3A_214 = arith.constant 0 : i32
        %dma_wait3A_215 = tpu.memref_slice %arg3[%mul3A_202, %dma_wait3A_214] : memref<320000x64xi32, #tpu.memory_space<hbm>> -> memref<64x64xi32, #tpu.memory_space<hbm>>
        tpu.wait_dma2 semaphore(%arg24 : memref<!tpu.dma_semaphore, #tpu.memory_space<semaphore_mem>>) src(%dma_wait3A_215 : memref<64x64xi32, #tpu.memory_space<hbm>>) dst(%dma_wait3A_213 : memref<64x64xi32, #tpu.memory_space<vmem>>)
        %get3A = arith.constant 64 : index
        %get3A_216 = tpu.vector_load %arg9[%get3A] {strides = array<i32>} : memref<128xi32, #tpu.memory_space<vmem>>, vector<16xi32>,
        %swap3A = arith.constant 0 : index
        %swap3A_217 = tpu.vector_load %arg12[%swap3A] {strides = array<i32>} : memref<64xi32, #tpu.memory_space<vmem>>, vector<16xi32>,
        tpu.vector_store %arg12[%swap3A], %get3A_216 {strides = array<i32>} : memref<64xi32, #tpu.memory_space<vmem>>, vector<16xi32>,
        %get3A_218 = arith.constant 80 : index
        %get3A_219 = tpu.vector_load %arg9[%get3A_218] {strides = array<i32>} : memref<128xi32, #tpu.memory_space<vmem>>, vector<16xi32>,
        %swap3A_220 = arith.constant 16 : index
        %swap3A_221 = tpu.vector_load %arg12[%swap3A_220] {strides = array<i32>} : memref<64xi32, #tpu.memory_space<vmem>>, vector<16xi32>,
        tpu.vector_store %arg12[%swap3A_220], %get3A_219 {strides = array<i32>} : memref<64xi32, #tpu.memory_space<vmem>>, vector<16xi32>,
        %get3A_222 = arith.constant 96 : index
        %get3A_223 = tpu.vector_load %arg9[%get3A_222] {strides = array<i32>} : memref<128xi32, #tpu.memory_space<vmem>>, vector<16xi32>,
        %swap3A_224 = arith.constant 32 : index
        %swap3A_225 = tpu.vector_load %arg12[%swap3A_224] {strides = array<i32>} : memref<64xi32, #tpu.memory_space<vmem>>, vector<16xi32>,
        tpu.vector_store %arg12[%swap3A_224], %get3A_223 {strides = array<i32>} : memref<64xi32, #tpu.memory_space<vmem>>, vector<16xi32>,
        %get3A_226 = arith.constant 112 : index
        %get3A_227 = tpu.vector_load %arg9[%get3A_226] {strides = array<i32>} : memref<128xi32, #tpu.memory_space<vmem>>, vector<16xi32>,
        %swap3A_228 = arith.constant 48 : index
        %swap3A_229 = tpu.vector_load %arg12[%swap3A_228] {strides = array<i32>} : memref<64xi32, #tpu.memory_space<vmem>>, vector<16xi32>,
        tpu.vector_store %arg12[%swap3A_228], %get3A_227 {strides = array<i32>} : memref<64xi32, #tpu.memory_space<vmem>>, vector<16xi32>,
        %scan3A_230 = arith.constant 0 : i32
        %scan3A_231 = arith.constant 64 : i32
        %scan3A_232 = arith.addi %scan3A_230, %scan3A_231 : i32
        %scan3A_233 = arith.constant 1 : i32
        scf.for %scan3A_243 = %scan3A_230 to %scan3A_232 step %scan3A_233  : i32 {
          %mul3A_244 = arith.constant 1 : i32
          %mul3A_245 = arith.muli %scan3A_243, %mul3A_244 : i32
          %add3A_246 = arith.constant 0 : i32
          %add3A_247 = arith.addi %add3A_246, %mul3A_245 : i32
          %get3A_248 = arith.constant 2 : i32
          %get3A_249 = arith.index_cast %get3A_248 : i32 to index
          %get3A_250 = arith.index_cast %add3A_247 : i32 to index
          %get3A_251 = arith.constant 0 : index
          %get3A_252 = tpu.vector_load %arg14[%get3A_249, %get3A_250, %get3A_251] {strides = array<i32>} : memref<3x64x64xi32, #tpu.memory_space<vmem>>, vector<16xi32>,
          %bitcast3A = vector.bitcast %get3A_252 : vector<16xi32> to vector<32xbf16>
          %unpack3A = tpu.unpack_subelements %bitcast3A, 0 {pack_format = #tpu.pack_format<interleaved>} : vector<32xbf16> -> vector<16xf32>
          %unpack3A_253 = tpu.unpack_subelements %bitcast3A, 1 {pack_format = #tpu.pack_format<interleaved>} : vector<32xbf16> -> vector<16xf32>
          %get3A_254 = arith.constant 2 : i32
          %get3A_255 = arith.index_cast %get3A_254 : i32 to index
          %get3A_256 = arith.index_cast %add3A_247 : i32 to index
          %get3A_257 = arith.constant 0 : index
          %get3A_258 = tpu.vector_load %arg13[%get3A_255, %get3A_256, %get3A_257] {strides = array<i32>} : memref<3x64x128xf32, #tpu.memory_space<vmem>>, vector<16xf32>,
          %add3A_259 = arith.addf %get3A_258, %unpack3A : vector<16xf32>
          %max3A = arith.constant 0.000000e+00 : f32
          %max3A_260 = vector.broadcast %max3A : f32 to vector<16xf32>
          %max3A_261 = arith.maximumf %add3A_259, %max3A_260 : vector<16xf32>
          %swap3A_262 = arith.constant 2 : i32
          %swap3A_263 = arith.index_cast %swap3A_262 : i32 to index
          %swap3A_264 = arith.index_cast %add3A_247 : i32 to index
          %swap3A_265 = arith.constant 0 : index
          %swap3A_266 = tpu.vector_load %arg13[%swap3A_263, %swap3A_264, %swap3A_265] {strides = array<i32>} : memref<3x64x128xf32, #tpu.memory_space<vmem>>, vector<16xf32>,
          tpu.vector_store %arg13[%swap3A_263, %swap3A_264, %swap3A_265], %max3A_261 {strides = array<i32>} : memref<3x64x128xf32, #tpu.memory_space<vmem>>, vector<16xf32>,
          %get3A_267 = arith.constant 2 : i32
          %get3A_268 = arith.index_cast %get3A_267 : i32 to index
          %get3A_269 = arith.index_cast %add3A_247 : i32 to index
          %get3A_270 = arith.constant 16 : index
          %get3A_271 = tpu.vector_load %arg13[%get3A_268, %get3A_269, %get3A_270] {strides = array<i32>} : memref<3x64x128xf32, #tpu.memory_space<vmem>>, vector<16xf32>,
          %add3A_272 = arith.addf %get3A_271, %unpack3A_253 : vector<16xf32>
          %max3A_273 = arith.constant 0.000000e+00 : f32
          %max3A_274 = vector.broadcast %max3A_273 : f32 to vector<16xf32>
          %max3A_275 = arith.maximumf %add3A_272, %max3A_274 : vector<16xf32>
          %swap3A_276 = arith.constant 2 : i32
          %swap3A_277 = arith.index_cast %swap3A_276 : i32 to index
          %swap3A_278 = arith.index_cast %add3A_247 : i32 to index
          %swap3A_279 = arith.constant 16 : index
          %swap3A_280 = tpu.vector_load %arg13[%swap3A_277, %swap3A_278, %swap3A_279] {strides = array<i32>} : memref<3x64x128xf32, #tpu.memory_space<vmem>>, vector<16xf32>,
          tpu.vector_store %arg13[%swap3A_277, %swap3A_278, %swap3A_279], %max3A_275 {strides = array<i32>} : memref<3x64x128xf32, #tpu.memory_space<vmem>>, vector<16xf32>,
          %get3A_281 = arith.constant 2 : i32
          %get3A_282 = arith.index_cast %get3A_281 : i32 to index
          %get3A_283 = arith.index_cast %add3A_247 : i32 to index
          %get3A_284 = arith.constant 16 : index
          %get3A_285 = tpu.vector_load %arg14[%get3A_282, %get3A_283, %get3A_284] {strides = array<i32>} : memref<3x64x64xi32, #tpu.memory_space<vmem>>, vector<16xi32>,
          %bitcast3A_286 = vector.bitcast %get3A_285 : vector<16xi32> to vector<32xbf16>
          %unpack3A_287 = tpu.unpack_subelements %bitcast3A_286, 0 {pack_format = #tpu.pack_format<interleaved>} : vector<32xbf16> -> vector<16xf32>
          %unpack3A_288 = tpu.unpack_subelements %bitcast3A_286, 1 {pack_format = #tpu.pack_format<interleaved>} : vector<32xbf16> -> vector<16xf32>
          %get3A_289 = arith.constant 2 : i32
          %get3A_290 = arith.index_cast %get3A_289 : i32 to index
          %get3A_291 = arith.index_cast %add3A_247 : i32 to index
          %get3A_292 = arith.constant 32 : index
          %get3A_293 = tpu.vector_load %arg13[%get3A_290, %get3A_291, %get3A_292] {strides = array<i32>} : memref<3x64x128xf32, #tpu.memory_space<vmem>>, vector<16xf32>,
          %add3A_294 = arith.addf %get3A_293, %unpack3A_287 : vector<16xf32>
          %max3A_295 = arith.constant 0.000000e+00 : f32
          %max3A_296 = vector.broadcast %max3A_295 : f32 to vector<16xf32>
          %max3A_297 = arith.maximumf %add3A_294, %max3A_296 : vector<16xf32>
          %swap3A_298 = arith.constant 2 : i32
          %swap3A_299 = arith.index_cast %swap3A_298 : i32 to index
          %swap3A_300 = arith.index_cast %add3A_247 : i32 to index
          %swap3A_301 = arith.constant 32 : index
          %swap3A_302 = tpu.vector_load %arg13[%swap3A_299, %swap3A_300, %swap3A_301] {strides = array<i32>} : memref<3x64x128xf32, #tpu.memory_space<vmem>>, vector<16xf32>,
          tpu.vector_store %arg13[%swap3A_299, %swap3A_300, %swap3A_301], %max3A_297 {strides = array<i32>} : memref<3x64x128xf32, #tpu.memory_space<vmem>>, vector<16xf32>,
          %get3A_303 = arith.constant 2 : i32
          %get3A_304 = arith.index_cast %get3A_303 : i32 to index
          %get3A_305 = arith.index_cast %add3A_247 : i32 to index
          %get3A_306 = arith.constant 48 : index
          %get3A_307 = tpu.vector_load %arg13[%get3A_304, %get3A_305, %get3A_306] {strides = array<i32>} : memref<3x64x128xf32, #tpu.memory_space<vmem>>, vector<16xf32>,
          %add3A_308 = arith.addf %get3A_307, %unpack3A_288 : vector<16xf32>
          %max3A_309 = arith.constant 0.000000e+00 : f32
          %max3A_310 = vector.broadcast %max3A_309 : f32 to vector<16xf32>
          %max3A_311 = arith.maximumf %add3A_308, %max3A_310 : vector<16xf32>
          %swap3A_312 = arith.constant 2 : i32
          %swap3A_313 = arith.index_cast %swap3A_312 : i32 to index
          %swap3A_314 = arith.index_cast %add3A_247 : i32 to index
          %swap3A_315 = arith.constant 48 : index
          %swap3A_316 = tpu.vector_load %arg13[%swap3A_313, %swap3A_314, %swap3A_315] {strides = array<i32>} : memref<3x64x128xf32, #tpu.memory_space<vmem>>, vector<16xf32>,
          tpu.vector_store %arg13[%swap3A_313, %swap3A_314, %swap3A_315], %max3A_311 {strides = array<i32>} : memref<3x64x128xf32, #tpu.memory_space<vmem>>, vector<16xf32>,
          %get3A_317 = arith.constant 2 : i32
          %get3A_318 = arith.index_cast %get3A_317 : i32 to index
          %get3A_319 = arith.index_cast %add3A_247 : i32 to index
          %get3A_320 = arith.constant 32 : index
          %get3A_321 = tpu.vector_load %arg14[%get3A_318, %get3A_319, %get3A_320] {strides = array<i32>} : memref<3x64x64xi32, #tpu.memory_space<vmem>>, vector<16xi32>,
          %bitcast3A_322 = vector.bitcast %get3A_321 : vector<16xi32> to vector<32xbf16>
          %unpack3A_323 = tpu.unpack_subelements %bitcast3A_322, 0 {pack_format = #tpu.pack_format<interleaved>} : vector<32xbf16> -> vector<16xf32>
          %unpack3A_324 = tpu.unpack_subelements %bitcast3A_322, 1 {pack_format = #tpu.pack_format<interleaved>} : vector<32xbf16> -> vector<16xf32>
          %get3A_325 = arith.constant 2 : i32
          %get3A_326 = arith.index_cast %get3A_325 : i32 to index
          %get3A_327 = arith.index_cast %add3A_247 : i32 to index
          %get3A_328 = arith.constant 64 : index
          %get3A_329 = tpu.vector_load %arg13[%get3A_326, %get3A_327, %get3A_328] {strides = array<i32>} : memref<3x64x128xf32, #tpu.memory_space<vmem>>, vector<16xf32>,
          %add3A_330 = arith.addf %get3A_329, %unpack3A_323 : vector<16xf32>
          %max3A_331 = arith.constant 0.000000e+00 : f32
          %max3A_332 = vector.broadcast %max3A_331 : f32 to vector<16xf32>
          %max3A_333 = arith.maximumf %add3A_330, %max3A_332 : vector<16xf32>
          %swap3A_334 = arith.constant 2 : i32
          %swap3A_335 = arith.index_cast %swap3A_334 : i32 to index
          %swap3A_336 = arith.index_cast %add3A_247 : i32 to index
          %swap3A_337 = arith.constant 64 : index
          %swap3A_338 = tpu.vector_load %arg13[%swap3A_335, %swap3A_336, %swap3A_337] {strides = array<i32>} : memref<3x64x128xf32, #tpu.memory_space<vmem>>, vector<16xf32>,
          tpu.vector_store %arg13[%swap3A_335, %swap3A_336, %swap3A_337], %max3A_333 {strides = array<i32>} : memref<3x64x128xf32, #tpu.memory_space<vmem>>, vector<16xf32>,
          %get3A_339 = arith.constant 2 : i32
          %get3A_340 = arith.index_cast %get3A_339 : i32 to index
          %get3A_341 = arith.index_cast %add3A_247 : i32 to index
          %get3A_342 = arith.constant 80 : index
          %get3A_343 = tpu.vector_load %arg13[%get3A_340, %get3A_341, %get3A_342] {strides = array<i32>} : memref<3x64x128xf32, #tpu.memory_space<vmem>>, vector<16xf32>,
          %add3A_344 = arith.addf %get3A_343, %unpack3A_324 : vector<16xf32>
          %max3A_345 = arith.constant 0.000000e+00 : f32
          %max3A_346 = vector.broadcast %max3A_345 : f32 to vector<16xf32>
          %max3A_347 = arith.maximumf %add3A_344, %max3A_346 : vector<16xf32>
          %swap3A_348 = arith.constant 2 : i32
          %swap3A_349 = arith.index_cast %swap3A_348 : i32 to index
          %swap3A_350 = arith.index_cast %add3A_247 : i32 to index
          %swap3A_351 = arith.constant 80 : index
          %swap3A_352 = tpu.vector_load %arg13[%swap3A_349, %swap3A_350, %swap3A_351] {strides = array<i32>} : memref<3x64x128xf32, #tpu.memory_space<vmem>>, vector<16xf32>,
          tpu.vector_store %arg13[%swap3A_349, %swap3A_350, %swap3A_351], %max3A_347 {strides = array<i32>} : memref<3x64x128xf32, #tpu.memory_space<vmem>>, vector<16xf32>,
          %get3A_353 = arith.constant 2 : i32
          %get3A_354 = arith.index_cast %get3A_353 : i32 to index
          %get3A_355 = arith.index_cast %add3A_247 : i32 to index
          %get3A_356 = arith.constant 48 : index
          %get3A_357 = tpu.vector_load %arg14[%get3A_354, %get3A_355, %get3A_356] {strides = array<i32>} : memref<3x64x64xi32, #tpu.memory_space<vmem>>, vector<16xi32>,
          %bitcast3A_358 = vector.bitcast %get3A_357 : vector<16xi32> to vector<32xbf16>
          %unpack3A_359 = tpu.unpack_subelements %bitcast3A_358, 0 {pack_format = #tpu.pack_format<interleaved>} : vector<32xbf16> -> vector<16xf32>
          %unpack3A_360 = tpu.unpack_subelements %bitcast3A_358, 1 {pack_format = #tpu.pack_format<interleaved>} : vector<32xbf16> -> vector<16xf32>
          %get3A_361 = arith.constant 2 : i32
          %get3A_362 = arith.index_cast %get3A_361 : i32 to index
          %get3A_363 = arith.index_cast %add3A_247 : i32 to index
          %get3A_364 = arith.constant 96 : index
          %get3A_365 = tpu.vector_load %arg13[%get3A_362, %get3A_363, %get3A_364] {strides = array<i32>} : memref<3x64x128xf32, #tpu.memory_space<vmem>>, vector<16xf32>,
          %add3A_366 = arith.addf %get3A_365, %unpack3A_359 : vector<16xf32>
          %max3A_367 = arith.constant 0.000000e+00 : f32
          %max3A_368 = vector.broadcast %max3A_367 : f32 to vector<16xf32>
          %max3A_369 = arith.maximumf %add3A_366, %max3A_368 : vector<16xf32>
          %swap3A_370 = arith.constant 2 : i32
          %swap3A_371 = arith.index_cast %swap3A_370 : i32 to index
          %swap3A_372 = arith.index_cast %add3A_247 : i32 to index
          %swap3A_373 = arith.constant 96 : index
          %swap3A_374 = tpu.vector_load %arg13[%swap3A_371, %swap3A_372, %swap3A_373] {strides = array<i32>} : memref<3x64x128xf32, #tpu.memory_space<vmem>>, vector<16xf32>,
          tpu.vector_store %arg13[%swap3A_371, %swap3A_372, %swap3A_373], %max3A_369 {strides = array<i32>} : memref<3x64x128xf32, #tpu.memory_space<vmem>>, vector<16xf32>,
          %get3A_375 = arith.constant 2 : i32
          %get3A_376 = arith.index_cast %get3A_375 : i32 to index
          %get3A_377 = arith.index_cast %add3A_247 : i32 to index
          %get3A_378 = arith.constant 112 : index
          %get3A_379 = tpu.vector_load %arg13[%get3A_376, %get3A_377, %get3A_378] {strides = array<i32>} : memref<3x64x128xf32, #tpu.memory_space<vmem>>, vector<16xf32>,
          %add3A_380 = arith.addf %get3A_379, %unpack3A_360 : vector<16xf32>
          %max3A_381 = arith.constant 0.000000e+00 : f32
          %max3A_382 = vector.broadcast %max3A_381 : f32 to vector<16xf32>
          %max3A_383 = arith.maximumf %add3A_380, %max3A_382 : vector<16xf32>
          %swap3A_384 = arith.constant 2 : i32
          %swap3A_385 = arith.index_cast %swap3A_384 : i32 to index
          %swap3A_386 = arith.index_cast %add3A_247 : i32 to index
          %swap3A_387 = arith.constant 112 : index
          %swap3A_388 = tpu.vector_load %arg13[%swap3A_385, %swap3A_386, %swap3A_387] {strides = array<i32>} : memref<3x64x128xf32, #tpu.memory_space<vmem>>, vector<16xf32>,
          tpu.vector_store %arg13[%swap3A_385, %swap3A_386, %swap3A_387], %max3A_383 {strides = array<i32>} : memref<3x64x128xf32, #tpu.memory_space<vmem>>, vector<16xf32>,
        }
        %scan3A_234 = arith.constant 64 : i32
        %dma_start3A_235 = arith.constant 2 : i32
        %dma_start3A_236 = arith.constant 0 : i32
        %dma_start3A_237 = arith.constant 0 : i32
        %dma_start3A_238 = tpu.memref_slice %arg13[%dma_start3A_235, %dma_start3A_236, %dma_start3A_237] : memref<3x64x128xf32, #tpu.memory_space<vmem>> -> memref<1x64x128xf32, #tpu.memory_space<vmem>>
        %dma_start3A_239 = tpu.memref_squeeze %dma_start3A_238 : memref<1x64x128xf32, #tpu.memory_space<vmem>> -> memref<64x128xf32, #tpu.memory_space<vmem>>
        %dma_start3A_240 = arith.constant 0 : i32
        %dma_start3A_241 = arith.constant 0 : i32
        %dma_start3A_242 = tpu.memref_slice %arg15[%dma_start3A_240, %dma_start3A_241] : memref<10000x128xf32, #tpu.memory_space<vmem_shared>> -> memref<10000x128xf32, #tpu.memory_space<vmem_shared>>
        tpu.enqueue_indirect_dma source(%dma_start3A_239 : memref<64x128xf32, #tpu.memory_space<vmem>>) target(%dma_start3A_242 : memref<10000x128xf32, #tpu.memory_space<vmem_shared>>) offsets(%arg12 : memref<64xi32, #tpu.memory_space<vmem>>) semaphore(%arg27 : memref<!tpu.dma_semaphore, #tpu.memory_space<semaphore_mem>>) {add = true}
      } else {
      }
      %add3A_178 = arith.constant 3 : i32
      %add3A_179 = arith.addi %add3A_159, %add3A_178 : i32
      %mul3A_180 = arith.constant 32 : i32
      %mul3A_181 = arith.muli %add3A_179, %mul3A_180 : i32
      %add3A_182 = arith.addi %mul3A_181, %add3A : i32
      %lt3A_183 = arith.constant 5000 : i32
      %lt3A_184 = arith.cmpi slt, %add3A_182, %lt3A_183 : i32
      %convert_element_type3A_185 = arith.extui %lt3A_184 : i1 to i32
      %cond3A_186 = arith.constant 0 : i32
      %cond3A_187 = arith.cmpi ne, %convert_element_type3A_185, %cond3A_186 : i32
      scf.if %cond3A_187 {
        %add3A_188 = arith.constant 3 : i32
        %add3A_189 = arith.addi %add3A_159, %add3A_188 : i32
        %mul3A_190 = arith.constant 32 : i32
        %mul3A_191 = arith.muli %add3A_189, %mul3A_190 : i32
        %add3A_192 = arith.addi %mul3A_191, %add3A : i32
        %mul3A_193 = arith.constant 2 : i32
        %mul3A_194 = arith.muli %add3A_192, %mul3A_193 : i32
        %mul3A_195 = arith.constant 64 : i32
        %mul3A_196 = arith.muli %mul3A_194, %mul3A_195 : i32
        %dma_start3A_197 = tpu.memref_slice %arg4[%mul3A_196] : memref<640000xi32, #tpu.memory_space<hbm>> -> memref<128xi32, #tpu.memory_space<hbm>>
        %dma_start3A_198 = tpu.memref_slice %arg4[%mul3A_196] : memref<640000xi32, #tpu.memory_space<hbm>> -> memref<128xi32, #tpu.memory_space<hbm>>
        tpu.enqueue_dma source(%dma_start3A_198 : memref<128xi32, #tpu.memory_space<hbm>>) target(%arg9 : memref<128xi32, #tpu.memory_space<vmem>>) target_semaphore(%arg18 : memref<!tpu.dma_semaphore, #tpu.memory_space<semaphore_mem>>)
      } else {
      }
    }
    %scan3A_65 = arith.constant 53 : i32
    %dma_wait3A_66 = arith.constant 0 : i32
    %dma_wait3A_67 = arith.constant 0 : i32
    %dma_wait3A_68 = arith.constant 0 : i32
    %dma_wait3A_69 = tpu.memref_slice %arg13[%dma_wait3A_66, %dma_wait3A_67, %dma_wait3A_68] : memref<3x64x128xf32, #tpu.memory_space<vmem>> -> memref<1x64x128xf32, #tpu.memory_space<vmem>>
    %dma_wait3A_70 = tpu.memref_squeeze %dma_wait3A_69 : memref<1x64x128xf32, #tpu.memory_space<vmem>> -> memref<64x128xf32, #tpu.memory_space<vmem>>
    %dma_wait3A_71 = arith.constant 0 : i32
    %dma_wait3A_72 = arith.constant 0 : i32
    %dma_wait3A_73 = tpu.memref_slice %arg15[%dma_wait3A_71, %dma_wait3A_72] : memref<10000x128xf32, #tpu.memory_space<vmem_shared>> -> memref<10000x128xf32, #tpu.memory_space<vmem_shared>>
    tpu.wait_indirect_dma semaphore(%arg25 : memref<!tpu.dma_semaphore, #tpu.memory_space<semaphore_mem>>) src(%dma_wait3A_70 : memref<64x128xf32, #tpu.memory_space<vmem>>) dst(%dma_wait3A_73 : memref<10000x128xf32, #tpu.memory_space<vmem_shared>>)
    %dma_wait3A_74 = arith.constant 1 : i32
    %dma_wait3A_75 = arith.constant 0 : i32
    %dma_wait3A_76 = arith.constant 0 : i32
    %dma_wait3A_77 = tpu.memref_slice %arg13[%dma_wait3A_74, %dma_wait3A_75, %dma_wait3A_76] : memref<3x64x128xf32, #tpu.memory_space<vmem>> -> memref<1x64x128xf32, #tpu.memory_space<vmem>>
    %dma_wait3A_78 = tpu.memref_squeeze %dma_wait3A_77 : memref<1x64x128xf32, #tpu.memory_space<vmem>> -> memref<64x128xf32, #tpu.memory_space<vmem>>
    %dma_wait3A_79 = arith.constant 0 : i32
    %dma_wait3A_80 = arith.constant 0 : i32
    %dma_wait3A_81 = tpu.memref_slice %arg15[%dma_wait3A_79, %dma_wait3A_80] : memref<10000x128xf32, #tpu.memory_space<vmem_shared>> -> memref<10000x128xf32, #tpu.memory_space<vmem_shared>>
    tpu.wait_indirect_dma semaphore(%arg26 : memref<!tpu.dma_semaphore, #tpu.memory_space<semaphore_mem>>) src(%dma_wait3A_78 : memref<64x128xf32, #tpu.memory_space<vmem>>) dst(%dma_wait3A_81 : memref<10000x128xf32, #tpu.memory_space<vmem_shared>>)
    %dma_wait3A_82 = arith.constant 2 : i32
    %dma_wait3A_83 = arith.constant 0 : i32
    %dma_wait3A_84 = arith.constant 0 : i32
    %dma_wait3A_85 = tpu.memref_slice %arg13[%dma_wait3A_82, %dma_wait3A_83, %dma_wait3A_84] : memref<3x64x128xf32, #tpu.memory_space<vmem>> -> memref<1x64x128xf32, #tpu.memory_space<vmem>>
    %dma_wait3A_86 = tpu.memref_squeeze %dma_wait3A_85 : memref<1x64x128xf32, #tpu.memory_space<vmem>> -> memref<64x128xf32, #tpu.memory_space<vmem>>
    %dma_wait3A_87 = arith.constant 0 : i32
    %dma_wait3A_88 = arith.constant 0 : i32
    %dma_wait3A_89 = tpu.memref_slice %arg15[%dma_wait3A_87, %dma_wait3A_88] : memref<10000x128xf32, #tpu.memory_space<vmem_shared>> -> memref<10000x128xf32, #tpu.memory_space<vmem_shared>>
    tpu.wait_indirect_dma semaphore(%arg27 : memref<!tpu.dma_semaphore, #tpu.memory_space<semaphore_mem>>) src(%dma_wait3A_86 : memref<64x128xf32, #tpu.memory_space<vmem>>) dst(%dma_wait3A_89 : memref<10000x128xf32, #tpu.memory_space<vmem_shared>>)
    %barrier3A_90 = arith.constant 0 : index
    tpu.barrier barrier_id(%barrier3A_90)
    "tpu.region"() ({
      %run_scoped3A = tpu.sem_alloc : memref<!tpu.dma_semaphore, #tpu.memory_space<semaphore_mem>>
      %dma_start3A_96 = arith.constant 0 : i32
      %dma_start3A_97 = tpu.memref_slice %arg6[%arg0, %mul3A_2, %dma_start3A_96] : memref<2x10000x128xf32, #tpu.memory_space<hbm>> -> memref<1x624x128xf32, #tpu.memory_space<hbm>>
      %dma_start3A_98 = tpu.memref_squeeze %dma_start3A_97 : memref<1x624x128xf32, #tpu.memory_space<hbm>> -> memref<624x128xf32, #tpu.memory_space<hbm>>
      %dma_start3A_99 = arith.constant 0 : i32
      %dma_start3A_100 = tpu.memref_slice %arg15[%mul3A_2, %dma_start3A_99] : memref<10000x128xf32, #tpu.memory_space<vmem_shared>> -> memref<624x128xf32, #tpu.memory_space<vmem_shared>>
      tpu.enqueue_dma source(%dma_start3A_100 : memref<624x128xf32, #tpu.memory_space<vmem_shared>>) target(%dma_start3A_98 : memref<624x128xf32, #tpu.memory_space<hbm>>) target_semaphore(%run_scoped3A : memref<!tpu.dma_semaphore, #tpu.memory_space<semaphore_mem>>)
      %dma_wait3A_101 = arith.constant 0 : i32
      %dma_wait3A_102 = tpu.memref_slice %arg6[%arg0, %mul3A_2, %dma_wait3A_101] : memref<2x10000x128xf32, #tpu.memory_space<hbm>> -> memref<1x624x128xf32, #tpu.memory_space<hbm>>
      %dma_wait3A_103 = tpu.memref_squeeze %dma_wait3A_102 : memref<1x624x128xf32, #tpu.memory_space<hbm>> -> memref<624x128xf32, #tpu.memory_space<hbm>>
      %dma_wait3A_104 = arith.constant 0 : i32
      %dma_wait3A_105 = tpu.memref_slice %arg15[%mul3A_2, %dma_wait3A_104] : memref<10000x128xf32, #tpu.memory_space<vmem_shared>> -> memref<624x128xf32, #tpu.memory_space<vmem_shared>>
      tpu.wait_dma2 semaphore(%run_scoped3A : memref<!tpu.dma_semaphore, #tpu.memory_space<semaphore_mem>>) src(%dma_wait3A_105 : memref<624x128xf32, #tpu.memory_space<vmem_shared>>) dst(%dma_wait3A_103 : memref<624x128xf32, #tpu.memory_space<hbm>>)
      tpu.yield
    }) : () -> ()
    %eq3A_91 = arith.constant 15 : i32
    %eq3A_92 = arith.cmpi eq, %arg1, %eq3A_91 : i32
    %convert_element_type3A_93 = arith.extui %eq3A_92 : i1 to i32
    %cond3A_94 = arith.constant 0 : i32
    %cond3A_95 = arith.cmpi ne, %convert_element_type3A_93, %cond3A_94 : i32
    scf.if %cond3A_95 {
      "tpu.region"() ({
        %run_scoped3A = tpu.sem_alloc : memref<!tpu.dma_semaphore, #tpu.memory_space<semaphore_mem>>
        %dma_start3A_96 = arith.constant 9984 : i32
        %dma_start3A_97 = arith.constant 0 : i32
        %dma_start3A_98 = tpu.memref_slice %arg6[%arg0, %dma_start3A_96, %dma_start3A_97] : memref<2x10000x128xf32, #tpu.memory_space<hbm>> -> memref<1x16x128xf32, #tpu.memory_space<hbm>>
        %dma_start3A_99 = tpu.memref_squeeze %dma_start3A_98 : memref<1x16x128xf32, #tpu.memory_space<hbm>> -> memref<16x128xf32, #tpu.memory_space<hbm>>
        %dma_start3A_100 = arith.constant 9984 : i32
        %dma_start3A_101 = arith.constant 0 : i32
        %dma_start3A_102 = tpu.memref_slice %arg15[%dma_start3A_100, %dma_start3A_101] : memref<10000x128xf32, #tpu.memory_space<vmem_shared>> -> memref<16x128xf32, #tpu.memory_space<vmem_shared>>
        tpu.enqueue_dma source(%dma_start3A_102 : memref<16x128xf32, #tpu.memory_space<vmem_shared>>) target(%dma_start3A_99 : memref<16x128xf32, #tpu.memory_space<hbm>>) target_semaphore(%run_scoped3A : memref<!tpu.dma_semaphore, #tpu.memory_space<semaphore_mem>>)
        %dma_wait3A_103 = arith.constant 9984 : i32
        %dma_wait3A_104 = arith.constant 0 : i32
        %dma_wait3A_105 = tpu.memref_slice %arg6[%arg0, %dma_wait3A_103, %dma_wait3A_104] : memref<2x10000x128xf32, #tpu.memory_space<hbm>> -> memref<1x16x128xf32, #tpu.memory_space<hbm>>
        %dma_wait3A_106 = tpu.memref_squeeze %dma_wait3A_105 : memref<1x16x128xf32, #tpu.memory_space<hbm>> -> memref<16x128xf32, #tpu.memory_space<hbm>>
        %dma_wait3A_107 = arith.constant 9984 : i32
        %dma_wait3A_108 = arith.constant 0 : i32
        %dma_wait3A_109 = tpu.memref_slice %arg15[%dma_wait3A_107, %dma_wait3A_108] : memref<10000x128xf32, #tpu.memory_space<vmem_shared>> -> memref<16x128xf32, #tpu.memory_space<vmem_shared>>
        tpu.wait_dma2 semaphore(%run_scoped3A : memref<!tpu.dma_semaphore, #tpu.memory_space<semaphore_mem>>) src(%dma_wait3A_109 : memref<16x128xf32, #tpu.memory_space<vmem_shared>>) dst(%dma_wait3A_106 : memref<16x128xf32, #tpu.memory_space<hbm>>)
        tpu.yield
      }) : () -> ()
    } else {
    }
    return
  }
}

#map = affine_map<(d0, d1) -> (0, 0)>
#map1 = affine_map<(d0, d1) -> (0)>
#map2 = affine_map<(d0, d1) -> (0, 0, 0)>
module attributes {stable_mosaic.version = 14 : i64} {
  func.func @_sc_msg_agg(%arg0: i32, %arg1: i32, %arg2: memref<10000x128xf32, #tpu.memory_space<hbm>>, %arg3: memref<320000x64xi32, #tpu.memory_space<hbm>>, %arg4: memref<640000xi32, #tpu.memory_space<hbm>>, %arg5: memref<624x128xf32, #tpu.memory_space<hbm>>, %arg6: memref<2x10000x128xf32, #tpu.memory_space<hbm>>, %arg7: memref<128xi32, #tpu.memory_space<vmem>>, %arg8: memref<128xi32, #tpu.memory_space<vmem>>, %arg9: memref<128xi32, #tpu.memory_space<vmem>>, %arg10: memref<64xi32, #tpu.memory_space<vmem>>, %arg11: memref<64xi32, #tpu.memory_space<vmem>>, %arg12: memref<64xi32, #tpu.memory_space<vmem>>, %arg13: memref<3x64x128xf32, #tpu.memory_space<vmem>>, %arg14: memref<3x64x64xi32, #tpu.memory_space<vmem>>, %arg15: memref<10000x128xf32, #tpu.memory_space<vmem_shared>>, %arg16: memref<!tpu.dma_semaphore, #tpu.memory_space<semaphore_mem>>, %arg17: memref<!tpu.dma_semaphore, #tpu.memory_space<semaphore_mem>>, %arg18: memref<!tpu.dma_semaphore, #tpu.memory_space<semaphore_mem>>, %arg19: memref<!tpu.dma_semaphore, #tpu.memory_space<semaphore_mem>>, %arg20: memref<!tpu.dma_semaphore, #tpu.memory_space<semaphore_mem>>, %arg21: memref<!tpu.dma_semaphore, #tpu.memory_space<semaphore_mem>>, %arg22: memref<!tpu.dma_semaphore, #tpu.memory_space<semaphore_mem>>, %arg23: memref<!tpu.dma_semaphore, #tpu.memory_space<semaphore_mem>>, %arg24: memref<!tpu.dma_semaphore, #tpu.memory_space<semaphore_mem>>, %arg25: memref<!tpu.dma_semaphore, #tpu.memory_space<semaphore_mem>>, %arg26: memref<!tpu.dma_semaphore, #tpu.memory_space<semaphore_mem>>, %arg27: memref<!tpu.dma_semaphore, #tpu.memory_space<semaphore_mem>>) attributes {dimension_semantics = [#tpu.dimension_semantics<core_parallel>, #tpu.dimension_semantics<subcore_parallel>], iteration_bounds = array<i64: 2, 16>, scalar_prefetch = 0 : i64, scratch_operands = 21 : i64, tpu.core_type = #tpu.core_type<sc_vector_subcore>, window_params = [{transform_indices = #map}, {transform_indices = #map}, {transform_indices = #map1}, {transform_indices = #map}, {transform_indices = #map2}]} {
    %mul3A = arith.constant 16 : i32
    %mul3A_0 = arith.muli %arg0, %mul3A : i32
    %add3A = arith.addi %mul3A_0, %arg1 : i32
    %mul3A_1 = arith.constant 624 : i32
    %mul3A_2 = arith.muli %arg1, %mul3A_1 : i32
    "tpu.region"() ({
      %run_scoped3A = tpu.sem_alloc : memref<!tpu.dma_semaphore, #tpu.memory_space<semaphore_mem>>
      %dma_start3A_96 = arith.constant 0 : i32
      %dma_start3A_97 = tpu.memref_slice %arg15[%mul3A_2, %dma_start3A_96] : memref<10000x128xf32, #tpu.memory_space<vmem_shared>> -> memref<624x128xf32, #tpu.memory_space<vmem_shared>>
      tpu.enqueue_dma source(%arg5 : memref<624x128xf32, #tpu.memory_space<hbm>>) target(%dma_start3A_97 : memref<624x128xf32, #tpu.memory_space<vmem_shared>>) target_semaphore(%run_scoped3A : memref<!tpu.dma_semaphore, #tpu.memory_space<semaphore_mem>>)
      %dma_wait3A_98 = arith.constant 0 : i32
      %dma_wait3A_99 = tpu.memref_slice %arg15[%mul3A_2, %dma_wait3A_98] : memref<10000x128xf32, #tpu.memory_space<vmem_shared>> -> memref<624x128xf32, #tpu.memory_space<vmem_shared>>
      tpu.wait_dma2 semaphore(%run_scoped3A : memref<!tpu.dma_semaphore, #tpu.memory_space<semaphore_mem>>) src(%arg5 : memref<624x128xf32, #tpu.memory_space<hbm>>) dst(%dma_wait3A_99 : memref<624x128xf32, #tpu.memory_space<vmem_shared>>)
      tpu.yield
    }) : () -> ()
    %eq3A = arith.constant 15 : i32
    %eq3A_3 = arith.cmpi eq, %arg1, %eq3A : i32
    %convert_element_type3A = arith.extui %eq3A_3 : i1 to i32
    %cond3A = arith.constant 0 : i32
    %cond3A_4 = arith.cmpi ne, %convert_element_type3A, %cond3A : i32
    scf.if %cond3A_4 {
      "tpu.region"() ({
        %run_scoped3A = tpu.sem_alloc : memref<!tpu.dma_semaphore, #tpu.memory_space<semaphore_mem>>
        %dma_start3A_96 = arith.constant 9984 : i32
        %dma_start3A_97 = arith.constant 0 : i32
        %dma_start3A_98 = tpu.memref_slice %arg15[%dma_start3A_96, %dma_start3A_97] : memref<10000x128xf32, #tpu.memory_space<vmem_shared>> -> memref<16x128xf32, #tpu.memory_space<vmem_shared>>
        %dma_start3A_99 = arith.constant 0 : i32
        %dma_start3A_100 = arith.constant 0 : i32
        %dma_start3A_101 = tpu.memref_slice %arg5[%dma_start3A_99, %dma_start3A_100] : memref<624x128xf32, #tpu.memory_space<hbm>> -> memref<16x128xf32, #tpu.memory_space<hbm>>
        tpu.enqueue_dma source(%dma_start3A_101 : memref<16x128xf32, #tpu.memory_space<hbm>>) target(%dma_start3A_98 : memref<16x128xf32, #tpu.memory_space<vmem_shared>>) target_semaphore(%run_scoped3A : memref<!tpu.dma_semaphore, #tpu.memory_space<semaphore_mem>>)
        %dma_wait3A_102 = arith.constant 9984 : i32
        %dma_wait3A_103 = arith.constant 0 : i32
        %dma_wait3A_104 = tpu.memref_slice %arg15[%dma_wait3A_102, %dma_wait3A_103] : memref<10000x128xf32, #tpu.memory_space<vmem_shared>> -> memref<16x128xf32, #tpu.memory_space<vmem_shared>>
        %dma_wait3A_105 = arith.constant 0 : i32
        %dma_wait3A_106 = arith.constant 0 : i32
        %dma_wait3A_107 = tpu.memref_slice %arg5[%dma_wait3A_105, %dma_wait3A_106] : memref<624x128xf32, #tpu.memory_space<hbm>> -> memref<16x128xf32, #tpu.memory_space<hbm>>
        tpu.wait_dma2 semaphore(%run_scoped3A : memref<!tpu.dma_semaphore, #tpu.memory_space<semaphore_mem>>) src(%dma_wait3A_107 : memref<16x128xf32, #tpu.memory_space<hbm>>) dst(%dma_wait3A_104 : memref<16x128xf32, #tpu.memory_space<vmem_shared>>)
        tpu.yield
      }) : () -> ()
    } else {
    }
    %barrier3A = arith.constant 0 : index
    tpu.barrier barrier_id(%barrier3A)
    %add3A_5 = arith.constant 0 : i32
    %add3A_6 = arith.addi %add3A_5, %add3A : i32
    %mul3A_7 = arith.constant 2 : i32
    %mul3A_8 = arith.muli %add3A_6, %mul3A_7 : i32
    %mul3A_9 = arith.constant 64 : i32
    %mul3A_10 = arith.muli %mul3A_8, %mul3A_9 : i32
    %dma_start3A = tpu.memref_slice %arg4[%mul3A_10] : memref<640000xi32, #tpu.memory_space<hbm>> -> memref<128xi32, #tpu.memory_space<hbm>>
    %dma_start3A_11 = tpu.memref_slice %arg4[%mul3A_10] : memref<640000xi32, #tpu.memory_space<hbm>> -> memref<128xi32, #tpu.memory_space<hbm>>
    tpu.enqueue_dma source(%dma_start3A_11 : memref<128xi32, #tpu.memory_space<hbm>>) target(%arg7 : memref<128xi32, #tpu.memory_space<vmem>>) target_semaphore(%arg16 : memref<!tpu.dma_semaphore, #tpu.memory_space<semaphore_mem>>)
    %add3A_12 = arith.constant 0 : i32
    %add3A_13 = arith.addi %add3A_12, %add3A : i32
    %mul3A_14 = arith.constant 2 : i32
    %mul3A_15 = arith.muli %add3A_13, %mul3A_14 : i32
    %mul3A_16 = arith.constant 64 : i32
    %mul3A_17 = arith.muli %mul3A_15, %mul3A_16 : i32
    %dma_wait3A = tpu.memref_slice %arg4[%mul3A_17] : memref<640000xi32, #tpu.memory_space<hbm>> -> memref<128xi32, #tpu.memory_space<hbm>>
    %dma_wait3A_18 = tpu.memref_slice %arg4[%mul3A_17] : memref<640000xi32, #tpu.memory_space<hbm>> -> memref<128xi32, #tpu.memory_space<hbm>>
    tpu.wait_dma2 semaphore(%arg16 : memref<!tpu.dma_semaphore, #tpu.memory_space<semaphore_mem>>) src(%dma_wait3A_18 : memref<128xi32, #tpu.memory_space<hbm>>) dst(%arg7 : memref<128xi32, #tpu.memory_space<vmem>>)
    %dma_start3A_19 = arith.constant 0 : i32
    %dma_start3A_20 = arith.constant 0 : i32
    %dma_start3A_21 = arith.constant 0 : i32
    %dma_start3A_22 = tpu.memref_slice %arg13[%dma_start3A_19, %dma_start3A_20, %dma_start3A_21] : memref<3x64x128xf32, #tpu.memory_space<vmem>> -> memref<1x64x128xf32, #tpu.memory_space<vmem>>
    %dma_start3A_23 = tpu.memref_squeeze %dma_start3A_22 : memref<1x64x128xf32, #tpu.memory_space<vmem>> -> memref<64x128xf32, #tpu.memory_space<vmem>>
    %dma_start3A_24 = arith.constant 0 : i32
    %dma_start3A_25 = tpu.memref_slice %arg7[%dma_start3A_24] : memref<128xi32, #tpu.memory_space<vmem>> -> memref<64xi32, #tpu.memory_space<vmem>>
    %dma_start3A_26 = arith.constant 0 : i32
    %dma_start3A_27 = arith.constant 0 : i32
    %dma_start3A_28 = tpu.memref_slice %arg2[%dma_start3A_26, %dma_start3A_27] : memref<10000x128xf32, #tpu.memory_space<hbm>> -> memref<10000x128xf32, #tpu.memory_space<hbm>>
    tpu.enqueue_indirect_dma source(%dma_start3A_28 : memref<10000x128xf32, #tpu.memory_space<hbm>>) target(%dma_start3A_23 : memref<64x128xf32, #tpu.memory_space<vmem>>) offsets(%dma_start3A_25 : memref<64xi32, #tpu.memory_space<vmem>>) semaphore(%arg19 : memref<!tpu.dma_semaphore, #tpu.memory_space<semaphore_mem>>)
    %add3A_29 = arith.constant 0 : i32
    %add3A_30 = arith.addi %add3A_29, %add3A : i32
    %mul3A_31 = arith.constant 64 : i32
    %mul3A_32 = arith.muli %add3A_30, %mul3A_31 : i32
    %dma_start3A_33 = arith.constant 0 : i32
    %dma_start3A_34 = arith.constant 0 : i32
    %dma_start3A_35 = arith.constant 0 : i32
    %dma_start3A_36 = tpu.memref_slice %arg14[%dma_start3A_33, %dma_start3A_34, %dma_start3A_35] : memref<3x64x64xi32, #tpu.memory_space<vmem>> -> memref<1x64x64xi32, #tpu.memory_space<vmem>>
    %dma_start3A_37 = tpu.memref_squeeze %dma_start3A_36 : memref<1x64x64xi32, #tpu.memory_space<vmem>> -> memref<64x64xi32, #tpu.memory_space<vmem>>
    %dma_start3A_38 = arith.constant 0 : i32
    %dma_start3A_39 = tpu.memref_slice %arg3[%mul3A_32, %dma_start3A_38] : memref<320000x64xi32, #tpu.memory_space<hbm>> -> memref<64x64xi32, #tpu.memory_space<hbm>>
    %dma_start3A_40 = arith.constant 0 : i32
    %dma_start3A_41 = arith.constant 0 : i32
    %dma_start3A_42 = tpu.memref_slice %arg14[%dma_start3A_33, %dma_start3A_40, %dma_start3A_41] : memref<3x64x64xi32, #tpu.memory_space<vmem>> -> memref<1x64x64xi32, #tpu.memory_space<vmem>>
    %dma_start3A_43 = tpu.memref_squeeze %dma_start3A_42 : memref<1x64x64xi32, #tpu.memory_space<vmem>> -> memref<64x64xi32, #tpu.memory_space<vmem>>
    %dma_start3A_44 = arith.constant 0 : i32
    %dma_start3A_45 = tpu.memref_slice %arg3[%mul3A_32, %dma_start3A_44] : memref<320000x64xi32, #tpu.memory_space<hbm>> -> memref<64x64xi32, #tpu.memory_space<hbm>>
    tpu.enqueue_dma source(%dma_start3A_45 : memref<64x64xi32, #tpu.memory_space<hbm>>) target(%dma_start3A_43 : memref<64x64xi32, #tpu.memory_space<vmem>>) target_semaphore(%arg22 : memref<!tpu.dma_semaphore, #tpu.memory_space<semaphore_mem>>)
    %add3A_46 = arith.constant 32 : i32
    %add3A_47 = arith.addi %add3A_46, %add3A : i32
    %mul3A_48 = arith.constant 2 : i32
    %mul3A_49 = arith.muli %add3A_47, %mul3A_48 : i32
    %mul3A_50 = arith.constant 64 : i32
    %mul3A_51 = arith.muli %mul3A_49, %mul3A_50 : i32
    %dma_start3A_52 = tpu.memref_slice %arg4[%mul3A_51] : memref<640000xi32, #tpu.memory_space<hbm>> -> memref<128xi32, #tpu.memory_space<hbm>>
    %dma_start3A_53 = tpu.memref_slice %arg4[%mul3A_51] : memref<640000xi32, #tpu.memory_space<hbm>> -> memref<128xi32, #tpu.memory_space<hbm>>
    tpu.enqueue_dma source(%dma_start3A_53 : memref<128xi32, #tpu.memory_space<hbm>>) target(%arg8 : memref<128xi32, #tpu.memory_space<vmem>>) target_semaphore(%arg17 : memref<!tpu.dma_semaphore, #tpu.memory_space<semaphore_mem>>)
    %add3A_54 = arith.constant 64 : i32
    %add3A_55 = arith.addi %add3A_54, %add3A : i32
    %mul3A_56 = arith.constant 2 : i32
    %mul3A_57 = arith.muli %add3A_55, %mul3A_56 : i32
    %mul3A_58 = arith.constant 64 : i32
    %mul3A_59 = arith.muli %mul3A_57, %mul3A_58 : i32
    %dma_start3A_60 = tpu.memref_slice %arg4[%mul3A_59] : memref<640000xi32, #tpu.memory_space<hbm>> -> memref<128xi32, #tpu.memory_space<hbm>>
    %dma_start3A_61 = tpu.memref_slice %arg4[%mul3A_59] : memref<640000xi32, #tpu.memory_space<hbm>> -> memref<128xi32, #tpu.memory_space<hbm>>
    tpu.enqueue_dma source(%dma_start3A_61 : memref<128xi32, #tpu.memory_space<hbm>>) target(%arg9 : memref<128xi32, #tpu.memory_space<vmem>>) target_semaphore(%arg18 : memref<!tpu.dma_semaphore, #tpu.memory_space<semaphore_mem>>)
    %scan3A = arith.constant 0 : i32
    %scan3A_62 = arith.constant 53 : i32
    %scan3A_63 = arith.addi %scan3A, %scan3A_62 : i32
    %scan3A_64 = arith.constant 1 : i32
    scf.for %scan3A_96 = %scan3A to %scan3A_63 step %scan3A_64  : i32 {
      %mul3A_97 = arith.constant 3 : i32
      %mul3A_98 = arith.muli %scan3A_96, %mul3A_97 : i32
      %add3A_99 = arith.constant 0 : i32
      %add3A_100 = arith.addi %add3A_99, %mul3A_98 : i32
      %add3A_101 = arith.constant 1 : i32
      %add3A_102 = arith.addi %add3A_100, %add3A_101 : i32
      %mul3A_103 = arith.constant 32 : i32
      %mul3A_104 = arith.muli %add3A_102, %mul3A_103 : i32
      %add3A_105 = arith.addi %mul3A_104, %add3A : i32
      %lt3A = arith.constant 5000 : i32
      %lt3A_106 = arith.cmpi slt, %add3A_105, %lt3A : i32
      %convert_element_type3A_107 = arith.extui %lt3A_106 : i1 to i32
      %cond3A_108 = arith.constant 0 : i32
      %cond3A_109 = arith.cmpi ne, %convert_element_type3A_107, %cond3A_108 : i32
      scf.if %cond3A_109 {
        %add3A_188 = arith.constant 1 : i32
        %add3A_189 = arith.addi %add3A_100, %add3A_188 : i32
        %mul3A_190 = arith.constant 32 : i32
        %mul3A_191 = arith.muli %add3A_189, %mul3A_190 : i32
        %add3A_192 = arith.addi %mul3A_191, %add3A : i32
        %mul3A_193 = arith.constant 2 : i32
        %mul3A_194 = arith.muli %add3A_192, %mul3A_193 : i32
        %mul3A_195 = arith.constant 64 : i32
        %mul3A_196 = arith.muli %mul3A_194, %mul3A_195 : i32
        %dma_wait3A_197 = tpu.memref_slice %arg4[%mul3A_196] : memref<640000xi32, #tpu.memory_space<hbm>> -> memref<128xi32, #tpu.memory_space<hbm>>
        %dma_wait3A_198 = tpu.memref_slice %arg4[%mul3A_196] : memref<640000xi32, #tpu.memory_space<hbm>> -> memref<128xi32, #tpu.memory_space<hbm>>
        tpu.wait_dma2 semaphore(%arg17 : memref<!tpu.dma_semaphore, #tpu.memory_space<semaphore_mem>>) src(%dma_wait3A_198 : memref<128xi32, #tpu.memory_space<hbm>>) dst(%arg8 : memref<128xi32, #tpu.memory_space<vmem>>)
        %ge3A = arith.constant 2 : i32
        %ge3A_199 = arith.cmpi sge, %add3A_100, %ge3A : i32
        %convert_element_type3A_200 = arith.extui %ge3A_199 : i1 to i32
        %cond3A_201 = arith.constant 0 : i32
        %cond3A_202 = arith.cmpi ne, %convert_element_type3A_200, %cond3A_201 : i32
        scf.if %cond3A_202 {
          %dma_wait3A_233 = arith.constant 1 : i32
          %dma_wait3A_234 = arith.constant 0 : i32
          %dma_wait3A_235 = arith.constant 0 : i32
          %dma_wait3A_236 = tpu.memref_slice %arg13[%dma_wait3A_233, %dma_wait3A_234, %dma_wait3A_235] : memref<3x64x128xf32, #tpu.memory_space<vmem>> -> memref<1x64x128xf32, #tpu.memory_space<vmem>>
          %dma_wait3A_237 = tpu.memref_squeeze %dma_wait3A_236 : memref<1x64x128xf32, #tpu.memory_space<vmem>> -> memref<64x128xf32, #tpu.memory_space<vmem>>
          %dma_wait3A_238 = arith.constant 0 : i32
          %dma_wait3A_239 = arith.constant 0 : i32
          %dma_wait3A_240 = tpu.memref_slice %arg15[%dma_wait3A_238, %dma_wait3A_239] : memref<10000x128xf32, #tpu.memory_space<vmem_shared>> -> memref<10000x128xf32, #tpu.memory_space<vmem_shared>>
          tpu.wait_indirect_dma semaphore(%arg26 : memref<!tpu.dma_semaphore, #tpu.memory_space<semaphore_mem>>) src(%dma_wait3A_237 : memref<64x128xf32, #tpu.memory_space<vmem>>) dst(%dma_wait3A_240 : memref<10000x128xf32, #tpu.memory_space<vmem_shared>>)
        } else {
        }
        %add3A_203 = arith.constant 1 : i32
        %add3A_204 = arith.addi %add3A_100, %add3A_203 : i32
        %dma_start3A_205 = arith.constant 1 : i32
        %dma_start3A_206 = arith.constant 0 : i32
        %dma_start3A_207 = arith.constant 0 : i32
        %dma_start3A_208 = tpu.memref_slice %arg13[%dma_start3A_205, %dma_start3A_206, %dma_start3A_207] : memref<3x64x128xf32, #tpu.memory_space<vmem>> -> memref<1x64x128xf32, #tpu.memory_space<vmem>>
        %dma_start3A_209 = tpu.memref_squeeze %dma_start3A_208 : memref<1x64x128xf32, #tpu.memory_space<vmem>> -> memref<64x128xf32, #tpu.memory_space<vmem>>
        %dma_start3A_210 = arith.constant 0 : i32
        %dma_start3A_211 = tpu.memref_slice %arg8[%dma_start3A_210] : memref<128xi32, #tpu.memory_space<vmem>> -> memref<64xi32, #tpu.memory_space<vmem>>
        %dma_start3A_212 = arith.constant 0 : i32
        %dma_start3A_213 = arith.constant 0 : i32
        %dma_start3A_214 = tpu.memref_slice %arg2[%dma_start3A_212, %dma_start3A_213] : memref<10000x128xf32, #tpu.memory_space<hbm>> -> memref<10000x128xf32, #tpu.memory_space<hbm>>
        tpu.enqueue_indirect_dma source(%dma_start3A_214 : memref<10000x128xf32, #tpu.memory_space<hbm>>) target(%dma_start3A_209 : memref<64x128xf32, #tpu.memory_space<vmem>>) offsets(%dma_start3A_211 : memref<64xi32, #tpu.memory_space<vmem>>) semaphore(%arg20 : memref<!tpu.dma_semaphore, #tpu.memory_space<semaphore_mem>>)
        %mul3A_215 = arith.constant 32 : i32
        %mul3A_216 = arith.muli %add3A_204, %mul3A_215 : i32
        %add3A_217 = arith.addi %mul3A_216, %add3A : i32
        %mul3A_218 = arith.constant 64 : i32
        %mul3A_219 = arith.muli %add3A_217, %mul3A_218 : i32
        %dma_start3A_220 = arith.constant 1 : i32
        %dma_start3A_221 = arith.constant 0 : i32
        %dma_start3A_222 = arith.constant 0 : i32
        %dma_start3A_223 = tpu.memref_slice %arg14[%dma_start3A_220, %dma_start3A_221, %dma_start3A_222] : memref<3x64x64xi32, #tpu.memory_space<vmem>> -> memref<1x64x64xi32, #tpu.memory_space<vmem>>
        %dma_start3A_224 = tpu.memref_squeeze %dma_start3A_223 : memref<1x64x64xi32, #tpu.memory_space<vmem>> -> memref<64x64xi32, #tpu.memory_space<vmem>>
        %dma_start3A_225 = arith.constant 0 : i32
        %dma_start3A_226 = tpu.memref_slice %arg3[%mul3A_219, %dma_start3A_225] : memref<320000x64xi32, #tpu.memory_space<hbm>> -> memref<64x64xi32, #tpu.memory_space<hbm>>
        %dma_start3A_227 = arith.constant 0 : i32
        %dma_start3A_228 = arith.constant 0 : i32
        %dma_start3A_229 = tpu.memref_slice %arg14[%dma_start3A_220, %dma_start3A_227, %dma_start3A_228] : memref<3x64x64xi32, #tpu.memory_space<vmem>> -> memref<1x64x64xi32, #tpu.memory_space<vmem>>
        %dma_start3A_230 = tpu.memref_squeeze %dma_start3A_229 : memref<1x64x64xi32, #tpu.memory_space<vmem>> -> memref<64x64xi32, #tpu.memory_space<vmem>>
        %dma_start3A_231 = arith.constant 0 : i32
        %dma_start3A_232 = tpu.memref_slice %arg3[%mul3A_219, %dma_start3A_231] : memref<320000x64xi32, #tpu.memory_space<hbm>> -> memref<64x64xi32, #tpu.memory_space<hbm>>
        tpu.enqueue_dma source(%dma_start3A_232 : memref<64x64xi32, #tpu.memory_space<hbm>>) target(%dma_start3A_230 : memref<64x64xi32, #tpu.memory_space<vmem>>) target_semaphore(%arg23 : memref<!tpu.dma_semaphore, #tpu.memory_space<semaphore_mem>>)
      } else {
      }
      %mul3A_110 = arith.constant 32 : i32
      %mul3A_111 = arith.muli %add3A_100, %mul3A_110 : i32
      %add3A_112 = arith.addi %mul3A_111, %add3A : i32
      %lt3A_113 = arith.constant 5000 : i32
      %lt3A_114 = arith.cmpi slt, %add3A_112, %lt3A_113 : i32
      %convert_element_type3A_115 = arith.extui %lt3A_114 : i1 to i32
      %cond3A_116 = arith.constant 0 : i32
      %cond3A_117 = arith.cmpi ne, %convert_element_type3A_115, %cond3A_116 : i32
      scf.if %cond3A_117 {
        %dma_wait3A_188 = arith.constant 0 : i32
        %dma_wait3A_189 = arith.constant 0 : i32
        %dma_wait3A_190 = arith.constant 0 : i32
        %dma_wait3A_191 = tpu.memref_slice %arg13[%dma_wait3A_188, %dma_wait3A_189, %dma_wait3A_190] : memref<3x64x128xf32, #tpu.memory_space<vmem>> -> memref<1x64x128xf32, #tpu.memory_space<vmem>>
        %dma_wait3A_192 = tpu.memref_squeeze %dma_wait3A_191 : memref<1x64x128xf32, #tpu.memory_space<vmem>> -> memref<64x128xf32, #tpu.memory_space<vmem>>
        %dma_wait3A_193 = arith.constant 0 : i32
        %dma_wait3A_194 = tpu.memref_slice %arg7[%dma_wait3A_193] : memref<128xi32, #tpu.memory_space<vmem>> -> memref<64xi32, #tpu.memory_space<vmem>>
        %dma_wait3A_195 = arith.constant 0 : i32
        %dma_wait3A_196 = arith.constant 0 : i32
        %dma_wait3A_197 = tpu.memref_slice %arg2[%dma_wait3A_195, %dma_wait3A_196] : memref<10000x128xf32, #tpu.memory_space<hbm>> -> memref<10000x128xf32, #tpu.memory_space<hbm>>
        tpu.wait_indirect_dma semaphore(%arg19 : memref<!tpu.dma_semaphore, #tpu.memory_space<semaphore_mem>>) src(%dma_wait3A_197 : memref<10000x128xf32, #tpu.memory_space<hbm>>) dst(%dma_wait3A_192 : memref<64x128xf32, #tpu.memory_space<vmem>>)
        %mul3A_198 = arith.constant 32 : i32
        %mul3A_199 = arith.muli %add3A_100, %mul3A_198 : i32
        %add3A_200 = arith.addi %mul3A_199, %add3A : i32
        %mul3A_201 = arith.constant 64 : i32
        %mul3A_202 = arith.muli %add3A_200, %mul3A_201 : i32
        %dma_wait3A_203 = arith.constant 0 : i32
        %dma_wait3A_204 = arith.constant 0 : i32
        %dma_wait3A_205 = arith.constant 0 : i32
        %dma_wait3A_206 = tpu.memref_slice %arg14[%dma_wait3A_203, %dma_wait3A_204, %dma_wait3A_205] : memref<3x64x64xi32, #tpu.memory_space<vmem>> -> memref<1x64x64xi32, #tpu.memory_space<vmem>>
        %dma_wait3A_207 = tpu.memref_squeeze %dma_wait3A_206 : memref<1x64x64xi32, #tpu.memory_space<vmem>> -> memref<64x64xi32, #tpu.memory_space<vmem>>
        %dma_wait3A_208 = arith.constant 0 : i32
        %dma_wait3A_209 = tpu.memref_slice %arg3[%mul3A_202, %dma_wait3A_208] : memref<320000x64xi32, #tpu.memory_space<hbm>> -> memref<64x64xi32, #tpu.memory_space<hbm>>
        %dma_wait3A_210 = arith.constant 0 : i32
        %dma_wait3A_211 = arith.constant 0 : i32
        %dma_wait3A_212 = tpu.memref_slice %arg14[%dma_wait3A_203, %dma_wait3A_210, %dma_wait3A_211] : memref<3x64x64xi32, #tpu.memory_space<vmem>> -> memref<1x64x64xi32, #tpu.memory_space<vmem>>
        %dma_wait3A_213 = tpu.memref_squeeze %dma_wait3A_212 : memref<1x64x64xi32, #tpu.memory_space<vmem>> -> memref<64x64xi32, #tpu.memory_space<vmem>>
        %dma_wait3A_214 = arith.constant 0 : i32
        %dma_wait3A_215 = tpu.memref_slice %arg3[%mul3A_202, %dma_wait3A_214] : memref<320000x64xi32, #tpu.memory_space<hbm>> -> memref<64x64xi32, #tpu.memory_space<hbm>>
        tpu.wait_dma2 semaphore(%arg22 : memref<!tpu.dma_semaphore, #tpu.memory_space<semaphore_mem>>) src(%dma_wait3A_215 : memref<64x64xi32, #tpu.memory_space<hbm>>) dst(%dma_wait3A_213 : memref<64x64xi32, #tpu.memory_space<vmem>>)
        %get3A = arith.constant 64 : index
        %get3A_216 = tpu.vector_load %arg7[%get3A] {strides = array<i32>} : memref<128xi32, #tpu.memory_space<vmem>>, vector<16xi32>,
        %swap3A = arith.constant 0 : index
        %swap3A_217 = tpu.vector_load %arg10[%swap3A] {strides = array<i32>} : memref<64xi32, #tpu.memory_space<vmem>>, vector<16xi32>,
        tpu.vector_store %arg10[%swap3A], %get3A_216 {strides = array<i32>} : memref<64xi32, #tpu.memory_space<vmem>>, vector<16xi32>,
        %get3A_218 = arith.constant 80 : index
        %get3A_219 = tpu.vector_load %arg7[%get3A_218] {strides = array<i32>} : memref<128xi32, #tpu.memory_space<vmem>>, vector<16xi32>,
        %swap3A_220 = arith.constant 16 : index
        %swap3A_221 = tpu.vector_load %arg10[%swap3A_220] {strides = array<i32>} : memref<64xi32, #tpu.memory_space<vmem>>, vector<16xi32>,
        tpu.vector_store %arg10[%swap3A_220], %get3A_219 {strides = array<i32>} : memref<64xi32, #tpu.memory_space<vmem>>, vector<16xi32>,
        %get3A_222 = arith.constant 96 : index
        %get3A_223 = tpu.vector_load %arg7[%get3A_222] {strides = array<i32>} : memref<128xi32, #tpu.memory_space<vmem>>, vector<16xi32>,
        %swap3A_224 = arith.constant 32 : index
        %swap3A_225 = tpu.vector_load %arg10[%swap3A_224] {strides = array<i32>} : memref<64xi32, #tpu.memory_space<vmem>>, vector<16xi32>,
        tpu.vector_store %arg10[%swap3A_224], %get3A_223 {strides = array<i32>} : memref<64xi32, #tpu.memory_space<vmem>>, vector<16xi32>,
        %get3A_226 = arith.constant 112 : index
        %get3A_227 = tpu.vector_load %arg7[%get3A_226] {strides = array<i32>} : memref<128xi32, #tpu.memory_space<vmem>>, vector<16xi32>,
        %swap3A_228 = arith.constant 48 : index
        %swap3A_229 = tpu.vector_load %arg10[%swap3A_228] {strides = array<i32>} : memref<64xi32, #tpu.memory_space<vmem>>, vector<16xi32>,
        tpu.vector_store %arg10[%swap3A_228], %get3A_227 {strides = array<i32>} : memref<64xi32, #tpu.memory_space<vmem>>, vector<16xi32>,
        %scan3A_230 = arith.constant 0 : i32
        %scan3A_231 = arith.constant 64 : i32
        %scan3A_232 = arith.addi %scan3A_230, %scan3A_231 : i32
        %scan3A_233 = arith.constant 1 : i32
        scf.for %scan3A_243 = %scan3A_230 to %scan3A_232 step %scan3A_233  : i32 {
          %mul3A_244 = arith.constant 1 : i32
          %mul3A_245 = arith.muli %scan3A_243, %mul3A_244 : i32
          %add3A_246 = arith.constant 0 : i32
          %add3A_247 = arith.addi %add3A_246, %mul3A_245 : i32
          %get3A_248 = arith.constant 0 : i32
          %get3A_249 = arith.index_cast %get3A_248 : i32 to index
          %get3A_250 = arith.index_cast %add3A_247 : i32 to index
          %get3A_251 = arith.constant 0 : index
          %get3A_252 = tpu.vector_load %arg14[%get3A_249, %get3A_250, %get3A_251] {strides = array<i32>} : memref<3x64x64xi32, #tpu.memory_space<vmem>>, vector<16xi32>,
          %bitcast3A = vector.bitcast %get3A_252 : vector<16xi32> to vector<32xbf16>
          %unpack3A = tpu.unpack_subelements %bitcast3A, 0 {pack_format = #tpu.pack_format<interleaved>} : vector<32xbf16> -> vector<16xf32>
          %unpack3A_253 = tpu.unpack_subelements %bitcast3A, 1 {pack_format = #tpu.pack_format<interleaved>} : vector<32xbf16> -> vector<16xf32>
          %get3A_254 = arith.constant 0 : i32
          %get3A_255 = arith.index_cast %get3A_254 : i32 to index
          %get3A_256 = arith.index_cast %add3A_247 : i32 to index
          %get3A_257 = arith.constant 0 : index
          %get3A_258 = tpu.vector_load %arg13[%get3A_255, %get3A_256, %get3A_257] {strides = array<i32>} : memref<3x64x128xf32, #tpu.memory_space<vmem>>, vector<16xf32>,
          %add3A_259 = arith.addf %get3A_258, %unpack3A : vector<16xf32>
          %max3A = arith.constant 0.000000e+00 : f32
          %max3A_260 = vector.broadcast %max3A : f32 to vector<16xf32>
          %max3A_261 = arith.maximumf %add3A_259, %max3A_260 : vector<16xf32>
          %swap3A_262 = arith.constant 0 : i32
          %swap3A_263 = arith.index_cast %swap3A_262 : i32 to index
          %swap3A_264 = arith.index_cast %add3A_247 : i32 to index
          %swap3A_265 = arith.constant 0 : index
          %swap3A_266 = tpu.vector_load %arg13[%swap3A_263, %swap3A_264, %swap3A_265] {strides = array<i32>} : memref<3x64x128xf32, #tpu.memory_space<vmem>>, vector<16xf32>,
          tpu.vector_store %arg13[%swap3A_263, %swap3A_264, %swap3A_265], %max3A_261 {strides = array<i32>} : memref<3x64x128xf32, #tpu.memory_space<vmem>>, vector<16xf32>,
          %get3A_267 = arith.constant 0 : i32
          %get3A_268 = arith.index_cast %get3A_267 : i32 to index
          %get3A_269 = arith.index_cast %add3A_247 : i32 to index
          %get3A_270 = arith.constant 16 : index
          %get3A_271 = tpu.vector_load %arg13[%get3A_268, %get3A_269, %get3A_270] {strides = array<i32>} : memref<3x64x128xf32, #tpu.memory_space<vmem>>, vector<16xf32>,
          %add3A_272 = arith.addf %get3A_271, %unpack3A_253 : vector<16xf32>
          %max3A_273 = arith.constant 0.000000e+00 : f32
          %max3A_274 = vector.broadcast %max3A_273 : f32 to vector<16xf32>
          %max3A_275 = arith.maximumf %add3A_272, %max3A_274 : vector<16xf32>
          %swap3A_276 = arith.constant 0 : i32
          %swap3A_277 = arith.index_cast %swap3A_276 : i32 to index
          %swap3A_278 = arith.index_cast %add3A_247 : i32 to index
          %swap3A_279 = arith.constant 16 : index
          %swap3A_280 = tpu.vector_load %arg13[%swap3A_277, %swap3A_278, %swap3A_279] {strides = array<i32>} : memref<3x64x128xf32, #tpu.memory_space<vmem>>, vector<16xf32>,
          tpu.vector_store %arg13[%swap3A_277, %swap3A_278, %swap3A_279], %max3A_275 {strides = array<i32>} : memref<3x64x128xf32, #tpu.memory_space<vmem>>, vector<16xf32>,
          %get3A_281 = arith.constant 0 : i32
          %get3A_282 = arith.index_cast %get3A_281 : i32 to index
          %get3A_283 = arith.index_cast %add3A_247 : i32 to index
          %get3A_284 = arith.constant 16 : index
          %get3A_285 = tpu.vector_load %arg14[%get3A_282, %get3A_283, %get3A_284] {strides = array<i32>} : memref<3x64x64xi32, #tpu.memory_space<vmem>>, vector<16xi32>,
          %bitcast3A_286 = vector.bitcast %get3A_285 : vector<16xi32> to vector<32xbf16>
          %unpack3A_287 = tpu.unpack_subelements %bitcast3A_286, 0 {pack_format = #tpu.pack_format<interleaved>} : vector<32xbf16> -> vector<16xf32>
          %unpack3A_288 = tpu.unpack_subelements %bitcast3A_286, 1 {pack_format = #tpu.pack_format<interleaved>} : vector<32xbf16> -> vector<16xf32>
          %get3A_289 = arith.constant 0 : i32
          %get3A_290 = arith.index_cast %get3A_289 : i32 to index
          %get3A_291 = arith.index_cast %add3A_247 : i32 to index
          %get3A_292 = arith.constant 32 : index
          %get3A_293 = tpu.vector_load %arg13[%get3A_290, %get3A_291, %get3A_292] {strides = array<i32>} : memref<3x64x128xf32, #tpu.memory_space<vmem>>, vector<16xf32>,
          %add3A_294 = arith.addf %get3A_293, %unpack3A_287 : vector<16xf32>
          %max3A_295 = arith.constant 0.000000e+00 : f32
          %max3A_296 = vector.broadcast %max3A_295 : f32 to vector<16xf32>
          %max3A_297 = arith.maximumf %add3A_294, %max3A_296 : vector<16xf32>
          %swap3A_298 = arith.constant 0 : i32
          %swap3A_299 = arith.index_cast %swap3A_298 : i32 to index
          %swap3A_300 = arith.index_cast %add3A_247 : i32 to index
          %swap3A_301 = arith.constant 32 : index
          %swap3A_302 = tpu.vector_load %arg13[%swap3A_299, %swap3A_300, %swap3A_301] {strides = array<i32>} : memref<3x64x128xf32, #tpu.memory_space<vmem>>, vector<16xf32>,
          tpu.vector_store %arg13[%swap3A_299, %swap3A_300, %swap3A_301], %max3A_297 {strides = array<i32>} : memref<3x64x128xf32, #tpu.memory_space<vmem>>, vector<16xf32>,
          %get3A_303 = arith.constant 0 : i32
          %get3A_304 = arith.index_cast %get3A_303 : i32 to index
          %get3A_305 = arith.index_cast %add3A_247 : i32 to index
          %get3A_306 = arith.constant 48 : index
          %get3A_307 = tpu.vector_load %arg13[%get3A_304, %get3A_305, %get3A_306] {strides = array<i32>} : memref<3x64x128xf32, #tpu.memory_space<vmem>>, vector<16xf32>,
          %add3A_308 = arith.addf %get3A_307, %unpack3A_288 : vector<16xf32>
          %max3A_309 = arith.constant 0.000000e+00 : f32
          %max3A_310 = vector.broadcast %max3A_309 : f32 to vector<16xf32>
          %max3A_311 = arith.maximumf %add3A_308, %max3A_310 : vector<16xf32>
          %swap3A_312 = arith.constant 0 : i32
          %swap3A_313 = arith.index_cast %swap3A_312 : i32 to index
          %swap3A_314 = arith.index_cast %add3A_247 : i32 to index
          %swap3A_315 = arith.constant 48 : index
          %swap3A_316 = tpu.vector_load %arg13[%swap3A_313, %swap3A_314, %swap3A_315] {strides = array<i32>} : memref<3x64x128xf32, #tpu.memory_space<vmem>>, vector<16xf32>,
          tpu.vector_store %arg13[%swap3A_313, %swap3A_314, %swap3A_315], %max3A_311 {strides = array<i32>} : memref<3x64x128xf32, #tpu.memory_space<vmem>>, vector<16xf32>,
          %get3A_317 = arith.constant 0 : i32
          %get3A_318 = arith.index_cast %get3A_317 : i32 to index
          %get3A_319 = arith.index_cast %add3A_247 : i32 to index
          %get3A_320 = arith.constant 32 : index
          %get3A_321 = tpu.vector_load %arg14[%get3A_318, %get3A_319, %get3A_320] {strides = array<i32>} : memref<3x64x64xi32, #tpu.memory_space<vmem>>, vector<16xi32>,
          %bitcast3A_322 = vector.bitcast %get3A_321 : vector<16xi32> to vector<32xbf16>
          %unpack3A_323 = tpu.unpack_subelements %bitcast3A_322, 0 {pack_format = #tpu.pack_format<interleaved>} : vector<32xbf16> -> vector<16xf32>
          %unpack3A_324 = tpu.unpack_subelements %bitcast3A_322, 1 {pack_format = #tpu.pack_format<interleaved>} : vector<32xbf16> -> vector<16xf32>
          %get3A_325 = arith.constant 0 : i32
          %get3A_326 = arith.index_cast %get3A_325 : i32 to index
          %get3A_327 = arith.index_cast %add3A_247 : i32 to index
          %get3A_328 = arith.constant 64 : index
          %get3A_329 = tpu.vector_load %arg13[%get3A_326, %get3A_327, %get3A_328] {strides = array<i32>} : memref<3x64x128xf32, #tpu.memory_space<vmem>>, vector<16xf32>,
          %add3A_330 = arith.addf %get3A_329, %unpack3A_323 : vector<16xf32>
          %max3A_331 = arith.constant 0.000000e+00 : f32
          %max3A_332 = vector.broadcast %max3A_331 : f32 to vector<16xf32>
          %max3A_333 = arith.maximumf %add3A_330, %max3A_332 : vector<16xf32>
          %swap3A_334 = arith.constant 0 : i32
          %swap3A_335 = arith.index_cast %swap3A_334 : i32 to index
          %swap3A_336 = arith.index_cast %add3A_247 : i32 to index
          %swap3A_337 = arith.constant 64 : index
          %swap3A_338 = tpu.vector_load %arg13[%swap3A_335, %swap3A_336, %swap3A_337] {strides = array<i32>} : memref<3x64x128xf32, #tpu.memory_space<vmem>>, vector<16xf32>,
          tpu.vector_store %arg13[%swap3A_335, %swap3A_336, %swap3A_337], %max3A_333 {strides = array<i32>} : memref<3x64x128xf32, #tpu.memory_space<vmem>>, vector<16xf32>,
          %get3A_339 = arith.constant 0 : i32
          %get3A_340 = arith.index_cast %get3A_339 : i32 to index
          %get3A_341 = arith.index_cast %add3A_247 : i32 to index
          %get3A_342 = arith.constant 80 : index
          %get3A_343 = tpu.vector_load %arg13[%get3A_340, %get3A_341, %get3A_342] {strides = array<i32>} : memref<3x64x128xf32, #tpu.memory_space<vmem>>, vector<16xf32>,
          %add3A_344 = arith.addf %get3A_343, %unpack3A_324 : vector<16xf32>
          %max3A_345 = arith.constant 0.000000e+00 : f32
          %max3A_346 = vector.broadcast %max3A_345 : f32 to vector<16xf32>
          %max3A_347 = arith.maximumf %add3A_344, %max3A_346 : vector<16xf32>
          %swap3A_348 = arith.constant 0 : i32
          %swap3A_349 = arith.index_cast %swap3A_348 : i32 to index
          %swap3A_350 = arith.index_cast %add3A_247 : i32 to index
          %swap3A_351 = arith.constant 80 : index
          %swap3A_352 = tpu.vector_load %arg13[%swap3A_349, %swap3A_350, %swap3A_351] {strides = array<i32>} : memref<3x64x128xf32, #tpu.memory_space<vmem>>, vector<16xf32>,
          tpu.vector_store %arg13[%swap3A_349, %swap3A_350, %swap3A_351], %max3A_347 {strides = array<i32>} : memref<3x64x128xf32, #tpu.memory_space<vmem>>, vector<16xf32>,
          %get3A_353 = arith.constant 0 : i32
          %get3A_354 = arith.index_cast %get3A_353 : i32 to index
          %get3A_355 = arith.index_cast %add3A_247 : i32 to index
          %get3A_356 = arith.constant 48 : index
          %get3A_357 = tpu.vector_load %arg14[%get3A_354, %get3A_355, %get3A_356] {strides = array<i32>} : memref<3x64x64xi32, #tpu.memory_space<vmem>>, vector<16xi32>,
          %bitcast3A_358 = vector.bitcast %get3A_357 : vector<16xi32> to vector<32xbf16>
          %unpack3A_359 = tpu.unpack_subelements %bitcast3A_358, 0 {pack_format = #tpu.pack_format<interleaved>} : vector<32xbf16> -> vector<16xf32>
          %unpack3A_360 = tpu.unpack_subelements %bitcast3A_358, 1 {pack_format = #tpu.pack_format<interleaved>} : vector<32xbf16> -> vector<16xf32>
          %get3A_361 = arith.constant 0 : i32
          %get3A_362 = arith.index_cast %get3A_361 : i32 to index
          %get3A_363 = arith.index_cast %add3A_247 : i32 to index
          %get3A_364 = arith.constant 96 : index
          %get3A_365 = tpu.vector_load %arg13[%get3A_362, %get3A_363, %get3A_364] {strides = array<i32>} : memref<3x64x128xf32, #tpu.memory_space<vmem>>, vector<16xf32>,
          %add3A_366 = arith.addf %get3A_365, %unpack3A_359 : vector<16xf32>
          %max3A_367 = arith.constant 0.000000e+00 : f32
          %max3A_368 = vector.broadcast %max3A_367 : f32 to vector<16xf32>
          %max3A_369 = arith.maximumf %add3A_366, %max3A_368 : vector<16xf32>
          %swap3A_370 = arith.constant 0 : i32
          %swap3A_371 = arith.index_cast %swap3A_370 : i32 to index
          %swap3A_372 = arith.index_cast %add3A_247 : i32 to index
          %swap3A_373 = arith.constant 96 : index
          %swap3A_374 = tpu.vector_load %arg13[%swap3A_371, %swap3A_372, %swap3A_373] {strides = array<i32>} : memref<3x64x128xf32, #tpu.memory_space<vmem>>, vector<16xf32>,
          tpu.vector_store %arg13[%swap3A_371, %swap3A_372, %swap3A_373], %max3A_369 {strides = array<i32>} : memref<3x64x128xf32, #tpu.memory_space<vmem>>, vector<16xf32>,
          %get3A_375 = arith.constant 0 : i32
          %get3A_376 = arith.index_cast %get3A_375 : i32 to index
          %get3A_377 = arith.index_cast %add3A_247 : i32 to index
          %get3A_378 = arith.constant 112 : index
          %get3A_379 = tpu.vector_load %arg13[%get3A_376, %get3A_377, %get3A_378] {strides = array<i32>} : memref<3x64x128xf32, #tpu.memory_space<vmem>>, vector<16xf32>,
          %add3A_380 = arith.addf %get3A_379, %unpack3A_360 : vector<16xf32>
          %max3A_381 = arith.constant 0.000000e+00 : f32
          %max3A_382 = vector.broadcast %max3A_381 : f32 to vector<16xf32>
          %max3A_383 = arith.maximumf %add3A_380, %max3A_382 : vector<16xf32>
          %swap3A_384 = arith.constant 0 : i32
          %swap3A_385 = arith.index_cast %swap3A_384 : i32 to index
          %swap3A_386 = arith.index_cast %add3A_247 : i32 to index
          %swap3A_387 = arith.constant 112 : index
          %swap3A_388 = tpu.vector_load %arg13[%swap3A_385, %swap3A_386, %swap3A_387] {strides = array<i32>} : memref<3x64x128xf32, #tpu.memory_space<vmem>>, vector<16xf32>,
          tpu.vector_store %arg13[%swap3A_385, %swap3A_386, %swap3A_387], %max3A_383 {strides = array<i32>} : memref<3x64x128xf32, #tpu.memory_space<vmem>>, vector<16xf32>,
        }
        %scan3A_234 = arith.constant 64 : i32
        %dma_start3A_235 = arith.constant 0 : i32
        %dma_start3A_236 = arith.constant 0 : i32
        %dma_start3A_237 = arith.constant 0 : i32
        %dma_start3A_238 = tpu.memref_slice %arg13[%dma_start3A_235, %dma_start3A_236, %dma_start3A_237] : memref<3x64x128xf32, #tpu.memory_space<vmem>> -> memref<1x64x128xf32, #tpu.memory_space<vmem>>
        %dma_start3A_239 = tpu.memref_squeeze %dma_start3A_238 : memref<1x64x128xf32, #tpu.memory_space<vmem>> -> memref<64x128xf32, #tpu.memory_space<vmem>>
        %dma_start3A_240 = arith.constant 0 : i32
        %dma_start3A_241 = arith.constant 0 : i32
        %dma_start3A_242 = tpu.memref_slice %arg15[%dma_start3A_240, %dma_start3A_241] : memref<10000x128xf32, #tpu.memory_space<vmem_shared>> -> memref<10000x128xf32, #tpu.memory_space<vmem_shared>>
        tpu.enqueue_indirect_dma source(%dma_start3A_239 : memref<64x128xf32, #tpu.memory_space<vmem>>) target(%dma_start3A_242 : memref<10000x128xf32, #tpu.memory_space<vmem_shared>>) offsets(%arg10 : memref<64xi32, #tpu.memory_space<vmem>>) semaphore(%arg25 : memref<!tpu.dma_semaphore, #tpu.memory_space<semaphore_mem>>) {add = true}
      } else {
      }
      %add3A_118 = arith.constant 3 : i32
      %add3A_119 = arith.addi %add3A_100, %add3A_118 : i32
      %mul3A_120 = arith.constant 32 : i32
      %mul3A_121 = arith.muli %add3A_119, %mul3A_120 : i32
      %add3A_122 = arith.addi %mul3A_121, %add3A : i32
      %lt3A_123 = arith.constant 5000 : i32
      %lt3A_124 = arith.cmpi slt, %add3A_122, %lt3A_123 : i32
      %convert_element_type3A_125 = arith.extui %lt3A_124 : i1 to i32
      %cond3A_126 = arith.constant 0 : i32
      %cond3A_127 = arith.cmpi ne, %convert_element_type3A_125, %cond3A_126 : i32
      scf.if %cond3A_127 {
        %add3A_188 = arith.constant 3 : i32
        %add3A_189 = arith.addi %add3A_100, %add3A_188 : i32
        %mul3A_190 = arith.constant 32 : i32
        %mul3A_191 = arith.muli %add3A_189, %mul3A_190 : i32
        %add3A_192 = arith.addi %mul3A_191, %add3A : i32
        %mul3A_193 = arith.constant 2 : i32
        %mul3A_194 = arith.muli %add3A_192, %mul3A_193 : i32
        %mul3A_195 = arith.constant 64 : i32
        %mul3A_196 = arith.muli %mul3A_194, %mul3A_195 : i32
        %dma_start3A_197 = tpu.memref_slice %arg4[%mul3A_196] : memref<640000xi32, #tpu.memory_space<hbm>> -> memref<128xi32, #tpu.memory_space<hbm>>
        %dma_start3A_198 = tpu.memref_slice %arg4[%mul3A_196] : memref<640000xi32, #tpu.memory_space<hbm>> -> memref<128xi32, #tpu.memory_space<hbm>>
        tpu.enqueue_dma source(%dma_start3A_198 : memref<128xi32, #tpu.memory_space<hbm>>) target(%arg7 : memref<128xi32, #tpu.memory_space<vmem>>) target_semaphore(%arg16 : memref<!tpu.dma_semaphore, #tpu.memory_space<semaphore_mem>>)
      } else {
      }
      %add3A_128 = arith.constant 1 : i32
      %add3A_129 = arith.addi %add3A_100, %add3A_128 : i32
      %add3A_130 = arith.constant 1 : i32
      %add3A_131 = arith.addi %add3A_129, %add3A_130 : i32
      %mul3A_132 = arith.constant 32 : i32
      %mul3A_133 = arith.muli %add3A_131, %mul3A_132 : i32
      %add3A_134 = arith.addi %mul3A_133, %add3A : i32
      %lt3A_135 = arith.constant 5000 : i32
      %lt3A_136 = arith.cmpi slt, %add3A_134, %lt3A_135 : i32
      %convert_element_type3A_137 = arith.extui %lt3A_136 : i1 to i32
      %cond3A_138 = arith.constant 0 : i32
      %cond3A_139 = arith.cmpi ne, %convert_element_type3A_137, %cond3A_138 : i32
      scf.if %cond3A_139 {
        %add3A_188 = arith.constant 1 : i32
        %add3A_189 = arith.addi %add3A_129, %add3A_188 : i32
        %mul3A_190 = arith.constant 32 : i32
        %mul3A_191 = arith.muli %add3A_189, %mul3A_190 : i32
        %add3A_192 = arith.addi %mul3A_191, %add3A : i32
        %mul3A_193 = arith.constant 2 : i32
        %mul3A_194 = arith.muli %add3A_192, %mul3A_193 : i32
        %mul3A_195 = arith.constant 64 : i32
        %mul3A_196 = arith.muli %mul3A_194, %mul3A_195 : i32
        %dma_wait3A_197 = tpu.memref_slice %arg4[%mul3A_196] : memref<640000xi32, #tpu.memory_space<hbm>> -> memref<128xi32, #tpu.memory_space<hbm>>
        %dma_wait3A_198 = tpu.memref_slice %arg4[%mul3A_196] : memref<640000xi32, #tpu.memory_space<hbm>> -> memref<128xi32, #tpu.memory_space<hbm>>
        tpu.wait_dma2 semaphore(%arg18 : memref<!tpu.dma_semaphore, #tpu.memory_space<semaphore_mem>>) src(%dma_wait3A_198 : memref<128xi32, #tpu.memory_space<hbm>>) dst(%arg9 : memref<128xi32, #tpu.memory_space<vmem>>)
        %ge3A = arith.constant 2 : i32
        %ge3A_199 = arith.cmpi sge, %add3A_129, %ge3A : i32
        %convert_element_type3A_200 = arith.extui %ge3A_199 : i1 to i32
        %cond3A_201 = arith.constant 0 : i32
        %cond3A_202 = arith.cmpi ne, %convert_element_type3A_200, %cond3A_201 : i32
        scf.if %cond3A_202 {
          %dma_wait3A_233 = arith.constant 2 : i32
          %dma_wait3A_234 = arith.constant 0 : i32
          %dma_wait3A_235 = arith.constant 0 : i32
          %dma_wait3A_236 = tpu.memref_slice %arg13[%dma_wait3A_233, %dma_wait3A_234, %dma_wait3A_235] : memref<3x64x128xf32, #tpu.memory_space<vmem>> -> memref<1x64x128xf32, #tpu.memory_space<vmem>>
          %dma_wait3A_237 = tpu.memref_squeeze %dma_wait3A_236 : memref<1x64x128xf32, #tpu.memory_space<vmem>> -> memref<64x128xf32, #tpu.memory_space<vmem>>
          %dma_wait3A_238 = arith.constant 0 : i32
          %dma_wait3A_239 = arith.constant 0 : i32
          %dma_wait3A_240 = tpu.memref_slice %arg15[%dma_wait3A_238, %dma_wait3A_239] : memref<10000x128xf32, #tpu.memory_space<vmem_shared>> -> memref<10000x128xf32, #tpu.memory_space<vmem_shared>>
          tpu.wait_indirect_dma semaphore(%arg27 : memref<!tpu.dma_semaphore, #tpu.memory_space<semaphore_mem>>) src(%dma_wait3A_237 : memref<64x128xf32, #tpu.memory_space<vmem>>) dst(%dma_wait3A_240 : memref<10000x128xf32, #tpu.memory_space<vmem_shared>>)
        } else {
        }
        %add3A_203 = arith.constant 1 : i32
        %add3A_204 = arith.addi %add3A_129, %add3A_203 : i32
        %dma_start3A_205 = arith.constant 2 : i32
        %dma_start3A_206 = arith.constant 0 : i32
        %dma_start3A_207 = arith.constant 0 : i32
        %dma_start3A_208 = tpu.memref_slice %arg13[%dma_start3A_205, %dma_start3A_206, %dma_start3A_207] : memref<3x64x128xf32, #tpu.memory_space<vmem>> -> memref<1x64x128xf32, #tpu.memory_space<vmem>>
        %dma_start3A_209 = tpu.memref_squeeze %dma_start3A_208 : memref<1x64x128xf32, #tpu.memory_space<vmem>> -> memref<64x128xf32, #tpu.memory_space<vmem>>
        %dma_start3A_210 = arith.constant 0 : i32
        %dma_start3A_211 = tpu.memref_slice %arg9[%dma_start3A_210] : memref<128xi32, #tpu.memory_space<vmem>> -> memref<64xi32, #tpu.memory_space<vmem>>
        %dma_start3A_212 = arith.constant 0 : i32
        %dma_start3A_213 = arith.constant 0 : i32
        %dma_start3A_214 = tpu.memref_slice %arg2[%dma_start3A_212, %dma_start3A_213] : memref<10000x128xf32, #tpu.memory_space<hbm>> -> memref<10000x128xf32, #tpu.memory_space<hbm>>
        tpu.enqueue_indirect_dma source(%dma_start3A_214 : memref<10000x128xf32, #tpu.memory_space<hbm>>) target(%dma_start3A_209 : memref<64x128xf32, #tpu.memory_space<vmem>>) offsets(%dma_start3A_211 : memref<64xi32, #tpu.memory_space<vmem>>) semaphore(%arg21 : memref<!tpu.dma_semaphore, #tpu.memory_space<semaphore_mem>>)
        %mul3A_215 = arith.constant 32 : i32
        %mul3A_216 = arith.muli %add3A_204, %mul3A_215 : i32
        %add3A_217 = arith.addi %mul3A_216, %add3A : i32
        %mul3A_218 = arith.constant 64 : i32
        %mul3A_219 = arith.muli %add3A_217, %mul3A_218 : i32
        %dma_start3A_220 = arith.constant 2 : i32
        %dma_start3A_221 = arith.constant 0 : i32
        %dma_start3A_222 = arith.constant 0 : i32
        %dma_start3A_223 = tpu.memref_slice %arg14[%dma_start3A_220, %dma_start3A_221, %dma_start3A_222] : memref<3x64x64xi32, #tpu.memory_space<vmem>> -> memref<1x64x64xi32, #tpu.memory_space<vmem>>
        %dma_start3A_224 = tpu.memref_squeeze %dma_start3A_223 : memref<1x64x64xi32, #tpu.memory_space<vmem>> -> memref<64x64xi32, #tpu.memory_space<vmem>>
        %dma_start3A_225 = arith.constant 0 : i32
        %dma_start3A_226 = tpu.memref_slice %arg3[%mul3A_219, %dma_start3A_225] : memref<320000x64xi32, #tpu.memory_space<hbm>> -> memref<64x64xi32, #tpu.memory_space<hbm>>
        %dma_start3A_227 = arith.constant 0 : i32
        %dma_start3A_228 = arith.constant 0 : i32
        %dma_start3A_229 = tpu.memref_slice %arg14[%dma_start3A_220, %dma_start3A_227, %dma_start3A_228] : memref<3x64x64xi32, #tpu.memory_space<vmem>> -> memref<1x64x64xi32, #tpu.memory_space<vmem>>
        %dma_start3A_230 = tpu.memref_squeeze %dma_start3A_229 : memref<1x64x64xi32, #tpu.memory_space<vmem>> -> memref<64x64xi32, #tpu.memory_space<vmem>>
        %dma_start3A_231 = arith.constant 0 : i32
        %dma_start3A_232 = tpu.memref_slice %arg3[%mul3A_219, %dma_start3A_231] : memref<320000x64xi32, #tpu.memory_space<hbm>> -> memref<64x64xi32, #tpu.memory_space<hbm>>
        tpu.enqueue_dma source(%dma_start3A_232 : memref<64x64xi32, #tpu.memory_space<hbm>>) target(%dma_start3A_230 : memref<64x64xi32, #tpu.memory_space<vmem>>) target_semaphore(%arg24 : memref<!tpu.dma_semaphore, #tpu.memory_space<semaphore_mem>>)
      } else {
      }
      %mul3A_140 = arith.constant 32 : i32
      %mul3A_141 = arith.muli %add3A_129, %mul3A_140 : i32
      %add3A_142 = arith.addi %mul3A_141, %add3A : i32
      %lt3A_143 = arith.constant 5000 : i32
      %lt3A_144 = arith.cmpi slt, %add3A_142, %lt3A_143 : i32
      %convert_element_type3A_145 = arith.extui %lt3A_144 : i1 to i32
      %cond3A_146 = arith.constant 0 : i32
      %cond3A_147 = arith.cmpi ne, %convert_element_type3A_145, %cond3A_146 : i32
      scf.if %cond3A_147 {
        %dma_wait3A_188 = arith.constant 1 : i32
        %dma_wait3A_189 = arith.constant 0 : i32
        %dma_wait3A_190 = arith.constant 0 : i32
        %dma_wait3A_191 = tpu.memref_slice %arg13[%dma_wait3A_188, %dma_wait3A_189, %dma_wait3A_190] : memref<3x64x128xf32, #tpu.memory_space<vmem>> -> memref<1x64x128xf32, #tpu.memory_space<vmem>>
        %dma_wait3A_192 = tpu.memref_squeeze %dma_wait3A_191 : memref<1x64x128xf32, #tpu.memory_space<vmem>> -> memref<64x128xf32, #tpu.memory_space<vmem>>
        %dma_wait3A_193 = arith.constant 0 : i32
        %dma_wait3A_194 = tpu.memref_slice %arg8[%dma_wait3A_193] : memref<128xi32, #tpu.memory_space<vmem>> -> memref<64xi32, #tpu.memory_space<vmem>>
        %dma_wait3A_195 = arith.constant 0 : i32
        %dma_wait3A_196 = arith.constant 0 : i32
        %dma_wait3A_197 = tpu.memref_slice %arg2[%dma_wait3A_195, %dma_wait3A_196] : memref<10000x128xf32, #tpu.memory_space<hbm>> -> memref<10000x128xf32, #tpu.memory_space<hbm>>
        tpu.wait_indirect_dma semaphore(%arg20 : memref<!tpu.dma_semaphore, #tpu.memory_space<semaphore_mem>>) src(%dma_wait3A_197 : memref<10000x128xf32, #tpu.memory_space<hbm>>) dst(%dma_wait3A_192 : memref<64x128xf32, #tpu.memory_space<vmem>>)
        %mul3A_198 = arith.constant 32 : i32
        %mul3A_199 = arith.muli %add3A_129, %mul3A_198 : i32
        %add3A_200 = arith.addi %mul3A_199, %add3A : i32
        %mul3A_201 = arith.constant 64 : i32
        %mul3A_202 = arith.muli %add3A_200, %mul3A_201 : i32
        %dma_wait3A_203 = arith.constant 1 : i32
        %dma_wait3A_204 = arith.constant 0 : i32
        %dma_wait3A_205 = arith.constant 0 : i32
        %dma_wait3A_206 = tpu.memref_slice %arg14[%dma_wait3A_203, %dma_wait3A_204, %dma_wait3A_205] : memref<3x64x64xi32, #tpu.memory_space<vmem>> -> memref<1x64x64xi32, #tpu.memory_space<vmem>>
        %dma_wait3A_207 = tpu.memref_squeeze %dma_wait3A_206 : memref<1x64x64xi32, #tpu.memory_space<vmem>> -> memref<64x64xi32, #tpu.memory_space<vmem>>
        %dma_wait3A_208 = arith.constant 0 : i32
        %dma_wait3A_209 = tpu.memref_slice %arg3[%mul3A_202, %dma_wait3A_208] : memref<320000x64xi32, #tpu.memory_space<hbm>> -> memref<64x64xi32, #tpu.memory_space<hbm>>
        %dma_wait3A_210 = arith.constant 0 : i32
        %dma_wait3A_211 = arith.constant 0 : i32
        %dma_wait3A_212 = tpu.memref_slice %arg14[%dma_wait3A_203, %dma_wait3A_210, %dma_wait3A_211] : memref<3x64x64xi32, #tpu.memory_space<vmem>> -> memref<1x64x64xi32, #tpu.memory_space<vmem>>
        %dma_wait3A_213 = tpu.memref_squeeze %dma_wait3A_212 : memref<1x64x64xi32, #tpu.memory_space<vmem>> -> memref<64x64xi32, #tpu.memory_space<vmem>>
        %dma_wait3A_214 = arith.constant 0 : i32
        %dma_wait3A_215 = tpu.memref_slice %arg3[%mul3A_202, %dma_wait3A_214] : memref<320000x64xi32, #tpu.memory_space<hbm>> -> memref<64x64xi32, #tpu.memory_space<hbm>>
        tpu.wait_dma2 semaphore(%arg23 : memref<!tpu.dma_semaphore, #tpu.memory_space<semaphore_mem>>) src(%dma_wait3A_215 : memref<64x64xi32, #tpu.memory_space<hbm>>) dst(%dma_wait3A_213 : memref<64x64xi32, #tpu.memory_space<vmem>>)
        %get3A = arith.constant 64 : index
        %get3A_216 = tpu.vector_load %arg8[%get3A] {strides = array<i32>} : memref<128xi32, #tpu.memory_space<vmem>>, vector<16xi32>,
        %swap3A = arith.constant 0 : index
        %swap3A_217 = tpu.vector_load %arg11[%swap3A] {strides = array<i32>} : memref<64xi32, #tpu.memory_space<vmem>>, vector<16xi32>,
        tpu.vector_store %arg11[%swap3A], %get3A_216 {strides = array<i32>} : memref<64xi32, #tpu.memory_space<vmem>>, vector<16xi32>,
        %get3A_218 = arith.constant 80 : index
        %get3A_219 = tpu.vector_load %arg8[%get3A_218] {strides = array<i32>} : memref<128xi32, #tpu.memory_space<vmem>>, vector<16xi32>,
        %swap3A_220 = arith.constant 16 : index
        %swap3A_221 = tpu.vector_load %arg11[%swap3A_220] {strides = array<i32>} : memref<64xi32, #tpu.memory_space<vmem>>, vector<16xi32>,
        tpu.vector_store %arg11[%swap3A_220], %get3A_219 {strides = array<i32>} : memref<64xi32, #tpu.memory_space<vmem>>, vector<16xi32>,
        %get3A_222 = arith.constant 96 : index
        %get3A_223 = tpu.vector_load %arg8[%get3A_222] {strides = array<i32>} : memref<128xi32, #tpu.memory_space<vmem>>, vector<16xi32>,
        %swap3A_224 = arith.constant 32 : index
        %swap3A_225 = tpu.vector_load %arg11[%swap3A_224] {strides = array<i32>} : memref<64xi32, #tpu.memory_space<vmem>>, vector<16xi32>,
        tpu.vector_store %arg11[%swap3A_224], %get3A_223 {strides = array<i32>} : memref<64xi32, #tpu.memory_space<vmem>>, vector<16xi32>,
        %get3A_226 = arith.constant 112 : index
        %get3A_227 = tpu.vector_load %arg8[%get3A_226] {strides = array<i32>} : memref<128xi32, #tpu.memory_space<vmem>>, vector<16xi32>,
        %swap3A_228 = arith.constant 48 : index
        %swap3A_229 = tpu.vector_load %arg11[%swap3A_228] {strides = array<i32>} : memref<64xi32, #tpu.memory_space<vmem>>, vector<16xi32>,
        tpu.vector_store %arg11[%swap3A_228], %get3A_227 {strides = array<i32>} : memref<64xi32, #tpu.memory_space<vmem>>, vector<16xi32>,
        %scan3A_230 = arith.constant 0 : i32
        %scan3A_231 = arith.constant 64 : i32
        %scan3A_232 = arith.addi %scan3A_230, %scan3A_231 : i32
        %scan3A_233 = arith.constant 1 : i32
        scf.for %scan3A_243 = %scan3A_230 to %scan3A_232 step %scan3A_233  : i32 {
          %mul3A_244 = arith.constant 1 : i32
          %mul3A_245 = arith.muli %scan3A_243, %mul3A_244 : i32
          %add3A_246 = arith.constant 0 : i32
          %add3A_247 = arith.addi %add3A_246, %mul3A_245 : i32
          %get3A_248 = arith.constant 1 : i32
          %get3A_249 = arith.index_cast %get3A_248 : i32 to index
          %get3A_250 = arith.index_cast %add3A_247 : i32 to index
          %get3A_251 = arith.constant 0 : index
          %get3A_252 = tpu.vector_load %arg14[%get3A_249, %get3A_250, %get3A_251] {strides = array<i32>} : memref<3x64x64xi32, #tpu.memory_space<vmem>>, vector<16xi32>,
          %bitcast3A = vector.bitcast %get3A_252 : vector<16xi32> to vector<32xbf16>
          %unpack3A = tpu.unpack_subelements %bitcast3A, 0 {pack_format = #tpu.pack_format<interleaved>} : vector<32xbf16> -> vector<16xf32>
          %unpack3A_253 = tpu.unpack_subelements %bitcast3A, 1 {pack_format = #tpu.pack_format<interleaved>} : vector<32xbf16> -> vector<16xf32>
          %get3A_254 = arith.constant 1 : i32
          %get3A_255 = arith.index_cast %get3A_254 : i32 to index
          %get3A_256 = arith.index_cast %add3A_247 : i32 to index
          %get3A_257 = arith.constant 0 : index
          %get3A_258 = tpu.vector_load %arg13[%get3A_255, %get3A_256, %get3A_257] {strides = array<i32>} : memref<3x64x128xf32, #tpu.memory_space<vmem>>, vector<16xf32>,
          %add3A_259 = arith.addf %get3A_258, %unpack3A : vector<16xf32>
          %max3A = arith.constant 0.000000e+00 : f32
          %max3A_260 = vector.broadcast %max3A : f32 to vector<16xf32>
          %max3A_261 = arith.maximumf %add3A_259, %max3A_260 : vector<16xf32>
          %swap3A_262 = arith.constant 1 : i32
          %swap3A_263 = arith.index_cast %swap3A_262 : i32 to index
          %swap3A_264 = arith.index_cast %add3A_247 : i32 to index
          %swap3A_265 = arith.constant 0 : index
          %swap3A_266 = tpu.vector_load %arg13[%swap3A_263, %swap3A_264, %swap3A_265] {strides = array<i32>} : memref<3x64x128xf32, #tpu.memory_space<vmem>>, vector<16xf32>,
          tpu.vector_store %arg13[%swap3A_263, %swap3A_264, %swap3A_265], %max3A_261 {strides = array<i32>} : memref<3x64x128xf32, #tpu.memory_space<vmem>>, vector<16xf32>,
          %get3A_267 = arith.constant 1 : i32
          %get3A_268 = arith.index_cast %get3A_267 : i32 to index
          %get3A_269 = arith.index_cast %add3A_247 : i32 to index
          %get3A_270 = arith.constant 16 : index
          %get3A_271 = tpu.vector_load %arg13[%get3A_268, %get3A_269, %get3A_270] {strides = array<i32>} : memref<3x64x128xf32, #tpu.memory_space<vmem>>, vector<16xf32>,
          %add3A_272 = arith.addf %get3A_271, %unpack3A_253 : vector<16xf32>
          %max3A_273 = arith.constant 0.000000e+00 : f32
          %max3A_274 = vector.broadcast %max3A_273 : f32 to vector<16xf32>
          %max3A_275 = arith.maximumf %add3A_272, %max3A_274 : vector<16xf32>
          %swap3A_276 = arith.constant 1 : i32
          %swap3A_277 = arith.index_cast %swap3A_276 : i32 to index
          %swap3A_278 = arith.index_cast %add3A_247 : i32 to index
          %swap3A_279 = arith.constant 16 : index
          %swap3A_280 = tpu.vector_load %arg13[%swap3A_277, %swap3A_278, %swap3A_279] {strides = array<i32>} : memref<3x64x128xf32, #tpu.memory_space<vmem>>, vector<16xf32>,
          tpu.vector_store %arg13[%swap3A_277, %swap3A_278, %swap3A_279], %max3A_275 {strides = array<i32>} : memref<3x64x128xf32, #tpu.memory_space<vmem>>, vector<16xf32>,
          %get3A_281 = arith.constant 1 : i32
          %get3A_282 = arith.index_cast %get3A_281 : i32 to index
          %get3A_283 = arith.index_cast %add3A_247 : i32 to index
          %get3A_284 = arith.constant 16 : index
          %get3A_285 = tpu.vector_load %arg14[%get3A_282, %get3A_283, %get3A_284] {strides = array<i32>} : memref<3x64x64xi32, #tpu.memory_space<vmem>>, vector<16xi32>,
          %bitcast3A_286 = vector.bitcast %get3A_285 : vector<16xi32> to vector<32xbf16>
          %unpack3A_287 = tpu.unpack_subelements %bitcast3A_286, 0 {pack_format = #tpu.pack_format<interleaved>} : vector<32xbf16> -> vector<16xf32>
          %unpack3A_288 = tpu.unpack_subelements %bitcast3A_286, 1 {pack_format = #tpu.pack_format<interleaved>} : vector<32xbf16> -> vector<16xf32>
          %get3A_289 = arith.constant 1 : i32
          %get3A_290 = arith.index_cast %get3A_289 : i32 to index
          %get3A_291 = arith.index_cast %add3A_247 : i32 to index
          %get3A_292 = arith.constant 32 : index
          %get3A_293 = tpu.vector_load %arg13[%get3A_290, %get3A_291, %get3A_292] {strides = array<i32>} : memref<3x64x128xf32, #tpu.memory_space<vmem>>, vector<16xf32>,
          %add3A_294 = arith.addf %get3A_293, %unpack3A_287 : vector<16xf32>
          %max3A_295 = arith.constant 0.000000e+00 : f32
          %max3A_296 = vector.broadcast %max3A_295 : f32 to vector<16xf32>
          %max3A_297 = arith.maximumf %add3A_294, %max3A_296 : vector<16xf32>
          %swap3A_298 = arith.constant 1 : i32
          %swap3A_299 = arith.index_cast %swap3A_298 : i32 to index
          %swap3A_300 = arith.index_cast %add3A_247 : i32 to index
          %swap3A_301 = arith.constant 32 : index
          %swap3A_302 = tpu.vector_load %arg13[%swap3A_299, %swap3A_300, %swap3A_301] {strides = array<i32>} : memref<3x64x128xf32, #tpu.memory_space<vmem>>, vector<16xf32>,
          tpu.vector_store %arg13[%swap3A_299, %swap3A_300, %swap3A_301], %max3A_297 {strides = array<i32>} : memref<3x64x128xf32, #tpu.memory_space<vmem>>, vector<16xf32>,
          %get3A_303 = arith.constant 1 : i32
          %get3A_304 = arith.index_cast %get3A_303 : i32 to index
          %get3A_305 = arith.index_cast %add3A_247 : i32 to index
          %get3A_306 = arith.constant 48 : index
          %get3A_307 = tpu.vector_load %arg13[%get3A_304, %get3A_305, %get3A_306] {strides = array<i32>} : memref<3x64x128xf32, #tpu.memory_space<vmem>>, vector<16xf32>,
          %add3A_308 = arith.addf %get3A_307, %unpack3A_288 : vector<16xf32>
          %max3A_309 = arith.constant 0.000000e+00 : f32
          %max3A_310 = vector.broadcast %max3A_309 : f32 to vector<16xf32>
          %max3A_311 = arith.maximumf %add3A_308, %max3A_310 : vector<16xf32>
          %swap3A_312 = arith.constant 1 : i32
          %swap3A_313 = arith.index_cast %swap3A_312 : i32 to index
          %swap3A_314 = arith.index_cast %add3A_247 : i32 to index
          %swap3A_315 = arith.constant 48 : index
          %swap3A_316 = tpu.vector_load %arg13[%swap3A_313, %swap3A_314, %swap3A_315] {strides = array<i32>} : memref<3x64x128xf32, #tpu.memory_space<vmem>>, vector<16xf32>,
          tpu.vector_store %arg13[%swap3A_313, %swap3A_314, %swap3A_315], %max3A_311 {strides = array<i32>} : memref<3x64x128xf32, #tpu.memory_space<vmem>>, vector<16xf32>,
          %get3A_317 = arith.constant 1 : i32
          %get3A_318 = arith.index_cast %get3A_317 : i32 to index
          %get3A_319 = arith.index_cast %add3A_247 : i32 to index
          %get3A_320 = arith.constant 32 : index
          %get3A_321 = tpu.vector_load %arg14[%get3A_318, %get3A_319, %get3A_320] {strides = array<i32>} : memref<3x64x64xi32, #tpu.memory_space<vmem>>, vector<16xi32>,
          %bitcast3A_322 = vector.bitcast %get3A_321 : vector<16xi32> to vector<32xbf16>
          %unpack3A_323 = tpu.unpack_subelements %bitcast3A_322, 0 {pack_format = #tpu.pack_format<interleaved>} : vector<32xbf16> -> vector<16xf32>
          %unpack3A_324 = tpu.unpack_subelements %bitcast3A_322, 1 {pack_format = #tpu.pack_format<interleaved>} : vector<32xbf16> -> vector<16xf32>
          %get3A_325 = arith.constant 1 : i32
          %get3A_326 = arith.index_cast %get3A_325 : i32 to index
          %get3A_327 = arith.index_cast %add3A_247 : i32 to index
          %get3A_328 = arith.constant 64 : index
          %get3A_329 = tpu.vector_load %arg13[%get3A_326, %get3A_327, %get3A_328] {strides = array<i32>} : memref<3x64x128xf32, #tpu.memory_space<vmem>>, vector<16xf32>,
          %add3A_330 = arith.addf %get3A_329, %unpack3A_323 : vector<16xf32>
          %max3A_331 = arith.constant 0.000000e+00 : f32
          %max3A_332 = vector.broadcast %max3A_331 : f32 to vector<16xf32>
          %max3A_333 = arith.maximumf %add3A_330, %max3A_332 : vector<16xf32>
          %swap3A_334 = arith.constant 1 : i32
          %swap3A_335 = arith.index_cast %swap3A_334 : i32 to index
          %swap3A_336 = arith.index_cast %add3A_247 : i32 to index
          %swap3A_337 = arith.constant 64 : index
          %swap3A_338 = tpu.vector_load %arg13[%swap3A_335, %swap3A_336, %swap3A_337] {strides = array<i32>} : memref<3x64x128xf32, #tpu.memory_space<vmem>>, vector<16xf32>,
          tpu.vector_store %arg13[%swap3A_335, %swap3A_336, %swap3A_337], %max3A_333 {strides = array<i32>} : memref<3x64x128xf32, #tpu.memory_space<vmem>>, vector<16xf32>,
          %get3A_339 = arith.constant 1 : i32
          %get3A_340 = arith.index_cast %get3A_339 : i32 to index
          %get3A_341 = arith.index_cast %add3A_247 : i32 to index
          %get3A_342 = arith.constant 80 : index
          %get3A_343 = tpu.vector_load %arg13[%get3A_340, %get3A_341, %get3A_342] {strides = array<i32>} : memref<3x64x128xf32, #tpu.memory_space<vmem>>, vector<16xf32>,
          %add3A_344 = arith.addf %get3A_343, %unpack3A_324 : vector<16xf32>
          %max3A_345 = arith.constant 0.000000e+00 : f32
          %max3A_346 = vector.broadcast %max3A_345 : f32 to vector<16xf32>
          %max3A_347 = arith.maximumf %add3A_344, %max3A_346 : vector<16xf32>
          %swap3A_348 = arith.constant 1 : i32
          %swap3A_349 = arith.index_cast %swap3A_348 : i32 to index
          %swap3A_350 = arith.index_cast %add3A_247 : i32 to index
          %swap3A_351 = arith.constant 80 : index
          %swap3A_352 = tpu.vector_load %arg13[%swap3A_349, %swap3A_350, %swap3A_351] {strides = array<i32>} : memref<3x64x128xf32, #tpu.memory_space<vmem>>, vector<16xf32>,
          tpu.vector_store %arg13[%swap3A_349, %swap3A_350, %swap3A_351], %max3A_347 {strides = array<i32>} : memref<3x64x128xf32, #tpu.memory_space<vmem>>, vector<16xf32>,
          %get3A_353 = arith.constant 1 : i32
          %get3A_354 = arith.index_cast %get3A_353 : i32 to index
          %get3A_355 = arith.index_cast %add3A_247 : i32 to index
          %get3A_356 = arith.constant 48 : index
          %get3A_357 = tpu.vector_load %arg14[%get3A_354, %get3A_355, %get3A_356] {strides = array<i32>} : memref<3x64x64xi32, #tpu.memory_space<vmem>>, vector<16xi32>,
          %bitcast3A_358 = vector.bitcast %get3A_357 : vector<16xi32> to vector<32xbf16>
          %unpack3A_359 = tpu.unpack_subelements %bitcast3A_358, 0 {pack_format = #tpu.pack_format<interleaved>} : vector<32xbf16> -> vector<16xf32>
          %unpack3A_360 = tpu.unpack_subelements %bitcast3A_358, 1 {pack_format = #tpu.pack_format<interleaved>} : vector<32xbf16> -> vector<16xf32>
          %get3A_361 = arith.constant 1 : i32
          %get3A_362 = arith.index_cast %get3A_361 : i32 to index
          %get3A_363 = arith.index_cast %add3A_247 : i32 to index
          %get3A_364 = arith.constant 96 : index
          %get3A_365 = tpu.vector_load %arg13[%get3A_362, %get3A_363, %get3A_364] {strides = array<i32>} : memref<3x64x128xf32, #tpu.memory_space<vmem>>, vector<16xf32>,
          %add3A_366 = arith.addf %get3A_365, %unpack3A_359 : vector<16xf32>
          %max3A_367 = arith.constant 0.000000e+00 : f32
          %max3A_368 = vector.broadcast %max3A_367 : f32 to vector<16xf32>
          %max3A_369 = arith.maximumf %add3A_366, %max3A_368 : vector<16xf32>
          %swap3A_370 = arith.constant 1 : i32
          %swap3A_371 = arith.index_cast %swap3A_370 : i32 to index
          %swap3A_372 = arith.index_cast %add3A_247 : i32 to index
          %swap3A_373 = arith.constant 96 : index
          %swap3A_374 = tpu.vector_load %arg13[%swap3A_371, %swap3A_372, %swap3A_373] {strides = array<i32>} : memref<3x64x128xf32, #tpu.memory_space<vmem>>, vector<16xf32>,
          tpu.vector_store %arg13[%swap3A_371, %swap3A_372, %swap3A_373], %max3A_369 {strides = array<i32>} : memref<3x64x128xf32, #tpu.memory_space<vmem>>, vector<16xf32>,
          %get3A_375 = arith.constant 1 : i32
          %get3A_376 = arith.index_cast %get3A_375 : i32 to index
          %get3A_377 = arith.index_cast %add3A_247 : i32 to index
          %get3A_378 = arith.constant 112 : index
          %get3A_379 = tpu.vector_load %arg13[%get3A_376, %get3A_377, %get3A_378] {strides = array<i32>} : memref<3x64x128xf32, #tpu.memory_space<vmem>>, vector<16xf32>,
          %add3A_380 = arith.addf %get3A_379, %unpack3A_360 : vector<16xf32>
          %max3A_381 = arith.constant 0.000000e+00 : f32
          %max3A_382 = vector.broadcast %max3A_381 : f32 to vector<16xf32>
          %max3A_383 = arith.maximumf %add3A_380, %max3A_382 : vector<16xf32>
          %swap3A_384 = arith.constant 1 : i32
          %swap3A_385 = arith.index_cast %swap3A_384 : i32 to index
          %swap3A_386 = arith.index_cast %add3A_247 : i32 to index
          %swap3A_387 = arith.constant 112 : index
          %swap3A_388 = tpu.vector_load %arg13[%swap3A_385, %swap3A_386, %swap3A_387] {strides = array<i32>} : memref<3x64x128xf32, #tpu.memory_space<vmem>>, vector<16xf32>,
          tpu.vector_store %arg13[%swap3A_385, %swap3A_386, %swap3A_387], %max3A_383 {strides = array<i32>} : memref<3x64x128xf32, #tpu.memory_space<vmem>>, vector<16xf32>,
        }
        %scan3A_234 = arith.constant 64 : i32
        %dma_start3A_235 = arith.constant 1 : i32
        %dma_start3A_236 = arith.constant 0 : i32
        %dma_start3A_237 = arith.constant 0 : i32
        %dma_start3A_238 = tpu.memref_slice %arg13[%dma_start3A_235, %dma_start3A_236, %dma_start3A_237] : memref<3x64x128xf32, #tpu.memory_space<vmem>> -> memref<1x64x128xf32, #tpu.memory_space<vmem>>
        %dma_start3A_239 = tpu.memref_squeeze %dma_start3A_238 : memref<1x64x128xf32, #tpu.memory_space<vmem>> -> memref<64x128xf32, #tpu.memory_space<vmem>>
        %dma_start3A_240 = arith.constant 0 : i32
        %dma_start3A_241 = arith.constant 0 : i32
        %dma_start3A_242 = tpu.memref_slice %arg15[%dma_start3A_240, %dma_start3A_241] : memref<10000x128xf32, #tpu.memory_space<vmem_shared>> -> memref<10000x128xf32, #tpu.memory_space<vmem_shared>>
        tpu.enqueue_indirect_dma source(%dma_start3A_239 : memref<64x128xf32, #tpu.memory_space<vmem>>) target(%dma_start3A_242 : memref<10000x128xf32, #tpu.memory_space<vmem_shared>>) offsets(%arg11 : memref<64xi32, #tpu.memory_space<vmem>>) semaphore(%arg26 : memref<!tpu.dma_semaphore, #tpu.memory_space<semaphore_mem>>) {add = true}
      } else {
      }
      %add3A_148 = arith.constant 3 : i32
      %add3A_149 = arith.addi %add3A_129, %add3A_148 : i32
      %mul3A_150 = arith.constant 32 : i32
      %mul3A_151 = arith.muli %add3A_149, %mul3A_150 : i32
      %add3A_152 = arith.addi %mul3A_151, %add3A : i32
      %lt3A_153 = arith.constant 5000 : i32
      %lt3A_154 = arith.cmpi slt, %add3A_152, %lt3A_153 : i32
      %convert_element_type3A_155 = arith.extui %lt3A_154 : i1 to i32
      %cond3A_156 = arith.constant 0 : i32
      %cond3A_157 = arith.cmpi ne, %convert_element_type3A_155, %cond3A_156 : i32
      scf.if %cond3A_157 {
        %add3A_188 = arith.constant 3 : i32
        %add3A_189 = arith.addi %add3A_129, %add3A_188 : i32
        %mul3A_190 = arith.constant 32 : i32
        %mul3A_191 = arith.muli %add3A_189, %mul3A_190 : i32
        %add3A_192 = arith.addi %mul3A_191, %add3A : i32
        %mul3A_193 = arith.constant 2 : i32
        %mul3A_194 = arith.muli %add3A_192, %mul3A_193 : i32
        %mul3A_195 = arith.constant 64 : i32
        %mul3A_196 = arith.muli %mul3A_194, %mul3A_195 : i32
        %dma_start3A_197 = tpu.memref_slice %arg4[%mul3A_196] : memref<640000xi32, #tpu.memory_space<hbm>> -> memref<128xi32, #tpu.memory_space<hbm>>
        %dma_start3A_198 = tpu.memref_slice %arg4[%mul3A_196] : memref<640000xi32, #tpu.memory_space<hbm>> -> memref<128xi32, #tpu.memory_space<hbm>>
        tpu.enqueue_dma source(%dma_start3A_198 : memref<128xi32, #tpu.memory_space<hbm>>) target(%arg8 : memref<128xi32, #tpu.memory_space<vmem>>) target_semaphore(%arg17 : memref<!tpu.dma_semaphore, #tpu.memory_space<semaphore_mem>>)
      } else {
      }
      %add3A_158 = arith.constant 2 : i32
      %add3A_159 = arith.addi %add3A_100, %add3A_158 : i32
      %add3A_160 = arith.constant 1 : i32
      %add3A_161 = arith.addi %add3A_159, %add3A_160 : i32
      %mul3A_162 = arith.constant 32 : i32
      %mul3A_163 = arith.muli %add3A_161, %mul3A_162 : i32
      %add3A_164 = arith.addi %mul3A_163, %add3A : i32
      %lt3A_165 = arith.constant 5000 : i32
      %lt3A_166 = arith.cmpi slt, %add3A_164, %lt3A_165 : i32
      %convert_element_type3A_167 = arith.extui %lt3A_166 : i1 to i32
      %cond3A_168 = arith.constant 0 : i32
      %cond3A_169 = arith.cmpi ne, %convert_element_type3A_167, %cond3A_168 : i32
      scf.if %cond3A_169 {
        %add3A_188 = arith.constant 1 : i32
        %add3A_189 = arith.addi %add3A_159, %add3A_188 : i32
        %mul3A_190 = arith.constant 32 : i32
        %mul3A_191 = arith.muli %add3A_189, %mul3A_190 : i32
        %add3A_192 = arith.addi %mul3A_191, %add3A : i32
        %mul3A_193 = arith.constant 2 : i32
        %mul3A_194 = arith.muli %add3A_192, %mul3A_193 : i32
        %mul3A_195 = arith.constant 64 : i32
        %mul3A_196 = arith.muli %mul3A_194, %mul3A_195 : i32
        %dma_wait3A_197 = tpu.memref_slice %arg4[%mul3A_196] : memref<640000xi32, #tpu.memory_space<hbm>> -> memref<128xi32, #tpu.memory_space<hbm>>
        %dma_wait3A_198 = tpu.memref_slice %arg4[%mul3A_196] : memref<640000xi32, #tpu.memory_space<hbm>> -> memref<128xi32, #tpu.memory_space<hbm>>
        tpu.wait_dma2 semaphore(%arg16 : memref<!tpu.dma_semaphore, #tpu.memory_space<semaphore_mem>>) src(%dma_wait3A_198 : memref<128xi32, #tpu.memory_space<hbm>>) dst(%arg7 : memref<128xi32, #tpu.memory_space<vmem>>)
        %ge3A = arith.constant 2 : i32
        %ge3A_199 = arith.cmpi sge, %add3A_159, %ge3A : i32
        %convert_element_type3A_200 = arith.extui %ge3A_199 : i1 to i32
        %cond3A_201 = arith.constant 0 : i32
        %cond3A_202 = arith.cmpi ne, %convert_element_type3A_200, %cond3A_201 : i32
        scf.if %cond3A_202 {
          %dma_wait3A_233 = arith.constant 0 : i32
          %dma_wait3A_234 = arith.constant 0 : i32
          %dma_wait3A_235 = arith.constant 0 : i32
          %dma_wait3A_236 = tpu.memref_slice %arg13[%dma_wait3A_233, %dma_wait3A_234, %dma_wait3A_235] : memref<3x64x128xf32, #tpu.memory_space<vmem>> -> memref<1x64x128xf32, #tpu.memory_space<vmem>>
          %dma_wait3A_237 = tpu.memref_squeeze %dma_wait3A_236 : memref<1x64x128xf32, #tpu.memory_space<vmem>> -> memref<64x128xf32, #tpu.memory_space<vmem>>
          %dma_wait3A_238 = arith.constant 0 : i32
          %dma_wait3A_239 = arith.constant 0 : i32
          %dma_wait3A_240 = tpu.memref_slice %arg15[%dma_wait3A_238, %dma_wait3A_239] : memref<10000x128xf32, #tpu.memory_space<vmem_shared>> -> memref<10000x128xf32, #tpu.memory_space<vmem_shared>>
          tpu.wait_indirect_dma semaphore(%arg25 : memref<!tpu.dma_semaphore, #tpu.memory_space<semaphore_mem>>) src(%dma_wait3A_237 : memref<64x128xf32, #tpu.memory_space<vmem>>) dst(%dma_wait3A_240 : memref<10000x128xf32, #tpu.memory_space<vmem_shared>>)
        } else {
        }
        %add3A_203 = arith.constant 1 : i32
        %add3A_204 = arith.addi %add3A_159, %add3A_203 : i32
        %dma_start3A_205 = arith.constant 0 : i32
        %dma_start3A_206 = arith.constant 0 : i32
        %dma_start3A_207 = arith.constant 0 : i32
        %dma_start3A_208 = tpu.memref_slice %arg13[%dma_start3A_205, %dma_start3A_206, %dma_start3A_207] : memref<3x64x128xf32, #tpu.memory_space<vmem>> -> memref<1x64x128xf32, #tpu.memory_space<vmem>>
        %dma_start3A_209 = tpu.memref_squeeze %dma_start3A_208 : memref<1x64x128xf32, #tpu.memory_space<vmem>> -> memref<64x128xf32, #tpu.memory_space<vmem>>
        %dma_start3A_210 = arith.constant 0 : i32
        %dma_start3A_211 = tpu.memref_slice %arg7[%dma_start3A_210] : memref<128xi32, #tpu.memory_space<vmem>> -> memref<64xi32, #tpu.memory_space<vmem>>
        %dma_start3A_212 = arith.constant 0 : i32
        %dma_start3A_213 = arith.constant 0 : i32
        %dma_start3A_214 = tpu.memref_slice %arg2[%dma_start3A_212, %dma_start3A_213] : memref<10000x128xf32, #tpu.memory_space<hbm>> -> memref<10000x128xf32, #tpu.memory_space<hbm>>
        tpu.enqueue_indirect_dma source(%dma_start3A_214 : memref<10000x128xf32, #tpu.memory_space<hbm>>) target(%dma_start3A_209 : memref<64x128xf32, #tpu.memory_space<vmem>>) offsets(%dma_start3A_211 : memref<64xi32, #tpu.memory_space<vmem>>) semaphore(%arg19 : memref<!tpu.dma_semaphore, #tpu.memory_space<semaphore_mem>>)
        %mul3A_215 = arith.constant 32 : i32
        %mul3A_216 = arith.muli %add3A_204, %mul3A_215 : i32
        %add3A_217 = arith.addi %mul3A_216, %add3A : i32
        %mul3A_218 = arith.constant 64 : i32
        %mul3A_219 = arith.muli %add3A_217, %mul3A_218 : i32
        %dma_start3A_220 = arith.constant 0 : i32
        %dma_start3A_221 = arith.constant 0 : i32
        %dma_start3A_222 = arith.constant 0 : i32
        %dma_start3A_223 = tpu.memref_slice %arg14[%dma_start3A_220, %dma_start3A_221, %dma_start3A_222] : memref<3x64x64xi32, #tpu.memory_space<vmem>> -> memref<1x64x64xi32, #tpu.memory_space<vmem>>
        %dma_start3A_224 = tpu.memref_squeeze %dma_start3A_223 : memref<1x64x64xi32, #tpu.memory_space<vmem>> -> memref<64x64xi32, #tpu.memory_space<vmem>>
        %dma_start3A_225 = arith.constant 0 : i32
        %dma_start3A_226 = tpu.memref_slice %arg3[%mul3A_219, %dma_start3A_225] : memref<320000x64xi32, #tpu.memory_space<hbm>> -> memref<64x64xi32, #tpu.memory_space<hbm>>
        %dma_start3A_227 = arith.constant 0 : i32
        %dma_start3A_228 = arith.constant 0 : i32
        %dma_start3A_229 = tpu.memref_slice %arg14[%dma_start3A_220, %dma_start3A_227, %dma_start3A_228] : memref<3x64x64xi32, #tpu.memory_space<vmem>> -> memref<1x64x64xi32, #tpu.memory_space<vmem>>
        %dma_start3A_230 = tpu.memref_squeeze %dma_start3A_229 : memref<1x64x64xi32, #tpu.memory_space<vmem>> -> memref<64x64xi32, #tpu.memory_space<vmem>>
        %dma_start3A_231 = arith.constant 0 : i32
        %dma_start3A_232 = tpu.memref_slice %arg3[%mul3A_219, %dma_start3A_231] : memref<320000x64xi32, #tpu.memory_space<hbm>> -> memref<64x64xi32, #tpu.memory_space<hbm>>
        tpu.enqueue_dma source(%dma_start3A_232 : memref<64x64xi32, #tpu.memory_space<hbm>>) target(%dma_start3A_230 : memref<64x64xi32, #tpu.memory_space<vmem>>) target_semaphore(%arg22 : memref<!tpu.dma_semaphore, #tpu.memory_space<semaphore_mem>>)
      } else {
      }
      %mul3A_170 = arith.constant 32 : i32
      %mul3A_171 = arith.muli %add3A_159, %mul3A_170 : i32
      %add3A_172 = arith.addi %mul3A_171, %add3A : i32
      %lt3A_173 = arith.constant 5000 : i32
      %lt3A_174 = arith.cmpi slt, %add3A_172, %lt3A_173 : i32
      %convert_element_type3A_175 = arith.extui %lt3A_174 : i1 to i32
      %cond3A_176 = arith.constant 0 : i32
      %cond3A_177 = arith.cmpi ne, %convert_element_type3A_175, %cond3A_176 : i32
      scf.if %cond3A_177 {
        %dma_wait3A_188 = arith.constant 2 : i32
        %dma_wait3A_189 = arith.constant 0 : i32
        %dma_wait3A_190 = arith.constant 0 : i32
        %dma_wait3A_191 = tpu.memref_slice %arg13[%dma_wait3A_188, %dma_wait3A_189, %dma_wait3A_190] : memref<3x64x128xf32, #tpu.memory_space<vmem>> -> memref<1x64x128xf32, #tpu.memory_space<vmem>>
        %dma_wait3A_192 = tpu.memref_squeeze %dma_wait3A_191 : memref<1x64x128xf32, #tpu.memory_space<vmem>> -> memref<64x128xf32, #tpu.memory_space<vmem>>
        %dma_wait3A_193 = arith.constant 0 : i32
        %dma_wait3A_194 = tpu.memref_slice %arg9[%dma_wait3A_193] : memref<128xi32, #tpu.memory_space<vmem>> -> memref<64xi32, #tpu.memory_space<vmem>>
        %dma_wait3A_195 = arith.constant 0 : i32
        %dma_wait3A_196 = arith.constant 0 : i32
        %dma_wait3A_197 = tpu.memref_slice %arg2[%dma_wait3A_195, %dma_wait3A_196] : memref<10000x128xf32, #tpu.memory_space<hbm>> -> memref<10000x128xf32, #tpu.memory_space<hbm>>
        tpu.wait_indirect_dma semaphore(%arg21 : memref<!tpu.dma_semaphore, #tpu.memory_space<semaphore_mem>>) src(%dma_wait3A_197 : memref<10000x128xf32, #tpu.memory_space<hbm>>) dst(%dma_wait3A_192 : memref<64x128xf32, #tpu.memory_space<vmem>>)
        %mul3A_198 = arith.constant 32 : i32
        %mul3A_199 = arith.muli %add3A_159, %mul3A_198 : i32
        %add3A_200 = arith.addi %mul3A_199, %add3A : i32
        %mul3A_201 = arith.constant 64 : i32
        %mul3A_202 = arith.muli %add3A_200, %mul3A_201 : i32
        %dma_wait3A_203 = arith.constant 2 : i32
        %dma_wait3A_204 = arith.constant 0 : i32
        %dma_wait3A_205 = arith.constant 0 : i32
        %dma_wait3A_206 = tpu.memref_slice %arg14[%dma_wait3A_203, %dma_wait3A_204, %dma_wait3A_205] : memref<3x64x64xi32, #tpu.memory_space<vmem>> -> memref<1x64x64xi32, #tpu.memory_space<vmem>>
        %dma_wait3A_207 = tpu.memref_squeeze %dma_wait3A_206 : memref<1x64x64xi32, #tpu.memory_space<vmem>> -> memref<64x64xi32, #tpu.memory_space<vmem>>
        %dma_wait3A_208 = arith.constant 0 : i32
        %dma_wait3A_209 = tpu.memref_slice %arg3[%mul3A_202, %dma_wait3A_208] : memref<320000x64xi32, #tpu.memory_space<hbm>> -> memref<64x64xi32, #tpu.memory_space<hbm>>
        %dma_wait3A_210 = arith.constant 0 : i32
        %dma_wait3A_211 = arith.constant 0 : i32
        %dma_wait3A_212 = tpu.memref_slice %arg14[%dma_wait3A_203, %dma_wait3A_210, %dma_wait3A_211] : memref<3x64x64xi32, #tpu.memory_space<vmem>> -> memref<1x64x64xi32, #tpu.memory_space<vmem>>
        %dma_wait3A_213 = tpu.memref_squeeze %dma_wait3A_212 : memref<1x64x64xi32, #tpu.memory_space<vmem>> -> memref<64x64xi32, #tpu.memory_space<vmem>>
        %dma_wait3A_214 = arith.constant 0 : i32
        %dma_wait3A_215 = tpu.memref_slice %arg3[%mul3A_202, %dma_wait3A_214] : memref<320000x64xi32, #tpu.memory_space<hbm>> -> memref<64x64xi32, #tpu.memory_space<hbm>>
        tpu.wait_dma2 semaphore(%arg24 : memref<!tpu.dma_semaphore, #tpu.memory_space<semaphore_mem>>) src(%dma_wait3A_215 : memref<64x64xi32, #tpu.memory_space<hbm>>) dst(%dma_wait3A_213 : memref<64x64xi32, #tpu.memory_space<vmem>>)
        %get3A = arith.constant 64 : index
        %get3A_216 = tpu.vector_load %arg9[%get3A] {strides = array<i32>} : memref<128xi32, #tpu.memory_space<vmem>>, vector<16xi32>,
        %swap3A = arith.constant 0 : index
        %swap3A_217 = tpu.vector_load %arg12[%swap3A] {strides = array<i32>} : memref<64xi32, #tpu.memory_space<vmem>>, vector<16xi32>,
        tpu.vector_store %arg12[%swap3A], %get3A_216 {strides = array<i32>} : memref<64xi32, #tpu.memory_space<vmem>>, vector<16xi32>,
        %get3A_218 = arith.constant 80 : index
        %get3A_219 = tpu.vector_load %arg9[%get3A_218] {strides = array<i32>} : memref<128xi32, #tpu.memory_space<vmem>>, vector<16xi32>,
        %swap3A_220 = arith.constant 16 : index
        %swap3A_221 = tpu.vector_load %arg12[%swap3A_220] {strides = array<i32>} : memref<64xi32, #tpu.memory_space<vmem>>, vector<16xi32>,
        tpu.vector_store %arg12[%swap3A_220], %get3A_219 {strides = array<i32>} : memref<64xi32, #tpu.memory_space<vmem>>, vector<16xi32>,
        %get3A_222 = arith.constant 96 : index
        %get3A_223 = tpu.vector_load %arg9[%get3A_222] {strides = array<i32>} : memref<128xi32, #tpu.memory_space<vmem>>, vector<16xi32>,
        %swap3A_224 = arith.constant 32 : index
        %swap3A_225 = tpu.vector_load %arg12[%swap3A_224] {strides = array<i32>} : memref<64xi32, #tpu.memory_space<vmem>>, vector<16xi32>,
        tpu.vector_store %arg12[%swap3A_224], %get3A_223 {strides = array<i32>} : memref<64xi32, #tpu.memory_space<vmem>>, vector<16xi32>,
        %get3A_226 = arith.constant 112 : index
        %get3A_227 = tpu.vector_load %arg9[%get3A_226] {strides = array<i32>} : memref<128xi32, #tpu.memory_space<vmem>>, vector<16xi32>,
        %swap3A_228 = arith.constant 48 : index
        %swap3A_229 = tpu.vector_load %arg12[%swap3A_228] {strides = array<i32>} : memref<64xi32, #tpu.memory_space<vmem>>, vector<16xi32>,
        tpu.vector_store %arg12[%swap3A_228], %get3A_227 {strides = array<i32>} : memref<64xi32, #tpu.memory_space<vmem>>, vector<16xi32>,
        %scan3A_230 = arith.constant 0 : i32
        %scan3A_231 = arith.constant 64 : i32
        %scan3A_232 = arith.addi %scan3A_230, %scan3A_231 : i32
        %scan3A_233 = arith.constant 1 : i32
        scf.for %scan3A_243 = %scan3A_230 to %scan3A_232 step %scan3A_233  : i32 {
          %mul3A_244 = arith.constant 1 : i32
          %mul3A_245 = arith.muli %scan3A_243, %mul3A_244 : i32
          %add3A_246 = arith.constant 0 : i32
          %add3A_247 = arith.addi %add3A_246, %mul3A_245 : i32
          %get3A_248 = arith.constant 2 : i32
          %get3A_249 = arith.index_cast %get3A_248 : i32 to index
          %get3A_250 = arith.index_cast %add3A_247 : i32 to index
          %get3A_251 = arith.constant 0 : index
          %get3A_252 = tpu.vector_load %arg14[%get3A_249, %get3A_250, %get3A_251] {strides = array<i32>} : memref<3x64x64xi32, #tpu.memory_space<vmem>>, vector<16xi32>,
          %bitcast3A = vector.bitcast %get3A_252 : vector<16xi32> to vector<32xbf16>
          %unpack3A = tpu.unpack_subelements %bitcast3A, 0 {pack_format = #tpu.pack_format<interleaved>} : vector<32xbf16> -> vector<16xf32>
          %unpack3A_253 = tpu.unpack_subelements %bitcast3A, 1 {pack_format = #tpu.pack_format<interleaved>} : vector<32xbf16> -> vector<16xf32>
          %get3A_254 = arith.constant 2 : i32
          %get3A_255 = arith.index_cast %get3A_254 : i32 to index
          %get3A_256 = arith.index_cast %add3A_247 : i32 to index
          %get3A_257 = arith.constant 0 : index
          %get3A_258 = tpu.vector_load %arg13[%get3A_255, %get3A_256, %get3A_257] {strides = array<i32>} : memref<3x64x128xf32, #tpu.memory_space<vmem>>, vector<16xf32>,
          %add3A_259 = arith.addf %get3A_258, %unpack3A : vector<16xf32>
          %max3A = arith.constant 0.000000e+00 : f32
          %max3A_260 = vector.broadcast %max3A : f32 to vector<16xf32>
          %max3A_261 = arith.maximumf %add3A_259, %max3A_260 : vector<16xf32>
          %swap3A_262 = arith.constant 2 : i32
          %swap3A_263 = arith.index_cast %swap3A_262 : i32 to index
          %swap3A_264 = arith.index_cast %add3A_247 : i32 to index
          %swap3A_265 = arith.constant 0 : index
          %swap3A_266 = tpu.vector_load %arg13[%swap3A_263, %swap3A_264, %swap3A_265] {strides = array<i32>} : memref<3x64x128xf32, #tpu.memory_space<vmem>>, vector<16xf32>,
          tpu.vector_store %arg13[%swap3A_263, %swap3A_264, %swap3A_265], %max3A_261 {strides = array<i32>} : memref<3x64x128xf32, #tpu.memory_space<vmem>>, vector<16xf32>,
          %get3A_267 = arith.constant 2 : i32
          %get3A_268 = arith.index_cast %get3A_267 : i32 to index
          %get3A_269 = arith.index_cast %add3A_247 : i32 to index
          %get3A_270 = arith.constant 16 : index
          %get3A_271 = tpu.vector_load %arg13[%get3A_268, %get3A_269, %get3A_270] {strides = array<i32>} : memref<3x64x128xf32, #tpu.memory_space<vmem>>, vector<16xf32>,
          %add3A_272 = arith.addf %get3A_271, %unpack3A_253 : vector<16xf32>
          %max3A_273 = arith.constant 0.000000e+00 : f32
          %max3A_274 = vector.broadcast %max3A_273 : f32 to vector<16xf32>
          %max3A_275 = arith.maximumf %add3A_272, %max3A_274 : vector<16xf32>
          %swap3A_276 = arith.constant 2 : i32
          %swap3A_277 = arith.index_cast %swap3A_276 : i32 to index
          %swap3A_278 = arith.index_cast %add3A_247 : i32 to index
          %swap3A_279 = arith.constant 16 : index
          %swap3A_280 = tpu.vector_load %arg13[%swap3A_277, %swap3A_278, %swap3A_279] {strides = array<i32>} : memref<3x64x128xf32, #tpu.memory_space<vmem>>, vector<16xf32>,
          tpu.vector_store %arg13[%swap3A_277, %swap3A_278, %swap3A_279], %max3A_275 {strides = array<i32>} : memref<3x64x128xf32, #tpu.memory_space<vmem>>, vector<16xf32>,
          %get3A_281 = arith.constant 2 : i32
          %get3A_282 = arith.index_cast %get3A_281 : i32 to index
          %get3A_283 = arith.index_cast %add3A_247 : i32 to index
          %get3A_284 = arith.constant 16 : index
          %get3A_285 = tpu.vector_load %arg14[%get3A_282, %get3A_283, %get3A_284] {strides = array<i32>} : memref<3x64x64xi32, #tpu.memory_space<vmem>>, vector<16xi32>,
          %bitcast3A_286 = vector.bitcast %get3A_285 : vector<16xi32> to vector<32xbf16>
          %unpack3A_287 = tpu.unpack_subelements %bitcast3A_286, 0 {pack_format = #tpu.pack_format<interleaved>} : vector<32xbf16> -> vector<16xf32>
          %unpack3A_288 = tpu.unpack_subelements %bitcast3A_286, 1 {pack_format = #tpu.pack_format<interleaved>} : vector<32xbf16> -> vector<16xf32>
          %get3A_289 = arith.constant 2 : i32
          %get3A_290 = arith.index_cast %get3A_289 : i32 to index
          %get3A_291 = arith.index_cast %add3A_247 : i32 to index
          %get3A_292 = arith.constant 32 : index
          %get3A_293 = tpu.vector_load %arg13[%get3A_290, %get3A_291, %get3A_292] {strides = array<i32>} : memref<3x64x128xf32, #tpu.memory_space<vmem>>, vector<16xf32>,
          %add3A_294 = arith.addf %get3A_293, %unpack3A_287 : vector<16xf32>
          %max3A_295 = arith.constant 0.000000e+00 : f32
          %max3A_296 = vector.broadcast %max3A_295 : f32 to vector<16xf32>
          %max3A_297 = arith.maximumf %add3A_294, %max3A_296 : vector<16xf32>
          %swap3A_298 = arith.constant 2 : i32
          %swap3A_299 = arith.index_cast %swap3A_298 : i32 to index
          %swap3A_300 = arith.index_cast %add3A_247 : i32 to index
          %swap3A_301 = arith.constant 32 : index
          %swap3A_302 = tpu.vector_load %arg13[%swap3A_299, %swap3A_300, %swap3A_301] {strides = array<i32>} : memref<3x64x128xf32, #tpu.memory_space<vmem>>, vector<16xf32>,
          tpu.vector_store %arg13[%swap3A_299, %swap3A_300, %swap3A_301], %max3A_297 {strides = array<i32>} : memref<3x64x128xf32, #tpu.memory_space<vmem>>, vector<16xf32>,
          %get3A_303 = arith.constant 2 : i32
          %get3A_304 = arith.index_cast %get3A_303 : i32 to index
          %get3A_305 = arith.index_cast %add3A_247 : i32 to index
          %get3A_306 = arith.constant 48 : index
          %get3A_307 = tpu.vector_load %arg13[%get3A_304, %get3A_305, %get3A_306] {strides = array<i32>} : memref<3x64x128xf32, #tpu.memory_space<vmem>>, vector<16xf32>,
          %add3A_308 = arith.addf %get3A_307, %unpack3A_288 : vector<16xf32>
          %max3A_309 = arith.constant 0.000000e+00 : f32
          %max3A_310 = vector.broadcast %max3A_309 : f32 to vector<16xf32>
          %max3A_311 = arith.maximumf %add3A_308, %max3A_310 : vector<16xf32>
          %swap3A_312 = arith.constant 2 : i32
          %swap3A_313 = arith.index_cast %swap3A_312 : i32 to index
          %swap3A_314 = arith.index_cast %add3A_247 : i32 to index
          %swap3A_315 = arith.constant 48 : index
          %swap3A_316 = tpu.vector_load %arg13[%swap3A_313, %swap3A_314, %swap3A_315] {strides = array<i32>} : memref<3x64x128xf32, #tpu.memory_space<vmem>>, vector<16xf32>,
          tpu.vector_store %arg13[%swap3A_313, %swap3A_314, %swap3A_315], %max3A_311 {strides = array<i32>} : memref<3x64x128xf32, #tpu.memory_space<vmem>>, vector<16xf32>,
          %get3A_317 = arith.constant 2 : i32
          %get3A_318 = arith.index_cast %get3A_317 : i32 to index
          %get3A_319 = arith.index_cast %add3A_247 : i32 to index
          %get3A_320 = arith.constant 32 : index
          %get3A_321 = tpu.vector_load %arg14[%get3A_318, %get3A_319, %get3A_320] {strides = array<i32>} : memref<3x64x64xi32, #tpu.memory_space<vmem>>, vector<16xi32>,
          %bitcast3A_322 = vector.bitcast %get3A_321 : vector<16xi32> to vector<32xbf16>
          %unpack3A_323 = tpu.unpack_subelements %bitcast3A_322, 0 {pack_format = #tpu.pack_format<interleaved>} : vector<32xbf16> -> vector<16xf32>
          %unpack3A_324 = tpu.unpack_subelements %bitcast3A_322, 1 {pack_format = #tpu.pack_format<interleaved>} : vector<32xbf16> -> vector<16xf32>
          %get3A_325 = arith.constant 2 : i32
          %get3A_326 = arith.index_cast %get3A_325 : i32 to index
          %get3A_327 = arith.index_cast %add3A_247 : i32 to index
          %get3A_328 = arith.constant 64 : index
          %get3A_329 = tpu.vector_load %arg13[%get3A_326, %get3A_327, %get3A_328] {strides = array<i32>} : memref<3x64x128xf32, #tpu.memory_space<vmem>>, vector<16xf32>,
          %add3A_330 = arith.addf %get3A_329, %unpack3A_323 : vector<16xf32>
          %max3A_331 = arith.constant 0.000000e+00 : f32
          %max3A_332 = vector.broadcast %max3A_331 : f32 to vector<16xf32>
          %max3A_333 = arith.maximumf %add3A_330, %max3A_332 : vector<16xf32>
          %swap3A_334 = arith.constant 2 : i32
          %swap3A_335 = arith.index_cast %swap3A_334 : i32 to index
          %swap3A_336 = arith.index_cast %add3A_247 : i32 to index
          %swap3A_337 = arith.constant 64 : index
          %swap3A_338 = tpu.vector_load %arg13[%swap3A_335, %swap3A_336, %swap3A_337] {strides = array<i32>} : memref<3x64x128xf32, #tpu.memory_space<vmem>>, vector<16xf32>,
          tpu.vector_store %arg13[%swap3A_335, %swap3A_336, %swap3A_337], %max3A_333 {strides = array<i32>} : memref<3x64x128xf32, #tpu.memory_space<vmem>>, vector<16xf32>,
          %get3A_339 = arith.constant 2 : i32
          %get3A_340 = arith.index_cast %get3A_339 : i32 to index
          %get3A_341 = arith.index_cast %add3A_247 : i32 to index
          %get3A_342 = arith.constant 80 : index
          %get3A_343 = tpu.vector_load %arg13[%get3A_340, %get3A_341, %get3A_342] {strides = array<i32>} : memref<3x64x128xf32, #tpu.memory_space<vmem>>, vector<16xf32>,
          %add3A_344 = arith.addf %get3A_343, %unpack3A_324 : vector<16xf32>
          %max3A_345 = arith.constant 0.000000e+00 : f32
          %max3A_346 = vector.broadcast %max3A_345 : f32 to vector<16xf32>
          %max3A_347 = arith.maximumf %add3A_344, %max3A_346 : vector<16xf32>
          %swap3A_348 = arith.constant 2 : i32
          %swap3A_349 = arith.index_cast %swap3A_348 : i32 to index
          %swap3A_350 = arith.index_cast %add3A_247 : i32 to index
          %swap3A_351 = arith.constant 80 : index
          %swap3A_352 = tpu.vector_load %arg13[%swap3A_349, %swap3A_350, %swap3A_351] {strides = array<i32>} : memref<3x64x128xf32, #tpu.memory_space<vmem>>, vector<16xf32>,
          tpu.vector_store %arg13[%swap3A_349, %swap3A_350, %swap3A_351], %max3A_347 {strides = array<i32>} : memref<3x64x128xf32, #tpu.memory_space<vmem>>, vector<16xf32>,
          %get3A_353 = arith.constant 2 : i32
          %get3A_354 = arith.index_cast %get3A_353 : i32 to index
          %get3A_355 = arith.index_cast %add3A_247 : i32 to index
          %get3A_356 = arith.constant 48 : index
          %get3A_357 = tpu.vector_load %arg14[%get3A_354, %get3A_355, %get3A_356] {strides = array<i32>} : memref<3x64x64xi32, #tpu.memory_space<vmem>>, vector<16xi32>,
          %bitcast3A_358 = vector.bitcast %get3A_357 : vector<16xi32> to vector<32xbf16>
          %unpack3A_359 = tpu.unpack_subelements %bitcast3A_358, 0 {pack_format = #tpu.pack_format<interleaved>} : vector<32xbf16> -> vector<16xf32>
          %unpack3A_360 = tpu.unpack_subelements %bitcast3A_358, 1 {pack_format = #tpu.pack_format<interleaved>} : vector<32xbf16> -> vector<16xf32>
          %get3A_361 = arith.constant 2 : i32
          %get3A_362 = arith.index_cast %get3A_361 : i32 to index
          %get3A_363 = arith.index_cast %add3A_247 : i32 to index
          %get3A_364 = arith.constant 96 : index
          %get3A_365 = tpu.vector_load %arg13[%get3A_362, %get3A_363, %get3A_364] {strides = array<i32>} : memref<3x64x128xf32, #tpu.memory_space<vmem>>, vector<16xf32>,
          %add3A_366 = arith.addf %get3A_365, %unpack3A_359 : vector<16xf32>
          %max3A_367 = arith.constant 0.000000e+00 : f32
          %max3A_368 = vector.broadcast %max3A_367 : f32 to vector<16xf32>
          %max3A_369 = arith.maximumf %add3A_366, %max3A_368 : vector<16xf32>
          %swap3A_370 = arith.constant 2 : i32
          %swap3A_371 = arith.index_cast %swap3A_370 : i32 to index
          %swap3A_372 = arith.index_cast %add3A_247 : i32 to index
          %swap3A_373 = arith.constant 96 : index
          %swap3A_374 = tpu.vector_load %arg13[%swap3A_371, %swap3A_372, %swap3A_373] {strides = array<i32>} : memref<3x64x128xf32, #tpu.memory_space<vmem>>, vector<16xf32>,
          tpu.vector_store %arg13[%swap3A_371, %swap3A_372, %swap3A_373], %max3A_369 {strides = array<i32>} : memref<3x64x128xf32, #tpu.memory_space<vmem>>, vector<16xf32>,
          %get3A_375 = arith.constant 2 : i32
          %get3A_376 = arith.index_cast %get3A_375 : i32 to index
          %get3A_377 = arith.index_cast %add3A_247 : i32 to index
          %get3A_378 = arith.constant 112 : index
          %get3A_379 = tpu.vector_load %arg13[%get3A_376, %get3A_377, %get3A_378] {strides = array<i32>} : memref<3x64x128xf32, #tpu.memory_space<vmem>>, vector<16xf32>,
          %add3A_380 = arith.addf %get3A_379, %unpack3A_360 : vector<16xf32>
          %max3A_381 = arith.constant 0.000000e+00 : f32
          %max3A_382 = vector.broadcast %max3A_381 : f32 to vector<16xf32>
          %max3A_383 = arith.maximumf %add3A_380, %max3A_382 : vector<16xf32>
          %swap3A_384 = arith.constant 2 : i32
          %swap3A_385 = arith.index_cast %swap3A_384 : i32 to index
          %swap3A_386 = arith.index_cast %add3A_247 : i32 to index
          %swap3A_387 = arith.constant 112 : index
          %swap3A_388 = tpu.vector_load %arg13[%swap3A_385, %swap3A_386, %swap3A_387] {strides = array<i32>} : memref<3x64x128xf32, #tpu.memory_space<vmem>>, vector<16xf32>,
          tpu.vector_store %arg13[%swap3A_385, %swap3A_386, %swap3A_387], %max3A_383 {strides = array<i32>} : memref<3x64x128xf32, #tpu.memory_space<vmem>>, vector<16xf32>,
        }
        %scan3A_234 = arith.constant 64 : i32
        %dma_start3A_235 = arith.constant 2 : i32
        %dma_start3A_236 = arith.constant 0 : i32
        %dma_start3A_237 = arith.constant 0 : i32
        %dma_start3A_238 = tpu.memref_slice %arg13[%dma_start3A_235, %dma_start3A_236, %dma_start3A_237] : memref<3x64x128xf32, #tpu.memory_space<vmem>> -> memref<1x64x128xf32, #tpu.memory_space<vmem>>
        %dma_start3A_239 = tpu.memref_squeeze %dma_start3A_238 : memref<1x64x128xf32, #tpu.memory_space<vmem>> -> memref<64x128xf32, #tpu.memory_space<vmem>>
        %dma_start3A_240 = arith.constant 0 : i32
        %dma_start3A_241 = arith.constant 0 : i32
        %dma_start3A_242 = tpu.memref_slice %arg15[%dma_start3A_240, %dma_start3A_241] : memref<10000x128xf32, #tpu.memory_space<vmem_shared>> -> memref<10000x128xf32, #tpu.memory_space<vmem_shared>>
        tpu.enqueue_indirect_dma source(%dma_start3A_239 : memref<64x128xf32, #tpu.memory_space<vmem>>) target(%dma_start3A_242 : memref<10000x128xf32, #tpu.memory_space<vmem_shared>>) offsets(%arg12 : memref<64xi32, #tpu.memory_space<vmem>>) semaphore(%arg27 : memref<!tpu.dma_semaphore, #tpu.memory_space<semaphore_mem>>) {add = true}
      } else {
      }
      %add3A_178 = arith.constant 3 : i32
      %add3A_179 = arith.addi %add3A_159, %add3A_178 : i32
      %mul3A_180 = arith.constant 32 : i32
      %mul3A_181 = arith.muli %add3A_179, %mul3A_180 : i32
      %add3A_182 = arith.addi %mul3A_181, %add3A : i32
      %lt3A_183 = arith.constant 5000 : i32
      %lt3A_184 = arith.cmpi slt, %add3A_182, %lt3A_183 : i32
      %convert_element_type3A_185 = arith.extui %lt3A_184 : i1 to i32
      %cond3A_186 = arith.constant 0 : i32
      %cond3A_187 = arith.cmpi ne, %convert_element_type3A_185, %cond3A_186 : i32
      scf.if %cond3A_187 {
        %add3A_188 = arith.constant 3 : i32
        %add3A_189 = arith.addi %add3A_159, %add3A_188 : i32
        %mul3A_190 = arith.constant 32 : i32
        %mul3A_191 = arith.muli %add3A_189, %mul3A_190 : i32
        %add3A_192 = arith.addi %mul3A_191, %add3A : i32
        %mul3A_193 = arith.constant 2 : i32
        %mul3A_194 = arith.muli %add3A_192, %mul3A_193 : i32
        %mul3A_195 = arith.constant 64 : i32
        %mul3A_196 = arith.muli %mul3A_194, %mul3A_195 : i32
        %dma_start3A_197 = tpu.memref_slice %arg4[%mul3A_196] : memref<640000xi32, #tpu.memory_space<hbm>> -> memref<128xi32, #tpu.memory_space<hbm>>
        %dma_start3A_198 = tpu.memref_slice %arg4[%mul3A_196] : memref<640000xi32, #tpu.memory_space<hbm>> -> memref<128xi32, #tpu.memory_space<hbm>>
        tpu.enqueue_dma source(%dma_start3A_198 : memref<128xi32, #tpu.memory_space<hbm>>) target(%arg9 : memref<128xi32, #tpu.memory_space<vmem>>) target_semaphore(%arg18 : memref<!tpu.dma_semaphore, #tpu.memory_space<semaphore_mem>>)
      } else {
      }
    }
    %scan3A_65 = arith.constant 53 : i32
    %dma_wait3A_66 = arith.constant 0 : i32
    %dma_wait3A_67 = arith.constant 0 : i32
    %dma_wait3A_68 = arith.constant 0 : i32
    %dma_wait3A_69 = tpu.memref_slice %arg13[%dma_wait3A_66, %dma_wait3A_67, %dma_wait3A_68] : memref<3x64x128xf32, #tpu.memory_space<vmem>> -> memref<1x64x128xf32, #tpu.memory_space<vmem>>
    %dma_wait3A_70 = tpu.memref_squeeze %dma_wait3A_69 : memref<1x64x128xf32, #tpu.memory_space<vmem>> -> memref<64x128xf32, #tpu.memory_space<vmem>>
    %dma_wait3A_71 = arith.constant 0 : i32
    %dma_wait3A_72 = arith.constant 0 : i32
    %dma_wait3A_73 = tpu.memref_slice %arg15[%dma_wait3A_71, %dma_wait3A_72] : memref<10000x128xf32, #tpu.memory_space<vmem_shared>> -> memref<10000x128xf32, #tpu.memory_space<vmem_shared>>
    tpu.wait_indirect_dma semaphore(%arg25 : memref<!tpu.dma_semaphore, #tpu.memory_space<semaphore_mem>>) src(%dma_wait3A_70 : memref<64x128xf32, #tpu.memory_space<vmem>>) dst(%dma_wait3A_73 : memref<10000x128xf32, #tpu.memory_space<vmem_shared>>)
    %dma_wait3A_74 = arith.constant 1 : i32
    %dma_wait3A_75 = arith.constant 0 : i32
    %dma_wait3A_76 = arith.constant 0 : i32
    %dma_wait3A_77 = tpu.memref_slice %arg13[%dma_wait3A_74, %dma_wait3A_75, %dma_wait3A_76] : memref<3x64x128xf32, #tpu.memory_space<vmem>> -> memref<1x64x128xf32, #tpu.memory_space<vmem>>
    %dma_wait3A_78 = tpu.memref_squeeze %dma_wait3A_77 : memref<1x64x128xf32, #tpu.memory_space<vmem>> -> memref<64x128xf32, #tpu.memory_space<vmem>>
    %dma_wait3A_79 = arith.constant 0 : i32
    %dma_wait3A_80 = arith.constant 0 : i32
    %dma_wait3A_81 = tpu.memref_slice %arg15[%dma_wait3A_79, %dma_wait3A_80] : memref<10000x128xf32, #tpu.memory_space<vmem_shared>> -> memref<10000x128xf32, #tpu.memory_space<vmem_shared>>
    tpu.wait_indirect_dma semaphore(%arg26 : memref<!tpu.dma_semaphore, #tpu.memory_space<semaphore_mem>>) src(%dma_wait3A_78 : memref<64x128xf32, #tpu.memory_space<vmem>>) dst(%dma_wait3A_81 : memref<10000x128xf32, #tpu.memory_space<vmem_shared>>)
    %dma_wait3A_82 = arith.constant 2 : i32
    %dma_wait3A_83 = arith.constant 0 : i32
    %dma_wait3A_84 = arith.constant 0 : i32
    %dma_wait3A_85 = tpu.memref_slice %arg13[%dma_wait3A_82, %dma_wait3A_83, %dma_wait3A_84] : memref<3x64x128xf32, #tpu.memory_space<vmem>> -> memref<1x64x128xf32, #tpu.memory_space<vmem>>
    %dma_wait3A_86 = tpu.memref_squeeze %dma_wait3A_85 : memref<1x64x128xf32, #tpu.memory_space<vmem>> -> memref<64x128xf32, #tpu.memory_space<vmem>>
    %dma_wait3A_87 = arith.constant 0 : i32
    %dma_wait3A_88 = arith.constant 0 : i32
    %dma_wait3A_89 = tpu.memref_slice %arg15[%dma_wait3A_87, %dma_wait3A_88] : memref<10000x128xf32, #tpu.memory_space<vmem_shared>> -> memref<10000x128xf32, #tpu.memory_space<vmem_shared>>
    tpu.wait_indirect_dma semaphore(%arg27 : memref<!tpu.dma_semaphore, #tpu.memory_space<semaphore_mem>>) src(%dma_wait3A_86 : memref<64x128xf32, #tpu.memory_space<vmem>>) dst(%dma_wait3A_89 : memref<10000x128xf32, #tpu.memory_space<vmem_shared>>)
    %barrier3A_90 = arith.constant 0 : index
    tpu.barrier barrier_id(%barrier3A_90)
    "tpu.region"() ({
      %run_scoped3A = tpu.sem_alloc : memref<!tpu.dma_semaphore, #tpu.memory_space<semaphore_mem>>
      %dma_start3A_96 = arith.constant 0 : i32
      %dma_start3A_97 = tpu.memref_slice %arg6[%arg0, %mul3A_2, %dma_start3A_96] : memref<2x10000x128xf32, #tpu.memory_space<hbm>> -> memref<1x624x128xf32, #tpu.memory_space<hbm>>
      %dma_start3A_98 = tpu.memref_squeeze %dma_start3A_97 : memref<1x624x128xf32, #tpu.memory_space<hbm>> -> memref<624x128xf32, #tpu.memory_space<hbm>>
      %dma_start3A_99 = arith.constant 0 : i32
      %dma_start3A_100 = tpu.memref_slice %arg15[%mul3A_2, %dma_start3A_99] : memref<10000x128xf32, #tpu.memory_space<vmem_shared>> -> memref<624x128xf32, #tpu.memory_space<vmem_shared>>
      tpu.enqueue_dma source(%dma_start3A_100 : memref<624x128xf32, #tpu.memory_space<vmem_shared>>) target(%dma_start3A_98 : memref<624x128xf32, #tpu.memory_space<hbm>>) target_semaphore(%run_scoped3A : memref<!tpu.dma_semaphore, #tpu.memory_space<semaphore_mem>>)
      %dma_wait3A_101 = arith.constant 0 : i32
      %dma_wait3A_102 = tpu.memref_slice %arg6[%arg0, %mul3A_2, %dma_wait3A_101] : memref<2x10000x128xf32, #tpu.memory_space<hbm>> -> memref<1x624x128xf32, #tpu.memory_space<hbm>>
      %dma_wait3A_103 = tpu.memref_squeeze %dma_wait3A_102 : memref<1x624x128xf32, #tpu.memory_space<hbm>> -> memref<624x128xf32, #tpu.memory_space<hbm>>
      %dma_wait3A_104 = arith.constant 0 : i32
      %dma_wait3A_105 = tpu.memref_slice %arg15[%mul3A_2, %dma_wait3A_104] : memref<10000x128xf32, #tpu.memory_space<vmem_shared>> -> memref<624x128xf32, #tpu.memory_space<vmem_shared>>
      tpu.wait_dma2 semaphore(%run_scoped3A : memref<!tpu.dma_semaphore, #tpu.memory_space<semaphore_mem>>) src(%dma_wait3A_105 : memref<624x128xf32, #tpu.memory_space<vmem_shared>>) dst(%dma_wait3A_103 : memref<624x128xf32, #tpu.memory_space<hbm>>)
      tpu.yield
    }) : () -> ()
    %eq3A_91 = arith.constant 15 : i32
    %eq3A_92 = arith.cmpi eq, %arg1, %eq3A_91 : i32
    %convert_element_type3A_93 = arith.extui %eq3A_92 : i1 to i32
    %cond3A_94 = arith.constant 0 : i32
    %cond3A_95 = arith.cmpi ne, %convert_element_type3A_93, %cond3A_94 : i32
    scf.if %cond3A_95 {
      "tpu.region"() ({
        %run_scoped3A = tpu.sem_alloc : memref<!tpu.dma_semaphore, #tpu.memory_space<semaphore_mem>>
        %dma_start3A_96 = arith.constant 9984 : i32
        %dma_start3A_97 = arith.constant 0 : i32
        %dma_start3A_98 = tpu.memref_slice %arg6[%arg0, %dma_start3A_96, %dma_start3A_97] : memref<2x10000x128xf32, #tpu.memory_space<hbm>> -> memref<1x16x128xf32, #tpu.memory_space<hbm>>
        %dma_start3A_99 = tpu.memref_squeeze %dma_start3A_98 : memref<1x16x128xf32, #tpu.memory_space<hbm>> -> memref<16x128xf32, #tpu.memory_space<hbm>>
        %dma_start3A_100 = arith.constant 9984 : i32
        %dma_start3A_101 = arith.constant 0 : i32
        %dma_start3A_102 = tpu.memref_slice %arg15[%dma_start3A_100, %dma_start3A_101] : memref<10000x128xf32, #tpu.memory_space<vmem_shared>> -> memref<16x128xf32, #tpu.memory_space<vmem_shared>>
        tpu.enqueue_dma source(%dma_start3A_102 : memref<16x128xf32, #tpu.memory_space<vmem_shared>>) target(%dma_start3A_99 : memref<16x128xf32, #tpu.memory_space<hbm>>) target_semaphore(%run_scoped3A : memref<!tpu.dma_semaphore, #tpu.memory_space<semaphore_mem>>)
        %dma_wait3A_103 = arith.constant 9984 : i32
        %dma_wait3A_104 = arith.constant 0 : i32
        %dma_wait3A_105 = tpu.memref_slice %arg6[%arg0, %dma_wait3A_103, %dma_wait3A_104] : memref<2x10000x128xf32, #tpu.memory_space<hbm>> -> memref<1x16x128xf32, #tpu.memory_space<hbm>>
        %dma_wait3A_106 = tpu.memref_squeeze %dma_wait3A_105 : memref<1x16x128xf32, #tpu.memory_space<hbm>> -> memref<16x128xf32, #tpu.memory_space<hbm>>
        %dma_wait3A_107 = arith.constant 9984 : i32
        %dma_wait3A_108 = arith.constant 0 : i32
        %dma_wait3A_109 = tpu.memref_slice %arg15[%dma_wait3A_107, %dma_wait3A_108] : memref<10000x128xf32, #tpu.memory_space<vmem_shared>> -> memref<16x128xf32, #tpu.memory_space<vmem_shared>>
        tpu.wait_dma2 semaphore(%run_scoped3A : memref<!tpu.dma_semaphore, #tpu.memory_space<semaphore_mem>>) src(%dma_wait3A_109 : memref<16x128xf32, #tpu.memory_space<vmem_shared>>) dst(%dma_wait3A_106 : memref<16x128xf32, #tpu.memory_space<hbm>>)
        tpu.yield
      }) : () -> ()
    } else {
    }
    return
  }
}

#map = affine_map<(d0, d1) -> (0, 0)>
#map1 = affine_map<(d0, d1) -> (0)>
#map2 = affine_map<(d0, d1) -> (0, 0, 0)>
module attributes {stable_mosaic.version = 14 : i64} {
  func.func @_sc_msg_agg(%arg0: i32, %arg1: i32, %arg2: memref<10000x128xf32, #tpu.memory_space<hbm>>, %arg3: memref<320000x64xi32, #tpu.memory_space<hbm>>, %arg4: memref<640000xi32, #tpu.memory_space<hbm>>, %arg5: memref<624x128xf32, #tpu.memory_space<hbm>>, %arg6: memref<2x10000x128xf32, #tpu.memory_space<hbm>>, %arg7: memref<128xi32, #tpu.memory_space<vmem>>, %arg8: memref<128xi32, #tpu.memory_space<vmem>>, %arg9: memref<128xi32, #tpu.memory_space<vmem>>, %arg10: memref<64xi32, #tpu.memory_space<vmem>>, %arg11: memref<64xi32, #tpu.memory_space<vmem>>, %arg12: memref<64xi32, #tpu.memory_space<vmem>>, %arg13: memref<3x64x128xf32, #tpu.memory_space<vmem>>, %arg14: memref<3x64x64xi32, #tpu.memory_space<vmem>>, %arg15: memref<10000x128xf32, #tpu.memory_space<vmem_shared>>, %arg16: memref<!tpu.dma_semaphore, #tpu.memory_space<semaphore_mem>>, %arg17: memref<!tpu.dma_semaphore, #tpu.memory_space<semaphore_mem>>, %arg18: memref<!tpu.dma_semaphore, #tpu.memory_space<semaphore_mem>>, %arg19: memref<!tpu.dma_semaphore, #tpu.memory_space<semaphore_mem>>, %arg20: memref<!tpu.dma_semaphore, #tpu.memory_space<semaphore_mem>>, %arg21: memref<!tpu.dma_semaphore, #tpu.memory_space<semaphore_mem>>, %arg22: memref<!tpu.dma_semaphore, #tpu.memory_space<semaphore_mem>>, %arg23: memref<!tpu.dma_semaphore, #tpu.memory_space<semaphore_mem>>, %arg24: memref<!tpu.dma_semaphore, #tpu.memory_space<semaphore_mem>>, %arg25: memref<!tpu.dma_semaphore, #tpu.memory_space<semaphore_mem>>, %arg26: memref<!tpu.dma_semaphore, #tpu.memory_space<semaphore_mem>>, %arg27: memref<!tpu.dma_semaphore, #tpu.memory_space<semaphore_mem>>) attributes {dimension_semantics = [#tpu.dimension_semantics<core_parallel>, #tpu.dimension_semantics<subcore_parallel>], iteration_bounds = array<i64: 2, 16>, scalar_prefetch = 0 : i64, scratch_operands = 21 : i64, tpu.core_type = #tpu.core_type<sc_vector_subcore>, window_params = [{transform_indices = #map}, {transform_indices = #map}, {transform_indices = #map1}, {transform_indices = #map}, {transform_indices = #map2}]} {
    %mul3A = arith.constant 16 : i32
    %mul3A_0 = arith.muli %arg0, %mul3A : i32
    %add3A = arith.addi %mul3A_0, %arg1 : i32
    %mul3A_1 = arith.constant 624 : i32
    %mul3A_2 = arith.muli %arg1, %mul3A_1 : i32
    "tpu.region"() ({
      %run_scoped3A = tpu.sem_alloc : memref<!tpu.dma_semaphore, #tpu.memory_space<semaphore_mem>>
      %dma_start3A_96 = arith.constant 0 : i32
      %dma_start3A_97 = tpu.memref_slice %arg15[%mul3A_2, %dma_start3A_96] : memref<10000x128xf32, #tpu.memory_space<vmem_shared>> -> memref<624x128xf32, #tpu.memory_space<vmem_shared>>
      tpu.enqueue_dma source(%arg5 : memref<624x128xf32, #tpu.memory_space<hbm>>) target(%dma_start3A_97 : memref<624x128xf32, #tpu.memory_space<vmem_shared>>) target_semaphore(%run_scoped3A : memref<!tpu.dma_semaphore, #tpu.memory_space<semaphore_mem>>)
      %dma_wait3A_98 = arith.constant 0 : i32
      %dma_wait3A_99 = tpu.memref_slice %arg15[%mul3A_2, %dma_wait3A_98] : memref<10000x128xf32, #tpu.memory_space<vmem_shared>> -> memref<624x128xf32, #tpu.memory_space<vmem_shared>>
      tpu.wait_dma2 semaphore(%run_scoped3A : memref<!tpu.dma_semaphore, #tpu.memory_space<semaphore_mem>>) src(%arg5 : memref<624x128xf32, #tpu.memory_space<hbm>>) dst(%dma_wait3A_99 : memref<624x128xf32, #tpu.memory_space<vmem_shared>>)
      tpu.yield
    }) : () -> ()
    %eq3A = arith.constant 15 : i32
    %eq3A_3 = arith.cmpi eq, %arg1, %eq3A : i32
    %convert_element_type3A = arith.extui %eq3A_3 : i1 to i32
    %cond3A = arith.constant 0 : i32
    %cond3A_4 = arith.cmpi ne, %convert_element_type3A, %cond3A : i32
    scf.if %cond3A_4 {
      "tpu.region"() ({
        %run_scoped3A = tpu.sem_alloc : memref<!tpu.dma_semaphore, #tpu.memory_space<semaphore_mem>>
        %dma_start3A_96 = arith.constant 9984 : i32
        %dma_start3A_97 = arith.constant 0 : i32
        %dma_start3A_98 = tpu.memref_slice %arg15[%dma_start3A_96, %dma_start3A_97] : memref<10000x128xf32, #tpu.memory_space<vmem_shared>> -> memref<16x128xf32, #tpu.memory_space<vmem_shared>>
        %dma_start3A_99 = arith.constant 0 : i32
        %dma_start3A_100 = arith.constant 0 : i32
        %dma_start3A_101 = tpu.memref_slice %arg5[%dma_start3A_99, %dma_start3A_100] : memref<624x128xf32, #tpu.memory_space<hbm>> -> memref<16x128xf32, #tpu.memory_space<hbm>>
        tpu.enqueue_dma source(%dma_start3A_101 : memref<16x128xf32, #tpu.memory_space<hbm>>) target(%dma_start3A_98 : memref<16x128xf32, #tpu.memory_space<vmem_shared>>) target_semaphore(%run_scoped3A : memref<!tpu.dma_semaphore, #tpu.memory_space<semaphore_mem>>)
        %dma_wait3A_102 = arith.constant 9984 : i32
        %dma_wait3A_103 = arith.constant 0 : i32
        %dma_wait3A_104 = tpu.memref_slice %arg15[%dma_wait3A_102, %dma_wait3A_103] : memref<10000x128xf32, #tpu.memory_space<vmem_shared>> -> memref<16x128xf32, #tpu.memory_space<vmem_shared>>
        %dma_wait3A_105 = arith.constant 0 : i32
        %dma_wait3A_106 = arith.constant 0 : i32
        %dma_wait3A_107 = tpu.memref_slice %arg5[%dma_wait3A_105, %dma_wait3A_106] : memref<624x128xf32, #tpu.memory_space<hbm>> -> memref<16x128xf32, #tpu.memory_space<hbm>>
        tpu.wait_dma2 semaphore(%run_scoped3A : memref<!tpu.dma_semaphore, #tpu.memory_space<semaphore_mem>>) src(%dma_wait3A_107 : memref<16x128xf32, #tpu.memory_space<hbm>>) dst(%dma_wait3A_104 : memref<16x128xf32, #tpu.memory_space<vmem_shared>>)
        tpu.yield
      }) : () -> ()
    } else {
    }
    %barrier3A = arith.constant 0 : index
    tpu.barrier barrier_id(%barrier3A)
    %add3A_5 = arith.constant 0 : i32
    %add3A_6 = arith.addi %add3A_5, %add3A : i32
    %mul3A_7 = arith.constant 2 : i32
    %mul3A_8 = arith.muli %add3A_6, %mul3A_7 : i32
    %mul3A_9 = arith.constant 64 : i32
    %mul3A_10 = arith.muli %mul3A_8, %mul3A_9 : i32
    %dma_start3A = tpu.memref_slice %arg4[%mul3A_10] : memref<640000xi32, #tpu.memory_space<hbm>> -> memref<128xi32, #tpu.memory_space<hbm>>
    %dma_start3A_11 = tpu.memref_slice %arg4[%mul3A_10] : memref<640000xi32, #tpu.memory_space<hbm>> -> memref<128xi32, #tpu.memory_space<hbm>>
    tpu.enqueue_dma source(%dma_start3A_11 : memref<128xi32, #tpu.memory_space<hbm>>) target(%arg7 : memref<128xi32, #tpu.memory_space<vmem>>) target_semaphore(%arg16 : memref<!tpu.dma_semaphore, #tpu.memory_space<semaphore_mem>>)
    %add3A_12 = arith.constant 0 : i32
    %add3A_13 = arith.addi %add3A_12, %add3A : i32
    %mul3A_14 = arith.constant 2 : i32
    %mul3A_15 = arith.muli %add3A_13, %mul3A_14 : i32
    %mul3A_16 = arith.constant 64 : i32
    %mul3A_17 = arith.muli %mul3A_15, %mul3A_16 : i32
    %dma_wait3A = tpu.memref_slice %arg4[%mul3A_17] : memref<640000xi32, #tpu.memory_space<hbm>> -> memref<128xi32, #tpu.memory_space<hbm>>
    %dma_wait3A_18 = tpu.memref_slice %arg4[%mul3A_17] : memref<640000xi32, #tpu.memory_space<hbm>> -> memref<128xi32, #tpu.memory_space<hbm>>
    tpu.wait_dma2 semaphore(%arg16 : memref<!tpu.dma_semaphore, #tpu.memory_space<semaphore_mem>>) src(%dma_wait3A_18 : memref<128xi32, #tpu.memory_space<hbm>>) dst(%arg7 : memref<128xi32, #tpu.memory_space<vmem>>)
    %dma_start3A_19 = arith.constant 0 : i32
    %dma_start3A_20 = arith.constant 0 : i32
    %dma_start3A_21 = arith.constant 0 : i32
    %dma_start3A_22 = tpu.memref_slice %arg13[%dma_start3A_19, %dma_start3A_20, %dma_start3A_21] : memref<3x64x128xf32, #tpu.memory_space<vmem>> -> memref<1x64x128xf32, #tpu.memory_space<vmem>>
    %dma_start3A_23 = tpu.memref_squeeze %dma_start3A_22 : memref<1x64x128xf32, #tpu.memory_space<vmem>> -> memref<64x128xf32, #tpu.memory_space<vmem>>
    %dma_start3A_24 = arith.constant 0 : i32
    %dma_start3A_25 = tpu.memref_slice %arg7[%dma_start3A_24] : memref<128xi32, #tpu.memory_space<vmem>> -> memref<64xi32, #tpu.memory_space<vmem>>
    %dma_start3A_26 = arith.constant 0 : i32
    %dma_start3A_27 = arith.constant 0 : i32
    %dma_start3A_28 = tpu.memref_slice %arg2[%dma_start3A_26, %dma_start3A_27] : memref<10000x128xf32, #tpu.memory_space<hbm>> -> memref<10000x128xf32, #tpu.memory_space<hbm>>
    tpu.enqueue_indirect_dma source(%dma_start3A_28 : memref<10000x128xf32, #tpu.memory_space<hbm>>) target(%dma_start3A_23 : memref<64x128xf32, #tpu.memory_space<vmem>>) offsets(%dma_start3A_25 : memref<64xi32, #tpu.memory_space<vmem>>) semaphore(%arg19 : memref<!tpu.dma_semaphore, #tpu.memory_space<semaphore_mem>>)
    %add3A_29 = arith.constant 0 : i32
    %add3A_30 = arith.addi %add3A_29, %add3A : i32
    %mul3A_31 = arith.constant 64 : i32
    %mul3A_32 = arith.muli %add3A_30, %mul3A_31 : i32
    %dma_start3A_33 = arith.constant 0 : i32
    %dma_start3A_34 = arith.constant 0 : i32
    %dma_start3A_35 = arith.constant 0 : i32
    %dma_start3A_36 = tpu.memref_slice %arg14[%dma_start3A_33, %dma_start3A_34, %dma_start3A_35] : memref<3x64x64xi32, #tpu.memory_space<vmem>> -> memref<1x64x64xi32, #tpu.memory_space<vmem>>
    %dma_start3A_37 = tpu.memref_squeeze %dma_start3A_36 : memref<1x64x64xi32, #tpu.memory_space<vmem>> -> memref<64x64xi32, #tpu.memory_space<vmem>>
    %dma_start3A_38 = arith.constant 0 : i32
    %dma_start3A_39 = tpu.memref_slice %arg3[%mul3A_32, %dma_start3A_38] : memref<320000x64xi32, #tpu.memory_space<hbm>> -> memref<64x64xi32, #tpu.memory_space<hbm>>
    %dma_start3A_40 = arith.constant 0 : i32
    %dma_start3A_41 = arith.constant 0 : i32
    %dma_start3A_42 = tpu.memref_slice %arg14[%dma_start3A_33, %dma_start3A_40, %dma_start3A_41] : memref<3x64x64xi32, #tpu.memory_space<vmem>> -> memref<1x64x64xi32, #tpu.memory_space<vmem>>
    %dma_start3A_43 = tpu.memref_squeeze %dma_start3A_42 : memref<1x64x64xi32, #tpu.memory_space<vmem>> -> memref<64x64xi32, #tpu.memory_space<vmem>>
    %dma_start3A_44 = arith.constant 0 : i32
    %dma_start3A_45 = tpu.memref_slice %arg3[%mul3A_32, %dma_start3A_44] : memref<320000x64xi32, #tpu.memory_space<hbm>> -> memref<64x64xi32, #tpu.memory_space<hbm>>
    tpu.enqueue_dma source(%dma_start3A_45 : memref<64x64xi32, #tpu.memory_space<hbm>>) target(%dma_start3A_43 : memref<64x64xi32, #tpu.memory_space<vmem>>) target_semaphore(%arg22 : memref<!tpu.dma_semaphore, #tpu.memory_space<semaphore_mem>>)
    %add3A_46 = arith.constant 32 : i32
    %add3A_47 = arith.addi %add3A_46, %add3A : i32
    %mul3A_48 = arith.constant 2 : i32
    %mul3A_49 = arith.muli %add3A_47, %mul3A_48 : i32
    %mul3A_50 = arith.constant 64 : i32
    %mul3A_51 = arith.muli %mul3A_49, %mul3A_50 : i32
    %dma_start3A_52 = tpu.memref_slice %arg4[%mul3A_51] : memref<640000xi32, #tpu.memory_space<hbm>> -> memref<128xi32, #tpu.memory_space<hbm>>
    %dma_start3A_53 = tpu.memref_slice %arg4[%mul3A_51] : memref<640000xi32, #tpu.memory_space<hbm>> -> memref<128xi32, #tpu.memory_space<hbm>>
    tpu.enqueue_dma source(%dma_start3A_53 : memref<128xi32, #tpu.memory_space<hbm>>) target(%arg8 : memref<128xi32, #tpu.memory_space<vmem>>) target_semaphore(%arg17 : memref<!tpu.dma_semaphore, #tpu.memory_space<semaphore_mem>>)
    %add3A_54 = arith.constant 64 : i32
    %add3A_55 = arith.addi %add3A_54, %add3A : i32
    %mul3A_56 = arith.constant 2 : i32
    %mul3A_57 = arith.muli %add3A_55, %mul3A_56 : i32
    %mul3A_58 = arith.constant 64 : i32
    %mul3A_59 = arith.muli %mul3A_57, %mul3A_58 : i32
    %dma_start3A_60 = tpu.memref_slice %arg4[%mul3A_59] : memref<640000xi32, #tpu.memory_space<hbm>> -> memref<128xi32, #tpu.memory_space<hbm>>
    %dma_start3A_61 = tpu.memref_slice %arg4[%mul3A_59] : memref<640000xi32, #tpu.memory_space<hbm>> -> memref<128xi32, #tpu.memory_space<hbm>>
    tpu.enqueue_dma source(%dma_start3A_61 : memref<128xi32, #tpu.memory_space<hbm>>) target(%arg9 : memref<128xi32, #tpu.memory_space<vmem>>) target_semaphore(%arg18 : memref<!tpu.dma_semaphore, #tpu.memory_space<semaphore_mem>>)
    %scan3A = arith.constant 0 : i32
    %scan3A_62 = arith.constant 53 : i32
    %scan3A_63 = arith.addi %scan3A, %scan3A_62 : i32
    %scan3A_64 = arith.constant 1 : i32
    scf.for %scan3A_96 = %scan3A to %scan3A_63 step %scan3A_64  : i32 {
      %mul3A_97 = arith.constant 3 : i32
      %mul3A_98 = arith.muli %scan3A_96, %mul3A_97 : i32
      %add3A_99 = arith.constant 0 : i32
      %add3A_100 = arith.addi %add3A_99, %mul3A_98 : i32
      %add3A_101 = arith.constant 1 : i32
      %add3A_102 = arith.addi %add3A_100, %add3A_101 : i32
      %mul3A_103 = arith.constant 32 : i32
      %mul3A_104 = arith.muli %add3A_102, %mul3A_103 : i32
      %add3A_105 = arith.addi %mul3A_104, %add3A : i32
      %lt3A = arith.constant 5000 : i32
      %lt3A_106 = arith.cmpi slt, %add3A_105, %lt3A : i32
      %convert_element_type3A_107 = arith.extui %lt3A_106 : i1 to i32
      %cond3A_108 = arith.constant 0 : i32
      %cond3A_109 = arith.cmpi ne, %convert_element_type3A_107, %cond3A_108 : i32
      scf.if %cond3A_109 {
        %add3A_188 = arith.constant 1 : i32
        %add3A_189 = arith.addi %add3A_100, %add3A_188 : i32
        %mul3A_190 = arith.constant 32 : i32
        %mul3A_191 = arith.muli %add3A_189, %mul3A_190 : i32
        %add3A_192 = arith.addi %mul3A_191, %add3A : i32
        %mul3A_193 = arith.constant 2 : i32
        %mul3A_194 = arith.muli %add3A_192, %mul3A_193 : i32
        %mul3A_195 = arith.constant 64 : i32
        %mul3A_196 = arith.muli %mul3A_194, %mul3A_195 : i32
        %dma_wait3A_197 = tpu.memref_slice %arg4[%mul3A_196] : memref<640000xi32, #tpu.memory_space<hbm>> -> memref<128xi32, #tpu.memory_space<hbm>>
        %dma_wait3A_198 = tpu.memref_slice %arg4[%mul3A_196] : memref<640000xi32, #tpu.memory_space<hbm>> -> memref<128xi32, #tpu.memory_space<hbm>>
        tpu.wait_dma2 semaphore(%arg17 : memref<!tpu.dma_semaphore, #tpu.memory_space<semaphore_mem>>) src(%dma_wait3A_198 : memref<128xi32, #tpu.memory_space<hbm>>) dst(%arg8 : memref<128xi32, #tpu.memory_space<vmem>>)
        %ge3A = arith.constant 2 : i32
        %ge3A_199 = arith.cmpi sge, %add3A_100, %ge3A : i32
        %convert_element_type3A_200 = arith.extui %ge3A_199 : i1 to i32
        %cond3A_201 = arith.constant 0 : i32
        %cond3A_202 = arith.cmpi ne, %convert_element_type3A_200, %cond3A_201 : i32
        scf.if %cond3A_202 {
          %dma_wait3A_233 = arith.constant 1 : i32
          %dma_wait3A_234 = arith.constant 0 : i32
          %dma_wait3A_235 = arith.constant 0 : i32
          %dma_wait3A_236 = tpu.memref_slice %arg13[%dma_wait3A_233, %dma_wait3A_234, %dma_wait3A_235] : memref<3x64x128xf32, #tpu.memory_space<vmem>> -> memref<1x64x128xf32, #tpu.memory_space<vmem>>
          %dma_wait3A_237 = tpu.memref_squeeze %dma_wait3A_236 : memref<1x64x128xf32, #tpu.memory_space<vmem>> -> memref<64x128xf32, #tpu.memory_space<vmem>>
          %dma_wait3A_238 = arith.constant 0 : i32
          %dma_wait3A_239 = arith.constant 0 : i32
          %dma_wait3A_240 = tpu.memref_slice %arg15[%dma_wait3A_238, %dma_wait3A_239] : memref<10000x128xf32, #tpu.memory_space<vmem_shared>> -> memref<10000x128xf32, #tpu.memory_space<vmem_shared>>
          tpu.wait_indirect_dma semaphore(%arg26 : memref<!tpu.dma_semaphore, #tpu.memory_space<semaphore_mem>>) src(%dma_wait3A_237 : memref<64x128xf32, #tpu.memory_space<vmem>>) dst(%dma_wait3A_240 : memref<10000x128xf32, #tpu.memory_space<vmem_shared>>)
        } else {
        }
        %add3A_203 = arith.constant 1 : i32
        %add3A_204 = arith.addi %add3A_100, %add3A_203 : i32
        %dma_start3A_205 = arith.constant 1 : i32
        %dma_start3A_206 = arith.constant 0 : i32
        %dma_start3A_207 = arith.constant 0 : i32
        %dma_start3A_208 = tpu.memref_slice %arg13[%dma_start3A_205, %dma_start3A_206, %dma_start3A_207] : memref<3x64x128xf32, #tpu.memory_space<vmem>> -> memref<1x64x128xf32, #tpu.memory_space<vmem>>
        %dma_start3A_209 = tpu.memref_squeeze %dma_start3A_208 : memref<1x64x128xf32, #tpu.memory_space<vmem>> -> memref<64x128xf32, #tpu.memory_space<vmem>>
        %dma_start3A_210 = arith.constant 0 : i32
        %dma_start3A_211 = tpu.memref_slice %arg8[%dma_start3A_210] : memref<128xi32, #tpu.memory_space<vmem>> -> memref<64xi32, #tpu.memory_space<vmem>>
        %dma_start3A_212 = arith.constant 0 : i32
        %dma_start3A_213 = arith.constant 0 : i32
        %dma_start3A_214 = tpu.memref_slice %arg2[%dma_start3A_212, %dma_start3A_213] : memref<10000x128xf32, #tpu.memory_space<hbm>> -> memref<10000x128xf32, #tpu.memory_space<hbm>>
        tpu.enqueue_indirect_dma source(%dma_start3A_214 : memref<10000x128xf32, #tpu.memory_space<hbm>>) target(%dma_start3A_209 : memref<64x128xf32, #tpu.memory_space<vmem>>) offsets(%dma_start3A_211 : memref<64xi32, #tpu.memory_space<vmem>>) semaphore(%arg20 : memref<!tpu.dma_semaphore, #tpu.memory_space<semaphore_mem>>)
        %mul3A_215 = arith.constant 32 : i32
        %mul3A_216 = arith.muli %add3A_204, %mul3A_215 : i32
        %add3A_217 = arith.addi %mul3A_216, %add3A : i32
        %mul3A_218 = arith.constant 64 : i32
        %mul3A_219 = arith.muli %add3A_217, %mul3A_218 : i32
        %dma_start3A_220 = arith.constant 1 : i32
        %dma_start3A_221 = arith.constant 0 : i32
        %dma_start3A_222 = arith.constant 0 : i32
        %dma_start3A_223 = tpu.memref_slice %arg14[%dma_start3A_220, %dma_start3A_221, %dma_start3A_222] : memref<3x64x64xi32, #tpu.memory_space<vmem>> -> memref<1x64x64xi32, #tpu.memory_space<vmem>>
        %dma_start3A_224 = tpu.memref_squeeze %dma_start3A_223 : memref<1x64x64xi32, #tpu.memory_space<vmem>> -> memref<64x64xi32, #tpu.memory_space<vmem>>
        %dma_start3A_225 = arith.constant 0 : i32
        %dma_start3A_226 = tpu.memref_slice %arg3[%mul3A_219, %dma_start3A_225] : memref<320000x64xi32, #tpu.memory_space<hbm>> -> memref<64x64xi32, #tpu.memory_space<hbm>>
        %dma_start3A_227 = arith.constant 0 : i32
        %dma_start3A_228 = arith.constant 0 : i32
        %dma_start3A_229 = tpu.memref_slice %arg14[%dma_start3A_220, %dma_start3A_227, %dma_start3A_228] : memref<3x64x64xi32, #tpu.memory_space<vmem>> -> memref<1x64x64xi32, #tpu.memory_space<vmem>>
        %dma_start3A_230 = tpu.memref_squeeze %dma_start3A_229 : memref<1x64x64xi32, #tpu.memory_space<vmem>> -> memref<64x64xi32, #tpu.memory_space<vmem>>
        %dma_start3A_231 = arith.constant 0 : i32
        %dma_start3A_232 = tpu.memref_slice %arg3[%mul3A_219, %dma_start3A_231] : memref<320000x64xi32, #tpu.memory_space<hbm>> -> memref<64x64xi32, #tpu.memory_space<hbm>>
        tpu.enqueue_dma source(%dma_start3A_232 : memref<64x64xi32, #tpu.memory_space<hbm>>) target(%dma_start3A_230 : memref<64x64xi32, #tpu.memory_space<vmem>>) target_semaphore(%arg23 : memref<!tpu.dma_semaphore, #tpu.memory_space<semaphore_mem>>)
      } else {
      }
      %mul3A_110 = arith.constant 32 : i32
      %mul3A_111 = arith.muli %add3A_100, %mul3A_110 : i32
      %add3A_112 = arith.addi %mul3A_111, %add3A : i32
      %lt3A_113 = arith.constant 5000 : i32
      %lt3A_114 = arith.cmpi slt, %add3A_112, %lt3A_113 : i32
      %convert_element_type3A_115 = arith.extui %lt3A_114 : i1 to i32
      %cond3A_116 = arith.constant 0 : i32
      %cond3A_117 = arith.cmpi ne, %convert_element_type3A_115, %cond3A_116 : i32
      scf.if %cond3A_117 {
        %dma_wait3A_188 = arith.constant 0 : i32
        %dma_wait3A_189 = arith.constant 0 : i32
        %dma_wait3A_190 = arith.constant 0 : i32
        %dma_wait3A_191 = tpu.memref_slice %arg13[%dma_wait3A_188, %dma_wait3A_189, %dma_wait3A_190] : memref<3x64x128xf32, #tpu.memory_space<vmem>> -> memref<1x64x128xf32, #tpu.memory_space<vmem>>
        %dma_wait3A_192 = tpu.memref_squeeze %dma_wait3A_191 : memref<1x64x128xf32, #tpu.memory_space<vmem>> -> memref<64x128xf32, #tpu.memory_space<vmem>>
        %dma_wait3A_193 = arith.constant 0 : i32
        %dma_wait3A_194 = tpu.memref_slice %arg7[%dma_wait3A_193] : memref<128xi32, #tpu.memory_space<vmem>> -> memref<64xi32, #tpu.memory_space<vmem>>
        %dma_wait3A_195 = arith.constant 0 : i32
        %dma_wait3A_196 = arith.constant 0 : i32
        %dma_wait3A_197 = tpu.memref_slice %arg2[%dma_wait3A_195, %dma_wait3A_196] : memref<10000x128xf32, #tpu.memory_space<hbm>> -> memref<10000x128xf32, #tpu.memory_space<hbm>>
        tpu.wait_indirect_dma semaphore(%arg19 : memref<!tpu.dma_semaphore, #tpu.memory_space<semaphore_mem>>) src(%dma_wait3A_197 : memref<10000x128xf32, #tpu.memory_space<hbm>>) dst(%dma_wait3A_192 : memref<64x128xf32, #tpu.memory_space<vmem>>)
        %mul3A_198 = arith.constant 32 : i32
        %mul3A_199 = arith.muli %add3A_100, %mul3A_198 : i32
        %add3A_200 = arith.addi %mul3A_199, %add3A : i32
        %mul3A_201 = arith.constant 64 : i32
        %mul3A_202 = arith.muli %add3A_200, %mul3A_201 : i32
        %dma_wait3A_203 = arith.constant 0 : i32
        %dma_wait3A_204 = arith.constant 0 : i32
        %dma_wait3A_205 = arith.constant 0 : i32
        %dma_wait3A_206 = tpu.memref_slice %arg14[%dma_wait3A_203, %dma_wait3A_204, %dma_wait3A_205] : memref<3x64x64xi32, #tpu.memory_space<vmem>> -> memref<1x64x64xi32, #tpu.memory_space<vmem>>
        %dma_wait3A_207 = tpu.memref_squeeze %dma_wait3A_206 : memref<1x64x64xi32, #tpu.memory_space<vmem>> -> memref<64x64xi32, #tpu.memory_space<vmem>>
        %dma_wait3A_208 = arith.constant 0 : i32
        %dma_wait3A_209 = tpu.memref_slice %arg3[%mul3A_202, %dma_wait3A_208] : memref<320000x64xi32, #tpu.memory_space<hbm>> -> memref<64x64xi32, #tpu.memory_space<hbm>>
        %dma_wait3A_210 = arith.constant 0 : i32
        %dma_wait3A_211 = arith.constant 0 : i32
        %dma_wait3A_212 = tpu.memref_slice %arg14[%dma_wait3A_203, %dma_wait3A_210, %dma_wait3A_211] : memref<3x64x64xi32, #tpu.memory_space<vmem>> -> memref<1x64x64xi32, #tpu.memory_space<vmem>>
        %dma_wait3A_213 = tpu.memref_squeeze %dma_wait3A_212 : memref<1x64x64xi32, #tpu.memory_space<vmem>> -> memref<64x64xi32, #tpu.memory_space<vmem>>
        %dma_wait3A_214 = arith.constant 0 : i32
        %dma_wait3A_215 = tpu.memref_slice %arg3[%mul3A_202, %dma_wait3A_214] : memref<320000x64xi32, #tpu.memory_space<hbm>> -> memref<64x64xi32, #tpu.memory_space<hbm>>
        tpu.wait_dma2 semaphore(%arg22 : memref<!tpu.dma_semaphore, #tpu.memory_space<semaphore_mem>>) src(%dma_wait3A_215 : memref<64x64xi32, #tpu.memory_space<hbm>>) dst(%dma_wait3A_213 : memref<64x64xi32, #tpu.memory_space<vmem>>)
        %get3A = arith.constant 64 : index
        %get3A_216 = tpu.vector_load %arg7[%get3A] {strides = array<i32>} : memref<128xi32, #tpu.memory_space<vmem>>, vector<16xi32>,
        %swap3A = arith.constant 0 : index
        %swap3A_217 = tpu.vector_load %arg10[%swap3A] {strides = array<i32>} : memref<64xi32, #tpu.memory_space<vmem>>, vector<16xi32>,
        tpu.vector_store %arg10[%swap3A], %get3A_216 {strides = array<i32>} : memref<64xi32, #tpu.memory_space<vmem>>, vector<16xi32>,
        %get3A_218 = arith.constant 80 : index
        %get3A_219 = tpu.vector_load %arg7[%get3A_218] {strides = array<i32>} : memref<128xi32, #tpu.memory_space<vmem>>, vector<16xi32>,
        %swap3A_220 = arith.constant 16 : index
        %swap3A_221 = tpu.vector_load %arg10[%swap3A_220] {strides = array<i32>} : memref<64xi32, #tpu.memory_space<vmem>>, vector<16xi32>,
        tpu.vector_store %arg10[%swap3A_220], %get3A_219 {strides = array<i32>} : memref<64xi32, #tpu.memory_space<vmem>>, vector<16xi32>,
        %get3A_222 = arith.constant 96 : index
        %get3A_223 = tpu.vector_load %arg7[%get3A_222] {strides = array<i32>} : memref<128xi32, #tpu.memory_space<vmem>>, vector<16xi32>,
        %swap3A_224 = arith.constant 32 : index
        %swap3A_225 = tpu.vector_load %arg10[%swap3A_224] {strides = array<i32>} : memref<64xi32, #tpu.memory_space<vmem>>, vector<16xi32>,
        tpu.vector_store %arg10[%swap3A_224], %get3A_223 {strides = array<i32>} : memref<64xi32, #tpu.memory_space<vmem>>, vector<16xi32>,
        %get3A_226 = arith.constant 112 : index
        %get3A_227 = tpu.vector_load %arg7[%get3A_226] {strides = array<i32>} : memref<128xi32, #tpu.memory_space<vmem>>, vector<16xi32>,
        %swap3A_228 = arith.constant 48 : index
        %swap3A_229 = tpu.vector_load %arg10[%swap3A_228] {strides = array<i32>} : memref<64xi32, #tpu.memory_space<vmem>>, vector<16xi32>,
        tpu.vector_store %arg10[%swap3A_228], %get3A_227 {strides = array<i32>} : memref<64xi32, #tpu.memory_space<vmem>>, vector<16xi32>,
        %scan3A_230 = arith.constant 0 : i32
        %scan3A_231 = arith.constant 64 : i32
        %scan3A_232 = arith.addi %scan3A_230, %scan3A_231 : i32
        %scan3A_233 = arith.constant 1 : i32
        scf.for %scan3A_243 = %scan3A_230 to %scan3A_232 step %scan3A_233  : i32 {
          %mul3A_244 = arith.constant 1 : i32
          %mul3A_245 = arith.muli %scan3A_243, %mul3A_244 : i32
          %add3A_246 = arith.constant 0 : i32
          %add3A_247 = arith.addi %add3A_246, %mul3A_245 : i32
          %get3A_248 = arith.constant 0 : i32
          %get3A_249 = arith.index_cast %get3A_248 : i32 to index
          %get3A_250 = arith.index_cast %add3A_247 : i32 to index
          %get3A_251 = arith.constant 0 : index
          %get3A_252 = tpu.vector_load %arg14[%get3A_249, %get3A_250, %get3A_251] {strides = array<i32>} : memref<3x64x64xi32, #tpu.memory_space<vmem>>, vector<16xi32>,
          %bitcast3A = vector.bitcast %get3A_252 : vector<16xi32> to vector<32xbf16>
          %unpack3A = tpu.unpack_subelements %bitcast3A, 0 {pack_format = #tpu.pack_format<interleaved>} : vector<32xbf16> -> vector<16xf32>
          %unpack3A_253 = tpu.unpack_subelements %bitcast3A, 1 {pack_format = #tpu.pack_format<interleaved>} : vector<32xbf16> -> vector<16xf32>
          %get3A_254 = arith.constant 0 : i32
          %get3A_255 = arith.index_cast %get3A_254 : i32 to index
          %get3A_256 = arith.index_cast %add3A_247 : i32 to index
          %get3A_257 = arith.constant 0 : index
          %get3A_258 = tpu.vector_load %arg13[%get3A_255, %get3A_256, %get3A_257] {strides = array<i32>} : memref<3x64x128xf32, #tpu.memory_space<vmem>>, vector<16xf32>,
          %add3A_259 = arith.addf %get3A_258, %unpack3A : vector<16xf32>
          %max3A = arith.constant 0.000000e+00 : f32
          %max3A_260 = vector.broadcast %max3A : f32 to vector<16xf32>
          %max3A_261 = arith.maximumf %add3A_259, %max3A_260 : vector<16xf32>
          %swap3A_262 = arith.constant 0 : i32
          %swap3A_263 = arith.index_cast %swap3A_262 : i32 to index
          %swap3A_264 = arith.index_cast %add3A_247 : i32 to index
          %swap3A_265 = arith.constant 0 : index
          %swap3A_266 = tpu.vector_load %arg13[%swap3A_263, %swap3A_264, %swap3A_265] {strides = array<i32>} : memref<3x64x128xf32, #tpu.memory_space<vmem>>, vector<16xf32>,
          tpu.vector_store %arg13[%swap3A_263, %swap3A_264, %swap3A_265], %max3A_261 {strides = array<i32>} : memref<3x64x128xf32, #tpu.memory_space<vmem>>, vector<16xf32>,
          %get3A_267 = arith.constant 0 : i32
          %get3A_268 = arith.index_cast %get3A_267 : i32 to index
          %get3A_269 = arith.index_cast %add3A_247 : i32 to index
          %get3A_270 = arith.constant 16 : index
          %get3A_271 = tpu.vector_load %arg13[%get3A_268, %get3A_269, %get3A_270] {strides = array<i32>} : memref<3x64x128xf32, #tpu.memory_space<vmem>>, vector<16xf32>,
          %add3A_272 = arith.addf %get3A_271, %unpack3A_253 : vector<16xf32>
          %max3A_273 = arith.constant 0.000000e+00 : f32
          %max3A_274 = vector.broadcast %max3A_273 : f32 to vector<16xf32>
          %max3A_275 = arith.maximumf %add3A_272, %max3A_274 : vector<16xf32>
          %swap3A_276 = arith.constant 0 : i32
          %swap3A_277 = arith.index_cast %swap3A_276 : i32 to index
          %swap3A_278 = arith.index_cast %add3A_247 : i32 to index
          %swap3A_279 = arith.constant 16 : index
          %swap3A_280 = tpu.vector_load %arg13[%swap3A_277, %swap3A_278, %swap3A_279] {strides = array<i32>} : memref<3x64x128xf32, #tpu.memory_space<vmem>>, vector<16xf32>,
          tpu.vector_store %arg13[%swap3A_277, %swap3A_278, %swap3A_279], %max3A_275 {strides = array<i32>} : memref<3x64x128xf32, #tpu.memory_space<vmem>>, vector<16xf32>,
          %get3A_281 = arith.constant 0 : i32
          %get3A_282 = arith.index_cast %get3A_281 : i32 to index
          %get3A_283 = arith.index_cast %add3A_247 : i32 to index
          %get3A_284 = arith.constant 16 : index
          %get3A_285 = tpu.vector_load %arg14[%get3A_282, %get3A_283, %get3A_284] {strides = array<i32>} : memref<3x64x64xi32, #tpu.memory_space<vmem>>, vector<16xi32>,
          %bitcast3A_286 = vector.bitcast %get3A_285 : vector<16xi32> to vector<32xbf16>
          %unpack3A_287 = tpu.unpack_subelements %bitcast3A_286, 0 {pack_format = #tpu.pack_format<interleaved>} : vector<32xbf16> -> vector<16xf32>
          %unpack3A_288 = tpu.unpack_subelements %bitcast3A_286, 1 {pack_format = #tpu.pack_format<interleaved>} : vector<32xbf16> -> vector<16xf32>
          %get3A_289 = arith.constant 0 : i32
          %get3A_290 = arith.index_cast %get3A_289 : i32 to index
          %get3A_291 = arith.index_cast %add3A_247 : i32 to index
          %get3A_292 = arith.constant 32 : index
          %get3A_293 = tpu.vector_load %arg13[%get3A_290, %get3A_291, %get3A_292] {strides = array<i32>} : memref<3x64x128xf32, #tpu.memory_space<vmem>>, vector<16xf32>,
          %add3A_294 = arith.addf %get3A_293, %unpack3A_287 : vector<16xf32>
          %max3A_295 = arith.constant 0.000000e+00 : f32
          %max3A_296 = vector.broadcast %max3A_295 : f32 to vector<16xf32>
          %max3A_297 = arith.maximumf %add3A_294, %max3A_296 : vector<16xf32>
          %swap3A_298 = arith.constant 0 : i32
          %swap3A_299 = arith.index_cast %swap3A_298 : i32 to index
          %swap3A_300 = arith.index_cast %add3A_247 : i32 to index
          %swap3A_301 = arith.constant 32 : index
          %swap3A_302 = tpu.vector_load %arg13[%swap3A_299, %swap3A_300, %swap3A_301] {strides = array<i32>} : memref<3x64x128xf32, #tpu.memory_space<vmem>>, vector<16xf32>,
          tpu.vector_store %arg13[%swap3A_299, %swap3A_300, %swap3A_301], %max3A_297 {strides = array<i32>} : memref<3x64x128xf32, #tpu.memory_space<vmem>>, vector<16xf32>,
          %get3A_303 = arith.constant 0 : i32
          %get3A_304 = arith.index_cast %get3A_303 : i32 to index
          %get3A_305 = arith.index_cast %add3A_247 : i32 to index
          %get3A_306 = arith.constant 48 : index
          %get3A_307 = tpu.vector_load %arg13[%get3A_304, %get3A_305, %get3A_306] {strides = array<i32>} : memref<3x64x128xf32, #tpu.memory_space<vmem>>, vector<16xf32>,
          %add3A_308 = arith.addf %get3A_307, %unpack3A_288 : vector<16xf32>
          %max3A_309 = arith.constant 0.000000e+00 : f32
          %max3A_310 = vector.broadcast %max3A_309 : f32 to vector<16xf32>
          %max3A_311 = arith.maximumf %add3A_308, %max3A_310 : vector<16xf32>
          %swap3A_312 = arith.constant 0 : i32
          %swap3A_313 = arith.index_cast %swap3A_312 : i32 to index
          %swap3A_314 = arith.index_cast %add3A_247 : i32 to index
          %swap3A_315 = arith.constant 48 : index
          %swap3A_316 = tpu.vector_load %arg13[%swap3A_313, %swap3A_314, %swap3A_315] {strides = array<i32>} : memref<3x64x128xf32, #tpu.memory_space<vmem>>, vector<16xf32>,
          tpu.vector_store %arg13[%swap3A_313, %swap3A_314, %swap3A_315], %max3A_311 {strides = array<i32>} : memref<3x64x128xf32, #tpu.memory_space<vmem>>, vector<16xf32>,
          %get3A_317 = arith.constant 0 : i32
          %get3A_318 = arith.index_cast %get3A_317 : i32 to index
          %get3A_319 = arith.index_cast %add3A_247 : i32 to index
          %get3A_320 = arith.constant 32 : index
          %get3A_321 = tpu.vector_load %arg14[%get3A_318, %get3A_319, %get3A_320] {strides = array<i32>} : memref<3x64x64xi32, #tpu.memory_space<vmem>>, vector<16xi32>,
          %bitcast3A_322 = vector.bitcast %get3A_321 : vector<16xi32> to vector<32xbf16>
          %unpack3A_323 = tpu.unpack_subelements %bitcast3A_322, 0 {pack_format = #tpu.pack_format<interleaved>} : vector<32xbf16> -> vector<16xf32>
          %unpack3A_324 = tpu.unpack_subelements %bitcast3A_322, 1 {pack_format = #tpu.pack_format<interleaved>} : vector<32xbf16> -> vector<16xf32>
          %get3A_325 = arith.constant 0 : i32
          %get3A_326 = arith.index_cast %get3A_325 : i32 to index
          %get3A_327 = arith.index_cast %add3A_247 : i32 to index
          %get3A_328 = arith.constant 64 : index
          %get3A_329 = tpu.vector_load %arg13[%get3A_326, %get3A_327, %get3A_328] {strides = array<i32>} : memref<3x64x128xf32, #tpu.memory_space<vmem>>, vector<16xf32>,
          %add3A_330 = arith.addf %get3A_329, %unpack3A_323 : vector<16xf32>
          %max3A_331 = arith.constant 0.000000e+00 : f32
          %max3A_332 = vector.broadcast %max3A_331 : f32 to vector<16xf32>
          %max3A_333 = arith.maximumf %add3A_330, %max3A_332 : vector<16xf32>
          %swap3A_334 = arith.constant 0 : i32
          %swap3A_335 = arith.index_cast %swap3A_334 : i32 to index
          %swap3A_336 = arith.index_cast %add3A_247 : i32 to index
          %swap3A_337 = arith.constant 64 : index
          %swap3A_338 = tpu.vector_load %arg13[%swap3A_335, %swap3A_336, %swap3A_337] {strides = array<i32>} : memref<3x64x128xf32, #tpu.memory_space<vmem>>, vector<16xf32>,
          tpu.vector_store %arg13[%swap3A_335, %swap3A_336, %swap3A_337], %max3A_333 {strides = array<i32>} : memref<3x64x128xf32, #tpu.memory_space<vmem>>, vector<16xf32>,
          %get3A_339 = arith.constant 0 : i32
          %get3A_340 = arith.index_cast %get3A_339 : i32 to index
          %get3A_341 = arith.index_cast %add3A_247 : i32 to index
          %get3A_342 = arith.constant 80 : index
          %get3A_343 = tpu.vector_load %arg13[%get3A_340, %get3A_341, %get3A_342] {strides = array<i32>} : memref<3x64x128xf32, #tpu.memory_space<vmem>>, vector<16xf32>,
          %add3A_344 = arith.addf %get3A_343, %unpack3A_324 : vector<16xf32>
          %max3A_345 = arith.constant 0.000000e+00 : f32
          %max3A_346 = vector.broadcast %max3A_345 : f32 to vector<16xf32>
          %max3A_347 = arith.maximumf %add3A_344, %max3A_346 : vector<16xf32>
          %swap3A_348 = arith.constant 0 : i32
          %swap3A_349 = arith.index_cast %swap3A_348 : i32 to index
          %swap3A_350 = arith.index_cast %add3A_247 : i32 to index
          %swap3A_351 = arith.constant 80 : index
          %swap3A_352 = tpu.vector_load %arg13[%swap3A_349, %swap3A_350, %swap3A_351] {strides = array<i32>} : memref<3x64x128xf32, #tpu.memory_space<vmem>>, vector<16xf32>,
          tpu.vector_store %arg13[%swap3A_349, %swap3A_350, %swap3A_351], %max3A_347 {strides = array<i32>} : memref<3x64x128xf32, #tpu.memory_space<vmem>>, vector<16xf32>,
          %get3A_353 = arith.constant 0 : i32
          %get3A_354 = arith.index_cast %get3A_353 : i32 to index
          %get3A_355 = arith.index_cast %add3A_247 : i32 to index
          %get3A_356 = arith.constant 48 : index
          %get3A_357 = tpu.vector_load %arg14[%get3A_354, %get3A_355, %get3A_356] {strides = array<i32>} : memref<3x64x64xi32, #tpu.memory_space<vmem>>, vector<16xi32>,
          %bitcast3A_358 = vector.bitcast %get3A_357 : vector<16xi32> to vector<32xbf16>
          %unpack3A_359 = tpu.unpack_subelements %bitcast3A_358, 0 {pack_format = #tpu.pack_format<interleaved>} : vector<32xbf16> -> vector<16xf32>
          %unpack3A_360 = tpu.unpack_subelements %bitcast3A_358, 1 {pack_format = #tpu.pack_format<interleaved>} : vector<32xbf16> -> vector<16xf32>
          %get3A_361 = arith.constant 0 : i32
          %get3A_362 = arith.index_cast %get3A_361 : i32 to index
          %get3A_363 = arith.index_cast %add3A_247 : i32 to index
          %get3A_364 = arith.constant 96 : index
          %get3A_365 = tpu.vector_load %arg13[%get3A_362, %get3A_363, %get3A_364] {strides = array<i32>} : memref<3x64x128xf32, #tpu.memory_space<vmem>>, vector<16xf32>,
          %add3A_366 = arith.addf %get3A_365, %unpack3A_359 : vector<16xf32>
          %max3A_367 = arith.constant 0.000000e+00 : f32
          %max3A_368 = vector.broadcast %max3A_367 : f32 to vector<16xf32>
          %max3A_369 = arith.maximumf %add3A_366, %max3A_368 : vector<16xf32>
          %swap3A_370 = arith.constant 0 : i32
          %swap3A_371 = arith.index_cast %swap3A_370 : i32 to index
          %swap3A_372 = arith.index_cast %add3A_247 : i32 to index
          %swap3A_373 = arith.constant 96 : index
          %swap3A_374 = tpu.vector_load %arg13[%swap3A_371, %swap3A_372, %swap3A_373] {strides = array<i32>} : memref<3x64x128xf32, #tpu.memory_space<vmem>>, vector<16xf32>,
          tpu.vector_store %arg13[%swap3A_371, %swap3A_372, %swap3A_373], %max3A_369 {strides = array<i32>} : memref<3x64x128xf32, #tpu.memory_space<vmem>>, vector<16xf32>,
          %get3A_375 = arith.constant 0 : i32
          %get3A_376 = arith.index_cast %get3A_375 : i32 to index
          %get3A_377 = arith.index_cast %add3A_247 : i32 to index
          %get3A_378 = arith.constant 112 : index
          %get3A_379 = tpu.vector_load %arg13[%get3A_376, %get3A_377, %get3A_378] {strides = array<i32>} : memref<3x64x128xf32, #tpu.memory_space<vmem>>, vector<16xf32>,
          %add3A_380 = arith.addf %get3A_379, %unpack3A_360 : vector<16xf32>
          %max3A_381 = arith.constant 0.000000e+00 : f32
          %max3A_382 = vector.broadcast %max3A_381 : f32 to vector<16xf32>
          %max3A_383 = arith.maximumf %add3A_380, %max3A_382 : vector<16xf32>
          %swap3A_384 = arith.constant 0 : i32
          %swap3A_385 = arith.index_cast %swap3A_384 : i32 to index
          %swap3A_386 = arith.index_cast %add3A_247 : i32 to index
          %swap3A_387 = arith.constant 112 : index
          %swap3A_388 = tpu.vector_load %arg13[%swap3A_385, %swap3A_386, %swap3A_387] {strides = array<i32>} : memref<3x64x128xf32, #tpu.memory_space<vmem>>, vector<16xf32>,
          tpu.vector_store %arg13[%swap3A_385, %swap3A_386, %swap3A_387], %max3A_383 {strides = array<i32>} : memref<3x64x128xf32, #tpu.memory_space<vmem>>, vector<16xf32>,
        }
        %scan3A_234 = arith.constant 64 : i32
        %dma_start3A_235 = arith.constant 0 : i32
        %dma_start3A_236 = arith.constant 0 : i32
        %dma_start3A_237 = arith.constant 0 : i32
        %dma_start3A_238 = tpu.memref_slice %arg13[%dma_start3A_235, %dma_start3A_236, %dma_start3A_237] : memref<3x64x128xf32, #tpu.memory_space<vmem>> -> memref<1x64x128xf32, #tpu.memory_space<vmem>>
        %dma_start3A_239 = tpu.memref_squeeze %dma_start3A_238 : memref<1x64x128xf32, #tpu.memory_space<vmem>> -> memref<64x128xf32, #tpu.memory_space<vmem>>
        %dma_start3A_240 = arith.constant 0 : i32
        %dma_start3A_241 = arith.constant 0 : i32
        %dma_start3A_242 = tpu.memref_slice %arg15[%dma_start3A_240, %dma_start3A_241] : memref<10000x128xf32, #tpu.memory_space<vmem_shared>> -> memref<10000x128xf32, #tpu.memory_space<vmem_shared>>
        tpu.enqueue_indirect_dma source(%dma_start3A_239 : memref<64x128xf32, #tpu.memory_space<vmem>>) target(%dma_start3A_242 : memref<10000x128xf32, #tpu.memory_space<vmem_shared>>) offsets(%arg10 : memref<64xi32, #tpu.memory_space<vmem>>) semaphore(%arg25 : memref<!tpu.dma_semaphore, #tpu.memory_space<semaphore_mem>>) {add = true}
      } else {
      }
      %add3A_118 = arith.constant 3 : i32
      %add3A_119 = arith.addi %add3A_100, %add3A_118 : i32
      %mul3A_120 = arith.constant 32 : i32
      %mul3A_121 = arith.muli %add3A_119, %mul3A_120 : i32
      %add3A_122 = arith.addi %mul3A_121, %add3A : i32
      %lt3A_123 = arith.constant 5000 : i32
      %lt3A_124 = arith.cmpi slt, %add3A_122, %lt3A_123 : i32
      %convert_element_type3A_125 = arith.extui %lt3A_124 : i1 to i32
      %cond3A_126 = arith.constant 0 : i32
      %cond3A_127 = arith.cmpi ne, %convert_element_type3A_125, %cond3A_126 : i32
      scf.if %cond3A_127 {
        %add3A_188 = arith.constant 3 : i32
        %add3A_189 = arith.addi %add3A_100, %add3A_188 : i32
        %mul3A_190 = arith.constant 32 : i32
        %mul3A_191 = arith.muli %add3A_189, %mul3A_190 : i32
        %add3A_192 = arith.addi %mul3A_191, %add3A : i32
        %mul3A_193 = arith.constant 2 : i32
        %mul3A_194 = arith.muli %add3A_192, %mul3A_193 : i32
        %mul3A_195 = arith.constant 64 : i32
        %mul3A_196 = arith.muli %mul3A_194, %mul3A_195 : i32
        %dma_start3A_197 = tpu.memref_slice %arg4[%mul3A_196] : memref<640000xi32, #tpu.memory_space<hbm>> -> memref<128xi32, #tpu.memory_space<hbm>>
        %dma_start3A_198 = tpu.memref_slice %arg4[%mul3A_196] : memref<640000xi32, #tpu.memory_space<hbm>> -> memref<128xi32, #tpu.memory_space<hbm>>
        tpu.enqueue_dma source(%dma_start3A_198 : memref<128xi32, #tpu.memory_space<hbm>>) target(%arg7 : memref<128xi32, #tpu.memory_space<vmem>>) target_semaphore(%arg16 : memref<!tpu.dma_semaphore, #tpu.memory_space<semaphore_mem>>)
      } else {
      }
      %add3A_128 = arith.constant 1 : i32
      %add3A_129 = arith.addi %add3A_100, %add3A_128 : i32
      %add3A_130 = arith.constant 1 : i32
      %add3A_131 = arith.addi %add3A_129, %add3A_130 : i32
      %mul3A_132 = arith.constant 32 : i32
      %mul3A_133 = arith.muli %add3A_131, %mul3A_132 : i32
      %add3A_134 = arith.addi %mul3A_133, %add3A : i32
      %lt3A_135 = arith.constant 5000 : i32
      %lt3A_136 = arith.cmpi slt, %add3A_134, %lt3A_135 : i32
      %convert_element_type3A_137 = arith.extui %lt3A_136 : i1 to i32
      %cond3A_138 = arith.constant 0 : i32
      %cond3A_139 = arith.cmpi ne, %convert_element_type3A_137, %cond3A_138 : i32
      scf.if %cond3A_139 {
        %add3A_188 = arith.constant 1 : i32
        %add3A_189 = arith.addi %add3A_129, %add3A_188 : i32
        %mul3A_190 = arith.constant 32 : i32
        %mul3A_191 = arith.muli %add3A_189, %mul3A_190 : i32
        %add3A_192 = arith.addi %mul3A_191, %add3A : i32
        %mul3A_193 = arith.constant 2 : i32
        %mul3A_194 = arith.muli %add3A_192, %mul3A_193 : i32
        %mul3A_195 = arith.constant 64 : i32
        %mul3A_196 = arith.muli %mul3A_194, %mul3A_195 : i32
        %dma_wait3A_197 = tpu.memref_slice %arg4[%mul3A_196] : memref<640000xi32, #tpu.memory_space<hbm>> -> memref<128xi32, #tpu.memory_space<hbm>>
        %dma_wait3A_198 = tpu.memref_slice %arg4[%mul3A_196] : memref<640000xi32, #tpu.memory_space<hbm>> -> memref<128xi32, #tpu.memory_space<hbm>>
        tpu.wait_dma2 semaphore(%arg18 : memref<!tpu.dma_semaphore, #tpu.memory_space<semaphore_mem>>) src(%dma_wait3A_198 : memref<128xi32, #tpu.memory_space<hbm>>) dst(%arg9 : memref<128xi32, #tpu.memory_space<vmem>>)
        %ge3A = arith.constant 2 : i32
        %ge3A_199 = arith.cmpi sge, %add3A_129, %ge3A : i32
        %convert_element_type3A_200 = arith.extui %ge3A_199 : i1 to i32
        %cond3A_201 = arith.constant 0 : i32
        %cond3A_202 = arith.cmpi ne, %convert_element_type3A_200, %cond3A_201 : i32
        scf.if %cond3A_202 {
          %dma_wait3A_233 = arith.constant 2 : i32
          %dma_wait3A_234 = arith.constant 0 : i32
          %dma_wait3A_235 = arith.constant 0 : i32
          %dma_wait3A_236 = tpu.memref_slice %arg13[%dma_wait3A_233, %dma_wait3A_234, %dma_wait3A_235] : memref<3x64x128xf32, #tpu.memory_space<vmem>> -> memref<1x64x128xf32, #tpu.memory_space<vmem>>
          %dma_wait3A_237 = tpu.memref_squeeze %dma_wait3A_236 : memref<1x64x128xf32, #tpu.memory_space<vmem>> -> memref<64x128xf32, #tpu.memory_space<vmem>>
          %dma_wait3A_238 = arith.constant 0 : i32
          %dma_wait3A_239 = arith.constant 0 : i32
          %dma_wait3A_240 = tpu.memref_slice %arg15[%dma_wait3A_238, %dma_wait3A_239] : memref<10000x128xf32, #tpu.memory_space<vmem_shared>> -> memref<10000x128xf32, #tpu.memory_space<vmem_shared>>
          tpu.wait_indirect_dma semaphore(%arg27 : memref<!tpu.dma_semaphore, #tpu.memory_space<semaphore_mem>>) src(%dma_wait3A_237 : memref<64x128xf32, #tpu.memory_space<vmem>>) dst(%dma_wait3A_240 : memref<10000x128xf32, #tpu.memory_space<vmem_shared>>)
        } else {
        }
        %add3A_203 = arith.constant 1 : i32
        %add3A_204 = arith.addi %add3A_129, %add3A_203 : i32
        %dma_start3A_205 = arith.constant 2 : i32
        %dma_start3A_206 = arith.constant 0 : i32
        %dma_start3A_207 = arith.constant 0 : i32
        %dma_start3A_208 = tpu.memref_slice %arg13[%dma_start3A_205, %dma_start3A_206, %dma_start3A_207] : memref<3x64x128xf32, #tpu.memory_space<vmem>> -> memref<1x64x128xf32, #tpu.memory_space<vmem>>
        %dma_start3A_209 = tpu.memref_squeeze %dma_start3A_208 : memref<1x64x128xf32, #tpu.memory_space<vmem>> -> memref<64x128xf32, #tpu.memory_space<vmem>>
        %dma_start3A_210 = arith.constant 0 : i32
        %dma_start3A_211 = tpu.memref_slice %arg9[%dma_start3A_210] : memref<128xi32, #tpu.memory_space<vmem>> -> memref<64xi32, #tpu.memory_space<vmem>>
        %dma_start3A_212 = arith.constant 0 : i32
        %dma_start3A_213 = arith.constant 0 : i32
        %dma_start3A_214 = tpu.memref_slice %arg2[%dma_start3A_212, %dma_start3A_213] : memref<10000x128xf32, #tpu.memory_space<hbm>> -> memref<10000x128xf32, #tpu.memory_space<hbm>>
        tpu.enqueue_indirect_dma source(%dma_start3A_214 : memref<10000x128xf32, #tpu.memory_space<hbm>>) target(%dma_start3A_209 : memref<64x128xf32, #tpu.memory_space<vmem>>) offsets(%dma_start3A_211 : memref<64xi32, #tpu.memory_space<vmem>>) semaphore(%arg21 : memref<!tpu.dma_semaphore, #tpu.memory_space<semaphore_mem>>)
        %mul3A_215 = arith.constant 32 : i32
        %mul3A_216 = arith.muli %add3A_204, %mul3A_215 : i32
        %add3A_217 = arith.addi %mul3A_216, %add3A : i32
        %mul3A_218 = arith.constant 64 : i32
        %mul3A_219 = arith.muli %add3A_217, %mul3A_218 : i32
        %dma_start3A_220 = arith.constant 2 : i32
        %dma_start3A_221 = arith.constant 0 : i32
        %dma_start3A_222 = arith.constant 0 : i32
        %dma_start3A_223 = tpu.memref_slice %arg14[%dma_start3A_220, %dma_start3A_221, %dma_start3A_222] : memref<3x64x64xi32, #tpu.memory_space<vmem>> -> memref<1x64x64xi32, #tpu.memory_space<vmem>>
        %dma_start3A_224 = tpu.memref_squeeze %dma_start3A_223 : memref<1x64x64xi32, #tpu.memory_space<vmem>> -> memref<64x64xi32, #tpu.memory_space<vmem>>
        %dma_start3A_225 = arith.constant 0 : i32
        %dma_start3A_226 = tpu.memref_slice %arg3[%mul3A_219, %dma_start3A_225] : memref<320000x64xi32, #tpu.memory_space<hbm>> -> memref<64x64xi32, #tpu.memory_space<hbm>>
        %dma_start3A_227 = arith.constant 0 : i32
        %dma_start3A_228 = arith.constant 0 : i32
        %dma_start3A_229 = tpu.memref_slice %arg14[%dma_start3A_220, %dma_start3A_227, %dma_start3A_228] : memref<3x64x64xi32, #tpu.memory_space<vmem>> -> memref<1x64x64xi32, #tpu.memory_space<vmem>>
        %dma_start3A_230 = tpu.memref_squeeze %dma_start3A_229 : memref<1x64x64xi32, #tpu.memory_space<vmem>> -> memref<64x64xi32, #tpu.memory_space<vmem>>
        %dma_start3A_231 = arith.constant 0 : i32
        %dma_start3A_232 = tpu.memref_slice %arg3[%mul3A_219, %dma_start3A_231] : memref<320000x64xi32, #tpu.memory_space<hbm>> -> memref<64x64xi32, #tpu.memory_space<hbm>>
        tpu.enqueue_dma source(%dma_start3A_232 : memref<64x64xi32, #tpu.memory_space<hbm>>) target(%dma_start3A_230 : memref<64x64xi32, #tpu.memory_space<vmem>>) target_semaphore(%arg24 : memref<!tpu.dma_semaphore, #tpu.memory_space<semaphore_mem>>)
      } else {
      }
      %mul3A_140 = arith.constant 32 : i32
      %mul3A_141 = arith.muli %add3A_129, %mul3A_140 : i32
      %add3A_142 = arith.addi %mul3A_141, %add3A : i32
      %lt3A_143 = arith.constant 5000 : i32
      %lt3A_144 = arith.cmpi slt, %add3A_142, %lt3A_143 : i32
      %convert_element_type3A_145 = arith.extui %lt3A_144 : i1 to i32
      %cond3A_146 = arith.constant 0 : i32
      %cond3A_147 = arith.cmpi ne, %convert_element_type3A_145, %cond3A_146 : i32
      scf.if %cond3A_147 {
        %dma_wait3A_188 = arith.constant 1 : i32
        %dma_wait3A_189 = arith.constant 0 : i32
        %dma_wait3A_190 = arith.constant 0 : i32
        %dma_wait3A_191 = tpu.memref_slice %arg13[%dma_wait3A_188, %dma_wait3A_189, %dma_wait3A_190] : memref<3x64x128xf32, #tpu.memory_space<vmem>> -> memref<1x64x128xf32, #tpu.memory_space<vmem>>
        %dma_wait3A_192 = tpu.memref_squeeze %dma_wait3A_191 : memref<1x64x128xf32, #tpu.memory_space<vmem>> -> memref<64x128xf32, #tpu.memory_space<vmem>>
        %dma_wait3A_193 = arith.constant 0 : i32
        %dma_wait3A_194 = tpu.memref_slice %arg8[%dma_wait3A_193] : memref<128xi32, #tpu.memory_space<vmem>> -> memref<64xi32, #tpu.memory_space<vmem>>
        %dma_wait3A_195 = arith.constant 0 : i32
        %dma_wait3A_196 = arith.constant 0 : i32
        %dma_wait3A_197 = tpu.memref_slice %arg2[%dma_wait3A_195, %dma_wait3A_196] : memref<10000x128xf32, #tpu.memory_space<hbm>> -> memref<10000x128xf32, #tpu.memory_space<hbm>>
        tpu.wait_indirect_dma semaphore(%arg20 : memref<!tpu.dma_semaphore, #tpu.memory_space<semaphore_mem>>) src(%dma_wait3A_197 : memref<10000x128xf32, #tpu.memory_space<hbm>>) dst(%dma_wait3A_192 : memref<64x128xf32, #tpu.memory_space<vmem>>)
        %mul3A_198 = arith.constant 32 : i32
        %mul3A_199 = arith.muli %add3A_129, %mul3A_198 : i32
        %add3A_200 = arith.addi %mul3A_199, %add3A : i32
        %mul3A_201 = arith.constant 64 : i32
        %mul3A_202 = arith.muli %add3A_200, %mul3A_201 : i32
        %dma_wait3A_203 = arith.constant 1 : i32
        %dma_wait3A_204 = arith.constant 0 : i32
        %dma_wait3A_205 = arith.constant 0 : i32
        %dma_wait3A_206 = tpu.memref_slice %arg14[%dma_wait3A_203, %dma_wait3A_204, %dma_wait3A_205] : memref<3x64x64xi32, #tpu.memory_space<vmem>> -> memref<1x64x64xi32, #tpu.memory_space<vmem>>
        %dma_wait3A_207 = tpu.memref_squeeze %dma_wait3A_206 : memref<1x64x64xi32, #tpu.memory_space<vmem>> -> memref<64x64xi32, #tpu.memory_space<vmem>>
        %dma_wait3A_208 = arith.constant 0 : i32
        %dma_wait3A_209 = tpu.memref_slice %arg3[%mul3A_202, %dma_wait3A_208] : memref<320000x64xi32, #tpu.memory_space<hbm>> -> memref<64x64xi32, #tpu.memory_space<hbm>>
        %dma_wait3A_210 = arith.constant 0 : i32
        %dma_wait3A_211 = arith.constant 0 : i32
        %dma_wait3A_212 = tpu.memref_slice %arg14[%dma_wait3A_203, %dma_wait3A_210, %dma_wait3A_211] : memref<3x64x64xi32, #tpu.memory_space<vmem>> -> memref<1x64x64xi32, #tpu.memory_space<vmem>>
        %dma_wait3A_213 = tpu.memref_squeeze %dma_wait3A_212 : memref<1x64x64xi32, #tpu.memory_space<vmem>> -> memref<64x64xi32, #tpu.memory_space<vmem>>
        %dma_wait3A_214 = arith.constant 0 : i32
        %dma_wait3A_215 = tpu.memref_slice %arg3[%mul3A_202, %dma_wait3A_214] : memref<320000x64xi32, #tpu.memory_space<hbm>> -> memref<64x64xi32, #tpu.memory_space<hbm>>
        tpu.wait_dma2 semaphore(%arg23 : memref<!tpu.dma_semaphore, #tpu.memory_space<semaphore_mem>>) src(%dma_wait3A_215 : memref<64x64xi32, #tpu.memory_space<hbm>>) dst(%dma_wait3A_213 : memref<64x64xi32, #tpu.memory_space<vmem>>)
        %get3A = arith.constant 64 : index
        %get3A_216 = tpu.vector_load %arg8[%get3A] {strides = array<i32>} : memref<128xi32, #tpu.memory_space<vmem>>, vector<16xi32>,
        %swap3A = arith.constant 0 : index
        %swap3A_217 = tpu.vector_load %arg11[%swap3A] {strides = array<i32>} : memref<64xi32, #tpu.memory_space<vmem>>, vector<16xi32>,
        tpu.vector_store %arg11[%swap3A], %get3A_216 {strides = array<i32>} : memref<64xi32, #tpu.memory_space<vmem>>, vector<16xi32>,
        %get3A_218 = arith.constant 80 : index
        %get3A_219 = tpu.vector_load %arg8[%get3A_218] {strides = array<i32>} : memref<128xi32, #tpu.memory_space<vmem>>, vector<16xi32>,
        %swap3A_220 = arith.constant 16 : index
        %swap3A_221 = tpu.vector_load %arg11[%swap3A_220] {strides = array<i32>} : memref<64xi32, #tpu.memory_space<vmem>>, vector<16xi32>,
        tpu.vector_store %arg11[%swap3A_220], %get3A_219 {strides = array<i32>} : memref<64xi32, #tpu.memory_space<vmem>>, vector<16xi32>,
        %get3A_222 = arith.constant 96 : index
        %get3A_223 = tpu.vector_load %arg8[%get3A_222] {strides = array<i32>} : memref<128xi32, #tpu.memory_space<vmem>>, vector<16xi32>,
        %swap3A_224 = arith.constant 32 : index
        %swap3A_225 = tpu.vector_load %arg11[%swap3A_224] {strides = array<i32>} : memref<64xi32, #tpu.memory_space<vmem>>, vector<16xi32>,
        tpu.vector_store %arg11[%swap3A_224], %get3A_223 {strides = array<i32>} : memref<64xi32, #tpu.memory_space<vmem>>, vector<16xi32>,
        %get3A_226 = arith.constant 112 : index
        %get3A_227 = tpu.vector_load %arg8[%get3A_226] {strides = array<i32>} : memref<128xi32, #tpu.memory_space<vmem>>, vector<16xi32>,
        %swap3A_228 = arith.constant 48 : index
        %swap3A_229 = tpu.vector_load %arg11[%swap3A_228] {strides = array<i32>} : memref<64xi32, #tpu.memory_space<vmem>>, vector<16xi32>,
        tpu.vector_store %arg11[%swap3A_228], %get3A_227 {strides = array<i32>} : memref<64xi32, #tpu.memory_space<vmem>>, vector<16xi32>,
        %scan3A_230 = arith.constant 0 : i32
        %scan3A_231 = arith.constant 64 : i32
        %scan3A_232 = arith.addi %scan3A_230, %scan3A_231 : i32
        %scan3A_233 = arith.constant 1 : i32
        scf.for %scan3A_243 = %scan3A_230 to %scan3A_232 step %scan3A_233  : i32 {
          %mul3A_244 = arith.constant 1 : i32
          %mul3A_245 = arith.muli %scan3A_243, %mul3A_244 : i32
          %add3A_246 = arith.constant 0 : i32
          %add3A_247 = arith.addi %add3A_246, %mul3A_245 : i32
          %get3A_248 = arith.constant 1 : i32
          %get3A_249 = arith.index_cast %get3A_248 : i32 to index
          %get3A_250 = arith.index_cast %add3A_247 : i32 to index
          %get3A_251 = arith.constant 0 : index
          %get3A_252 = tpu.vector_load %arg14[%get3A_249, %get3A_250, %get3A_251] {strides = array<i32>} : memref<3x64x64xi32, #tpu.memory_space<vmem>>, vector<16xi32>,
          %bitcast3A = vector.bitcast %get3A_252 : vector<16xi32> to vector<32xbf16>
          %unpack3A = tpu.unpack_subelements %bitcast3A, 0 {pack_format = #tpu.pack_format<interleaved>} : vector<32xbf16> -> vector<16xf32>
          %unpack3A_253 = tpu.unpack_subelements %bitcast3A, 1 {pack_format = #tpu.pack_format<interleaved>} : vector<32xbf16> -> vector<16xf32>
          %get3A_254 = arith.constant 1 : i32
          %get3A_255 = arith.index_cast %get3A_254 : i32 to index
          %get3A_256 = arith.index_cast %add3A_247 : i32 to index
          %get3A_257 = arith.constant 0 : index
          %get3A_258 = tpu.vector_load %arg13[%get3A_255, %get3A_256, %get3A_257] {strides = array<i32>} : memref<3x64x128xf32, #tpu.memory_space<vmem>>, vector<16xf32>,
          %add3A_259 = arith.addf %get3A_258, %unpack3A : vector<16xf32>
          %max3A = arith.constant 0.000000e+00 : f32
          %max3A_260 = vector.broadcast %max3A : f32 to vector<16xf32>
          %max3A_261 = arith.maximumf %add3A_259, %max3A_260 : vector<16xf32>
          %swap3A_262 = arith.constant 1 : i32
          %swap3A_263 = arith.index_cast %swap3A_262 : i32 to index
          %swap3A_264 = arith.index_cast %add3A_247 : i32 to index
          %swap3A_265 = arith.constant 0 : index
          %swap3A_266 = tpu.vector_load %arg13[%swap3A_263, %swap3A_264, %swap3A_265] {strides = array<i32>} : memref<3x64x128xf32, #tpu.memory_space<vmem>>, vector<16xf32>,
          tpu.vector_store %arg13[%swap3A_263, %swap3A_264, %swap3A_265], %max3A_261 {strides = array<i32>} : memref<3x64x128xf32, #tpu.memory_space<vmem>>, vector<16xf32>,
          %get3A_267 = arith.constant 1 : i32
          %get3A_268 = arith.index_cast %get3A_267 : i32 to index
          %get3A_269 = arith.index_cast %add3A_247 : i32 to index
          %get3A_270 = arith.constant 16 : index
          %get3A_271 = tpu.vector_load %arg13[%get3A_268, %get3A_269, %get3A_270] {strides = array<i32>} : memref<3x64x128xf32, #tpu.memory_space<vmem>>, vector<16xf32>,
          %add3A_272 = arith.addf %get3A_271, %unpack3A_253 : vector<16xf32>
          %max3A_273 = arith.constant 0.000000e+00 : f32
          %max3A_274 = vector.broadcast %max3A_273 : f32 to vector<16xf32>
          %max3A_275 = arith.maximumf %add3A_272, %max3A_274 : vector<16xf32>
          %swap3A_276 = arith.constant 1 : i32
          %swap3A_277 = arith.index_cast %swap3A_276 : i32 to index
          %swap3A_278 = arith.index_cast %add3A_247 : i32 to index
          %swap3A_279 = arith.constant 16 : index
          %swap3A_280 = tpu.vector_load %arg13[%swap3A_277, %swap3A_278, %swap3A_279] {strides = array<i32>} : memref<3x64x128xf32, #tpu.memory_space<vmem>>, vector<16xf32>,
          tpu.vector_store %arg13[%swap3A_277, %swap3A_278, %swap3A_279], %max3A_275 {strides = array<i32>} : memref<3x64x128xf32, #tpu.memory_space<vmem>>, vector<16xf32>,
          %get3A_281 = arith.constant 1 : i32
          %get3A_282 = arith.index_cast %get3A_281 : i32 to index
          %get3A_283 = arith.index_cast %add3A_247 : i32 to index
          %get3A_284 = arith.constant 16 : index
          %get3A_285 = tpu.vector_load %arg14[%get3A_282, %get3A_283, %get3A_284] {strides = array<i32>} : memref<3x64x64xi32, #tpu.memory_space<vmem>>, vector<16xi32>,
          %bitcast3A_286 = vector.bitcast %get3A_285 : vector<16xi32> to vector<32xbf16>
          %unpack3A_287 = tpu.unpack_subelements %bitcast3A_286, 0 {pack_format = #tpu.pack_format<interleaved>} : vector<32xbf16> -> vector<16xf32>
          %unpack3A_288 = tpu.unpack_subelements %bitcast3A_286, 1 {pack_format = #tpu.pack_format<interleaved>} : vector<32xbf16> -> vector<16xf32>
          %get3A_289 = arith.constant 1 : i32
          %get3A_290 = arith.index_cast %get3A_289 : i32 to index
          %get3A_291 = arith.index_cast %add3A_247 : i32 to index
          %get3A_292 = arith.constant 32 : index
          %get3A_293 = tpu.vector_load %arg13[%get3A_290, %get3A_291, %get3A_292] {strides = array<i32>} : memref<3x64x128xf32, #tpu.memory_space<vmem>>, vector<16xf32>,
          %add3A_294 = arith.addf %get3A_293, %unpack3A_287 : vector<16xf32>
          %max3A_295 = arith.constant 0.000000e+00 : f32
          %max3A_296 = vector.broadcast %max3A_295 : f32 to vector<16xf32>
          %max3A_297 = arith.maximumf %add3A_294, %max3A_296 : vector<16xf32>
          %swap3A_298 = arith.constant 1 : i32
          %swap3A_299 = arith.index_cast %swap3A_298 : i32 to index
          %swap3A_300 = arith.index_cast %add3A_247 : i32 to index
          %swap3A_301 = arith.constant 32 : index
          %swap3A_302 = tpu.vector_load %arg13[%swap3A_299, %swap3A_300, %swap3A_301] {strides = array<i32>} : memref<3x64x128xf32, #tpu.memory_space<vmem>>, vector<16xf32>,
          tpu.vector_store %arg13[%swap3A_299, %swap3A_300, %swap3A_301], %max3A_297 {strides = array<i32>} : memref<3x64x128xf32, #tpu.memory_space<vmem>>, vector<16xf32>,
          %get3A_303 = arith.constant 1 : i32
          %get3A_304 = arith.index_cast %get3A_303 : i32 to index
          %get3A_305 = arith.index_cast %add3A_247 : i32 to index
          %get3A_306 = arith.constant 48 : index
          %get3A_307 = tpu.vector_load %arg13[%get3A_304, %get3A_305, %get3A_306] {strides = array<i32>} : memref<3x64x128xf32, #tpu.memory_space<vmem>>, vector<16xf32>,
          %add3A_308 = arith.addf %get3A_307, %unpack3A_288 : vector<16xf32>
          %max3A_309 = arith.constant 0.000000e+00 : f32
          %max3A_310 = vector.broadcast %max3A_309 : f32 to vector<16xf32>
          %max3A_311 = arith.maximumf %add3A_308, %max3A_310 : vector<16xf32>
          %swap3A_312 = arith.constant 1 : i32
          %swap3A_313 = arith.index_cast %swap3A_312 : i32 to index
          %swap3A_314 = arith.index_cast %add3A_247 : i32 to index
          %swap3A_315 = arith.constant 48 : index
          %swap3A_316 = tpu.vector_load %arg13[%swap3A_313, %swap3A_314, %swap3A_315] {strides = array<i32>} : memref<3x64x128xf32, #tpu.memory_space<vmem>>, vector<16xf32>,
          tpu.vector_store %arg13[%swap3A_313, %swap3A_314, %swap3A_315], %max3A_311 {strides = array<i32>} : memref<3x64x128xf32, #tpu.memory_space<vmem>>, vector<16xf32>,
          %get3A_317 = arith.constant 1 : i32
          %get3A_318 = arith.index_cast %get3A_317 : i32 to index
          %get3A_319 = arith.index_cast %add3A_247 : i32 to index
          %get3A_320 = arith.constant 32 : index
          %get3A_321 = tpu.vector_load %arg14[%get3A_318, %get3A_319, %get3A_320] {strides = array<i32>} : memref<3x64x64xi32, #tpu.memory_space<vmem>>, vector<16xi32>,
          %bitcast3A_322 = vector.bitcast %get3A_321 : vector<16xi32> to vector<32xbf16>
          %unpack3A_323 = tpu.unpack_subelements %bitcast3A_322, 0 {pack_format = #tpu.pack_format<interleaved>} : vector<32xbf16> -> vector<16xf32>
          %unpack3A_324 = tpu.unpack_subelements %bitcast3A_322, 1 {pack_format = #tpu.pack_format<interleaved>} : vector<32xbf16> -> vector<16xf32>
          %get3A_325 = arith.constant 1 : i32
          %get3A_326 = arith.index_cast %get3A_325 : i32 to index
          %get3A_327 = arith.index_cast %add3A_247 : i32 to index
          %get3A_328 = arith.constant 64 : index
          %get3A_329 = tpu.vector_load %arg13[%get3A_326, %get3A_327, %get3A_328] {strides = array<i32>} : memref<3x64x128xf32, #tpu.memory_space<vmem>>, vector<16xf32>,
          %add3A_330 = arith.addf %get3A_329, %unpack3A_323 : vector<16xf32>
          %max3A_331 = arith.constant 0.000000e+00 : f32
          %max3A_332 = vector.broadcast %max3A_331 : f32 to vector<16xf32>
          %max3A_333 = arith.maximumf %add3A_330, %max3A_332 : vector<16xf32>
          %swap3A_334 = arith.constant 1 : i32
          %swap3A_335 = arith.index_cast %swap3A_334 : i32 to index
          %swap3A_336 = arith.index_cast %add3A_247 : i32 to index
          %swap3A_337 = arith.constant 64 : index
          %swap3A_338 = tpu.vector_load %arg13[%swap3A_335, %swap3A_336, %swap3A_337] {strides = array<i32>} : memref<3x64x128xf32, #tpu.memory_space<vmem>>, vector<16xf32>,
          tpu.vector_store %arg13[%swap3A_335, %swap3A_336, %swap3A_337], %max3A_333 {strides = array<i32>} : memref<3x64x128xf32, #tpu.memory_space<vmem>>, vector<16xf32>,
          %get3A_339 = arith.constant 1 : i32
          %get3A_340 = arith.index_cast %get3A_339 : i32 to index
          %get3A_341 = arith.index_cast %add3A_247 : i32 to index
          %get3A_342 = arith.constant 80 : index
          %get3A_343 = tpu.vector_load %arg13[%get3A_340, %get3A_341, %get3A_342] {strides = array<i32>} : memref<3x64x128xf32, #tpu.memory_space<vmem>>, vector<16xf32>,
          %add3A_344 = arith.addf %get3A_343, %unpack3A_324 : vector<16xf32>
          %max3A_345 = arith.constant 0.000000e+00 : f32
          %max3A_346 = vector.broadcast %max3A_345 : f32 to vector<16xf32>
          %max3A_347 = arith.maximumf %add3A_344, %max3A_346 : vector<16xf32>
          %swap3A_348 = arith.constant 1 : i32
          %swap3A_349 = arith.index_cast %swap3A_348 : i32 to index
          %swap3A_350 = arith.index_cast %add3A_247 : i32 to index
          %swap3A_351 = arith.constant 80 : index
          %swap3A_352 = tpu.vector_load %arg13[%swap3A_349, %swap3A_350, %swap3A_351] {strides = array<i32>} : memref<3x64x128xf32, #tpu.memory_space<vmem>>, vector<16xf32>,
          tpu.vector_store %arg13[%swap3A_349, %swap3A_350, %swap3A_351], %max3A_347 {strides = array<i32>} : memref<3x64x128xf32, #tpu.memory_space<vmem>>, vector<16xf32>,
          %get3A_353 = arith.constant 1 : i32
          %get3A_354 = arith.index_cast %get3A_353 : i32 to index
          %get3A_355 = arith.index_cast %add3A_247 : i32 to index
          %get3A_356 = arith.constant 48 : index
          %get3A_357 = tpu.vector_load %arg14[%get3A_354, %get3A_355, %get3A_356] {strides = array<i32>} : memref<3x64x64xi32, #tpu.memory_space<vmem>>, vector<16xi32>,
          %bitcast3A_358 = vector.bitcast %get3A_357 : vector<16xi32> to vector<32xbf16>
          %unpack3A_359 = tpu.unpack_subelements %bitcast3A_358, 0 {pack_format = #tpu.pack_format<interleaved>} : vector<32xbf16> -> vector<16xf32>
          %unpack3A_360 = tpu.unpack_subelements %bitcast3A_358, 1 {pack_format = #tpu.pack_format<interleaved>} : vector<32xbf16> -> vector<16xf32>
          %get3A_361 = arith.constant 1 : i32
          %get3A_362 = arith.index_cast %get3A_361 : i32 to index
          %get3A_363 = arith.index_cast %add3A_247 : i32 to index
          %get3A_364 = arith.constant 96 : index
          %get3A_365 = tpu.vector_load %arg13[%get3A_362, %get3A_363, %get3A_364] {strides = array<i32>} : memref<3x64x128xf32, #tpu.memory_space<vmem>>, vector<16xf32>,
          %add3A_366 = arith.addf %get3A_365, %unpack3A_359 : vector<16xf32>
          %max3A_367 = arith.constant 0.000000e+00 : f32
          %max3A_368 = vector.broadcast %max3A_367 : f32 to vector<16xf32>
          %max3A_369 = arith.maximumf %add3A_366, %max3A_368 : vector<16xf32>
          %swap3A_370 = arith.constant 1 : i32
          %swap3A_371 = arith.index_cast %swap3A_370 : i32 to index
          %swap3A_372 = arith.index_cast %add3A_247 : i32 to index
          %swap3A_373 = arith.constant 96 : index
          %swap3A_374 = tpu.vector_load %arg13[%swap3A_371, %swap3A_372, %swap3A_373] {strides = array<i32>} : memref<3x64x128xf32, #tpu.memory_space<vmem>>, vector<16xf32>,
          tpu.vector_store %arg13[%swap3A_371, %swap3A_372, %swap3A_373], %max3A_369 {strides = array<i32>} : memref<3x64x128xf32, #tpu.memory_space<vmem>>, vector<16xf32>,
          %get3A_375 = arith.constant 1 : i32
          %get3A_376 = arith.index_cast %get3A_375 : i32 to index
          %get3A_377 = arith.index_cast %add3A_247 : i32 to index
          %get3A_378 = arith.constant 112 : index
          %get3A_379 = tpu.vector_load %arg13[%get3A_376, %get3A_377, %get3A_378] {strides = array<i32>} : memref<3x64x128xf32, #tpu.memory_space<vmem>>, vector<16xf32>,
          %add3A_380 = arith.addf %get3A_379, %unpack3A_360 : vector<16xf32>
          %max3A_381 = arith.constant 0.000000e+00 : f32
          %max3A_382 = vector.broadcast %max3A_381 : f32 to vector<16xf32>
          %max3A_383 = arith.maximumf %add3A_380, %max3A_382 : vector<16xf32>
          %swap3A_384 = arith.constant 1 : i32
          %swap3A_385 = arith.index_cast %swap3A_384 : i32 to index
          %swap3A_386 = arith.index_cast %add3A_247 : i32 to index
          %swap3A_387 = arith.constant 112 : index
          %swap3A_388 = tpu.vector_load %arg13[%swap3A_385, %swap3A_386, %swap3A_387] {strides = array<i32>} : memref<3x64x128xf32, #tpu.memory_space<vmem>>, vector<16xf32>,
          tpu.vector_store %arg13[%swap3A_385, %swap3A_386, %swap3A_387], %max3A_383 {strides = array<i32>} : memref<3x64x128xf32, #tpu.memory_space<vmem>>, vector<16xf32>,
        }
        %scan3A_234 = arith.constant 64 : i32
        %dma_start3A_235 = arith.constant 1 : i32
        %dma_start3A_236 = arith.constant 0 : i32
        %dma_start3A_237 = arith.constant 0 : i32
        %dma_start3A_238 = tpu.memref_slice %arg13[%dma_start3A_235, %dma_start3A_236, %dma_start3A_237] : memref<3x64x128xf32, #tpu.memory_space<vmem>> -> memref<1x64x128xf32, #tpu.memory_space<vmem>>
        %dma_start3A_239 = tpu.memref_squeeze %dma_start3A_238 : memref<1x64x128xf32, #tpu.memory_space<vmem>> -> memref<64x128xf32, #tpu.memory_space<vmem>>
        %dma_start3A_240 = arith.constant 0 : i32
        %dma_start3A_241 = arith.constant 0 : i32
        %dma_start3A_242 = tpu.memref_slice %arg15[%dma_start3A_240, %dma_start3A_241] : memref<10000x128xf32, #tpu.memory_space<vmem_shared>> -> memref<10000x128xf32, #tpu.memory_space<vmem_shared>>
        tpu.enqueue_indirect_dma source(%dma_start3A_239 : memref<64x128xf32, #tpu.memory_space<vmem>>) target(%dma_start3A_242 : memref<10000x128xf32, #tpu.memory_space<vmem_shared>>) offsets(%arg11 : memref<64xi32, #tpu.memory_space<vmem>>) semaphore(%arg26 : memref<!tpu.dma_semaphore, #tpu.memory_space<semaphore_mem>>) {add = true}
      } else {
      }
      %add3A_148 = arith.constant 3 : i32
      %add3A_149 = arith.addi %add3A_129, %add3A_148 : i32
      %mul3A_150 = arith.constant 32 : i32
      %mul3A_151 = arith.muli %add3A_149, %mul3A_150 : i32
      %add3A_152 = arith.addi %mul3A_151, %add3A : i32
      %lt3A_153 = arith.constant 5000 : i32
      %lt3A_154 = arith.cmpi slt, %add3A_152, %lt3A_153 : i32
      %convert_element_type3A_155 = arith.extui %lt3A_154 : i1 to i32
      %cond3A_156 = arith.constant 0 : i32
      %cond3A_157 = arith.cmpi ne, %convert_element_type3A_155, %cond3A_156 : i32
      scf.if %cond3A_157 {
        %add3A_188 = arith.constant 3 : i32
        %add3A_189 = arith.addi %add3A_129, %add3A_188 : i32
        %mul3A_190 = arith.constant 32 : i32
        %mul3A_191 = arith.muli %add3A_189, %mul3A_190 : i32
        %add3A_192 = arith.addi %mul3A_191, %add3A : i32
        %mul3A_193 = arith.constant 2 : i32
        %mul3A_194 = arith.muli %add3A_192, %mul3A_193 : i32
        %mul3A_195 = arith.constant 64 : i32
        %mul3A_196 = arith.muli %mul3A_194, %mul3A_195 : i32
        %dma_start3A_197 = tpu.memref_slice %arg4[%mul3A_196] : memref<640000xi32, #tpu.memory_space<hbm>> -> memref<128xi32, #tpu.memory_space<hbm>>
        %dma_start3A_198 = tpu.memref_slice %arg4[%mul3A_196] : memref<640000xi32, #tpu.memory_space<hbm>> -> memref<128xi32, #tpu.memory_space<hbm>>
        tpu.enqueue_dma source(%dma_start3A_198 : memref<128xi32, #tpu.memory_space<hbm>>) target(%arg8 : memref<128xi32, #tpu.memory_space<vmem>>) target_semaphore(%arg17 : memref<!tpu.dma_semaphore, #tpu.memory_space<semaphore_mem>>)
      } else {
      }
      %add3A_158 = arith.constant 2 : i32
      %add3A_159 = arith.addi %add3A_100, %add3A_158 : i32
      %add3A_160 = arith.constant 1 : i32
      %add3A_161 = arith.addi %add3A_159, %add3A_160 : i32
      %mul3A_162 = arith.constant 32 : i32
      %mul3A_163 = arith.muli %add3A_161, %mul3A_162 : i32
      %add3A_164 = arith.addi %mul3A_163, %add3A : i32
      %lt3A_165 = arith.constant 5000 : i32
      %lt3A_166 = arith.cmpi slt, %add3A_164, %lt3A_165 : i32
      %convert_element_type3A_167 = arith.extui %lt3A_166 : i1 to i32
      %cond3A_168 = arith.constant 0 : i32
      %cond3A_169 = arith.cmpi ne, %convert_element_type3A_167, %cond3A_168 : i32
      scf.if %cond3A_169 {
        %add3A_188 = arith.constant 1 : i32
        %add3A_189 = arith.addi %add3A_159, %add3A_188 : i32
        %mul3A_190 = arith.constant 32 : i32
        %mul3A_191 = arith.muli %add3A_189, %mul3A_190 : i32
        %add3A_192 = arith.addi %mul3A_191, %add3A : i32
        %mul3A_193 = arith.constant 2 : i32
        %mul3A_194 = arith.muli %add3A_192, %mul3A_193 : i32
        %mul3A_195 = arith.constant 64 : i32
        %mul3A_196 = arith.muli %mul3A_194, %mul3A_195 : i32
        %dma_wait3A_197 = tpu.memref_slice %arg4[%mul3A_196] : memref<640000xi32, #tpu.memory_space<hbm>> -> memref<128xi32, #tpu.memory_space<hbm>>
        %dma_wait3A_198 = tpu.memref_slice %arg4[%mul3A_196] : memref<640000xi32, #tpu.memory_space<hbm>> -> memref<128xi32, #tpu.memory_space<hbm>>
        tpu.wait_dma2 semaphore(%arg16 : memref<!tpu.dma_semaphore, #tpu.memory_space<semaphore_mem>>) src(%dma_wait3A_198 : memref<128xi32, #tpu.memory_space<hbm>>) dst(%arg7 : memref<128xi32, #tpu.memory_space<vmem>>)
        %ge3A = arith.constant 2 : i32
        %ge3A_199 = arith.cmpi sge, %add3A_159, %ge3A : i32
        %convert_element_type3A_200 = arith.extui %ge3A_199 : i1 to i32
        %cond3A_201 = arith.constant 0 : i32
        %cond3A_202 = arith.cmpi ne, %convert_element_type3A_200, %cond3A_201 : i32
        scf.if %cond3A_202 {
          %dma_wait3A_233 = arith.constant 0 : i32
          %dma_wait3A_234 = arith.constant 0 : i32
          %dma_wait3A_235 = arith.constant 0 : i32
          %dma_wait3A_236 = tpu.memref_slice %arg13[%dma_wait3A_233, %dma_wait3A_234, %dma_wait3A_235] : memref<3x64x128xf32, #tpu.memory_space<vmem>> -> memref<1x64x128xf32, #tpu.memory_space<vmem>>
          %dma_wait3A_237 = tpu.memref_squeeze %dma_wait3A_236 : memref<1x64x128xf32, #tpu.memory_space<vmem>> -> memref<64x128xf32, #tpu.memory_space<vmem>>
          %dma_wait3A_238 = arith.constant 0 : i32
          %dma_wait3A_239 = arith.constant 0 : i32
          %dma_wait3A_240 = tpu.memref_slice %arg15[%dma_wait3A_238, %dma_wait3A_239] : memref<10000x128xf32, #tpu.memory_space<vmem_shared>> -> memref<10000x128xf32, #tpu.memory_space<vmem_shared>>
          tpu.wait_indirect_dma semaphore(%arg25 : memref<!tpu.dma_semaphore, #tpu.memory_space<semaphore_mem>>) src(%dma_wait3A_237 : memref<64x128xf32, #tpu.memory_space<vmem>>) dst(%dma_wait3A_240 : memref<10000x128xf32, #tpu.memory_space<vmem_shared>>)
        } else {
        }
        %add3A_203 = arith.constant 1 : i32
        %add3A_204 = arith.addi %add3A_159, %add3A_203 : i32
        %dma_start3A_205 = arith.constant 0 : i32
        %dma_start3A_206 = arith.constant 0 : i32
        %dma_start3A_207 = arith.constant 0 : i32
        %dma_start3A_208 = tpu.memref_slice %arg13[%dma_start3A_205, %dma_start3A_206, %dma_start3A_207] : memref<3x64x128xf32, #tpu.memory_space<vmem>> -> memref<1x64x128xf32, #tpu.memory_space<vmem>>
        %dma_start3A_209 = tpu.memref_squeeze %dma_start3A_208 : memref<1x64x128xf32, #tpu.memory_space<vmem>> -> memref<64x128xf32, #tpu.memory_space<vmem>>
        %dma_start3A_210 = arith.constant 0 : i32
        %dma_start3A_211 = tpu.memref_slice %arg7[%dma_start3A_210] : memref<128xi32, #tpu.memory_space<vmem>> -> memref<64xi32, #tpu.memory_space<vmem>>
        %dma_start3A_212 = arith.constant 0 : i32
        %dma_start3A_213 = arith.constant 0 : i32
        %dma_start3A_214 = tpu.memref_slice %arg2[%dma_start3A_212, %dma_start3A_213] : memref<10000x128xf32, #tpu.memory_space<hbm>> -> memref<10000x128xf32, #tpu.memory_space<hbm>>
        tpu.enqueue_indirect_dma source(%dma_start3A_214 : memref<10000x128xf32, #tpu.memory_space<hbm>>) target(%dma_start3A_209 : memref<64x128xf32, #tpu.memory_space<vmem>>) offsets(%dma_start3A_211 : memref<64xi32, #tpu.memory_space<vmem>>) semaphore(%arg19 : memref<!tpu.dma_semaphore, #tpu.memory_space<semaphore_mem>>)
        %mul3A_215 = arith.constant 32 : i32
        %mul3A_216 = arith.muli %add3A_204, %mul3A_215 : i32
        %add3A_217 = arith.addi %mul3A_216, %add3A : i32
        %mul3A_218 = arith.constant 64 : i32
        %mul3A_219 = arith.muli %add3A_217, %mul3A_218 : i32
        %dma_start3A_220 = arith.constant 0 : i32
        %dma_start3A_221 = arith.constant 0 : i32
        %dma_start3A_222 = arith.constant 0 : i32
        %dma_start3A_223 = tpu.memref_slice %arg14[%dma_start3A_220, %dma_start3A_221, %dma_start3A_222] : memref<3x64x64xi32, #tpu.memory_space<vmem>> -> memref<1x64x64xi32, #tpu.memory_space<vmem>>
        %dma_start3A_224 = tpu.memref_squeeze %dma_start3A_223 : memref<1x64x64xi32, #tpu.memory_space<vmem>> -> memref<64x64xi32, #tpu.memory_space<vmem>>
        %dma_start3A_225 = arith.constant 0 : i32
        %dma_start3A_226 = tpu.memref_slice %arg3[%mul3A_219, %dma_start3A_225] : memref<320000x64xi32, #tpu.memory_space<hbm>> -> memref<64x64xi32, #tpu.memory_space<hbm>>
        %dma_start3A_227 = arith.constant 0 : i32
        %dma_start3A_228 = arith.constant 0 : i32
        %dma_start3A_229 = tpu.memref_slice %arg14[%dma_start3A_220, %dma_start3A_227, %dma_start3A_228] : memref<3x64x64xi32, #tpu.memory_space<vmem>> -> memref<1x64x64xi32, #tpu.memory_space<vmem>>
        %dma_start3A_230 = tpu.memref_squeeze %dma_start3A_229 : memref<1x64x64xi32, #tpu.memory_space<vmem>> -> memref<64x64xi32, #tpu.memory_space<vmem>>
        %dma_start3A_231 = arith.constant 0 : i32
        %dma_start3A_232 = tpu.memref_slice %arg3[%mul3A_219, %dma_start3A_231] : memref<320000x64xi32, #tpu.memory_space<hbm>> -> memref<64x64xi32, #tpu.memory_space<hbm>>
        tpu.enqueue_dma source(%dma_start3A_232 : memref<64x64xi32, #tpu.memory_space<hbm>>) target(%dma_start3A_230 : memref<64x64xi32, #tpu.memory_space<vmem>>) target_semaphore(%arg22 : memref<!tpu.dma_semaphore, #tpu.memory_space<semaphore_mem>>)
      } else {
      }
      %mul3A_170 = arith.constant 32 : i32
      %mul3A_171 = arith.muli %add3A_159, %mul3A_170 : i32
      %add3A_172 = arith.addi %mul3A_171, %add3A : i32
      %lt3A_173 = arith.constant 5000 : i32
      %lt3A_174 = arith.cmpi slt, %add3A_172, %lt3A_173 : i32
      %convert_element_type3A_175 = arith.extui %lt3A_174 : i1 to i32
      %cond3A_176 = arith.constant 0 : i32
      %cond3A_177 = arith.cmpi ne, %convert_element_type3A_175, %cond3A_176 : i32
      scf.if %cond3A_177 {
        %dma_wait3A_188 = arith.constant 2 : i32
        %dma_wait3A_189 = arith.constant 0 : i32
        %dma_wait3A_190 = arith.constant 0 : i32
        %dma_wait3A_191 = tpu.memref_slice %arg13[%dma_wait3A_188, %dma_wait3A_189, %dma_wait3A_190] : memref<3x64x128xf32, #tpu.memory_space<vmem>> -> memref<1x64x128xf32, #tpu.memory_space<vmem>>
        %dma_wait3A_192 = tpu.memref_squeeze %dma_wait3A_191 : memref<1x64x128xf32, #tpu.memory_space<vmem>> -> memref<64x128xf32, #tpu.memory_space<vmem>>
        %dma_wait3A_193 = arith.constant 0 : i32
        %dma_wait3A_194 = tpu.memref_slice %arg9[%dma_wait3A_193] : memref<128xi32, #tpu.memory_space<vmem>> -> memref<64xi32, #tpu.memory_space<vmem>>
        %dma_wait3A_195 = arith.constant 0 : i32
        %dma_wait3A_196 = arith.constant 0 : i32
        %dma_wait3A_197 = tpu.memref_slice %arg2[%dma_wait3A_195, %dma_wait3A_196] : memref<10000x128xf32, #tpu.memory_space<hbm>> -> memref<10000x128xf32, #tpu.memory_space<hbm>>
        tpu.wait_indirect_dma semaphore(%arg21 : memref<!tpu.dma_semaphore, #tpu.memory_space<semaphore_mem>>) src(%dma_wait3A_197 : memref<10000x128xf32, #tpu.memory_space<hbm>>) dst(%dma_wait3A_192 : memref<64x128xf32, #tpu.memory_space<vmem>>)
        %mul3A_198 = arith.constant 32 : i32
        %mul3A_199 = arith.muli %add3A_159, %mul3A_198 : i32
        %add3A_200 = arith.addi %mul3A_199, %add3A : i32
        %mul3A_201 = arith.constant 64 : i32
        %mul3A_202 = arith.muli %add3A_200, %mul3A_201 : i32
        %dma_wait3A_203 = arith.constant 2 : i32
        %dma_wait3A_204 = arith.constant 0 : i32
        %dma_wait3A_205 = arith.constant 0 : i32
        %dma_wait3A_206 = tpu.memref_slice %arg14[%dma_wait3A_203, %dma_wait3A_204, %dma_wait3A_205] : memref<3x64x64xi32, #tpu.memory_space<vmem>> -> memref<1x64x64xi32, #tpu.memory_space<vmem>>
        %dma_wait3A_207 = tpu.memref_squeeze %dma_wait3A_206 : memref<1x64x64xi32, #tpu.memory_space<vmem>> -> memref<64x64xi32, #tpu.memory_space<vmem>>
        %dma_wait3A_208 = arith.constant 0 : i32
        %dma_wait3A_209 = tpu.memref_slice %arg3[%mul3A_202, %dma_wait3A_208] : memref<320000x64xi32, #tpu.memory_space<hbm>> -> memref<64x64xi32, #tpu.memory_space<hbm>>
        %dma_wait3A_210 = arith.constant 0 : i32
        %dma_wait3A_211 = arith.constant 0 : i32
        %dma_wait3A_212 = tpu.memref_slice %arg14[%dma_wait3A_203, %dma_wait3A_210, %dma_wait3A_211] : memref<3x64x64xi32, #tpu.memory_space<vmem>> -> memref<1x64x64xi32, #tpu.memory_space<vmem>>
        %dma_wait3A_213 = tpu.memref_squeeze %dma_wait3A_212 : memref<1x64x64xi32, #tpu.memory_space<vmem>> -> memref<64x64xi32, #tpu.memory_space<vmem>>
        %dma_wait3A_214 = arith.constant 0 : i32
        %dma_wait3A_215 = tpu.memref_slice %arg3[%mul3A_202, %dma_wait3A_214] : memref<320000x64xi32, #tpu.memory_space<hbm>> -> memref<64x64xi32, #tpu.memory_space<hbm>>
        tpu.wait_dma2 semaphore(%arg24 : memref<!tpu.dma_semaphore, #tpu.memory_space<semaphore_mem>>) src(%dma_wait3A_215 : memref<64x64xi32, #tpu.memory_space<hbm>>) dst(%dma_wait3A_213 : memref<64x64xi32, #tpu.memory_space<vmem>>)
        %get3A = arith.constant 64 : index
        %get3A_216 = tpu.vector_load %arg9[%get3A] {strides = array<i32>} : memref<128xi32, #tpu.memory_space<vmem>>, vector<16xi32>,
        %swap3A = arith.constant 0 : index
        %swap3A_217 = tpu.vector_load %arg12[%swap3A] {strides = array<i32>} : memref<64xi32, #tpu.memory_space<vmem>>, vector<16xi32>,
        tpu.vector_store %arg12[%swap3A], %get3A_216 {strides = array<i32>} : memref<64xi32, #tpu.memory_space<vmem>>, vector<16xi32>,
        %get3A_218 = arith.constant 80 : index
        %get3A_219 = tpu.vector_load %arg9[%get3A_218] {strides = array<i32>} : memref<128xi32, #tpu.memory_space<vmem>>, vector<16xi32>,
        %swap3A_220 = arith.constant 16 : index
        %swap3A_221 = tpu.vector_load %arg12[%swap3A_220] {strides = array<i32>} : memref<64xi32, #tpu.memory_space<vmem>>, vector<16xi32>,
        tpu.vector_store %arg12[%swap3A_220], %get3A_219 {strides = array<i32>} : memref<64xi32, #tpu.memory_space<vmem>>, vector<16xi32>,
        %get3A_222 = arith.constant 96 : index
        %get3A_223 = tpu.vector_load %arg9[%get3A_222] {strides = array<i32>} : memref<128xi32, #tpu.memory_space<vmem>>, vector<16xi32>,
        %swap3A_224 = arith.constant 32 : index
        %swap3A_225 = tpu.vector_load %arg12[%swap3A_224] {strides = array<i32>} : memref<64xi32, #tpu.memory_space<vmem>>, vector<16xi32>,
        tpu.vector_store %arg12[%swap3A_224], %get3A_223 {strides = array<i32>} : memref<64xi32, #tpu.memory_space<vmem>>, vector<16xi32>,
        %get3A_226 = arith.constant 112 : index
        %get3A_227 = tpu.vector_load %arg9[%get3A_226] {strides = array<i32>} : memref<128xi32, #tpu.memory_space<vmem>>, vector<16xi32>,
        %swap3A_228 = arith.constant 48 : index
        %swap3A_229 = tpu.vector_load %arg12[%swap3A_228] {strides = array<i32>} : memref<64xi32, #tpu.memory_space<vmem>>, vector<16xi32>,
        tpu.vector_store %arg12[%swap3A_228], %get3A_227 {strides = array<i32>} : memref<64xi32, #tpu.memory_space<vmem>>, vector<16xi32>,
        %scan3A_230 = arith.constant 0 : i32
        %scan3A_231 = arith.constant 64 : i32
        %scan3A_232 = arith.addi %scan3A_230, %scan3A_231 : i32
        %scan3A_233 = arith.constant 1 : i32
        scf.for %scan3A_243 = %scan3A_230 to %scan3A_232 step %scan3A_233  : i32 {
          %mul3A_244 = arith.constant 1 : i32
          %mul3A_245 = arith.muli %scan3A_243, %mul3A_244 : i32
          %add3A_246 = arith.constant 0 : i32
          %add3A_247 = arith.addi %add3A_246, %mul3A_245 : i32
          %get3A_248 = arith.constant 2 : i32
          %get3A_249 = arith.index_cast %get3A_248 : i32 to index
          %get3A_250 = arith.index_cast %add3A_247 : i32 to index
          %get3A_251 = arith.constant 0 : index
          %get3A_252 = tpu.vector_load %arg14[%get3A_249, %get3A_250, %get3A_251] {strides = array<i32>} : memref<3x64x64xi32, #tpu.memory_space<vmem>>, vector<16xi32>,
          %bitcast3A = vector.bitcast %get3A_252 : vector<16xi32> to vector<32xbf16>
          %unpack3A = tpu.unpack_subelements %bitcast3A, 0 {pack_format = #tpu.pack_format<interleaved>} : vector<32xbf16> -> vector<16xf32>
          %unpack3A_253 = tpu.unpack_subelements %bitcast3A, 1 {pack_format = #tpu.pack_format<interleaved>} : vector<32xbf16> -> vector<16xf32>
          %get3A_254 = arith.constant 2 : i32
          %get3A_255 = arith.index_cast %get3A_254 : i32 to index
          %get3A_256 = arith.index_cast %add3A_247 : i32 to index
          %get3A_257 = arith.constant 0 : index
          %get3A_258 = tpu.vector_load %arg13[%get3A_255, %get3A_256, %get3A_257] {strides = array<i32>} : memref<3x64x128xf32, #tpu.memory_space<vmem>>, vector<16xf32>,
          %add3A_259 = arith.addf %get3A_258, %unpack3A : vector<16xf32>
          %max3A = arith.constant 0.000000e+00 : f32
          %max3A_260 = vector.broadcast %max3A : f32 to vector<16xf32>
          %max3A_261 = arith.maximumf %add3A_259, %max3A_260 : vector<16xf32>
          %swap3A_262 = arith.constant 2 : i32
          %swap3A_263 = arith.index_cast %swap3A_262 : i32 to index
          %swap3A_264 = arith.index_cast %add3A_247 : i32 to index
          %swap3A_265 = arith.constant 0 : index
          %swap3A_266 = tpu.vector_load %arg13[%swap3A_263, %swap3A_264, %swap3A_265] {strides = array<i32>} : memref<3x64x128xf32, #tpu.memory_space<vmem>>, vector<16xf32>,
          tpu.vector_store %arg13[%swap3A_263, %swap3A_264, %swap3A_265], %max3A_261 {strides = array<i32>} : memref<3x64x128xf32, #tpu.memory_space<vmem>>, vector<16xf32>,
          %get3A_267 = arith.constant 2 : i32
          %get3A_268 = arith.index_cast %get3A_267 : i32 to index
          %get3A_269 = arith.index_cast %add3A_247 : i32 to index
          %get3A_270 = arith.constant 16 : index
          %get3A_271 = tpu.vector_load %arg13[%get3A_268, %get3A_269, %get3A_270] {strides = array<i32>} : memref<3x64x128xf32, #tpu.memory_space<vmem>>, vector<16xf32>,
          %add3A_272 = arith.addf %get3A_271, %unpack3A_253 : vector<16xf32>
          %max3A_273 = arith.constant 0.000000e+00 : f32
          %max3A_274 = vector.broadcast %max3A_273 : f32 to vector<16xf32>
          %max3A_275 = arith.maximumf %add3A_272, %max3A_274 : vector<16xf32>
          %swap3A_276 = arith.constant 2 : i32
          %swap3A_277 = arith.index_cast %swap3A_276 : i32 to index
          %swap3A_278 = arith.index_cast %add3A_247 : i32 to index
          %swap3A_279 = arith.constant 16 : index
          %swap3A_280 = tpu.vector_load %arg13[%swap3A_277, %swap3A_278, %swap3A_279] {strides = array<i32>} : memref<3x64x128xf32, #tpu.memory_space<vmem>>, vector<16xf32>,
          tpu.vector_store %arg13[%swap3A_277, %swap3A_278, %swap3A_279], %max3A_275 {strides = array<i32>} : memref<3x64x128xf32, #tpu.memory_space<vmem>>, vector<16xf32>,
          %get3A_281 = arith.constant 2 : i32
          %get3A_282 = arith.index_cast %get3A_281 : i32 to index
          %get3A_283 = arith.index_cast %add3A_247 : i32 to index
          %get3A_284 = arith.constant 16 : index
          %get3A_285 = tpu.vector_load %arg14[%get3A_282, %get3A_283, %get3A_284] {strides = array<i32>} : memref<3x64x64xi32, #tpu.memory_space<vmem>>, vector<16xi32>,
          %bitcast3A_286 = vector.bitcast %get3A_285 : vector<16xi32> to vector<32xbf16>
          %unpack3A_287 = tpu.unpack_subelements %bitcast3A_286, 0 {pack_format = #tpu.pack_format<interleaved>} : vector<32xbf16> -> vector<16xf32>
          %unpack3A_288 = tpu.unpack_subelements %bitcast3A_286, 1 {pack_format = #tpu.pack_format<interleaved>} : vector<32xbf16> -> vector<16xf32>
          %get3A_289 = arith.constant 2 : i32
          %get3A_290 = arith.index_cast %get3A_289 : i32 to index
          %get3A_291 = arith.index_cast %add3A_247 : i32 to index
          %get3A_292 = arith.constant 32 : index
          %get3A_293 = tpu.vector_load %arg13[%get3A_290, %get3A_291, %get3A_292] {strides = array<i32>} : memref<3x64x128xf32, #tpu.memory_space<vmem>>, vector<16xf32>,
          %add3A_294 = arith.addf %get3A_293, %unpack3A_287 : vector<16xf32>
          %max3A_295 = arith.constant 0.000000e+00 : f32
          %max3A_296 = vector.broadcast %max3A_295 : f32 to vector<16xf32>
          %max3A_297 = arith.maximumf %add3A_294, %max3A_296 : vector<16xf32>
          %swap3A_298 = arith.constant 2 : i32
          %swap3A_299 = arith.index_cast %swap3A_298 : i32 to index
          %swap3A_300 = arith.index_cast %add3A_247 : i32 to index
          %swap3A_301 = arith.constant 32 : index
          %swap3A_302 = tpu.vector_load %arg13[%swap3A_299, %swap3A_300, %swap3A_301] {strides = array<i32>} : memref<3x64x128xf32, #tpu.memory_space<vmem>>, vector<16xf32>,
          tpu.vector_store %arg13[%swap3A_299, %swap3A_300, %swap3A_301], %max3A_297 {strides = array<i32>} : memref<3x64x128xf32, #tpu.memory_space<vmem>>, vector<16xf32>,
          %get3A_303 = arith.constant 2 : i32
          %get3A_304 = arith.index_cast %get3A_303 : i32 to index
          %get3A_305 = arith.index_cast %add3A_247 : i32 to index
          %get3A_306 = arith.constant 48 : index
          %get3A_307 = tpu.vector_load %arg13[%get3A_304, %get3A_305, %get3A_306] {strides = array<i32>} : memref<3x64x128xf32, #tpu.memory_space<vmem>>, vector<16xf32>,
          %add3A_308 = arith.addf %get3A_307, %unpack3A_288 : vector<16xf32>
          %max3A_309 = arith.constant 0.000000e+00 : f32
          %max3A_310 = vector.broadcast %max3A_309 : f32 to vector<16xf32>
          %max3A_311 = arith.maximumf %add3A_308, %max3A_310 : vector<16xf32>
          %swap3A_312 = arith.constant 2 : i32
          %swap3A_313 = arith.index_cast %swap3A_312 : i32 to index
          %swap3A_314 = arith.index_cast %add3A_247 : i32 to index
          %swap3A_315 = arith.constant 48 : index
          %swap3A_316 = tpu.vector_load %arg13[%swap3A_313, %swap3A_314, %swap3A_315] {strides = array<i32>} : memref<3x64x128xf32, #tpu.memory_space<vmem>>, vector<16xf32>,
          tpu.vector_store %arg13[%swap3A_313, %swap3A_314, %swap3A_315], %max3A_311 {strides = array<i32>} : memref<3x64x128xf32, #tpu.memory_space<vmem>>, vector<16xf32>,
          %get3A_317 = arith.constant 2 : i32
          %get3A_318 = arith.index_cast %get3A_317 : i32 to index
          %get3A_319 = arith.index_cast %add3A_247 : i32 to index
          %get3A_320 = arith.constant 32 : index
          %get3A_321 = tpu.vector_load %arg14[%get3A_318, %get3A_319, %get3A_320] {strides = array<i32>} : memref<3x64x64xi32, #tpu.memory_space<vmem>>, vector<16xi32>,
          %bitcast3A_322 = vector.bitcast %get3A_321 : vector<16xi32> to vector<32xbf16>
          %unpack3A_323 = tpu.unpack_subelements %bitcast3A_322, 0 {pack_format = #tpu.pack_format<interleaved>} : vector<32xbf16> -> vector<16xf32>
          %unpack3A_324 = tpu.unpack_subelements %bitcast3A_322, 1 {pack_format = #tpu.pack_format<interleaved>} : vector<32xbf16> -> vector<16xf32>
          %get3A_325 = arith.constant 2 : i32
          %get3A_326 = arith.index_cast %get3A_325 : i32 to index
          %get3A_327 = arith.index_cast %add3A_247 : i32 to index
          %get3A_328 = arith.constant 64 : index
          %get3A_329 = tpu.vector_load %arg13[%get3A_326, %get3A_327, %get3A_328] {strides = array<i32>} : memref<3x64x128xf32, #tpu.memory_space<vmem>>, vector<16xf32>,
          %add3A_330 = arith.addf %get3A_329, %unpack3A_323 : vector<16xf32>
          %max3A_331 = arith.constant 0.000000e+00 : f32
          %max3A_332 = vector.broadcast %max3A_331 : f32 to vector<16xf32>
          %max3A_333 = arith.maximumf %add3A_330, %max3A_332 : vector<16xf32>
          %swap3A_334 = arith.constant 2 : i32
          %swap3A_335 = arith.index_cast %swap3A_334 : i32 to index
          %swap3A_336 = arith.index_cast %add3A_247 : i32 to index
          %swap3A_337 = arith.constant 64 : index
          %swap3A_338 = tpu.vector_load %arg13[%swap3A_335, %swap3A_336, %swap3A_337] {strides = array<i32>} : memref<3x64x128xf32, #tpu.memory_space<vmem>>, vector<16xf32>,
          tpu.vector_store %arg13[%swap3A_335, %swap3A_336, %swap3A_337], %max3A_333 {strides = array<i32>} : memref<3x64x128xf32, #tpu.memory_space<vmem>>, vector<16xf32>,
          %get3A_339 = arith.constant 2 : i32
          %get3A_340 = arith.index_cast %get3A_339 : i32 to index
          %get3A_341 = arith.index_cast %add3A_247 : i32 to index
          %get3A_342 = arith.constant 80 : index
          %get3A_343 = tpu.vector_load %arg13[%get3A_340, %get3A_341, %get3A_342] {strides = array<i32>} : memref<3x64x128xf32, #tpu.memory_space<vmem>>, vector<16xf32>,
          %add3A_344 = arith.addf %get3A_343, %unpack3A_324 : vector<16xf32>
          %max3A_345 = arith.constant 0.000000e+00 : f32
          %max3A_346 = vector.broadcast %max3A_345 : f32 to vector<16xf32>
          %max3A_347 = arith.maximumf %add3A_344, %max3A_346 : vector<16xf32>
          %swap3A_348 = arith.constant 2 : i32
          %swap3A_349 = arith.index_cast %swap3A_348 : i32 to index
          %swap3A_350 = arith.index_cast %add3A_247 : i32 to index
          %swap3A_351 = arith.constant 80 : index
          %swap3A_352 = tpu.vector_load %arg13[%swap3A_349, %swap3A_350, %swap3A_351] {strides = array<i32>} : memref<3x64x128xf32, #tpu.memory_space<vmem>>, vector<16xf32>,
          tpu.vector_store %arg13[%swap3A_349, %swap3A_350, %swap3A_351], %max3A_347 {strides = array<i32>} : memref<3x64x128xf32, #tpu.memory_space<vmem>>, vector<16xf32>,
          %get3A_353 = arith.constant 2 : i32
          %get3A_354 = arith.index_cast %get3A_353 : i32 to index
          %get3A_355 = arith.index_cast %add3A_247 : i32 to index
          %get3A_356 = arith.constant 48 : index
          %get3A_357 = tpu.vector_load %arg14[%get3A_354, %get3A_355, %get3A_356] {strides = array<i32>} : memref<3x64x64xi32, #tpu.memory_space<vmem>>, vector<16xi32>,
          %bitcast3A_358 = vector.bitcast %get3A_357 : vector<16xi32> to vector<32xbf16>
          %unpack3A_359 = tpu.unpack_subelements %bitcast3A_358, 0 {pack_format = #tpu.pack_format<interleaved>} : vector<32xbf16> -> vector<16xf32>
          %unpack3A_360 = tpu.unpack_subelements %bitcast3A_358, 1 {pack_format = #tpu.pack_format<interleaved>} : vector<32xbf16> -> vector<16xf32>
          %get3A_361 = arith.constant 2 : i32
          %get3A_362 = arith.index_cast %get3A_361 : i32 to index
          %get3A_363 = arith.index_cast %add3A_247 : i32 to index
          %get3A_364 = arith.constant 96 : index
          %get3A_365 = tpu.vector_load %arg13[%get3A_362, %get3A_363, %get3A_364] {strides = array<i32>} : memref<3x64x128xf32, #tpu.memory_space<vmem>>, vector<16xf32>,
          %add3A_366 = arith.addf %get3A_365, %unpack3A_359 : vector<16xf32>
          %max3A_367 = arith.constant 0.000000e+00 : f32
          %max3A_368 = vector.broadcast %max3A_367 : f32 to vector<16xf32>
          %max3A_369 = arith.maximumf %add3A_366, %max3A_368 : vector<16xf32>
          %swap3A_370 = arith.constant 2 : i32
          %swap3A_371 = arith.index_cast %swap3A_370 : i32 to index
          %swap3A_372 = arith.index_cast %add3A_247 : i32 to index
          %swap3A_373 = arith.constant 96 : index
          %swap3A_374 = tpu.vector_load %arg13[%swap3A_371, %swap3A_372, %swap3A_373] {strides = array<i32>} : memref<3x64x128xf32, #tpu.memory_space<vmem>>, vector<16xf32>,
          tpu.vector_store %arg13[%swap3A_371, %swap3A_372, %swap3A_373], %max3A_369 {strides = array<i32>} : memref<3x64x128xf32, #tpu.memory_space<vmem>>, vector<16xf32>,
          %get3A_375 = arith.constant 2 : i32
          %get3A_376 = arith.index_cast %get3A_375 : i32 to index
          %get3A_377 = arith.index_cast %add3A_247 : i32 to index
          %get3A_378 = arith.constant 112 : index
          %get3A_379 = tpu.vector_load %arg13[%get3A_376, %get3A_377, %get3A_378] {strides = array<i32>} : memref<3x64x128xf32, #tpu.memory_space<vmem>>, vector<16xf32>,
          %add3A_380 = arith.addf %get3A_379, %unpack3A_360 : vector<16xf32>
          %max3A_381 = arith.constant 0.000000e+00 : f32
          %max3A_382 = vector.broadcast %max3A_381 : f32 to vector<16xf32>
          %max3A_383 = arith.maximumf %add3A_380, %max3A_382 : vector<16xf32>
          %swap3A_384 = arith.constant 2 : i32
          %swap3A_385 = arith.index_cast %swap3A_384 : i32 to index
          %swap3A_386 = arith.index_cast %add3A_247 : i32 to index
          %swap3A_387 = arith.constant 112 : index
          %swap3A_388 = tpu.vector_load %arg13[%swap3A_385, %swap3A_386, %swap3A_387] {strides = array<i32>} : memref<3x64x128xf32, #tpu.memory_space<vmem>>, vector<16xf32>,
          tpu.vector_store %arg13[%swap3A_385, %swap3A_386, %swap3A_387], %max3A_383 {strides = array<i32>} : memref<3x64x128xf32, #tpu.memory_space<vmem>>, vector<16xf32>,
        }
        %scan3A_234 = arith.constant 64 : i32
        %dma_start3A_235 = arith.constant 2 : i32
        %dma_start3A_236 = arith.constant 0 : i32
        %dma_start3A_237 = arith.constant 0 : i32
        %dma_start3A_238 = tpu.memref_slice %arg13[%dma_start3A_235, %dma_start3A_236, %dma_start3A_237] : memref<3x64x128xf32, #tpu.memory_space<vmem>> -> memref<1x64x128xf32, #tpu.memory_space<vmem>>
        %dma_start3A_239 = tpu.memref_squeeze %dma_start3A_238 : memref<1x64x128xf32, #tpu.memory_space<vmem>> -> memref<64x128xf32, #tpu.memory_space<vmem>>
        %dma_start3A_240 = arith.constant 0 : i32
        %dma_start3A_241 = arith.constant 0 : i32
        %dma_start3A_242 = tpu.memref_slice %arg15[%dma_start3A_240, %dma_start3A_241] : memref<10000x128xf32, #tpu.memory_space<vmem_shared>> -> memref<10000x128xf32, #tpu.memory_space<vmem_shared>>
        tpu.enqueue_indirect_dma source(%dma_start3A_239 : memref<64x128xf32, #tpu.memory_space<vmem>>) target(%dma_start3A_242 : memref<10000x128xf32, #tpu.memory_space<vmem_shared>>) offsets(%arg12 : memref<64xi32, #tpu.memory_space<vmem>>) semaphore(%arg27 : memref<!tpu.dma_semaphore, #tpu.memory_space<semaphore_mem>>) {add = true}
      } else {
      }
      %add3A_178 = arith.constant 3 : i32
      %add3A_179 = arith.addi %add3A_159, %add3A_178 : i32
      %mul3A_180 = arith.constant 32 : i32
      %mul3A_181 = arith.muli %add3A_179, %mul3A_180 : i32
      %add3A_182 = arith.addi %mul3A_181, %add3A : i32
      %lt3A_183 = arith.constant 5000 : i32
      %lt3A_184 = arith.cmpi slt, %add3A_182, %lt3A_183 : i32
      %convert_element_type3A_185 = arith.extui %lt3A_184 : i1 to i32
      %cond3A_186 = arith.constant 0 : i32
      %cond3A_187 = arith.cmpi ne, %convert_element_type3A_185, %cond3A_186 : i32
      scf.if %cond3A_187 {
        %add3A_188 = arith.constant 3 : i32
        %add3A_189 = arith.addi %add3A_159, %add3A_188 : i32
        %mul3A_190 = arith.constant 32 : i32
        %mul3A_191 = arith.muli %add3A_189, %mul3A_190 : i32
        %add3A_192 = arith.addi %mul3A_191, %add3A : i32
        %mul3A_193 = arith.constant 2 : i32
        %mul3A_194 = arith.muli %add3A_192, %mul3A_193 : i32
        %mul3A_195 = arith.constant 64 : i32
        %mul3A_196 = arith.muli %mul3A_194, %mul3A_195 : i32
        %dma_start3A_197 = tpu.memref_slice %arg4[%mul3A_196] : memref<640000xi32, #tpu.memory_space<hbm>> -> memref<128xi32, #tpu.memory_space<hbm>>
        %dma_start3A_198 = tpu.memref_slice %arg4[%mul3A_196] : memref<640000xi32, #tpu.memory_space<hbm>> -> memref<128xi32, #tpu.memory_space<hbm>>
        tpu.enqueue_dma source(%dma_start3A_198 : memref<128xi32, #tpu.memory_space<hbm>>) target(%arg9 : memref<128xi32, #tpu.memory_space<vmem>>) target_semaphore(%arg18 : memref<!tpu.dma_semaphore, #tpu.memory_space<semaphore_mem>>)
      } else {
      }
    }
    %scan3A_65 = arith.constant 53 : i32
    %dma_wait3A_66 = arith.constant 0 : i32
    %dma_wait3A_67 = arith.constant 0 : i32
    %dma_wait3A_68 = arith.constant 0 : i32
    %dma_wait3A_69 = tpu.memref_slice %arg13[%dma_wait3A_66, %dma_wait3A_67, %dma_wait3A_68] : memref<3x64x128xf32, #tpu.memory_space<vmem>> -> memref<1x64x128xf32, #tpu.memory_space<vmem>>
    %dma_wait3A_70 = tpu.memref_squeeze %dma_wait3A_69 : memref<1x64x128xf32, #tpu.memory_space<vmem>> -> memref<64x128xf32, #tpu.memory_space<vmem>>
    %dma_wait3A_71 = arith.constant 0 : i32
    %dma_wait3A_72 = arith.constant 0 : i32
    %dma_wait3A_73 = tpu.memref_slice %arg15[%dma_wait3A_71, %dma_wait3A_72] : memref<10000x128xf32, #tpu.memory_space<vmem_shared>> -> memref<10000x128xf32, #tpu.memory_space<vmem_shared>>
    tpu.wait_indirect_dma semaphore(%arg25 : memref<!tpu.dma_semaphore, #tpu.memory_space<semaphore_mem>>) src(%dma_wait3A_70 : memref<64x128xf32, #tpu.memory_space<vmem>>) dst(%dma_wait3A_73 : memref<10000x128xf32, #tpu.memory_space<vmem_shared>>)
    %dma_wait3A_74 = arith.constant 1 : i32
    %dma_wait3A_75 = arith.constant 0 : i32
    %dma_wait3A_76 = arith.constant 0 : i32
    %dma_wait3A_77 = tpu.memref_slice %arg13[%dma_wait3A_74, %dma_wait3A_75, %dma_wait3A_76] : memref<3x64x128xf32, #tpu.memory_space<vmem>> -> memref<1x64x128xf32, #tpu.memory_space<vmem>>
    %dma_wait3A_78 = tpu.memref_squeeze %dma_wait3A_77 : memref<1x64x128xf32, #tpu.memory_space<vmem>> -> memref<64x128xf32, #tpu.memory_space<vmem>>
    %dma_wait3A_79 = arith.constant 0 : i32
    %dma_wait3A_80 = arith.constant 0 : i32
    %dma_wait3A_81 = tpu.memref_slice %arg15[%dma_wait3A_79, %dma_wait3A_80] : memref<10000x128xf32, #tpu.memory_space<vmem_shared>> -> memref<10000x128xf32, #tpu.memory_space<vmem_shared>>
    tpu.wait_indirect_dma semaphore(%arg26 : memref<!tpu.dma_semaphore, #tpu.memory_space<semaphore_mem>>) src(%dma_wait3A_78 : memref<64x128xf32, #tpu.memory_space<vmem>>) dst(%dma_wait3A_81 : memref<10000x128xf32, #tpu.memory_space<vmem_shared>>)
    %dma_wait3A_82 = arith.constant 2 : i32
    %dma_wait3A_83 = arith.constant 0 : i32
    %dma_wait3A_84 = arith.constant 0 : i32
    %dma_wait3A_85 = tpu.memref_slice %arg13[%dma_wait3A_82, %dma_wait3A_83, %dma_wait3A_84] : memref<3x64x128xf32, #tpu.memory_space<vmem>> -> memref<1x64x128xf32, #tpu.memory_space<vmem>>
    %dma_wait3A_86 = tpu.memref_squeeze %dma_wait3A_85 : memref<1x64x128xf32, #tpu.memory_space<vmem>> -> memref<64x128xf32, #tpu.memory_space<vmem>>
    %dma_wait3A_87 = arith.constant 0 : i32
    %dma_wait3A_88 = arith.constant 0 : i32
    %dma_wait3A_89 = tpu.memref_slice %arg15[%dma_wait3A_87, %dma_wait3A_88] : memref<10000x128xf32, #tpu.memory_space<vmem_shared>> -> memref<10000x128xf32, #tpu.memory_space<vmem_shared>>
    tpu.wait_indirect_dma semaphore(%arg27 : memref<!tpu.dma_semaphore, #tpu.memory_space<semaphore_mem>>) src(%dma_wait3A_86 : memref<64x128xf32, #tpu.memory_space<vmem>>) dst(%dma_wait3A_89 : memref<10000x128xf32, #tpu.memory_space<vmem_shared>>)
    %barrier3A_90 = arith.constant 0 : index
    tpu.barrier barrier_id(%barrier3A_90)
    "tpu.region"() ({
      %run_scoped3A = tpu.sem_alloc : memref<!tpu.dma_semaphore, #tpu.memory_space<semaphore_mem>>
      %dma_start3A_96 = arith.constant 0 : i32
      %dma_start3A_97 = tpu.memref_slice %arg6[%arg0, %mul3A_2, %dma_start3A_96] : memref<2x10000x128xf32, #tpu.memory_space<hbm>> -> memref<1x624x128xf32, #tpu.memory_space<hbm>>
      %dma_start3A_98 = tpu.memref_squeeze %dma_start3A_97 : memref<1x624x128xf32, #tpu.memory_space<hbm>> -> memref<624x128xf32, #tpu.memory_space<hbm>>
      %dma_start3A_99 = arith.constant 0 : i32
      %dma_start3A_100 = tpu.memref_slice %arg15[%mul3A_2, %dma_start3A_99] : memref<10000x128xf32, #tpu.memory_space<vmem_shared>> -> memref<624x128xf32, #tpu.memory_space<vmem_shared>>
      tpu.enqueue_dma source(%dma_start3A_100 : memref<624x128xf32, #tpu.memory_space<vmem_shared>>) target(%dma_start3A_98 : memref<624x128xf32, #tpu.memory_space<hbm>>) target_semaphore(%run_scoped3A : memref<!tpu.dma_semaphore, #tpu.memory_space<semaphore_mem>>)
      %dma_wait3A_101 = arith.constant 0 : i32
      %dma_wait3A_102 = tpu.memref_slice %arg6[%arg0, %mul3A_2, %dma_wait3A_101] : memref<2x10000x128xf32, #tpu.memory_space<hbm>> -> memref<1x624x128xf32, #tpu.memory_space<hbm>>
      %dma_wait3A_103 = tpu.memref_squeeze %dma_wait3A_102 : memref<1x624x128xf32, #tpu.memory_space<hbm>> -> memref<624x128xf32, #tpu.memory_space<hbm>>
      %dma_wait3A_104 = arith.constant 0 : i32
      %dma_wait3A_105 = tpu.memref_slice %arg15[%mul3A_2, %dma_wait3A_104] : memref<10000x128xf32, #tpu.memory_space<vmem_shared>> -> memref<624x128xf32, #tpu.memory_space<vmem_shared>>
      tpu.wait_dma2 semaphore(%run_scoped3A : memref<!tpu.dma_semaphore, #tpu.memory_space<semaphore_mem>>) src(%dma_wait3A_105 : memref<624x128xf32, #tpu.memory_space<vmem_shared>>) dst(%dma_wait3A_103 : memref<624x128xf32, #tpu.memory_space<hbm>>)
      tpu.yield
    }) : () -> ()
    %eq3A_91 = arith.constant 15 : i32
    %eq3A_92 = arith.cmpi eq, %arg1, %eq3A_91 : i32
    %convert_element_type3A_93 = arith.extui %eq3A_92 : i1 to i32
    %cond3A_94 = arith.constant 0 : i32
    %cond3A_95 = arith.cmpi ne, %convert_element_type3A_93, %cond3A_94 : i32
    scf.if %cond3A_95 {
      "tpu.region"() ({
        %run_scoped3A = tpu.sem_alloc : memref<!tpu.dma_semaphore, #tpu.memory_space<semaphore_mem>>
        %dma_start3A_96 = arith.constant 9984 : i32
        %dma_start3A_97 = arith.constant 0 : i32
        %dma_start3A_98 = tpu.memref_slice %arg6[%arg0, %dma_start3A_96, %dma_start3A_97] : memref<2x10000x128xf32, #tpu.memory_space<hbm>> -> memref<1x16x128xf32, #tpu.memory_space<hbm>>
        %dma_start3A_99 = tpu.memref_squeeze %dma_start3A_98 : memref<1x16x128xf32, #tpu.memory_space<hbm>> -> memref<16x128xf32, #tpu.memory_space<hbm>>
        %dma_start3A_100 = arith.constant 9984 : i32
        %dma_start3A_101 = arith.constant 0 : i32
        %dma_start3A_102 = tpu.memref_slice %arg15[%dma_start3A_100, %dma_start3A_101] : memref<10000x128xf32, #tpu.memory_space<vmem_shared>> -> memref<16x128xf32, #tpu.memory_space<vmem_shared>>
        tpu.enqueue_dma source(%dma_start3A_102 : memref<16x128xf32, #tpu.memory_space<vmem_shared>>) target(%dma_start3A_99 : memref<16x128xf32, #tpu.memory_space<hbm>>) target_semaphore(%run_scoped3A : memref<!tpu.dma_semaphore, #tpu.memory_space<semaphore_mem>>)
        %dma_wait3A_103 = arith.constant 9984 : i32
        %dma_wait3A_104 = arith.constant 0 : i32
        %dma_wait3A_105 = tpu.memref_slice %arg6[%arg0, %dma_wait3A_103, %dma_wait3A_104] : memref<2x10000x128xf32, #tpu.memory_space<hbm>> -> memref<1x16x128xf32, #tpu.memory_space<hbm>>
        %dma_wait3A_106 = tpu.memref_squeeze %dma_wait3A_105 : memref<1x16x128xf32, #tpu.memory_space<hbm>> -> memref<16x128xf32, #tpu.memory_space<hbm>>
        %dma_wait3A_107 = arith.constant 9984 : i32
        %dma_wait3A_108 = arith.constant 0 : i32
        %dma_wait3A_109 = tpu.memref_slice %arg15[%dma_wait3A_107, %dma_wait3A_108] : memref<10000x128xf32, #tpu.memory_space<vmem_shared>> -> memref<16x128xf32, #tpu.memory_space<vmem_shared>>
        tpu.wait_dma2 semaphore(%run_scoped3A : memref<!tpu.dma_semaphore, #tpu.memory_space<semaphore_mem>>) src(%dma_wait3A_109 : memref<16x128xf32, #tpu.memory_space<vmem_shared>>) dst(%dma_wait3A_106 : memref<16x128xf32, #tpu.memory_space<hbm>>)
        tpu.yield
      }) : () -> ()
    } else {
    }
    return
  }
}

module attributes {stable_mosaic.version = 14 : i64} {
  func.func @_linear_body(%arg0: i32, %arg1: memref<1000x128xf32, #tpu.memory_space<vmem>>, %arg2: memref<128x128xf32, #tpu.memory_space<vmem>>, %arg3: memref<1x128xf32, #tpu.memory_space<vmem>>, %arg4: memref<1000x128xf32, #tpu.memory_space<vmem>>) attributes {dimension_semantics = [#tpu.dimension_semantics<arbitrary>], iteration_bounds = array<i64: 10>, scalar_prefetch = 0 : i64, scratch_operands = 0 : i64, tpu.core_type = #tpu.core_type<tc>, window_params = [{transform_indices = @transform_0, window_bounds = array<i64: 1000, 128>}, {pipeline_mode = #tpu.pipeline_mode<synchronous>, transform_indices = @transform_1, window_bounds = array<i64: 128, 128>}, {pipeline_mode = #tpu.pipeline_mode<synchronous>, transform_indices = @transform_2, window_bounds = array<i64: 1, 128>}, {transform_indices = @transform_3, window_bounds = array<i64: 1000, 128>}]} {
    %get3A = arith.constant 0 : index
    %get3A_0 = arith.constant 0 : index
    %get3A_1 = vector.load %arg1[%get3A, %get3A_0] : memref<1000x128xf32, #tpu.memory_space<vmem>>, vector<1000x128xf32>
    %get3A_2 = arith.constant 0 : index
    %get3A_3 = arith.constant 0 : index
    %get3A_4 = vector.load %arg2[%get3A_2, %get3A_3] : memref<128x128xf32, #tpu.memory_space<vmem>>, vector<128x128xf32>
    %dot_general3A = arith.constant dense<0.000000e+00> : vector<1000x128xf32>
    %dot_general3A_5 = tpu.matmul %get3A_1, %get3A_4, %dot_general3A {dimension_numbers = #tpu.dot_dimension_numbers<[1], [0], [0], [1], [0, 0, 1, 1], [], []>, transpose_lhs_hint = false} : vector<1000x128xf32>, vector<128x128xf32>, vector<1000x128xf32> -> vector<1000x128xf32>
    %get3A_6 = arith.constant 0 : index
    %get3A_7 = arith.constant 0 : index
    %get3A_8 = vector.load %arg3[%get3A_6, %get3A_7] : memref<1x128xf32, #tpu.memory_space<vmem>>, vector<1x128xf32>
    %add3A = vector.broadcast %get3A_8 : vector<1x128xf32> to vector<1000x128xf32>
    %add3A_9 = arith.addf %dot_general3A_5, %add3A : vector<1000x128xf32>
    %swap3A = arith.constant 0 : index
    %swap3A_10 = arith.constant 0 : index
    %swap3A_11 = vector.load %arg4[%swap3A, %swap3A_10] : memref<1000x128xf32, #tpu.memory_space<vmem>>, vector<1000x128xf32>
    tpu.vector_store %arg4[%swap3A, %swap3A_10], %add3A_9 {strides = array<i32>} : memref<1000x128xf32, #tpu.memory_space<vmem>>, vector<1000x128xf32>,
    return
  }
  func.func @transform_0(%arg0: i32) -> (i32, i32) {
    %c0_i32 = arith.constant 0 : i32
    %c0_i32_0 = arith.constant 0 : i32
    return %arg0, %c0_i32 : i32, i32
  }
  func.func @transform_1(%arg0: i32) -> (i32, i32) {
    %c0_i32 = arith.constant 0 : i32
    %c0_i32_0 = arith.constant 0 : i32
    %c0_i32_1 = arith.constant 0 : i32
    return %c0_i32, %c0_i32_0 : i32, i32
  }
  func.func @transform_2(%arg0: i32) -> (i32, i32) {
    %c0_i32 = arith.constant 0 : i32
    %c0_i32_0 = arith.constant 0 : i32
    %c0_i32_1 = arith.constant 0 : i32
    return %c0_i32, %c0_i32_0 : i32, i32
  }
  func.func @transform_3(%arg0: i32) -> (i32, i32) {
    %c0_i32 = arith.constant 0 : i32
    %c0_i32_0 = arith.constant 0 : i32
    return %arg0, %c0_i32 : i32, i32
  }
}

module attributes {stable_mosaic.version = 14 : i64} {
  func.func @_edge_pack_body(%arg0: i32, %arg1: memref<3200x16xf32, #tpu.memory_space<vmem>>, %arg2: memref<16x64xf32, #tpu.memory_space<vmem>>, %arg3: memref<1x64xf32, #tpu.memory_space<vmem>>, %arg4: memref<16x64xf32, #tpu.memory_space<vmem>>, %arg5: memref<1x64xf32, #tpu.memory_space<vmem>>, %arg6: memref<3200x64xi32, #tpu.memory_space<vmem>>) attributes {dimension_semantics = [#tpu.dimension_semantics<arbitrary>], iteration_bounds = array<i64: 100>, scalar_prefetch = 0 : i64, scratch_operands = 0 : i64, tpu.core_type = #tpu.core_type<tc>, window_params = [{transform_indices = @transform_0, window_bounds = array<i64: 3200, 16>}, {pipeline_mode = #tpu.pipeline_mode<synchronous>, transform_indices = @transform_1, window_bounds = array<i64: 16, 64>}, {pipeline_mode = #tpu.pipeline_mode<synchronous>, transform_indices = @transform_2, window_bounds = array<i64: 1, 64>}, {pipeline_mode = #tpu.pipeline_mode<synchronous>, transform_indices = @transform_3, window_bounds = array<i64: 16, 64>}, {pipeline_mode = #tpu.pipeline_mode<synchronous>, transform_indices = @transform_4, window_bounds = array<i64: 1, 64>}, {transform_indices = @transform_5, window_bounds = array<i64: 3200, 64>}]} {
    %get3A = arith.constant 0 : index
    %get3A_0 = arith.constant 0 : index
    %get3A_1 = vector.load %arg1[%get3A, %get3A_0] : memref<3200x16xf32, #tpu.memory_space<vmem>>, vector<3200x16xf32>
    %get3A_2 = arith.constant 0 : index
    %get3A_3 = arith.constant 0 : index
    %get3A_4 = vector.load %arg2[%get3A_2, %get3A_3] : memref<16x64xf32, #tpu.memory_space<vmem>>, vector<16x64xf32>
    %dot_general3A = arith.constant dense<0.000000e+00> : vector<3200x64xf32>
    %dot_general3A_5 = tpu.matmul %get3A_1, %get3A_4, %dot_general3A {dimension_numbers = #tpu.dot_dimension_numbers<[1], [0], [0], [1], [0, 0, 1, 1], [], []>, transpose_lhs_hint = false} : vector<3200x16xf32>, vector<16x64xf32>, vector<3200x64xf32> -> vector<3200x64xf32>
    %get3A_6 = arith.constant 0 : index
    %get3A_7 = arith.constant 0 : index
    %get3A_8 = vector.load %arg3[%get3A_6, %get3A_7] : memref<1x64xf32, #tpu.memory_space<vmem>>, vector<1x64xf32>
    %add3A = vector.broadcast %get3A_8 : vector<1x64xf32> to vector<3200x64xf32>
    %add3A_9 = arith.addf %dot_general3A_5, %add3A : vector<3200x64xf32>
    %get3A_10 = arith.constant 0 : index
    %get3A_11 = arith.constant 0 : index
    %get3A_12 = vector.load %arg1[%get3A_10, %get3A_11] : memref<3200x16xf32, #tpu.memory_space<vmem>>, vector<3200x16xf32>
    %get3A_13 = arith.constant 0 : index
    %get3A_14 = arith.constant 0 : index
    %get3A_15 = vector.load %arg4[%get3A_13, %get3A_14] : memref<16x64xf32, #tpu.memory_space<vmem>>, vector<16x64xf32>
    %dot_general3A_16 = arith.constant dense<0.000000e+00> : vector<3200x64xf32>
    %dot_general3A_17 = tpu.matmul %get3A_12, %get3A_15, %dot_general3A_16 {dimension_numbers = #tpu.dot_dimension_numbers<[1], [0], [0], [1], [0, 0, 1, 1], [], []>, transpose_lhs_hint = false} : vector<3200x16xf32>, vector<16x64xf32>, vector<3200x64xf32> -> vector<3200x64xf32>
    %get3A_18 = arith.constant 0 : index
    %get3A_19 = arith.constant 0 : index
    %get3A_20 = vector.load %arg5[%get3A_18, %get3A_19] : memref<1x64xf32, #tpu.memory_space<vmem>>, vector<1x64xf32>
    %add3A_21 = vector.broadcast %get3A_20 : vector<1x64xf32> to vector<3200x64xf32>
    %add3A_22 = arith.addf %dot_general3A_17, %add3A_21 : vector<3200x64xf32>
    %convert_element_type3A = arith.truncf %add3A_9 : vector<3200x64xf32> to vector<3200x64xbf16>
    %bitcast_convert_type3A = tpu.bitcast %convert_element_type3A : vector<3200x64xbf16> -> vector<3200x64xi16>
    %convert_element_type3A_23 = arith.extui %bitcast_convert_type3A : vector<3200x64xi16> to vector<3200x64xi32>
    %convert_element_type3A_24 = arith.truncf %add3A_22 : vector<3200x64xf32> to vector<3200x64xbf16>
    %bitcast_convert_type3A_25 = tpu.bitcast %convert_element_type3A_24 : vector<3200x64xbf16> -> vector<3200x64xi16>
    %convert_element_type3A_26 = arith.extui %bitcast_convert_type3A_25 : vector<3200x64xi16> to vector<3200x64xi32>
    %shift_left3A = arith.constant 16 : i32
    %shift_left3A_27 = vector.broadcast %shift_left3A : i32 to vector<3200x64xi32>
    %shift_left3A_28 = arith.shli %convert_element_type3A_26, %shift_left3A_27 : vector<3200x64xi32>
    %or3A = arith.ori %convert_element_type3A_23, %shift_left3A_28 : vector<3200x64xi32>
    %swap3A = arith.constant 0 : index
    %swap3A_29 = arith.constant 0 : index
    %swap3A_30 = vector.load %arg6[%swap3A, %swap3A_29] : memref<3200x64xi32, #tpu.memory_space<vmem>>, vector<3200x64xi32>
    tpu.vector_store %arg6[%swap3A, %swap3A_29], %or3A {strides = array<i32>} : memref<3200x64xi32, #tpu.memory_space<vmem>>, vector<3200x64xi32>,
    return
  }
  func.func @transform_0(%arg0: i32) -> (i32, i32) {
    %c0_i32 = arith.constant 0 : i32
    %c0_i32_0 = arith.constant 0 : i32
    return %arg0, %c0_i32 : i32, i32
  }
  func.func @transform_1(%arg0: i32) -> (i32, i32) {
    %c0_i32 = arith.constant 0 : i32
    %c0_i32_0 = arith.constant 0 : i32
    %c0_i32_1 = arith.constant 0 : i32
    return %c0_i32, %c0_i32_0 : i32, i32
  }
  func.func @transform_2(%arg0: i32) -> (i32, i32) {
    %c0_i32 = arith.constant 0 : i32
    %c0_i32_0 = arith.constant 0 : i32
    %c0_i32_1 = arith.constant 0 : i32
    return %c0_i32, %c0_i32_0 : i32, i32
  }
  func.func @transform_3(%arg0: i32) -> (i32, i32) {
    %c0_i32 = arith.constant 0 : i32
    %c0_i32_0 = arith.constant 0 : i32
    %c0_i32_1 = arith.constant 0 : i32
    return %c0_i32, %c0_i32_0 : i32, i32
  }
  func.func @transform_4(%arg0: i32) -> (i32, i32) {
    %c0_i32 = arith.constant 0 : i32
    %c0_i32_0 = arith.constant 0 : i32
    %c0_i32_1 = arith.constant 0 : i32
    return %c0_i32, %c0_i32_0 : i32, i32
  }
  func.func @transform_5(%arg0: i32) -> (i32, i32) {
    %c0_i32 = arith.constant 0 : i32
    %c0_i32_0 = arith.constant 0 : i32
    return %arg0, %c0_i32 : i32, i32
  }
}

module attributes {stable_mosaic.version = 14 : i64} {
  func.func @_node_mlp_body(%arg0: i32, %arg1: memref<1000x128xf32, #tpu.memory_space<vmem>>, %arg2: memref<2x1000x128xf32, #tpu.memory_space<vmem>>, %arg3: memref<128x256xf32, #tpu.memory_space<vmem>>, %arg4: memref<1x256xf32, #tpu.memory_space<vmem>>, %arg5: memref<256x128xf32, #tpu.memory_space<vmem>>, %arg6: memref<1x128xf32, #tpu.memory_space<vmem>>, %arg7: memref<1x128xf32, #tpu.memory_space<vmem>>, %arg8: memref<1x128xf32, #tpu.memory_space<vmem>>, %arg9: memref<1x128xf32, #tpu.memory_space<vmem>>, %arg10: memref<1x128xf32, #tpu.memory_space<vmem>>, %arg11: memref<1xf32, #tpu.memory_space<smem>>, %arg12: memref<1000x128xf32, #tpu.memory_space<vmem>>) attributes {dimension_semantics = [#tpu.dimension_semantics<arbitrary>], iteration_bounds = array<i64: 10>, scalar_prefetch = 0 : i64, scratch_operands = 0 : i64, tpu.core_type = #tpu.core_type<tc>, window_params = [{transform_indices = @transform_0, window_bounds = array<i64: 1000, 128>}, {transform_indices = @transform_1, window_bounds = array<i64: 2, 1000, 128>}, {pipeline_mode = #tpu.pipeline_mode<synchronous>, transform_indices = @transform_2, window_bounds = array<i64: 128, 256>}, {pipeline_mode = #tpu.pipeline_mode<synchronous>, transform_indices = @transform_3, window_bounds = array<i64: 1, 256>}, {pipeline_mode = #tpu.pipeline_mode<synchronous>, transform_indices = @transform_4, window_bounds = array<i64: 256, 128>}, {pipeline_mode = #tpu.pipeline_mode<synchronous>, transform_indices = @transform_5, window_bounds = array<i64: 1, 128>}, {pipeline_mode = #tpu.pipeline_mode<synchronous>, transform_indices = @transform_6, window_bounds = array<i64: 1, 128>}, {pipeline_mode = #tpu.pipeline_mode<synchronous>, transform_indices = @transform_7, window_bounds = array<i64: 1, 128>}, {pipeline_mode = #tpu.pipeline_mode<synchronous>, transform_indices = @transform_8, window_bounds = array<i64: 1, 128>}, {pipeline_mode = #tpu.pipeline_mode<synchronous>, transform_indices = @transform_9, window_bounds = array<i64: 1, 128>}, {transform_indices = @transform_10, window_bounds = array<i64: 1>}, {transform_indices = @transform_11, window_bounds = array<i64: 1000, 128>}]} {
    %get3A = arith.constant 0 : index
    %get3A_0 = arith.constant 0 : index
    %get3A_1 = arith.constant 0 : index
    %get3A_2 = vector.load %arg2[%get3A, %get3A_0, %get3A_1] : memref<2x1000x128xf32, #tpu.memory_space<vmem>>, vector<1x1000x128xf32>
    %get3A_3 = vector.shape_cast %get3A_2 : vector<1x1000x128xf32> to vector<1000x128xf32>
    %get3A_4 = arith.constant 1 : index
    %get3A_5 = arith.constant 0 : index
    %get3A_6 = arith.constant 0 : index
    %get3A_7 = vector.load %arg2[%get3A_4, %get3A_5, %get3A_6] : memref<2x1000x128xf32, #tpu.memory_space<vmem>>, vector<1x1000x128xf32>
    %get3A_8 = vector.shape_cast %get3A_7 : vector<1x1000x128xf32> to vector<1000x128xf32>
    %add3A = arith.addf %get3A_3, %get3A_8 : vector<1000x128xf32>
    %get3A_9 = arith.constant 0 : index
    %get3A_10 = memref.load %arg11[%get3A_9] : memref<1xf32, #tpu.memory_space<smem>>
    %add3A_11 = arith.constant 1.000000e+00 : f32
    %add3A_12 = arith.addf %add3A_11, %get3A_10 : f32
    %get3A_13 = arith.constant 0 : index
    %get3A_14 = arith.constant 0 : index
    %get3A_15 = vector.load %arg1[%get3A_13, %get3A_14] : memref<1000x128xf32, #tpu.memory_space<vmem>>, vector<1000x128xf32>
    %mul3A = vector.broadcast %add3A_12 : f32 to vector<1000x128xf32>
    %mul3A_16 = arith.mulf %mul3A, %get3A_15 : vector<1000x128xf32>
    %add3A_17 = arith.addf %mul3A_16, %add3A : vector<1000x128xf32>
    %get3A_18 = arith.constant 0 : index
    %get3A_19 = arith.constant 0 : index
    %get3A_20 = vector.load %arg3[%get3A_18, %get3A_19] : memref<128x256xf32, #tpu.memory_space<vmem>>, vector<128x256xf32>
    %dot_general3A = arith.constant dense<0.000000e+00> : vector<1000x256xf32>
    %dot_general3A_21 = tpu.matmul %add3A_17, %get3A_20, %dot_general3A {dimension_numbers = #tpu.dot_dimension_numbers<[1], [0], [0], [1], [0, 0, 1, 1], [], []>, transpose_lhs_hint = false} : vector<1000x128xf32>, vector<128x256xf32>, vector<1000x256xf32> -> vector<1000x256xf32>
    %get3A_22 = arith.constant 0 : index
    %get3A_23 = arith.constant 0 : index
    %get3A_24 = vector.load %arg4[%get3A_22, %get3A_23] : memref<1x256xf32, #tpu.memory_space<vmem>>, vector<1x256xf32>
    %add3A_25 = vector.broadcast %get3A_24 : vector<1x256xf32> to vector<1000x256xf32>
    %add3A_26 = arith.addf %dot_general3A_21, %add3A_25 : vector<1000x256xf32>
    %max3A = arith.constant 0.000000e+00 : f32
    %max3A_27 = vector.broadcast %max3A : f32 to vector<1000x256xf32>
    %max3A_28 = arith.maximumf %add3A_26, %max3A_27 : vector<1000x256xf32>
    %get3A_29 = arith.constant 0 : index
    %get3A_30 = arith.constant 0 : index
    %get3A_31 = vector.load %arg5[%get3A_29, %get3A_30] : memref<256x128xf32, #tpu.memory_space<vmem>>, vector<256x128xf32>
    %dot_general3A_32 = arith.constant dense<0.000000e+00> : vector<1000x128xf32>
    %dot_general3A_33 = tpu.matmul %max3A_28, %get3A_31, %dot_general3A_32 {dimension_numbers = #tpu.dot_dimension_numbers<[1], [0], [0], [1], [0, 0, 1, 1], [], []>, transpose_lhs_hint = false} : vector<1000x256xf32>, vector<256x128xf32>, vector<1000x128xf32> -> vector<1000x128xf32>
    %get3A_34 = arith.constant 0 : index
    %get3A_35 = arith.constant 0 : index
    %get3A_36 = vector.load %arg6[%get3A_34, %get3A_35] : memref<1x128xf32, #tpu.memory_space<vmem>>, vector<1x128xf32>
    %add3A_37 = vector.broadcast %get3A_36 : vector<1x128xf32> to vector<1000x128xf32>
    %add3A_38 = arith.addf %dot_general3A_33, %add3A_37 : vector<1000x128xf32>
    %get3A_39 = arith.constant 0 : index
    %get3A_40 = arith.constant 0 : index
    %get3A_41 = vector.load %arg7[%get3A_39, %get3A_40] : memref<1x128xf32, #tpu.memory_space<vmem>>, vector<1x128xf32>
    %get3A_42 = arith.constant 0 : index
    %get3A_43 = arith.constant 0 : index
    %get3A_44 = vector.load %arg10[%get3A_42, %get3A_43] : memref<1x128xf32, #tpu.memory_space<vmem>>, vector<1x128xf32>
    %add3A_45 = arith.constant 9.99999974E-6 : f32
    %add3A_46 = vector.broadcast %add3A_45 : f32 to vector<1x128xf32>
    %add3A_47 = arith.addf %get3A_44, %add3A_46 : vector<1x128xf32>
    %rsqrt3A = math.rsqrt %add3A_47 : vector<1x128xf32>
    %mul3A_48 = arith.mulf %get3A_41, %rsqrt3A : vector<1x128xf32>
    %get3A_49 = arith.constant 0 : index
    %get3A_50 = arith.constant 0 : index
    %get3A_51 = vector.load %arg8[%get3A_49, %get3A_50] : memref<1x128xf32, #tpu.memory_space<vmem>>, vector<1x128xf32>
    %get3A_52 = arith.constant 0 : index
    %get3A_53 = arith.constant 0 : index
    %get3A_54 = vector.load %arg9[%get3A_52, %get3A_53] : memref<1x128xf32, #tpu.memory_space<vmem>>, vector<1x128xf32>
    %mul3A_55 = arith.mulf %get3A_54, %mul3A_48 : vector<1x128xf32>
    %sub3A = arith.subf %get3A_51, %mul3A_55 : vector<1x128xf32>
    %mul3A_56 = vector.broadcast %mul3A_48 : vector<1x128xf32> to vector<1000x128xf32>
    %mul3A_57 = arith.mulf %add3A_38, %mul3A_56 : vector<1000x128xf32>
    %add3A_58 = vector.broadcast %sub3A : vector<1x128xf32> to vector<1000x128xf32>
    %add3A_59 = arith.addf %mul3A_57, %add3A_58 : vector<1000x128xf32>
    %max3A_60 = arith.constant 0.000000e+00 : f32
    %max3A_61 = vector.broadcast %max3A_60 : f32 to vector<1000x128xf32>
    %max3A_62 = arith.maximumf %add3A_59, %max3A_61 : vector<1000x128xf32>
    %swap3A = arith.constant 0 : index
    %swap3A_63 = arith.constant 0 : index
    %swap3A_64 = vector.load %arg12[%swap3A, %swap3A_63] : memref<1000x128xf32, #tpu.memory_space<vmem>>, vector<1000x128xf32>
    tpu.vector_store %arg12[%swap3A, %swap3A_63], %max3A_62 {strides = array<i32>} : memref<1000x128xf32, #tpu.memory_space<vmem>>, vector<1000x128xf32>,
    return
  }
  func.func @transform_0(%arg0: i32) -> (i32, i32) {
    %c0_i32 = arith.constant 0 : i32
    %c0_i32_0 = arith.constant 0 : i32
    return %arg0, %c0_i32 : i32, i32
  }
  func.func @transform_1(%arg0: i32) -> (i32, i32, i32) {
    %c0_i32 = arith.constant 0 : i32
    %c0_i32_0 = arith.constant 0 : i32
    %c0_i32_1 = arith.constant 0 : i32
    return %c0_i32, %arg0, %c0_i32_0 : i32, i32, i32
  }
  func.func @transform_2(%arg0: i32) -> (i32, i32) {
    %c0_i32 = arith.constant 0 : i32
    %c0_i32_0 = arith.constant 0 : i32
    %c0_i32_1 = arith.constant 0 : i32
    return %c0_i32, %c0_i32_0 : i32, i32
  }
  func.func @transform_3(%arg0: i32) -> (i32, i32) {
    %c0_i32 = arith.constant 0 : i32
    %c0_i32_0 = arith.constant 0 : i32
    %c0_i32_1 = arith.constant 0 : i32
    return %c0_i32, %c0_i32_0 : i32, i32
  }
  func.func @transform_4(%arg0: i32) -> (i32, i32) {
    %c0_i32 = arith.constant 0 : i32
    %c0_i32_0 = arith.constant 0 : i32
    %c0_i32_1 = arith.constant 0 : i32
    return %c0_i32, %c0_i32_0 : i32, i32
  }
  func.func @transform_5(%arg0: i32) -> (i32, i32) {
    %c0_i32 = arith.constant 0 : i32
    %c0_i32_0 = arith.constant 0 : i32
    %c0_i32_1 = arith.constant 0 : i32
    return %c0_i32, %c0_i32_0 : i32, i32
  }
  func.func @transform_6(%arg0: i32) -> (i32, i32) {
    %c0_i32 = arith.constant 0 : i32
    %c0_i32_0 = arith.constant 0 : i32
    %c0_i32_1 = arith.constant 0 : i32
    return %c0_i32, %c0_i32_0 : i32, i32
  }
  func.func @transform_7(%arg0: i32) -> (i32, i32) {
    %c0_i32 = arith.constant 0 : i32
    %c0_i32_0 = arith.constant 0 : i32
    %c0_i32_1 = arith.constant 0 : i32
    return %c0_i32, %c0_i32_0 : i32, i32
  }
  func.func @transform_8(%arg0: i32) -> (i32, i32) {
    %c0_i32 = arith.constant 0 : i32
    %c0_i32_0 = arith.constant 0 : i32
    %c0_i32_1 = arith.constant 0 : i32
    return %c0_i32, %c0_i32_0 : i32, i32
  }
  func.func @transform_9(%arg0: i32) -> (i32, i32) {
    %c0_i32 = arith.constant 0 : i32
    %c0_i32_0 = arith.constant 0 : i32
    %c0_i32_1 = arith.constant 0 : i32
    return %c0_i32, %c0_i32_0 : i32, i32
  }
  func.func @transform_10(%arg0: i32) -> i32 {
    %c0_i32 = arith.constant 0 : i32
    %c0_i32_0 = arith.constant 0 : i32
    return %c0_i32 : i32
  }
  func.func @transform_11(%arg0: i32) -> (i32, i32) {
    %c0_i32 = arith.constant 0 : i32
    %c0_i32_0 = arith.constant 0 : i32
    return %arg0, %c0_i32 : i32, i32
  }
}

module attributes {stable_mosaic.version = 14 : i64} {
  func.func @_pool_body(%arg0: i32, %arg1: memref<1000x128xf32, #tpu.memory_space<vmem>>, %arg2: memref<1x1x1000xi32, #tpu.memory_space<vmem>>, %arg3: memref<128x128xf32, #tpu.memory_space<vmem>>, %arg4: memref<1x128xf32, #tpu.memory_space<vmem>>, %arg5: memref<16x128xf32, #tpu.memory_space<vmem>>, %arg6: memref<16x128xf32, #tpu.memory_space<vmem>>, %arg7: memref<16x1xf32, #tpu.memory_space<vmem>>) attributes {dimension_semantics = [#tpu.dimension_semantics<arbitrary>], iteration_bounds = array<i64: 10>, scalar_prefetch = 0 : i64, scratch_operands = 2 : i64, tpu.core_type = #tpu.core_type<tc>, window_params = [{transform_indices = @transform_0, window_bounds = array<i64: 1000, 128>}, {transform_indices = @transform_1, window_bounds = array<i64: 1, 1, 1000>}, {pipeline_mode = #tpu.pipeline_mode<synchronous>, transform_indices = @transform_2, window_bounds = array<i64: 128, 128>}, {pipeline_mode = #tpu.pipeline_mode<synchronous>, transform_indices = @transform_3, window_bounds = array<i64: 1, 128>}, {pipeline_mode = #tpu.pipeline_mode<synchronous>, transform_indices = @transform_4, window_bounds = array<i64: 16, 128>}]} {
    %eq3A = arith.constant 0 : i32
    %eq3A_0 = arith.cmpi eq, %arg0, %eq3A : i32
    %convert_element_type3A = arith.extui %eq3A_0 : i1 to i32
    %cond3A = arith.constant 0 : i32
    %cond3A_1 = arith.cmpi ne, %convert_element_type3A, %cond3A : i32
    scf.if %cond3A_1 {
      %broadcast_in_dim3A_32 = arith.constant 0.000000e+00 : f32
      %broadcast_in_dim3A_33 = vector.broadcast %broadcast_in_dim3A_32 : f32 to vector<16x128xf32>
      %swap3A_34 = arith.constant 0 : index
      %swap3A_35 = arith.constant 0 : index
      %swap3A_36 = vector.load %arg6[%swap3A_34, %swap3A_35] : memref<16x128xf32, #tpu.memory_space<vmem>>, vector<16x128xf32>
      tpu.vector_store %arg6[%swap3A_34, %swap3A_35], %broadcast_in_dim3A_33 {strides = array<i32>} : memref<16x128xf32, #tpu.memory_space<vmem>>, vector<16x128xf32>,
      %broadcast_in_dim3A_37 = arith.constant 0.000000e+00 : f32
      %broadcast_in_dim3A_38 = vector.broadcast %broadcast_in_dim3A_37 : f32 to vector<16x1xf32>
      %swap3A_39 = arith.constant 0 : index
      %swap3A_40 = arith.constant 0 : index
      %swap3A_41 = vector.load %arg7[%swap3A_39, %swap3A_40] : memref<16x1xf32, #tpu.memory_space<vmem>>, vector<16x1xf32>
      tpu.vector_store %arg7[%swap3A_39, %swap3A_40], %broadcast_in_dim3A_38 {strides = array<i32>} : memref<16x1xf32, #tpu.memory_space<vmem>>, vector<16x1xf32>,
    } else {
    }
    %get3A = arith.constant 0 : index
    %get3A_2 = arith.constant 0 : index
    %get3A_3 = arith.constant 0 : index
    %get3A_4 = vector.load %arg2[%get3A, %get3A_2, %get3A_3] : memref<1x1x1000xi32, #tpu.memory_space<vmem>>, vector<1x1x1000xi32>
    %get3A_5 = vector.shape_cast %get3A_4 : vector<1x1x1000xi32> to vector<1x1000xi32>
    %iota3A = tpu.iota {dimensions = array<i32: 0>} : vector<16x1000xi32>
    %eq3A_6 = vector.broadcast %get3A_5 : vector<1x1000xi32> to vector<16x1000xi32>
    %eq3A_7 = arith.cmpi eq, %iota3A, %eq3A_6 : vector<16x1000xi32>
    %convert_element_type3A_8 = arith.extui %eq3A_7 : vector<16x1000xi1> to vector<16x1000xi32>
    %convert_element_type3A_9 = arith.sitofp %convert_element_type3A_8 : vector<16x1000xi32> to vector<16x1000xf32>
    %get3A_10 = arith.constant 0 : index
    %get3A_11 = arith.constant 0 : index
    %get3A_12 = vector.load %arg6[%get3A_10, %get3A_11] : memref<16x128xf32, #tpu.memory_space<vmem>>, vector<16x128xf32>
    %get3A_13 = arith.constant 0 : index
    %get3A_14 = arith.constant 0 : index
    %get3A_15 = vector.load %arg1[%get3A_13, %get3A_14] : memref<1000x128xf32, #tpu.memory_space<vmem>>, vector<1000x128xf32>
    %dot_general3A = arith.constant dense<0.000000e+00> : vector<16x128xf32>
    %dot_general3A_16 = tpu.matmul %convert_element_type3A_9, %get3A_15, %dot_general3A {dimension_numbers = #tpu.dot_dimension_numbers<[1], [0], [0], [1], [0, 0, 1, 1], [], []>, transpose_lhs_hint = false} : vector<16x1000xf32>, vector<1000x128xf32>, vector<16x128xf32> -> vector<16x128xf32>
    %add3A = arith.addf %get3A_12, %dot_general3A_16 : vector<16x128xf32>
    %swap3A = arith.constant 0 : index
    %swap3A_17 = arith.constant 0 : index
    %swap3A_18 = vector.load %arg6[%swap3A, %swap3A_17] : memref<16x128xf32, #tpu.memory_space<vmem>>, vector<16x128xf32>
    tpu.vector_store %arg6[%swap3A, %swap3A_17], %add3A {strides = array<i32>} : memref<16x128xf32, #tpu.memory_space<vmem>>, vector<16x128xf32>,
    %get3A_19 = arith.constant 0 : index
    %get3A_20 = arith.constant 0 : index
    %get3A_21 = vector.load %arg7[%get3A_19, %get3A_20] : memref<16x1xf32, #tpu.memory_space<vmem>>, vector<16x1xf32>
    %reduce_sum3A = arith.constant dense<0.000000e+00> : vector<16xf32>
    %reduce_sum3A_22 = vector.multi_reduction <add>, %convert_element_type3A_9, %reduce_sum3A [1] : vector<16x1000xf32> to vector<16xf32>
    %broadcast_in_dim3A = vector.shape_cast %reduce_sum3A_22 : vector<16xf32> to vector<16x1xf32>
    %add3A_23 = arith.addf %get3A_21, %broadcast_in_dim3A : vector<16x1xf32>
    %swap3A_24 = arith.constant 0 : index
    %swap3A_25 = arith.constant 0 : index
    %swap3A_26 = vector.load %arg7[%swap3A_24, %swap3A_25] : memref<16x1xf32, #tpu.memory_space<vmem>>, vector<16x1xf32>
    tpu.vector_store %arg7[%swap3A_24, %swap3A_25], %add3A_23 {strides = array<i32>} : memref<16x1xf32, #tpu.memory_space<vmem>>, vector<16x1xf32>,
    %eq3A_27 = arith.constant 9 : i32
    %eq3A_28 = arith.cmpi eq, %arg0, %eq3A_27 : i32
    %convert_element_type3A_29 = arith.extui %eq3A_28 : i1 to i32
    %cond3A_30 = arith.constant 0 : i32
    %cond3A_31 = arith.cmpi ne, %convert_element_type3A_29, %cond3A_30 : i32
    scf.if %cond3A_31 {
      %get3A_32 = arith.constant 0 : index
      %get3A_33 = arith.constant 0 : index
      %get3A_34 = vector.load %arg6[%get3A_32, %get3A_33] : memref<16x128xf32, #tpu.memory_space<vmem>>, vector<16x128xf32>
      %get3A_35 = arith.constant 0 : index
      %get3A_36 = arith.constant 0 : index
      %get3A_37 = vector.load %arg7[%get3A_35, %get3A_36] : memref<16x1xf32, #tpu.memory_space<vmem>>, vector<16x1xf32>
      %jit3A = arith.constant 1.000000e+00 : f32
      %max3A = vector.broadcast %jit3A : f32 to vector<16x1xf32>
      %max3A_38 = arith.maximumf %max3A, %get3A_37 : vector<16x1xf32>
      %div3A = vector.broadcast %max3A_38 : vector<16x1xf32> to vector<16x128xf32>
      %div3A_39 = arith.divf %get3A_34, %div3A : vector<16x128xf32>
      %get3A_40 = arith.constant 0 : index
      %get3A_41 = arith.constant 0 : index
      %get3A_42 = vector.load %arg3[%get3A_40, %get3A_41] : memref<128x128xf32, #tpu.memory_space<vmem>>, vector<128x128xf32>
      %dot_general3A_43 = arith.constant dense<0.000000e+00> : vector<16x128xf32>
      %dot_general3A_44 = tpu.matmul %div3A_39, %get3A_42, %dot_general3A_43 {dimension_numbers = #tpu.dot_dimension_numbers<[1], [0], [0], [1], [0, 0, 1, 1], [], []>, transpose_lhs_hint = false} : vector<16x128xf32>, vector<128x128xf32>, vector<16x128xf32> -> vector<16x128xf32>
      %get3A_45 = arith.constant 0 : index
      %get3A_46 = arith.constant 0 : index
      %get3A_47 = vector.load %arg4[%get3A_45, %get3A_46] : memref<1x128xf32, #tpu.memory_space<vmem>>, vector<1x128xf32>
      %add3A_48 = vector.broadcast %get3A_47 : vector<1x128xf32> to vector<16x128xf32>
      %add3A_49 = arith.addf %dot_general3A_44, %add3A_48 : vector<16x128xf32>
      %swap3A_50 = arith.constant 0 : index
      %swap3A_51 = arith.constant 0 : index
      %swap3A_52 = vector.load %arg5[%swap3A_50, %swap3A_51] : memref<16x128xf32, #tpu.memory_space<vmem>>, vector<16x128xf32>
      tpu.vector_store %arg5[%swap3A_50, %swap3A_51], %add3A_49 {strides = array<i32>} : memref<16x128xf32, #tpu.memory_space<vmem>>, vector<16x128xf32>,
    } else {
    }
    return
  }
  func.func @transform_0(%arg0: i32) -> (i32, i32) {
    %c0_i32 = arith.constant 0 : i32
    %c0_i32_0 = arith.constant 0 : i32
    return %arg0, %c0_i32 : i32, i32
  }
  func.func @transform_1(%arg0: i32) -> (i32, i32, i32) {
    %c0_i32 = arith.constant 0 : i32
    %c0_i32_0 = arith.constant 0 : i32
    %c0_i32_1 = arith.constant 0 : i32
    return %arg0, %c0_i32, %c0_i32_0 : i32, i32, i32
  }
  func.func @transform_2(%arg0: i32) -> (i32, i32) {
    %c0_i32 = arith.constant 0 : i32
    %c0_i32_0 = arith.constant 0 : i32
    %c0_i32_1 = arith.constant 0 : i32
    return %c0_i32, %c0_i32_0 : i32, i32
  }
  func.func @transform_3(%arg0: i32) -> (i32, i32) {
    %c0_i32 = arith.constant 0 : i32
    %c0_i32_0 = arith.constant 0 : i32
    %c0_i32_1 = arith.constant 0 : i32
    return %c0_i32, %c0_i32_0 : i32, i32
  }
  func.func @transform_4(%arg0: i32) -> (i32, i32) {
    %c0_i32 = arith.constant 0 : i32
    %c0_i32_0 = arith.constant 0 : i32
    %c0_i32_1 = arith.constant 0 : i32
    return %c0_i32, %c0_i32_0 : i32, i32
  }
}

</mosaic_0001>

<sc_bundles>
// kernel: kernel.13.cloned.1.call-start
scs
__scs_entry_jumppad:
0x0: {  	(pc) =	sbr.rel $0x88, $3  }
0x1: {  	(tag) =	ssettag $0x0;
	lr =	simm.s32 $0x1  }
0x2: {  	[smem:$0x3F8E] =	sst lr;
	_ =	strace $0xD0000000  }
0x3: {  	_ = 	snop  }
0x4: {  	_ = 	snop  }
0x5: {  	_ = 	snop  }
0x6: {  	_ = 	snop  }
0x7: {  	_ = 	snop  }
__scs_overlays_trampoline_lowered:
0x8: {  	[smem:$0x3F9D] =	sst s0  }
0x9: {  	[smem:$0x3F9E] =	sst s1  }
0xa: {  	[smem:$0x3F9F] =	sst s2  }
0xb: {  	[smem:$0x3FA0] =	sst s3  }
0xc: {  	[smem:$0x3FA1] =	sst s4  }
0xd: {  	[smem:$0x3FA2] =	sst s5  }
0xe: {  	[smem:$0x3FA3] =	sst s6  }
0xf: {  	[smem:$0x3FA4] =	sst s7  }
0x10: {  	[smem:$0x3FA5] =	sst s8  }
0x11: {  	[smem:$0x3FA6] =	sst s9;
	s0 =	simm.s32 @!p0 $0x0  }
0x12: {  	s1 =	sld [smem:$0x3F8C];
	s0 =	simm.s32 @p0 $0x1  }
0x13: {  	[smem:$0x3FA7] =	sst s0;
	s0 =	simm.s32 @!p1 $0x0  }
0x14: {  	s2 =	sld [smem:$0x3F8B];
	s0 =	simm.s32 @p1 $0x1  }
0x15: {  	[smem:$0x3FA8] =	sst s0;
	s0 =	simm.s32 @!p2 $0x0  }
0x16: {  	s3 =	sld [smem:$0x3FDB];
	s0 =	simm.s32 @p2 $0x1  }
0x17: {  	s4 =	simm.s32 $0x1BF5;
	[smem:$0x3FAA] =	sst s0  }
0x18: {  	s0 =	sld [smem:$0x3F8D];
	_ =	swait.ge [sflag:s4], $0x0  }
0x19: {  	s7 =	sld [smem:$0x3F8E]  }
0x1a: {  	s8 =	sadd.s32 $0xFFFFE003, lr  }
0x1b: {  	s9 =	sadd.s32 $0xFFFFFEF7, lr;
	s5 =	simm.s32 $0xFFFFFFFF;
	p2 =	slt.u32 s8, $0xFFFFF086  }
0x1c: {  	p1 =	slt.u32 s9, $0xF7A;
	s5 =	simm.s32 @!p2 $0x0  }
0x1d: {  	s5 =	simm.s32 @p1 $0x1;
	p0 =	seq.s32 s7, s2  }
0x1e: {  	s7 =	smul.u32 @!p0 $0xF7A, s2;
	p2 =	seq.s32 @!p0 s5, $0x0  }
0x1f: {  	s9 =	smul.u32 $0xF7A, s1;
	s8 =	simm.s32 @!p0 $0x1BF5;
	p2 =	por !p2, p0  }
0x20: {  	[sflag:s8] =	ssyncset.s32 @!p0 $0xFFFFF086;
	s6 =	sadd.s32 @!p0 s3, s7;
	s7 =	simm.s32 @!p0 $0x108  }
0x21: {  	s3 =	sadd.s32 s3, s9;
	s6 =	sadd.s32 @!p0 $0x88, s6;
	s7 =	simm.s32 @p2 $0x1082  }
0x22: {  	[simem:s7], [sflag:s8] =	dma.local @!p0 [hbm:s6], $0xF7A  }
0x23: {  	s9 =	sor.u32 $0xD0000000, s2;
	s6 =	simm.s32 $0x108;
	_ =	swait.ge @!p0 [sflag:s8], $0x0  }
0x24: {  	s3 =	sadd.s32 $0x88, s3;
	s6 =	simm.s32 @!p1 $0x1082;
	[sflag:s4] =	ssyncset.s32 $0xFFFFF086  }
0x25: {  	[simem:s6], [sflag:s4] =	dma.local [hbm:s3], $0xF7A  }
0x26: {  	[smem:$0x3F8E] =	sst s1;
	(tag) =	ssettag s2;
	_ =	strace s9  }
0x27: {  	s1 =	sld [smem:$0x3F9E]  }
0x28: {  	s2 =	sld [smem:$0x3F9F]  }
0x29: {  	s4 =	sld [smem:$0x3FA1]  }
0x2a: {  	p0 =	seq.s32 s5, $0x0;
	s5 =	sld [smem:$0x3FA2]  }
0x2b: {  	s6 =	sld [smem:$0x3FA3]  }
0x2c: {  	s7 =	sld [smem:$0x3FA4]  }
0x2d: {  	s3 =	simm.s32 $0x108;
	s8 =	sld [smem:$0x3FA5]  }
0x2e: {  	s3 =	simm.s32 @!p0 $0x1082;
	s9 =	sld [smem:$0x3FA6]  }
0x2f: {  	lr =	sadd.s32 s0, s3;
	s0 =	sld [smem:$0x3F9D]  }
0x30: {  	s3 =	sld [smem:$0x3FA0]  }
0x31: {  	[smem:$0x3FA9] =	sst s10  }
0x32: {  	s10 =	sld [smem:$0x3FA7];
	_ =	sdelay $0x3  }
0x33: {  	p0 =	seq.s32 s10, $0x1;
	s10 =	sld [smem:$0x3FA9];
	_ =	sdelay $0x3  }
0x34: {  	[smem:$0x3FA9] =	sst s10  }
0x35: {  	s10 =	sld [smem:$0x3FA8];
	_ =	sdelay $0x3  }
0x36: {  	p1 =	seq.s32 s10, $0x1;
	s10 =	sld [smem:$0x3FA9];
	_ =	sdelay $0x3  }
0x37: {  	[smem:$0x3FA9] =	sst s10  }
0x38: {  	s10 =	sld [smem:$0x3FAA]  }
0x39: {  	_ = 	snop;
	(pc) =	sbr.ind lr, $3  }
0x3a: {  	_ = 	snop  }
0x3b: {  	_ = 	snop  }
0x3c: {  	p2 =	seq.s32 s10, $0x1;
	s10 =	sld [smem:$0x3FA9]  }
0x3d: {  	_ =	shalt  }
0x3e: {  	_ =	shalt  }
0x3f: {  	_ =	shalt  }
0x40: {  	_ =	shalt  }
0x41: {  	_ =	shalt  }
0x42: {  	_ =	shalt  }
0x43: {  	_ =	shalt  }
0x44: {  	_ =	shalt  }
0x45: {  	_ =	shalt  }
0x46: {  	_ =	shalt  }
0x47: {  	_ =	shalt  }
0x48: {  	_ =	shalt  }
0x49: {  	_ =	shalt  }
0x4a: {  	_ =	shalt  }
0x4b: {  	_ =	shalt  }
0x4c: {  	_ =	shalt  }
0x4d: {  	_ =	shalt  }
0x4e: {  	_ =	shalt  }
0x4f: {  	_ =	shalt  }
0x50: {  	_ =	shalt  }
0x51: {  	_ =	shalt  }
0x52: {  	_ =	shalt  }
0x53: {  	_ =	shalt  }
0x54: {  	_ =	shalt  }
0x55: {  	_ =	shalt  }
0x56: {  	_ =	shalt  }
0x57: {  	_ =	shalt  }
0x58: {  	_ =	shalt  }
0x59: {  	_ =	shalt  }
0x5a: {  	_ =	shalt  }
0x5b: {  	_ =	shalt  }
0x5c: {  	_ =	shalt  }
0x5d: {  	_ =	shalt  }
0x5e: {  	_ =	shalt  }
0x5f: {  	_ =	shalt  }
0x60: {  	_ =	shalt  }
0x61: {  	_ =	shalt  }
0x62: {  	_ =	shalt  }
0x63: {  	_ =	shalt  }
0x64: {  	_ =	shalt  }
0x65: {  	_ =	shalt  }
0x66: {  	_ =	shalt  }
0x67: {  	_ =	shalt  }
0x68: {  	_ =	shalt  }
0x69: {  	_ =	shalt  }
0x6a: {  	_ =	shalt  }
0x6b: {  	_ =	shalt  }
0x6c: {  	_ =	shalt  }
0x6d: {  	_ =	shalt  }
0x6e: {  	_ =	shalt  }
0x6f: {  	_ =	shalt  }
0x70: {  	_ =	shalt  }
0x71: {  	_ =	shalt  }
0x72: {  	_ =	shalt  }
0x73: {  	_ =	shalt  }
0x74: {  	_ =	shalt  }
0x75: {  	_ =	shalt  }
0x76: {  	_ =	shalt  }
0x77: {  	_ =	shalt  }
0x78: {  	_ =	shalt  }
0x79: {  	_ =	shalt  }
0x7a: {  	_ =	shalt  }
0x7b: {  	_ =	shalt  }
0x7c: {  	_ =	shalt  }
0x7d: {  	_ =	shalt  }
0x7e: {  	_ =	shalt  }
0x7f: {  	_ =	shalt  }
0x80: {  	_ =	shalt  }
0x81: {  	_ =	shalt  }
0x82: {  	_ =	shalt  }
0x83: {  	_ =	shalt  }
0x84: {  	_ =	shalt  }
0x85: {  	_ =	shalt  }
0x86: {  	_ =	shalt  }
0x87: {  	_ =	shalt  }
.Lfunc_end0:
.L_simem_size_0:
called_computation_lowered:
.L_overlay_start_0:
0x88: {  	s2 =	sld [smem:$0x3FD9]  }
0x89: {  	s3 =	sld [smem:$0x3FFE];
	_ =	sdelay $0x1  }
0x8a: {  	s1 =	srdreg.scid  }
0x8b: {  	s0 =	sand.u32 $0x1, s1  }
0x8c: {  	s16 =	sshll.u32 s0, $0xA;
	s2 =	sadd.s32 s3, s2  }
0x8d: {  	s2 =	sadd.s32 s2, s16  }
0x8e: {  	[smem:$0x3FB5] =	sst s2  }
0x8f: {  	_ = 	snop  }
0x90: {  	(tm) =	ssettm $0x1  }
0x91: {  	s17 =	sld [smem:$0x3FFB];
	_ =	sdelay $0x3  }
0x92: {  	_ =	strace s17  }
0x93: {  	s2 =	sld [smem:$0x3FFC];
	_ =	sdelay $0x3  }
0x94: {  	_ =	strace s2  }
0x95: {  	s2 =	sld [smem:$0x3FFD];
	_ =	sdelay $0x3  }
0x96: {  	_ =	strace s2  }
0x97: {  	_ =	strace $0x8FFFFFFF  }
0x98: {  	s18 =	sld [smem:$0x3FDB];
	_ =	sdelay $0x1  }
0x99: {  	s19 =	simm.s32 $_scs_section_size  }
0x9a: {  	s4 =	simm.s32 $_size__tile_overlayer_lowered;
	s5 =	simm.s32 $_tile_overlayer_lowered  }
0x9b: {  	s22 =	simm.s32 $0x1BFF;
	s21 =	sshll.u32 s5, $0x1;
	s2 =	sadd.s32 s19, s18  }
0x9c: {  	s6 =	simm.s32 $0x0;
	s20 =	sshll.u32 s4, $0x1;
	s4 =	sadd.s32 s21, s2  }
0x9d: {  	[timem:s6], [sflag:s22] =	dma.local [hbm:s4], s20  }
0x9e: {  	_ =	swait.ge [sflag:s22], s20  }
0x9f: {  	s3 =	ssub.s32 $0x0, s20;
	[sflag:s22] =	ssyncset.done $0x0  }
0xa0: {  	[sflag:s22] =	ssyncadd.s32 s3;
	_ =	sdelay $0x1  }
0xa1: {  	s23 =	simm.s32 $0x1B8B  }
0xa2: {  	_ =	swait.ge [sflag:s23], $0x1  }
0xa3: {  	[sflag:s23] =	ssyncset.done $0x0  }
0xa4: {  	s25 =	simm.s32 $0x1B8E;
	s24 =	sld [smem:$0x3FFE];
	[sflag:s23] =	ssyncadd.s32 $0xFFFFFFFF  }
0xa5: {  	s26 =	simm.s32 $execute0_lowered;
	[smem:$0x3FD2] =	sst s25  }
0xa6: {  	s4 =	sshll.u32 s26, $0x1;
	_ =	strace $0x80000046;
	[dreg:$0x1] =	wrdreg $0xFFFFFFFF  }
0xa7: {  	s28 =	simm.s32 $_size_execute0_lowered;
	s2 =	sadd.s32 s2, s4;
	[dreg:$0x0] =	wrdreg $0x0  }
0xa8: {  	s4 =	sshll.u32 s28, $0x1;
	[dreg:$0x2] =	wrdreg s2  }
0xa9: {  	[dreg:$0x3] =	wrdreg s4  }
0xaa: {  	[dreg:$0x4] =	wrdreg $0xC0  }
0xab: {  	_ =	task [dreg:s6], $0x5FFFF  }
0xac: {  	[dreg:$0x1] =	wrdreg $0xFFFFFFFF  }
0xad: {  	[dreg:$0x0] =	wrdreg $0x60  }
0xae: {  	[dreg:$0x2] =	wrdreg s24  }
0xaf: {  	[dreg:$0x3] =	wrdreg $0xC3000  }
0xb0: {  	[dreg:$0x4] =	wrdreg $0x9  }
0xb1: {  	_ =	task.clear_ibuf [dreg:s6], $0x5FFFF;
	_ =	strace $0x90000046  }
0xb2: {  	s29 =	simm.s32 $0x9;
	_ =	strace $0x80000048  }
0xb3: {  	_ =	swait.ge [sflag:s29], $0x1  }
0xb4: {  	[sflag:s29] =	ssyncadd.s32 $0xFFFFFFFF  }
0xb5: {  	_ =	strace $0x90000048  }
0xb6: {  	_ =	sfence  }
0xb7: {  	s30 =	sld [smem:$0x0];
	_ =	sdelay $0x2  }
0xb8: {  	s31 =	sshll.u32 s1, $0xD;
	s1 =	sshrl.u32 s1, $0x2  }
0xb9: {  	s3 =	sand.u32 $0x4000, s31;
	s1 =	sadd.s32 s1, s30  }
0xba: {  	s0 =	sor.u32 s3, s0;
	s1 =	sshll.u32 s1, $0x11  }
0xbb: {  	s0 =	sor.u32 s1, s0  }
0xbc: {  	s0 =	sadd.s32 $0x8F2B, s0  }
0xbd: {  	[sflag:s0] =	ssyncadd.remote.s32 $0x1  }
0xbe: {  	_ =	sfence.sel $0xFFFF  }
0xbf: {  	[dreg:$0x0] =	wrdreg $0xFFFFFFFF;
	(pc) =	sbr.abs _section_cstart, $3  }
0xc0: {  	[dreg:$0x1] =	wrdreg $0xFFFFFFFF  }
0xc1: {  	_ =	task.clear_ibuf [dreg:s6], $0x2FFFF;
	_ =	strace $0x9FFFFFFF  }
0xc2: {  	(tm) =	ssettm $0x7FFFFFFF  }
0xc3: {  	_ =	shalt  }
tec
execute0_lowered:
.L_overlay_start_1:
0x0: {  	(tag) =	ssettag $0x1  }
0x1: {  	s0 =	rddreg [dreg:$0x0]  }
0x2: {  	s1 =	rddreg [dreg:$0x1]  }
0x3: {  	s2 =	simm.s32 $0x0;
	s15 =	srdreg.scid;
	s11 =	stileid.u32  }
0x4: {  	s28 =	simm.s32 $0x300;
	s29 =	simm.s32 $0x180;
	s30 =	simm.s32 $0x5  }
0x5: {  	s13 =	simm.s32 $0x9;
	[smem:$0x7FF] =	sst s2;
	s4 =	sadd.s32 $0x4FEC00, s0  }
0x6: {  	s31 =	simm.s32 $0x8;
	s5 =	sadd.s32 $0x525E00, s0;
	s6 =	sadd.s32 $0x4EB200, s0  }
0x7: {  	s2 =	sand.u32 $0x1, s15;
	s7 =	sadd.s32 $0xA07E00, s0;
	s8 =	smul.u32 $0x4E000, s11  }
0x8: {  	s0 =	sadd.s32 $0xA0A600, s0;
	s9 =	sshll.u32 s11, $0x6;
	s12 =	sadd.s32 $0x138000, s1  }
0x9: {  	s23 =	smul.u32 $0x13800, s11;
	p0 =	sne.s32 s11, $0xF;
	_ =	strace $0x80000047  }
0xa: {  	s3 =	ssub.s32 $0x2, s2;
	[dreg:$0x3] =	wrdreg s7;
	s17 =	sshll.u32 s2, $0x4  }
0xb: {  	[dreg:$0x5] =	wrdreg s12;
	s2 =	smul.u32 $0x138800, s2;
	s12 =	simm.s32 $0x6  }
0xc: {  	s16 =	sshrl.u32 s3, $0x1;
	s7 =	sor.u32 s11, s17;
	s8 =	sshrl.u32 s8, $0x2  }
0xd: {  	s11 =	simm.s32 $0x2300;
	s3 =	ssub.s32 s3, s16;
	s10 =	sadd.s32 s8, s1  }
0xe: {  	s8 =	sor.u32 $0x1C0D, s9;
	s18 =	sshll.u32 s7, $0x4;
	s20 =	sshll.u32 s7, $0xA  }
0xf: {  	s14 =	sor.u32 $0x20, s7;
	s15 =	ssub.s32 $0x1388, s7;
	s16 =	sor.u32 $0x60, s7  }
0x10: {  	s17 =	sor.u32 $0x40, s7;
	s19 =	sadd.s32 s6, s18;
	s9 =	sadd.s32 s5, s20  }
0x11: {  	s18 =	sor.u32 $0x80, s7;
	s26 =	smax.u32 s3, $0x1;
	[dreg:$0x4] =	wrdreg s8  }
0x12: {  	s10 =	sshrl.u32 s10, $0x3;
	s3 =	simm.s32 $0x7;
	[dreg:$0x7] =	wrdreg s9  }
0x13: {  	s20 =	simm.s32 $0x280;
	s21 =	sadd.s32 $0x200, s19;
	[dreg:$0x6] =	wrdreg s19  }
0x14: {  	s22 =	sadd.s32 $0x400, s19;
	s9 =	sadd.s32 s23, s2;
	[dreg:$0xc] =	wrdreg s26  }
0x15: {  	s2 =	sshrl.u32 s2, $0x3;
	s19 =	sor.u32 $0xA0, s7;
	[dreg:$0xd] =	wrdreg s10  }
.Ltmp0:
0x16: {  	s26 =	simm.s32 $0x40;
	[dreg:$0x8] =	wrdreg s21;
	(pc) =	sbr.rel .LBB2_1-.Ltmp0, $4  }
0x17: {  	s23 =	simm.s32 $0x0;
	[dreg:$0x9] =	wrdreg s22;
	s24 =	sshrl.u32 s9, $0x3  }
0x18: {  	s2 =	sadd.s32 s0, s2;
	s22 =	simm.s32 $0xD;
	s0 =	sadd.s32 s0, s24  }
0x19: {  	s9 =	simm.s32 $0x200;
	s25 =	sadd.s32 $0x27000, s2;
	[dreg:$0xa] =	wrdreg s0  }
0x1a: {  	s21 =	simm.s32 $0x4300;
	[dreg:$0xb] =	wrdreg s25;
	s0 =	simm.s32 $0x4  }
.LBB2_15:
0x1b: {  	s2 =	simm.s32 $0xA  }
0x1c: {  	_ =	swait.ge [sflag:s2], $0x2000  }
0x1d: {  	[sflag:s2] =	ssyncset.done $0x0  }
0x1e: {  	s22 =	simm.s32 $0xB;
	[sflag:s2] =	ssyncadd.s32 $0xFFFFE000  }
0x1f: {  	_ =	swait.ge [sflag:s22], $0x2000  }
0x20: {  	[sflag:s22] =	ssyncset.done $0x0  }
0x21: {  	s23 =	simm.s32 $0xC;
	[sflag:s22] =	ssyncadd.s32 $0xFFFFE000  }
0x22: {  	_ =	swait.ge [sflag:s23], $0x2000  }
0x23: {  	[sflag:s23] =	ssyncset.done $0x0  }
0x24: {  	[sflag:s23] =	ssyncadd.s32 $0xFFFFE000  }
0x25: {  	[bflag:$0x0] =	sbarrier.arrive $0xFFFF  }
0x26: {  	s8 =	rddreg [dreg:$0x4]  }
0x27: {  	s24 =	rddreg [dreg:$0xa]  }
0x28: {  	s22 =	simm.s32 $0xD;
	s10 =	rddreg [dreg:$0xd]  }
0x29: {  	[hbm:s24], [sflag:s8] =	dma.local [spmem:s10], $0x2700  }
0x2a: {  	_ =	swait.ge [sflag:s22], $0x2700  }
0x2b: {  	[sflag:s22] =	ssyncset.done $0x0;
	s2 =	rddreg [dreg:$0xb]  }
0x2c: {  	s7 =	rddreg [dreg:$0xf];
	[sflag:s22] =	ssyncadd.s32 $0xFFFFD900  }
0x2d: {  	[hbm:s2], [sflag:s8] =	dma.local @!p0 [spmem:s7], $0x100  }
0x2e: {  	s2 =	simm.s32 @!p0 $0xD  }
0x2f: {  	_ =	swait.ge @!p0 [sflag:s2], $0x100  }
0x30: {  	s23 =	rddreg [dreg:$0xe]  }
0x31: {  	s25 =	rddreg [dreg:$0xc];
	s23 =	sadd.s32 $0x1, s23  }
0x32: {  	p1 =	sne.s32 s23, s25  }
.Ltmp1:
0x33: {  	_ = 	snop;
	(pc) =	sbr.rel @!p1 .LBB2_16-.Ltmp1, $3  }
0x34: {  	_ =	sdelay $0x1  }
0x35: {  	[sflag:s2] =	ssyncset.done @!p0 $0x0  }
0x36: {  	[sflag:s2] =	ssyncadd.s32 @!p0 $0xFFFFFF00  }
.LBB2_1:
0x37: {  	[dreg:$0xe] =	wrdreg s23  }
0x38: {  	s2 =	rddreg [dreg:$0x3]  }
0x39: {  	[spmem:s10], [sflag:s8] =	dma.local [hbm:s2], $0x2700  }
0x3a: {  	_ =	swait.ge [sflag:s22], $0x2700  }
0x3b: {  	s7 =	rddreg [dreg:$0x5]  }
0x3c: {  	[sflag:s22] =	ssyncset.done $0x0;
	s7 =	sshrl.u32 @!p0 s7, $0x3  }
0x3d: {  	[sflag:s22] =	ssyncadd.s32 $0xFFFFD900;
	[dreg:$0xf] =	wrdreg s7  }
0x3e: {  	[spmem:s7], [sflag:s8] =	dma.local @!p0 [hbm:s2], $0x100  }
0x3f: {  	s2 =	simm.s32 @!p0 $0xD  }
0x40: {  	_ =	swait.ge @!p0 [sflag:s2], $0x100  }
0x41: {  	[sflag:s2] =	ssyncset.done @!p0 $0x0  }
0x42: {  	[sflag:s2] =	ssyncadd.s32 @!p0 $0xFFFFFF00  }
0x43: {  	[bflag:$0x0] =	sbarrier.arrive $0xFFFF  }
0x44: {  	s25 =	simm.s32 $0x1;
	s2 =	simm.s32 $0x0;
	s24 =	rddreg [dreg:$0x6]  }
0x45: {  	[tilespmem:s2], [sflag:$0x1] =	stream.linear.gather [hbm4b:s24+s2], $0x80, $0x38;
	[tilespmem:$0x1FB80] =	vst v63  }
0x46: {  	_ =	swait.ge [sflag:s25], $0x80  }
0x47: {  	[sflag:s25] =	ssyncset.done $0x0  }
0x48: {  	[sflag:s25] =	ssyncadd.s32 $0xFFFFFF80  }
0x49: {  	[tilespmem:s28], [sflag:$0x4] =	stream.indirect.gather [hbm4b:s4+s26], $0x80, s2, s26, $0xb8;
	[tilespmem:$0x1FB80] =	vst v63  }
0x4a: {  	s10 =	simm.s32 $0x6300;
	s8 =	rddreg [dreg:$0x7]  }
0x4b: {  	[tilespmem:s10], [sflag:$0x7] =	stream.linear.gather [hbm4b:s8+s2], $0x2000, $0x38;
	[tilespmem:$0x1FB80] =	vst v63  }
.Ltmp2:
0x4c: {  	s23 =	simm.s32 $0x80;
	s22 =	rddreg [dreg:$0x8];
	(pc) =	sbr.rel .LBB2_2-.Ltmp2, $4  }
0x4d: {  	[tilespmem:s23], [sflag:$0x2] =	stream.linear.gather [hbm4b:s22+s2], $0x80, $0x38;
	[tilespmem:$0x1FB80] =	vst v63  }
0x4e: {  	s24 =	rddreg [dreg:$0x9];
	s25 =	simm.s32 $0x100  }
0x4f: {  	[tilespmem:s25], [sflag:$0x3] =	stream.linear.gather [hbm4b:s24+s2], $0x80, $0x38;
	[tilespmem:$0x1FB80] =	vst v63  }
0x50: {  	s25 =	simm.s32 $0x0  }
.LBB2_14:
0x51: {  	s2 =	sadd.s32 s19, s7  }
0x52: {  	p1 =	sgt.u32 s2, $0x1387  }
0x53: {  	s25 =	sadd.s32 $0x1, s25;
	s2 =	sshll.u32 @!p1 s2, $0x4  }
0x54: {  	s7 =	simm.s32 @!p1 $0x0;
	s8 =	simm.s32 @!p1 $0x100;
	s2 =	sadd.s32 @!p1 s6, s2  }
0x55: {  	[tilespmem:s8], [sflag:$0x3] =	stream.linear.gather @!p1 [hbm4b:s2+s7], $0x80, $0x38;
	[tilespmem:$0x1FB80] =	vst v63  }
0x56: {  	p1 =	sne.s32 s25, $0x35  }
.Ltmp3:
0x57: {  	_ = 	snop;
	(pc) =	sbr.rel @!p1 .LBB2_15-.Ltmp3, $1  }
0x58: {  	_ =	sdelay $0x3  }
.LBB2_2:
0x59: {  	s7 =	smul.u32 $0x60, s25;
	_ =	sdelay $0x1  }
0x5a: {  	s2 =	sadd.s32 s14, s7  }
0x5b: {  	p1 =	sgt.u32 s2, $0x1387  }
0x5c: {  	s10 =	simm.s32 @!p1 $0x2  }
0x5d: {  	p2 =	seq.s32 @!p1 s25, $0x0;
	_ =	swait.ge @!p1 [sflag:s10], $0x80  }
0x5e: {  	p2 =	por p2, p1;
	[sflag:s10] =	ssyncset.done @!p1 $0x0  }
0x5f: {  	[sflag:s10] =	ssyncadd.s32 @!p1 $0xFFFFFF80;
	s10 =	simm.s32 @!p2 $0xB  }
0x60: {  	_ =	swait.ge @!p2 [sflag:s10], $0x2000  }
0x61: {  	[sflag:s10] =	ssyncset.done @!p2 $0x0  }
0x62: {  	[sflag:s10] =	ssyncadd.s32 @!p2 $0xFFFFE000;
	p2 =	sge.u32 s7, s15  }
.Ltmp4:
0x63: {  	s23 =	simm.s32 @!p1 $0x80;
	(pc) =	sbr.rel @p2 .LBB2_6-.Ltmp4, $4  }
0x64: {  	s24 =	simm.s32 @!p1 $0x2300;
	s2 =	sshll.u32 @!p1 s2, $0xA;
	s10 =	simm.s32 @!p1 $0x40  }
0x65: {  	[tilespmem:s24], [sflag:$0x5] =	stream.indirect.gather @!p1 [hbm4b:s4+s10], $0x80, s23, s10, $0xb8;
	[tilespmem:$0x1FB80] =	vst v63  }
0x66: {  	s2 =	sadd.s32 @!p1 s5, s2;
	s10 =	simm.s32 @!p1 $0x0;
	s23 =	simm.s32 @!p1 $0x8300  }
0x67: {  	[tilespmem:s23], [sflag:$0x8] =	stream.linear.gather @!p1 [hbm4b:s2+s10], $0x2000, $0x38;
	[tilespmem:$0x1FB80] =	vst v63  }
0x68: {  	_ =	swait.ge [sflag:s0], $0x2000  }
0x69: {  	[sflag:s0] =	ssyncset.done $0x0  }
0x6a: {  	[sflag:s0] =	ssyncadd.s32 $0xFFFFE000  }
0x6b: {  	_ =	swait.ge [sflag:s3], $0x2000  }
0x6c: {  	[sflag:s3] =	ssyncset.done $0x0  }
0x6d: {  	[sflag:s3] =	ssyncadd.s32 $0xFFFFE000  }
0x6e: {  	v0 =	vld [tilespmem:$0x40]  }
0x6f: {  	v1 =	vld [tilespmem:$0x50]  }
0x70: {  	v2 =	vld [tilespmem:$0x60]  }
0x71: {  	v3 =	vld [tilespmem:$0x70];
	_ =	sdelay $0x1  }
0x72: {  	[tilespmem:$0x180] =	vst v0  }
0x73: {  	[tilespmem:$0x190] =	vst v1  }
0x74: {  	[tilespmem:$0x1A0] =	vst v2  }
0x75: {  	s2 =	simm.s32 $0x0;
	[tilespmem:$0x1B0] =	vst v3  }
0x76: {  	v3 =	vld [tilespmem:s2+$0x6300]  }
0x77: {  	v2 =	vld [tilespmem:s2+$0x6310]  }
0x78: {  	v1 =	vld [tilespmem:s2+$0x6320]  }
0x79: {  	v0 =	vld [tilespmem:s2+$0x6330]  }
0x7a: {  	v8 =	vld [tilespmem:s2+$0x300]  }
0x7b: {  	v7 =	vld [tilespmem:s2+$0x310]  }
0x7c: {  	v6 =	vld [tilespmem:s2+$0x320]  }
0x7d: {  	v5 =	vld [tilespmem:s2+$0x330]  }
0x7e: {  	v4 =	vld [tilespmem:s2+$0x340];
	v10 =	vunpack.i.l.bf16.f32 v3  }
0x7f: {  	s23 =	simm.s32 $0x200;
	v9 =	vunpack.i.u.bf16.f32 v3;
	v3 =	vld [tilespmem:s2+$0x350];
	v8 =	vadd.f32 v8, v10  }
.LBB2_4:
0x80: {  	p2 =	sne.s32 s23, $0x7E00;
	v7 =	vadd.f32 v7, v9;
	v9 =	vunpack.i.l.bf16.f32 v2;
	v10 =	vld [tilespmem:s2+$0x360]  }
0x81: {  	s10 =	sshra.s32 s23, $0x2;
	v2 =	vunpack.i.u.bf16.f32 v2;
	v8 =	vmax.f32 v8, $0.0e+00;
	v6 =	vadd.f32 v6, v9;
	v9 =	vld [tilespmem:s2+$0x370]  }
0x82: {  	v11 =	vld [tilespmem:s10+$0x6300];
	[tilespmem:s2+$0x300] =	vst v8;
	v7 =	vmax.f32 v7, $0.0e+00;
	v5 =	vadd.f32 v5, v2;
	v8 =	vunpack.i.l.bf16.f32 v1  }
0x83: {  	v2 =	vld [tilespmem:s10+$0x6310];
	[tilespmem:s2+$0x310] =	vst v7;
	v6 =	vmax.f32 v6, $0.0e+00;
	v7 =	vunpack.i.u.bf16.f32 v1;
	v4 =	vadd.f32 v4, v8  }
0x84: {  	v1 =	vld [tilespmem:s10+$0x6320];
	[tilespmem:s2+$0x320] =	vst v6;
	v5 =	vmax.f32 v5, $0.0e+00;
	v3 =	vadd.f32 v3, v7;
	v6 =	vunpack.i.l.bf16.f32 v0  }
0x85: {  	[tilespmem:s2+$0x330] =	vst v5;
	v4 =	vmax.f32 v4, $0.0e+00;
	v5 =	vunpack.i.u.bf16.f32 v0;
	v0 =	vld [tilespmem:s10+$0x6330];
	v6 =	vadd.f32 v10, v6  }
0x86: {  	v8 =	vld [tilespmem:s10+$0x300];
	[tilespmem:s2+$0x340] =	vst v4;
	v3 =	vmax.f32 v3, $0.0e+00;
	v4 =	vadd.f32 v9, v5  }
.Ltmp5:
0x87: {  	v7 =	vld [tilespmem:s10+$0x310];
	[tilespmem:s2+$0x350] =	vst v3;
	v3 =	vmax.f32 v6, $0.0e+00;
	(pc) =	sbr.rel @p2 .LBB2_4-.Ltmp5, $4  }
0x88: {  	v6 =	vld [tilespmem:s10+$0x320];
	[tilespmem:s2+$0x360] =	vst v3;
	v3 =	vmax.f32 v4, $0.0e+00  }
0x89: {  	v5 =	vld [tilespmem:s10+$0x330];
	[tilespmem:s2+$0x370] =	vst v3;
	s2 =	smov.u32 s10  }
0x8a: {  	v3 =	vunpack.i.l.bf16.f32 v11;
	v4 =	vld [tilespmem:s2+$0x340]  }
0x8b: {  	s23 =	sadd.s32 $0x200, s23;
	v9 =	vunpack.i.u.bf16.f32 v11;
	v8 =	vadd.f32 v8, v3;
	v3 =	vld [tilespmem:s2+$0x350]  }
0x8c: {  	v7 =	vadd.f32 v7, v9;
	v55 =	vunpack.i.l.bf16.f32 v2;
	v10 =	vld [tilespmem:s2+$0x360]  }
0x8d: {  	v56 =	vunpack.i.u.bf16.f32 v2;
	v57 =	vld [tilespmem:s2+$0x370];
	v8 =	vmax.f32 v8, $0.0e+00;
	v6 =	vadd.f32 v6, v55  }
0x8e: {  	v58 =	vunpack.i.l.bf16.f32 v1;
	[tilespmem:s2+$0x300] =	vst v8;
	v7 =	vmax.f32 v7, $0.0e+00;
	v2 =	vadd.f32 v5, v56  }
0x8f: {  	v59 =	vunpack.i.u.bf16.f32 v1;
	[tilespmem:s2+$0x310] =	vst v7;
	v6 =	vmax.f32 v6, $0.0e+00;
	v4 =	vadd.f32 v4, v58  }
0x90: {  	v60 =	vunpack.i.l.bf16.f32 v0;
	[tilespmem:s2+$0x320] =	vst v6;
	v2 =	vmax.f32 v2, $0.0e+00;
	v1 =	vadd.f32 v3, v59  }
0x91: {  	v62 =	vunpack.i.u.bf16.f32 v0;
	[tilespmem:s2+$0x330] =	vst v2;
	v61 =	vmax.f32 v4, $0.0e+00;
	v3 =	vadd.f32 v10, v60  }
0x92: {  	v0 =	vadd.f32 v57, v62;
	[tilespmem:s2+$0x340] =	vst v61;
	v1 =	vmax.f32 v1, $0.0e+00  }
0x93: {  	[tilespmem:s2+$0x350] =	vst v1;
	v63 =	vmax.f32 v3, $0.0e+00  }
0x94: {  	v0 =	vmax.f32 v0, $0.0e+00;
	[tilespmem:s2+$0x360] =	vst v63  }
0x95: {  	[tilespmem:s2+$0x370] =	vst v0  }
0x96: {  	[spmem:s1] =	stream.indirect.scatter.add.f32 [tilespmem:s28], [sflag:$0xA], $0x80, s29, s26, $0xb8;
	[tilespmem:$0x1FB80] =	vst v63  }
.LBB2_6:
0x97: {  	s23 =	sadd.s32 s16, s7  }
0x98: {  	p2 =	sgt.u32 s23, $0x1387  }
0x99: {  	s2 =	sshll.u32 @!p2 s23, $0x4  }
0x9a: {  	s10 =	sadd.s32 @!p2 s6, s2;
	s2 =	simm.s32 @!p2 $0x0  }
0x9b: {  	[tilespmem:s2], [sflag:$0x1] =	stream.linear.gather @!p2 [hbm4b:s10+s2], $0x80, $0x38;
	[tilespmem:$0x1FB80] =	vst v63  }
0x9c: {  	s10 =	sadd.s32 s17, s7  }
0x9d: {  	p3 =	sgt.u32 s10, $0x1387  }
0x9e: {  	s24 =	simm.s32 @!p3 $0x3  }
0x9f: {  	p4 =	seq.s32 @!p3 s25, $0x0;
	_ =	swait.ge @!p3 [sflag:s24], $0x80  }
0xa0: {  	p4 =	por p4, p3;
	[sflag:s24] =	ssyncset.done @!p3 $0x0  }
0xa1: {  	[sflag:s24] =	ssyncadd.s32 @!p3 $0xFFFFFF80;
	s24 =	simm.s32 @!p4 $0xC  }
0xa2: {  	_ =	swait.ge @!p4 [sflag:s24], $0x2000  }
0xa3: {  	s8 =	simm.s32 @!p3 $0x100;
	s22 =	simm.s32 @!p3 $0x4300;
	[sflag:s24] =	ssyncset.done @!p4 $0x0  }
.Ltmp6:
0xa4: {  	[sflag:s24] =	ssyncadd.s32 @!p4 $0xFFFFE000;
	s24 =	simm.s32 @!p3 $0x40;
	(pc) =	sbr.rel @p1 .LBB2_10-.Ltmp6, $4  }
0xa5: {  	[tilespmem:s22], [sflag:$0x6] =	stream.indirect.gather @!p3 [hbm4b:s4+s24], $0x80, s8, s24, $0xb8;
	[tilespmem:$0x1FB80] =	vst v63  }
0xa6: {  	s8 =	sshll.u32 @!p3 s10, $0xA  }
0xa7: {  	s10 =	simm.s32 @!p3 $0x0;
	s22 =	simm.s32 @!p3 $0xA300;
	s8 =	sadd.s32 @!p3 s5, s8  }
0xa8: {  	[tilespmem:s22], [sflag:$0x9] =	stream.linear.gather @!p3 [hbm4b:s8+s10], $0x2000, $0x38;
	[tilespmem:$0x1FB80] =	vst v63  }
0xa9: {  	_ =	swait.ge [sflag:s30], $0x2000  }
0xaa: {  	[sflag:s30] =	ssyncset.done $0x0  }
0xab: {  	[sflag:s30] =	ssyncadd.s32 $0xFFFFE000  }
0xac: {  	_ =	swait.ge [sflag:s31], $0x2000  }
0xad: {  	[sflag:s31] =	ssyncset.done $0x0  }
0xae: {  	[sflag:s31] =	ssyncadd.s32 $0xFFFFE000  }
0xaf: {  	v0 =	vld [tilespmem:$0xC0]  }
0xb0: {  	v1 =	vld [tilespmem:$0xD0]  }
0xb1: {  	v2 =	vld [tilespmem:$0xE0]  }
0xb2: {  	v3 =	vld [tilespmem:$0xF0];
	_ =	sdelay $0x1  }
0xb3: {  	[tilespmem:$0x200] =	vst v0  }
0xb4: {  	[tilespmem:$0x210] =	vst v1  }
0xb5: {  	[tilespmem:$0x220] =	vst v2  }
0xb6: {  	s24 =	simm.s32 $0x0;
	[tilespmem:$0x230] =	vst v3  }
0xb7: {  	v3 =	vld [tilespmem:s24+$0x8300]  }
0xb8: {  	v2 =	vld [tilespmem:s24+$0x8310]  }
0xb9: {  	v1 =	vld [tilespmem:s24+$0x8320]  }
0xba: {  	v0 =	vld [tilespmem:s24+$0x8330]  }
0xbb: {  	v8 =	vld [tilespmem:s24+$0x2300]  }
0xbc: {  	v7 =	vld [tilespmem:s24+$0x2310]  }
0xbd: {  	v6 =	vld [tilespmem:s24+$0x2320]  }
0xbe: {  	v5 =	vld [tilespmem:s24+$0x2330]  }
0xbf: {  	v4 =	vld [tilespmem:s24+$0x2340];
	v10 =	vunpack.i.l.bf16.f32 v3  }
0xc0: {  	s10 =	simm.s32 $0x200;
	v9 =	vunpack.i.u.bf16.f32 v3;
	v3 =	vld [tilespmem:s24+$0x2350];
	v8 =	vadd.f32 v8, v10  }
.LBB2_8:
0xc1: {  	p1 =	sne.s32 s10, $0x7E00;
	v7 =	vadd.f32 v7, v9;
	v9 =	vunpack.i.l.bf16.f32 v2;
	v10 =	vld [tilespmem:s24+$0x2360]  }
0xc2: {  	s8 =	sshra.s32 s10, $0x2;
	v2 =	vunpack.i.u.bf16.f32 v2;
	v8 =	vmax.f32 v8, $0.0e+00;
	v6 =	vadd.f32 v6, v9;
	v9 =	vld [tilespmem:s24+$0x2370]  }
0xc3: {  	v11 =	vld [tilespmem:s8+$0x8300];
	[tilespmem:s24+$0x2300] =	vst v8;
	v7 =	vmax.f32 v7, $0.0e+00;
	v5 =	vadd.f32 v5, v2;
	v8 =	vunpack.i.l.bf16.f32 v1  }
0xc4: {  	v2 =	vld [tilespmem:s8+$0x8310];
	[tilespmem:s24+$0x2310] =	vst v7;
	v6 =	vmax.f32 v6, $0.0e+00;
	v7 =	vunpack.i.u.bf16.f32 v1;
	v4 =	vadd.f32 v4, v8  }
0xc5: {  	v1 =	vld [tilespmem:s8+$0x8320];
	[tilespmem:s24+$0x2320] =	vst v6;
	v5 =	vmax.f32 v5, $0.0e+00;
	v3 =	vadd.f32 v3, v7;
	v6 =	vunpack.i.l.bf16.f32 v0  }
0xc6: {  	[tilespmem:s24+$0x2330] =	vst v5;
	v4 =	vmax.f32 v4, $0.0e+00;
	v5 =	vunpack.i.u.bf16.f32 v0;
	v0 =	vld [tilespmem:s8+$0x8330];
	v6 =	vadd.f32 v10, v6  }
0xc7: {  	v8 =	vld [tilespmem:s8+$0x2300];
	[tilespmem:s24+$0x2340] =	vst v4;
	v3 =	vmax.f32 v3, $0.0e+00;
	v4 =	vadd.f32 v9, v5  }
.Ltmp7:
0xc8: {  	v7 =	vld [tilespmem:s8+$0x2310];
	[tilespmem:s24+$0x2350] =	vst v3;
	v3 =	vmax.f32 v6, $0.0e+00;
	(pc) =	sbr.rel @p1 .LBB2_8-.Ltmp7, $4  }
0xc9: {  	v6 =	vld [tilespmem:s8+$0x2320];
	[tilespmem:s24+$0x2360] =	vst v3;
	v3 =	vmax.f32 v4, $0.0e+00  }
0xca: {  	v5 =	vld [tilespmem:s8+$0x2330];
	[tilespmem:s24+$0x2370] =	vst v3;
	s24 =	smov.u32 s8  }
0xcb: {  	v3 =	vunpack.i.l.bf16.f32 v11;
	v4 =	vld [tilespmem:s24+$0x2340]  }
0xcc: {  	s10 =	sadd.s32 $0x200, s10;
	v9 =	vunpack.i.u.bf16.f32 v11;
	v8 =	vadd.f32 v8, v3;
	v3 =	vld [tilespmem:s24+$0x2350]  }
0xcd: {  	v7 =	vadd.f32 v7, v9;
	v55 =	vunpack.i.l.bf16.f32 v2;
	v10 =	vld [tilespmem:s24+$0x2360]  }
0xce: {  	v56 =	vunpack.i.u.bf16.f32 v2;
	v57 =	vld [tilespmem:s24+$0x2370];
	v8 =	vmax.f32 v8, $0.0e+00;
	v6 =	vadd.f32 v6, v55  }
0xcf: {  	v58 =	vunpack.i.l.bf16.f32 v1;
	[tilespmem:s24+$0x2300] =	vst v8;
	v7 =	vmax.f32 v7, $0.0e+00;
	v2 =	vadd.f32 v5, v56  }
0xd0: {  	v59 =	vunpack.i.u.bf16.f32 v1;
	[tilespmem:s24+$0x2310] =	vst v7;
	v6 =	vmax.f32 v6, $0.0e+00;
	v4 =	vadd.f32 v4, v58  }
0xd1: {  	v60 =	vunpack.i.l.bf16.f32 v0;
	[tilespmem:s24+$0x2320] =	vst v6;
	v2 =	vmax.f32 v2, $0.0e+00;
	v1 =	vadd.f32 v3, v59  }
0xd2: {  	v62 =	vunpack.i.u.bf16.f32 v0;
	[tilespmem:s24+$0x2330] =	vst v2;
	v61 =	vmax.f32 v4, $0.0e+00;
	v3 =	vadd.f32 v10, v60  }
0xd3: {  	v0 =	vadd.f32 v57, v62;
	[tilespmem:s24+$0x2340] =	vst v61;
	v1 =	vmax.f32 v1, $0.0e+00  }
0xd4: {  	[tilespmem:s24+$0x2350] =	vst v1;
	v63 =	vmax.f32 v3, $0.0e+00  }
0xd5: {  	v0 =	vmax.f32 v0, $0.0e+00;
	[tilespmem:s24+$0x2360] =	vst v63  }
0xd6: {  	[tilespmem:s24+$0x2370] =	vst v0  }
0xd7: {  	[spmem:s1] =	stream.indirect.scatter.add.f32 [tilespmem:s11], [sflag:$0xB], $0x80, s9, s26, $0xb8;
	[tilespmem:$0x1FB80] =	vst v63  }
.LBB2_10:
0xd8: {  	s8 =	sadd.s32 s18, s7  }
0xd9: {  	p1 =	sgt.u32 s8, $0x1387  }
0xda: {  	s8 =	sshll.u32 @!p1 s8, $0x4  }
0xdb: {  	s10 =	simm.s32 @!p1 $0x0;
	s22 =	simm.s32 @!p1 $0x80;
	s8 =	sadd.s32 @!p1 s6, s8  }
0xdc: {  	[tilespmem:s22], [sflag:$0x2] =	stream.linear.gather @!p1 [hbm4b:s8+s10], $0x80, $0x38;
	[tilespmem:$0x1FB80] =	vst v63  }
0xdd: {  	s8 =	simm.s32 @!p2 $0x1  }
0xde: {  	_ =	swait.ge @!p2 [sflag:s8], $0x80  }
0xdf: {  	[sflag:s8] =	ssyncset.done @!p2 $0x0  }
0xe0: {  	[sflag:s8] =	ssyncadd.s32 @!p2 $0xFFFFFF80;
	s8 =	simm.s32 @!p2 $0xA  }
0xe1: {  	_ =	swait.ge @!p2 [sflag:s8], $0x2000  }
0xe2: {  	s10 =	simm.s32 @!p2 $0x300;
	[sflag:s8] =	ssyncset.done @!p2 $0x0  }
.Ltmp8:
0xe3: {  	[sflag:s8] =	ssyncadd.s32 @!p2 $0xFFFFE000;
	s8 =	simm.s32 @!p2 $0x40;
	(pc) =	sbr.rel @p3 .LBB2_14-.Ltmp8, $4  }
0xe4: {  	[tilespmem:s10], [sflag:$0x4] =	stream.indirect.gather @!p2 [hbm4b:s4+s8], $0x80, s2, s8, $0xb8;
	[tilespmem:$0x1FB80] =	vst v63  }
0xe5: {  	s8 =	sshll.u32 @!p2 s23, $0xA  }
0xe6: {  	s10 =	simm.s32 @!p2 $0x6300;
	s8 =	sadd.s32 @!p2 s5, s8  }
0xe7: {  	[tilespmem:s10], [sflag:$0x7] =	stream.linear.gather @!p2 [hbm4b:s8+s2], $0x2000, $0x38;
	[tilespmem:$0x1FB80] =	vst v63  }
0xe8: {  	_ =	swait.ge [sflag:s12], $0x2000  }
0xe9: {  	[sflag:s12] =	ssyncset.done $0x0  }
0xea: {  	[sflag:s12] =	ssyncadd.s32 $0xFFFFE000  }
0xeb: {  	_ =	swait.ge [sflag:s13], $0x2000  }
0xec: {  	[sflag:s13] =	ssyncset.done $0x0  }
0xed: {  	[sflag:s13] =	ssyncadd.s32 $0xFFFFE000  }
0xee: {  	v0 =	vld [tilespmem:$0x140]  }
0xef: {  	v1 =	vld [tilespmem:$0x150]  }
0xf0: {  	v2 =	vld [tilespmem:$0x160]  }
0xf1: {  	v3 =	vld [tilespmem:$0x170];
	_ =	sdelay $0x1  }
0xf2: {  	[tilespmem:$0x280] =	vst v0  }
0xf3: {  	[tilespmem:$0x290] =	vst v1  }
0xf4: {  	[tilespmem:$0x2A0] =	vst v2  }
0xf5: {  	s2 =	simm.s32 $0x0;
	[tilespmem:$0x2B0] =	vst v3  }
0xf6: {  	v3 =	vld [tilespmem:s2+$0xA300]  }
0xf7: {  	v2 =	vld [tilespmem:s2+$0xA310]  }
0xf8: {  	v1 =	vld [tilespmem:s2+$0xA320]  }
0xf9: {  	v0 =	vld [tilespmem:s2+$0xA330]  }
0xfa: {  	v8 =	vld [tilespmem:s2+$0x4300]  }
0xfb: {  	v7 =	vld [tilespmem:s2+$0x4310]  }
0xfc: {  	v6 =	vld [tilespmem:s2+$0x4320]  }
0xfd: {  	v5 =	vld [tilespmem:s2+$0x4330]  }
0xfe: {  	v4 =	vld [tilespmem:s2+$0x4340];
	v10 =	vunpack.i.l.bf16.f32 v3  }
0xff: {  	s10 =	simm.s32 $0x200;
	v9 =	vunpack.i.u.bf16.f32 v3;
	v3 =	vld [tilespmem:s2+$0x4350];
	v8 =	vadd.f32 v8, v10  }
.LBB2_12:
0x100: {  	p1 =	sne.s32 s10, $0x7E00;
	v7 =	vadd.f32 v7, v9;
	v9 =	vunpack.i.l.bf16.f32 v2;
	v10 =	vld [tilespmem:s2+$0x4360]  }
0x101: {  	s8 =	sshra.s32 s10, $0x2;
	v2 =	vunpack.i.u.bf16.f32 v2;
	v8 =	vmax.f32 v8, $0.0e+00;
	v6 =	vadd.f32 v6, v9;
	v9 =	vld [tilespmem:s2+$0x4370]  }
0x102: {  	v11 =	vld [tilespmem:s8+$0xA300];
	[tilespmem:s2+$0x4300] =	vst v8;
	v7 =	vmax.f32 v7, $0.0e+00;
	v5 =	vadd.f32 v5, v2;
	v8 =	vunpack.i.l.bf16.f32 v1  }
0x103: {  	v2 =	vld [tilespmem:s8+$0xA310];
	[tilespmem:s2+$0x4310] =	vst v7;
	v6 =	vmax.f32 v6, $0.0e+00;
	v7 =	vunpack.i.u.bf16.f32 v1;
	v4 =	vadd.f32 v4, v8  }
0x104: {  	v1 =	vld [tilespmem:s8+$0xA320];
	[tilespmem:s2+$0x4320] =	vst v6;
	v5 =	vmax.f32 v5, $0.0e+00;
	v3 =	vadd.f32 v3, v7;
	v6 =	vunpack.i.l.bf16.f32 v0  }
0x105: {  	[tilespmem:s2+$0x4330] =	vst v5;
	v4 =	vmax.f32 v4, $0.0e+00;
	v5 =	vunpack.i.u.bf16.f32 v0;
	v0 =	vld [tilespmem:s8+$0xA330];
	v6 =	vadd.f32 v10, v6  }
0x106: {  	v8 =	vld [tilespmem:s8+$0x4300];
	[tilespmem:s2+$0x4340] =	vst v4;
	v3 =	vmax.f32 v3, $0.0e+00;
	v4 =	vadd.f32 v9, v5  }
.Ltmp9:
0x107: {  	v7 =	vld [tilespmem:s8+$0x4310];
	[tilespmem:s2+$0x4350] =	vst v3;
	v3 =	vmax.f32 v6, $0.0e+00;
	(pc) =	sbr.rel @p1 .LBB2_12-.Ltmp9, $4  }
0x108: {  	v6 =	vld [tilespmem:s8+$0x4320];
	[tilespmem:s2+$0x4360] =	vst v3;
	v3 =	vmax.f32 v4, $0.0e+00  }
0x109: {  	v5 =	vld [tilespmem:s8+$0x4330];
	[tilespmem:s2+$0x4370] =	vst v3;
	s2 =	smov.u32 s8  }
0x10a: {  	v3 =	vunpack.i.l.bf16.f32 v11;
	v4 =	vld [tilespmem:s2+$0x4340]  }
0x10b: {  	s10 =	sadd.s32 $0x200, s10;
	v9 =	vunpack.i.u.bf16.f32 v11;
	v8 =	vadd.f32 v8, v3;
	v3 =	vld [tilespmem:s2+$0x4350]  }
0x10c: {  	v7 =	vadd.f32 v7, v9;
	v55 =	vunpack.i.l.bf16.f32 v2;
	v10 =	vld [tilespmem:s2+$0x4360]  }
0x10d: {  	v56 =	vunpack.i.u.bf16.f32 v2;
	v57 =	vld [tilespmem:s2+$0x4370];
	v8 =	vmax.f32 v8, $0.0e+00;
	v6 =	vadd.f32 v6, v55  }
0x10e: {  	v58 =	vunpack.i.l.bf16.f32 v1;
	[tilespmem:s2+$0x4300] =	vst v8;
	v7 =	vmax.f32 v7, $0.0e+00;
	v2 =	vadd.f32 v5, v56  }
0x10f: {  	v59 =	vunpack.i.u.bf16.f32 v1;
	[tilespmem:s2+$0x4310] =	vst v7;
	v6 =	vmax.f32 v6, $0.0e+00;
	v4 =	vadd.f32 v4, v58  }
0x110: {  	v60 =	vunpack.i.l.bf16.f32 v0;
	[tilespmem:s2+$0x4320] =	vst v6;
	v2 =	vmax.f32 v2, $0.0e+00;
	v1 =	vadd.f32 v3, v59  }
0x111: {  	v62 =	vunpack.i.u.bf16.f32 v0;
	[tilespmem:s2+$0x4330] =	vst v2;
	v61 =	vmax.f32 v4, $0.0e+00;
	v3 =	vadd.f32 v10, v60  }
.Ltmp10:
0x112: {  	v0 =	vadd.f32 v57, v62;
	[tilespmem:s2+$0x4340] =	vst v61;
	v1 =	vmax.f32 v1, $0.0e+00;
	(pc) =	sbr.rel .LBB2_14-.Ltmp10, $4  }
0x113: {  	[tilespmem:s2+$0x4350] =	vst v1;
	v63 =	vmax.f32 v3, $0.0e+00  }
0x114: {  	v0 =	vmax.f32 v0, $0.0e+00;
	[tilespmem:s2+$0x4360] =	vst v63  }
0x115: {  	[tilespmem:s2+$0x4370] =	vst v0  }
0x116: {  	[spmem:s1] =	stream.indirect.scatter.add.f32 [tilespmem:s21], [sflag:$0xC], $0x80, s20, s26, $0xb8;
	[tilespmem:$0x1FB80] =	vst v63  }
.LBB2_16:
0x117: {  	_ =	sfence.sel $0x180000  }
0x118: {  	[bflag:$0x0] =	sbarrier.arrive $0xFFFF  }
0x119: {  	_ =	strace $0x90000047  }
0x11a: {  	s0 =	stileid.u32;
	[bflag:$0x2] =	sbarrier.arrive $0xFFFF  }
0x11b: {  	p0 =	sne.s32 s0, $0x0;
	s0 =	rddreg [dreg:$0x2]  }
0x11c: {  	s0 =	sadd.s32 @!p0 $0x100000, s0  }
0x11d: {  	[sflag:s0] =	ssyncadd.tile.s32 @!p0 $0x1;
	_ =	shalt  }
.Lfunc_end2:
_tile_overlayer_lowered:
.L_overlay_start_2:
0x11e: {  	(tag) =	ssettag $0x2  }
0x11f: {  	s0 =	rddreg [dreg:$0x0];
	s2 =	stileid.u32  }
0x120: {  	s1 =	rddreg [dreg:$0x1];
	p0 =	sne.s32 s2, $0x0  }
0x121: {  	s3 =	rddreg [dreg:$0x2];
	[bflag:$0x3] =	sbarrier.arrive $0xFFFF;
	s2 =	simm.s32 @!p0 $0x1C0D  }
0x122: {  	[timem:s3], [sflag:s2] =	dma.local @!p0 [hbm:s0], s1  }
0x123: {  	s0 =	simm.s32 @!p0 $0xD  }
0x124: {  	_ =	swait.ge @!p0 [sflag:s0], s1  }
0x125: {  	s1 =	ssub.s32 @!p0 $0x0, s1;
	[sflag:s0] =	ssyncset.done @!p0 $0x0  }
0x126: {  	[sflag:s0] =	ssyncadd.s32 @!p0 s1  }
0x127: {  	[bflag:$0x3] =	sbarrier.arrive $0xFFFF  }
0x128: {  	_ =	shalt  }

// kernel: kernel.16.cloned.1.call-start
scs
__scs_entry_jumppad:
0x0: {  	(pc) =	sbr.rel $0x88, $3  }
0x1: {  	(tag) =	ssettag $0x0;
	lr =	simm.s32 $0x1  }
0x2: {  	[smem:$0x3F8E] =	sst lr;
	_ =	strace $0xD0000000  }
0x3: {  	_ = 	snop  }
0x4: {  	_ = 	snop  }
0x5: {  	_ = 	snop  }
0x6: {  	_ = 	snop  }
0x7: {  	_ = 	snop  }
__scs_overlays_trampoline_lowered:
0x8: {  	[smem:$0x3F9D] =	sst s0  }
0x9: {  	[smem:$0x3F9E] =	sst s1  }
0xa: {  	[smem:$0x3F9F] =	sst s2  }
0xb: {  	[smem:$0x3FA0] =	sst s3  }
0xc: {  	[smem:$0x3FA1] =	sst s4  }
0xd: {  	[smem:$0x3FA2] =	sst s5  }
0xe: {  	[smem:$0x3FA3] =	sst s6  }
0xf: {  	[smem:$0x3FA4] =	sst s7  }
0x10: {  	[smem:$0x3FA5] =	sst s8  }
0x11: {  	[smem:$0x3FA6] =	sst s9;
	s0 =	simm.s32 @!p0 $0x0  }
0x12: {  	s1 =	sld [smem:$0x3F8C];
	s0 =	simm.s32 @p0 $0x1  }
0x13: {  	[smem:$0x3FA7] =	sst s0;
	s0 =	simm.s32 @!p1 $0x0  }
0x14: {  	s2 =	sld [smem:$0x3F8B];
	s0 =	simm.s32 @p1 $0x1  }
0x15: {  	[smem:$0x3FA8] =	sst s0;
	s0 =	simm.s32 @!p2 $0x0  }
0x16: {  	s3 =	sld [smem:$0x3FDB];
	s0 =	simm.s32 @p2 $0x1  }
0x17: {  	s4 =	simm.s32 $0x1BF5;
	[smem:$0x3FAA] =	sst s0  }
0x18: {  	s0 =	sld [smem:$0x3F8D];
	_ =	swait.ge [sflag:s4], $0x0  }
0x19: {  	s7 =	sld [smem:$0x3F8E]  }
0x1a: {  	s8 =	sadd.s32 $0xFFFFE003, lr  }
0x1b: {  	s9 =	sadd.s32 $0xFFFFFEF7, lr;
	s5 =	simm.s32 $0xFFFFFFFF;
	p2 =	slt.u32 s8, $0xFFFFF086  }
0x1c: {  	p1 =	slt.u32 s9, $0xF7A;
	s5 =	simm.s32 @!p2 $0x0  }
0x1d: {  	s5 =	simm.s32 @p1 $0x1;
	p0 =	seq.s32 s7, s2  }
0x1e: {  	s7 =	smul.u32 @!p0 $0xF7A, s2;
	p2 =	seq.s32 @!p0 s5, $0x0  }
0x1f: {  	s9 =	smul.u32 $0xF7A, s1;
	s8 =	simm.s32 @!p0 $0x1BF5;
	p2 =	por !p2, p0  }
0x20: {  	[sflag:s8] =	ssyncset.s32 @!p0 $0xFFFFF086;
	s6 =	sadd.s32 @!p0 s3, s7;
	s7 =	simm.s32 @!p0 $0x108  }
0x21: {  	s3 =	sadd.s32 s3, s9;
	s6 =	sadd.s32 @!p0 $0x88, s6;
	s7 =	simm.s32 @p2 $0x1082  }
0x22: {  	[simem:s7], [sflag:s8] =	dma.local @!p0 [hbm:s6], $0xF7A  }
0x23: {  	s9 =	sor.u32 $0xD0000000, s2;
	s6 =	simm.s32 $0x108;
	_ =	swait.ge @!p0 [sflag:s8], $0x0  }
0x24: {  	s3 =	sadd.s32 $0x88, s3;
	s6 =	simm.s32 @!p1 $0x1082;
	[sflag:s4] =	ssyncset.s32 $0xFFFFF086  }
0x25: {  	[simem:s6], [sflag:s4] =	dma.local [hbm:s3], $0xF7A  }
0x26: {  	[smem:$0x3F8E] =	sst s1;
	(tag) =	ssettag s2;
	_ =	strace s9  }
0x27: {  	s1 =	sld [smem:$0x3F9E]  }
0x28: {  	s2 =	sld [smem:$0x3F9F]  }
0x29: {  	s4 =	sld [smem:$0x3FA1]  }
0x2a: {  	p0 =	seq.s32 s5, $0x0;
	s5 =	sld [smem:$0x3FA2]  }
0x2b: {  	s6 =	sld [smem:$0x3FA3]  }
0x2c: {  	s7 =	sld [smem:$0x3FA4]  }
0x2d: {  	s3 =	simm.s32 $0x108;
	s8 =	sld [smem:$0x3FA5]  }
0x2e: {  	s3 =	simm.s32 @!p0 $0x1082;
	s9 =	sld [smem:$0x3FA6]  }
0x2f: {  	lr =	sadd.s32 s0, s3;
	s0 =	sld [smem:$0x3F9D]  }
0x30: {  	s3 =	sld [smem:$0x3FA0]  }
0x31: {  	[smem:$0x3FA9] =	sst s10  }
0x32: {  	s10 =	sld [smem:$0x3FA7];
	_ =	sdelay $0x3  }
0x33: {  	p0 =	seq.s32 s10, $0x1;
	s10 =	sld [smem:$0x3FA9];
	_ =	sdelay $0x3  }
0x34: {  	[smem:$0x3FA9] =	sst s10  }
0x35: {  	s10 =	sld [smem:$0x3FA8];
	_ =	sdelay $0x3  }
0x36: {  	p1 =	seq.s32 s10, $0x1;
	s10 =	sld [smem:$0x3FA9];
	_ =	sdelay $0x3  }
0x37: {  	[smem:$0x3FA9] =	sst s10  }
0x38: {  	s10 =	sld [smem:$0x3FAA]  }
0x39: {  	_ = 	snop;
	(pc) =	sbr.ind lr, $3  }
0x3a: {  	_ = 	snop  }
0x3b: {  	_ = 	snop  }
0x3c: {  	p2 =	seq.s32 s10, $0x1;
	s10 =	sld [smem:$0x3FA9]  }
0x3d: {  	_ =	shalt  }
0x3e: {  	_ =	shalt  }
0x3f: {  	_ =	shalt  }
0x40: {  	_ =	shalt  }
0x41: {  	_ =	shalt  }
0x42: {  	_ =	shalt  }
0x43: {  	_ =	shalt  }
0x44: {  	_ =	shalt  }
0x45: {  	_ =	shalt  }
0x46: {  	_ =	shalt  }
0x47: {  	_ =	shalt  }
0x48: {  	_ =	shalt  }
0x49: {  	_ =	shalt  }
0x4a: {  	_ =	shalt  }
0x4b: {  	_ =	shalt  }
0x4c: {  	_ =	shalt  }
0x4d: {  	_ =	shalt  }
0x4e: {  	_ =	shalt  }
0x4f: {  	_ =	shalt  }
0x50: {  	_ =	shalt  }
0x51: {  	_ =	shalt  }
0x52: {  	_ =	shalt  }
0x53: {  	_ =	shalt  }
0x54: {  	_ =	shalt  }
0x55: {  	_ =	shalt  }
0x56: {  	_ =	shalt  }
0x57: {  	_ =	shalt  }
0x58: {  	_ =	shalt  }
0x59: {  	_ =	shalt  }
0x5a: {  	_ =	shalt  }
0x5b: {  	_ =	shalt  }
0x5c: {  	_ =	shalt  }
0x5d: {  	_ =	shalt  }
0x5e: {  	_ =	shalt  }
0x5f: {  	_ =	shalt  }
0x60: {  	_ =	shalt  }
0x61: {  	_ =	shalt  }
0x62: {  	_ =	shalt  }
0x63: {  	_ =	shalt  }
0x64: {  	_ =	shalt  }
0x65: {  	_ =	shalt  }
0x66: {  	_ =	shalt  }
0x67: {  	_ =	shalt  }
0x68: {  	_ =	shalt  }
0x69: {  	_ =	shalt  }
0x6a: {  	_ =	shalt  }
0x6b: {  	_ =	shalt  }
0x6c: {  	_ =	shalt  }
0x6d: {  	_ =	shalt  }
0x6e: {  	_ =	shalt  }
0x6f: {  	_ =	shalt  }
0x70: {  	_ =	shalt  }
0x71: {  	_ =	shalt  }
0x72: {  	_ =	shalt  }
0x73: {  	_ =	shalt  }
0x74: {  	_ =	shalt  }
0x75: {  	_ =	shalt  }
0x76: {  	_ =	shalt  }
0x77: {  	_ =	shalt  }
0x78: {  	_ =	shalt  }
0x79: {  	_ =	shalt  }
0x7a: {  	_ =	shalt  }
0x7b: {  	_ =	shalt  }
0x7c: {  	_ =	shalt  }
0x7d: {  	_ =	shalt  }
0x7e: {  	_ =	shalt  }
0x7f: {  	_ =	shalt  }
0x80: {  	_ =	shalt  }
0x81: {  	_ =	shalt  }
0x82: {  	_ =	shalt  }
0x83: {  	_ =	shalt  }
0x84: {  	_ =	shalt  }
0x85: {  	_ =	shalt  }
0x86: {  	_ =	shalt  }
0x87: {  	_ =	shalt  }
.Lfunc_end0:
.L_simem_size_0:
called_computation.1_lowered:
.L_overlay_start_0:
0x88: {  	s2 =	sld [smem:$0x3FD9]  }
0x89: {  	s3 =	sld [smem:$0x3FFE];
	_ =	sdelay $0x1  }
0x8a: {  	s1 =	srdreg.scid  }
0x8b: {  	s0 =	sand.u32 $0x1, s1  }
0x8c: {  	s16 =	sshll.u32 s0, $0xA;
	s2 =	sadd.s32 s3, s2  }
0x8d: {  	s2 =	sadd.s32 s2, s16  }
0x8e: {  	[smem:$0x3FB5] =	sst s2  }
0x8f: {  	_ = 	snop  }
0x90: {  	(tm) =	ssettm $0x1  }
0x91: {  	s17 =	sld [smem:$0x3FFB];
	_ =	sdelay $0x3  }
0x92: {  	_ =	strace s17  }
0x93: {  	s2 =	sld [smem:$0x3FFC];
	_ =	sdelay $0x3  }
0x94: {  	_ =	strace s2  }
0x95: {  	s2 =	sld [smem:$0x3FFD];
	_ =	sdelay $0x3  }
0x96: {  	_ =	strace s2  }
0x97: {  	_ =	strace $0x8FFFFFFF  }
0x98: {  	s18 =	sld [smem:$0x3FDB];
	_ =	sdelay $0x1  }
0x99: {  	s19 =	simm.s32 $_scs_section_size  }
0x9a: {  	s4 =	simm.s32 $_size__tile_overlayer_lowered;
	s5 =	simm.s32 $_tile_overlayer_lowered  }
0x9b: {  	s22 =	simm.s32 $0x1BFF;
	s21 =	sshll.u32 s5, $0x1;
	s2 =	sadd.s32 s19, s18  }
0x9c: {  	s6 =	simm.s32 $0x0;
	s20 =	sshll.u32 s4, $0x1;
	s4 =	sadd.s32 s21, s2  }
0x9d: {  	[timem:s6], [sflag:s22] =	dma.local [hbm:s4], s20  }
0x9e: {  	_ =	swait.ge [sflag:s22], s20  }
0x9f: {  	s3 =	ssub.s32 $0x0, s20;
	[sflag:s22] =	ssyncset.done $0x0  }
0xa0: {  	[sflag:s22] =	ssyncadd.s32 s3;
	_ =	sdelay $0x1  }
0xa1: {  	s23 =	simm.s32 $0x1B8B  }
0xa2: {  	_ =	swait.ge [sflag:s23], $0x1  }
0xa3: {  	[sflag:s23] =	ssyncset.done $0x0  }
0xa4: {  	s25 =	simm.s32 $0x1B8E;
	s24 =	sld [smem:$0x3FFE];
	[sflag:s23] =	ssyncadd.s32 $0xFFFFFFFF  }
0xa5: {  	s26 =	simm.s32 $execute0_lowered;
	[smem:$0x3FD2] =	sst s25  }
0xa6: {  	s4 =	sshll.u32 s26, $0x1;
	_ =	strace $0x80000049;
	[dreg:$0x1] =	wrdreg $0xFFFFFFFF  }
0xa7: {  	s28 =	simm.s32 $_size_execute0_lowered;
	s2 =	sadd.s32 s2, s4;
	[dreg:$0x0] =	wrdreg $0x0  }
0xa8: {  	s4 =	sshll.u32 s28, $0x1;
	[dreg:$0x2] =	wrdreg s2  }
0xa9: {  	[dreg:$0x3] =	wrdreg s4  }
0xaa: {  	[dreg:$0x4] =	wrdreg $0xC0  }
0xab: {  	_ =	task [dreg:s6], $0x5FFFF  }
0xac: {  	[dreg:$0x1] =	wrdreg $0xFFFFFFFF  }
0xad: {  	[dreg:$0x0] =	wrdreg $0x60  }
0xae: {  	[dreg:$0x2] =	wrdreg s24  }
0xaf: {  	[dreg:$0x3] =	wrdreg $0xC3000  }
0xb0: {  	[dreg:$0x4] =	wrdreg $0x9  }
0xb1: {  	_ =	task.clear_ibuf [dreg:s6], $0x5FFFF;
	_ =	strace $0x90000049  }
0xb2: {  	s29 =	simm.s32 $0x9;
	_ =	strace $0x8000004B  }
0xb3: {  	_ =	swait.ge [sflag:s29], $0x1  }
0xb4: {  	[sflag:s29] =	ssyncadd.s32 $0xFFFFFFFF  }
0xb5: {  	_ =	strace $0x9000004B  }
0xb6: {  	_ =	sfence  }
0xb7: {  	s30 =	sld [smem:$0x0];
	_ =	sdelay $0x2  }
0xb8: {  	s31 =	sshll.u32 s1, $0xD;
	s1 =	sshrl.u32 s1, $0x2  }
0xb9: {  	s3 =	sand.u32 $0x4000, s31;
	s1 =	sadd.s32 s1, s30  }
0xba: {  	s0 =	sor.u32 s3, s0;
	s1 =	sshll.u32 s1, $0x11  }
0xbb: {  	s0 =	sor.u32 s1, s0  }
0xbc: {  	s0 =	sadd.s32 $0x8F2B, s0  }
0xbd: {  	[sflag:s0] =	ssyncadd.remote.s32 $0x1  }
0xbe: {  	_ =	sfence.sel $0xFFFF  }
0xbf: {  	[dreg:$0x0] =	wrdreg $0xFFFFFFFF;
	(pc) =	sbr.abs _section_cstart, $3  }
0xc0: {  	[dreg:$0x1] =	wrdreg $0xFFFFFFFF  }
0xc1: {  	_ =	task.clear_ibuf [dreg:s6], $0x2FFFF;
	_ =	strace $0x9FFFFFFF  }
0xc2: {  	(tm) =	ssettm $0x7FFFFFFF  }
0xc3: {  	_ =	shalt  }
tec
execute0_lowered:
.L_overlay_start_1:
0x0: {  	(tag) =	ssettag $0x1  }
0x1: {  	s0 =	rddreg [dreg:$0x0]  }
0x2: {  	s1 =	rddreg [dreg:$0x1]  }
0x3: {  	s2 =	simm.s32 $0x0;
	s15 =	srdreg.scid;
	s11 =	stileid.u32  }
0x4: {  	s28 =	simm.s32 $0x300;
	s29 =	simm.s32 $0x180;
	s30 =	simm.s32 $0x5  }
0x5: {  	s13 =	simm.s32 $0x9;
	[smem:$0x7FF] =	sst s2;
	s4 =	sadd.s32 $0xA0A600, s0  }
0x6: {  	s31 =	simm.s32 $0x8;
	s5 =	sadd.s32 $0xA58800, s0;
	s6 =	sadd.s32 $0x4EB200, s0  }
0x7: {  	s2 =	sand.u32 $0x1, s15;
	s7 =	sadd.s32 $0xA07E00, s0;
	s8 =	smul.u32 $0x4E000, s11  }
0x8: {  	s0 =	sadd.s32 $0x4FEC00, s0;
	s9 =	sshll.u32 s11, $0x6;
	s12 =	sadd.s32 $0x138000, s1  }
0x9: {  	s23 =	smul.u32 $0x13800, s11;
	p0 =	sne.s32 s11, $0xF;
	_ =	strace $0x8000004A  }
0xa: {  	s3 =	ssub.s32 $0x2, s2;
	[dreg:$0x3] =	wrdreg s7;
	s17 =	sshll.u32 s2, $0x4  }
0xb: {  	[dreg:$0x5] =	wrdreg s12;
	s2 =	smul.u32 $0x138800, s2;
	s12 =	simm.s32 $0x6  }
0xc: {  	s16 =	sshrl.u32 s3, $0x1;
	s7 =	sor.u32 s11, s17;
	s8 =	sshrl.u32 s8, $0x2  }
0xd: {  	s11 =	simm.s32 $0x2300;
	s3 =	ssub.s32 s3, s16;
	s10 =	sadd.s32 s8, s1  }
0xe: {  	s8 =	sor.u32 $0x1C0D, s9;
	s18 =	sshll.u32 s7, $0x4;
	s20 =	sshll.u32 s7, $0xA  }
0xf: {  	s14 =	sor.u32 $0x20, s7;
	s15 =	ssub.s32 $0x1388, s7;
	s16 =	sor.u32 $0x60, s7  }
0x10: {  	s17 =	sor.u32 $0x40, s7;
	s19 =	sadd.s32 s6, s18;
	s9 =	sadd.s32 s5, s20  }
0x11: {  	s18 =	sor.u32 $0x80, s7;
	s26 =	smax.u32 s3, $0x1;
	[dreg:$0x4] =	wrdreg s8  }
0x12: {  	s10 =	sshrl.u32 s10, $0x3;
	s3 =	simm.s32 $0x7;
	[dreg:$0x7] =	wrdreg s9  }
0x13: {  	s20 =	simm.s32 $0x280;
	s21 =	sadd.s32 $0x200, s19;
	[dreg:$0x6] =	wrdreg s19  }
0x14: {  	s22 =	sadd.s32 $0x400, s19;
	s9 =	sadd.s32 s23, s2;
	[dreg:$0xc] =	wrdreg s26  }
0x15: {  	s2 =	sshrl.u32 s2, $0x3;
	s19 =	sor.u32 $0xA0, s7;
	[dreg:$0xd] =	wrdreg s10  }
.Ltmp0:
0x16: {  	s26 =	simm.s32 $0x40;
	[dreg:$0x8] =	wrdreg s21;
	(pc) =	sbr.rel .LBB2_1-.Ltmp0, $4  }
0x17: {  	s23 =	simm.s32 $0x0;
	[dreg:$0x9] =	wrdreg s22;
	s24 =	sshrl.u32 s9, $0x3  }
0x18: {  	s2 =	sadd.s32 s0, s2;
	s22 =	simm.s32 $0xD;
	s0 =	sadd.s32 s0, s24  }
0x19: {  	s9 =	simm.s32 $0x200;
	s25 =	sadd.s32 $0x27000, s2;
	[dreg:$0xa] =	wrdreg s0  }
0x1a: {  	s21 =	simm.s32 $0x4300;
	[dreg:$0xb] =	wrdreg s25;
	s0 =	simm.s32 $0x4  }
.LBB2_15:
0x1b: {  	s2 =	simm.s32 $0xA  }
0x1c: {  	_ =	swait.ge [sflag:s2], $0x2000  }
0x1d: {  	[sflag:s2] =	ssyncset.done $0x0  }
0x1e: {  	s22 =	simm.s32 $0xB;
	[sflag:s2] =	ssyncadd.s32 $0xFFFFE000  }
0x1f: {  	_ =	swait.ge [sflag:s22], $0x2000  }
0x20: {  	[sflag:s22] =	ssyncset.done $0x0  }
0x21: {  	s23 =	simm.s32 $0xC;
	[sflag:s22] =	ssyncadd.s32 $0xFFFFE000  }
0x22: {  	_ =	swait.ge [sflag:s23], $0x2000  }
0x23: {  	[sflag:s23] =	ssyncset.done $0x0  }
0x24: {  	[sflag:s23] =	ssyncadd.s32 $0xFFFFE000  }
0x25: {  	[bflag:$0x0] =	sbarrier.arrive $0xFFFF  }
0x26: {  	s8 =	rddreg [dreg:$0x4]  }
0x27: {  	s24 =	rddreg [dreg:$0xa]  }
0x28: {  	s22 =	simm.s32 $0xD;
	s10 =	rddreg [dreg:$0xd]  }
0x29: {  	[hbm:s24], [sflag:s8] =	dma.local [spmem:s10], $0x2700  }
0x2a: {  	_ =	swait.ge [sflag:s22], $0x2700  }
0x2b: {  	[sflag:s22] =	ssyncset.done $0x0;
	s2 =	rddreg [dreg:$0xb]  }
0x2c: {  	s7 =	rddreg [dreg:$0xf];
	[sflag:s22] =	ssyncadd.s32 $0xFFFFD900  }
0x2d: {  	[hbm:s2], [sflag:s8] =	dma.local @!p0 [spmem:s7], $0x100  }
0x2e: {  	s2 =	simm.s32 @!p0 $0xD  }
0x2f: {  	_ =	swait.ge @!p0 [sflag:s2], $0x100  }
0x30: {  	s23 =	rddreg [dreg:$0xe]  }
0x31: {  	s25 =	rddreg [dreg:$0xc];
	s23 =	sadd.s32 $0x1, s23  }
0x32: {  	p1 =	sne.s32 s23, s25  }
.Ltmp1:
0x33: {  	_ = 	snop;
	(pc) =	sbr.rel @!p1 .LBB2_16-.Ltmp1, $3  }
0x34: {  	_ =	sdelay $0x1  }
0x35: {  	[sflag:s2] =	ssyncset.done @!p0 $0x0  }
0x36: {  	[sflag:s2] =	ssyncadd.s32 @!p0 $0xFFFFFF00  }
.LBB2_1:
0x37: {  	[dreg:$0xe] =	wrdreg s23  }
0x38: {  	s2 =	rddreg [dreg:$0x3]  }
0x39: {  	[spmem:s10], [sflag:s8] =	dma.local [hbm:s2], $0x2700  }
0x3a: {  	_ =	swait.ge [sflag:s22], $0x2700  }
0x3b: {  	s7 =	rddreg [dreg:$0x5]  }
0x3c: {  	[sflag:s22] =	ssyncset.done $0x0;
	s7 =	sshrl.u32 @!p0 s7, $0x3  }
0x3d: {  	[sflag:s22] =	ssyncadd.s32 $0xFFFFD900;
	[dreg:$0xf] =	wrdreg s7  }
0x3e: {  	[spmem:s7], [sflag:s8] =	dma.local @!p0 [hbm:s2], $0x100  }
0x3f: {  	s2 =	simm.s32 @!p0 $0xD  }
0x40: {  	_ =	swait.ge @!p0 [sflag:s2], $0x100  }
0x41: {  	[sflag:s2] =	ssyncset.done @!p0 $0x0  }
0x42: {  	[sflag:s2] =	ssyncadd.s32 @!p0 $0xFFFFFF00  }
0x43: {  	[bflag:$0x0] =	sbarrier.arrive $0xFFFF  }
0x44: {  	s25 =	simm.s32 $0x1;
	s2 =	simm.s32 $0x0;
	s24 =	rddreg [dreg:$0x6]  }
0x45: {  	[tilespmem:s2], [sflag:$0x1] =	stream.linear.gather [hbm4b:s24+s2], $0x80, $0x38;
	[tilespmem:$0x1FB80] =	vst v63  }
0x46: {  	_ =	swait.ge [sflag:s25], $0x80  }
0x47: {  	[sflag:s25] =	ssyncset.done $0x0  }
0x48: {  	[sflag:s25] =	ssyncadd.s32 $0xFFFFFF80  }
0x49: {  	[tilespmem:s28], [sflag:$0x4] =	stream.indirect.gather [hbm4b:s4+s26], $0x80, s2, s26, $0xb8;
	[tilespmem:$0x1FB80] =	vst v63  }
0x4a: {  	s10 =	simm.s32 $0x6300;
	s8 =	rddreg [dreg:$0x7]  }
0x4b: {  	[tilespmem:s10], [sflag:$0x7] =	stream.linear.gather [hbm4b:s8+s2], $0x2000, $0x38;
	[tilespmem:$0x1FB80] =	vst v63  }
.Ltmp2:
0x4c: {  	s23 =	simm.s32 $0x80;
	s22 =	rddreg [dreg:$0x8];
	(pc) =	sbr.rel .LBB2_2-.Ltmp2, $4  }
0x4d: {  	[tilespmem:s23], [sflag:$0x2] =	stream.linear.gather [hbm4b:s22+s2], $0x80, $0x38;
	[tilespmem:$0x1FB80] =	vst v63  }
0x4e: {  	s24 =	rddreg [dreg:$0x9];
	s25 =	simm.s32 $0x100  }
0x4f: {  	[tilespmem:s25], [sflag:$0x3] =	stream.linear.gather [hbm4b:s24+s2], $0x80, $0x38;
	[tilespmem:$0x1FB80] =	vst v63  }
0x50: {  	s25 =	simm.s32 $0x0  }
.LBB2_14:
0x51: {  	s2 =	sadd.s32 s19, s7  }
0x52: {  	p1 =	sgt.u32 s2, $0x1387  }
0x53: {  	s25 =	sadd.s32 $0x1, s25;
	s2 =	sshll.u32 @!p1 s2, $0x4  }
0x54: {  	s7 =	simm.s32 @!p1 $0x0;
	s8 =	simm.s32 @!p1 $0x100;
	s2 =	sadd.s32 @!p1 s6, s2  }
0x55: {  	[tilespmem:s8], [sflag:$0x3] =	stream.linear.gather @!p1 [hbm4b:s2+s7], $0x80, $0x38;
	[tilespmem:$0x1FB80] =	vst v63  }
0x56: {  	p1 =	sne.s32 s25, $0x35  }
.Ltmp3:
0x57: {  	_ = 	snop;
	(pc) =	sbr.rel @!p1 .LBB2_15-.Ltmp3, $1  }
0x58: {  	_ =	sdelay $0x3  }
.LBB2_2:
0x59: {  	s7 =	smul.u32 $0x60, s25;
	_ =	sdelay $0x1  }
0x5a: {  	s2 =	sadd.s32 s14, s7  }
0x5b: {  	p1 =	sgt.u32 s2, $0x1387  }
0x5c: {  	s10 =	simm.s32 @!p1 $0x2  }
0x5d: {  	p2 =	seq.s32 @!p1 s25, $0x0;
	_ =	swait.ge @!p1 [sflag:s10], $0x80  }
0x5e: {  	p2 =	por p2, p1;
	[sflag:s10] =	ssyncset.done @!p1 $0x0  }
0x5f: {  	[sflag:s10] =	ssyncadd.s32 @!p1 $0xFFFFFF80;
	s10 =	simm.s32 @!p2 $0xB  }
0x60: {  	_ =	swait.ge @!p2 [sflag:s10], $0x2000  }
0x61: {  	[sflag:s10] =	ssyncset.done @!p2 $0x0  }
0x62: {  	[sflag:s10] =	ssyncadd.s32 @!p2 $0xFFFFE000;
	p2 =	sge.u32 s7, s15  }
.Ltmp4:
0x63: {  	s23 =	simm.s32 @!p1 $0x80;
	(pc) =	sbr.rel @p2 .LBB2_6-.Ltmp4, $4  }
0x64: {  	s24 =	simm.s32 @!p1 $0x2300;
	s2 =	sshll.u32 @!p1 s2, $0xA;
	s10 =	simm.s32 @!p1 $0x40  }
0x65: {  	[tilespmem:s24], [sflag:$0x5] =	stream.indirect.gather @!p1 [hbm4b:s4+s10], $0x80, s23, s10, $0xb8;
	[tilespmem:$0x1FB80] =	vst v63  }
0x66: {  	s2 =	sadd.s32 @!p1 s5, s2;
	s10 =	simm.s32 @!p1 $0x0;
	s23 =	simm.s32 @!p1 $0x8300  }
0x67: {  	[tilespmem:s23], [sflag:$0x8] =	stream.linear.gather @!p1 [hbm4b:s2+s10], $0x2000, $0x38;
	[tilespmem:$0x1FB80] =	vst v63  }
0x68: {  	_ =	swait.ge [sflag:s0], $0x2000  }
0x69: {  	[sflag:s0] =	ssyncset.done $0x0  }
0x6a: {  	[sflag:s0] =	ssyncadd.s32 $0xFFFFE000  }
0x6b: {  	_ =	swait.ge [sflag:s3], $0x2000  }
0x6c: {  	[sflag:s3] =	ssyncset.done $0x0  }
0x6d: {  	[sflag:s3] =	ssyncadd.s32 $0xFFFFE000  }
0x6e: {  	v0 =	vld [tilespmem:$0x40]  }
0x6f: {  	v1 =	vld [tilespmem:$0x50]  }
0x70: {  	v2 =	vld [tilespmem:$0x60]  }
0x71: {  	v3 =	vld [tilespmem:$0x70];
	_ =	sdelay $0x1  }
0x72: {  	[tilespmem:$0x180] =	vst v0  }
0x73: {  	[tilespmem:$0x190] =	vst v1  }
0x74: {  	[tilespmem:$0x1A0] =	vst v2  }
0x75: {  	s2 =	simm.s32 $0x0;
	[tilespmem:$0x1B0] =	vst v3  }
0x76: {  	v3 =	vld [tilespmem:s2+$0x6300]  }
0x77: {  	v2 =	vld [tilespmem:s2+$0x6310]  }
0x78: {  	v1 =	vld [tilespmem:s2+$0x6320]  }
0x79: {  	v0 =	vld [tilespmem:s2+$0x6330]  }
0x7a: {  	v8 =	vld [tilespmem:s2+$0x300]  }
0x7b: {  	v7 =	vld [tilespmem:s2+$0x310]  }
0x7c: {  	v6 =	vld [tilespmem:s2+$0x320]  }
0x7d: {  	v5 =	vld [tilespmem:s2+$0x330]  }
0x7e: {  	v4 =	vld [tilespmem:s2+$0x340];
	v10 =	vunpack.i.l.bf16.f32 v3  }
0x7f: {  	s23 =	simm.s32 $0x200;
	v9 =	vunpack.i.u.bf16.f32 v3;
	v3 =	vld [tilespmem:s2+$0x350];
	v8 =	vadd.f32 v8, v10  }
.LBB2_4:
0x80: {  	p2 =	sne.s32 s23, $0x7E00;
	v7 =	vadd.f32 v7, v9;
	v9 =	vunpack.i.l.bf16.f32 v2;
	v10 =	vld [tilespmem:s2+$0x360]  }
0x81: {  	s10 =	sshra.s32 s23, $0x2;
	v2 =	vunpack.i.u.bf16.f32 v2;
	v8 =	vmax.f32 v8, $0.0e+00;
	v6 =	vadd.f32 v6, v9;
	v9 =	vld [tilespmem:s2+$0x370]  }
0x82: {  	v11 =	vld [tilespmem:s10+$0x6300];
	[tilespmem:s2+$0x300] =	vst v8;
	v7 =	vmax.f32 v7, $0.0e+00;
	v5 =	vadd.f32 v5, v2;
	v8 =	vunpack.i.l.bf16.f32 v1  }
0x83: {  	v2 =	vld [tilespmem:s10+$0x6310];
	[tilespmem:s2+$0x310] =	vst v7;
	v6 =	vmax.f32 v6, $0.0e+00;
	v7 =	vunpack.i.u.bf16.f32 v1;
	v4 =	vadd.f32 v4, v8  }
0x84: {  	v1 =	vld [tilespmem:s10+$0x6320];
	[tilespmem:s2+$0x320] =	vst v6;
	v5 =	vmax.f32 v5, $0.0e+00;
	v3 =	vadd.f32 v3, v7;
	v6 =	vunpack.i.l.bf16.f32 v0  }
0x85: {  	[tilespmem:s2+$0x330] =	vst v5;
	v4 =	vmax.f32 v4, $0.0e+00;
	v5 =	vunpack.i.u.bf16.f32 v0;
	v0 =	vld [tilespmem:s10+$0x6330];
	v6 =	vadd.f32 v10, v6  }
0x86: {  	v8 =	vld [tilespmem:s10+$0x300];
	[tilespmem:s2+$0x340] =	vst v4;
	v3 =	vmax.f32 v3, $0.0e+00;
	v4 =	vadd.f32 v9, v5  }
.Ltmp5:
0x87: {  	v7 =	vld [tilespmem:s10+$0x310];
	[tilespmem:s2+$0x350] =	vst v3;
	v3 =	vmax.f32 v6, $0.0e+00;
	(pc) =	sbr.rel @p2 .LBB2_4-.Ltmp5, $4  }
0x88: {  	v6 =	vld [tilespmem:s10+$0x320];
	[tilespmem:s2+$0x360] =	vst v3;
	v3 =	vmax.f32 v4, $0.0e+00  }
0x89: {  	v5 =	vld [tilespmem:s10+$0x330];
	[tilespmem:s2+$0x370] =	vst v3;
	s2 =	smov.u32 s10  }
0x8a: {  	v3 =	vunpack.i.l.bf16.f32 v11;
	v4 =	vld [tilespmem:s2+$0x340]  }
0x8b: {  	s23 =	sadd.s32 $0x200, s23;
	v9 =	vunpack.i.u.bf16.f32 v11;
	v8 =	vadd.f32 v8, v3;
	v3 =	vld [tilespmem:s2+$0x350]  }
0x8c: {  	v7 =	vadd.f32 v7, v9;
	v55 =	vunpack.i.l.bf16.f32 v2;
	v10 =	vld [tilespmem:s2+$0x360]  }
0x8d: {  	v56 =	vunpack.i.u.bf16.f32 v2;
	v57 =	vld [tilespmem:s2+$0x370];
	v8 =	vmax.f32 v8, $0.0e+00;
	v6 =	vadd.f32 v6, v55  }
0x8e: {  	v58 =	vunpack.i.l.bf16.f32 v1;
	[tilespmem:s2+$0x300] =	vst v8;
	v7 =	vmax.f32 v7, $0.0e+00;
	v2 =	vadd.f32 v5, v56  }
0x8f: {  	v59 =	vunpack.i.u.bf16.f32 v1;
	[tilespmem:s2+$0x310] =	vst v7;
	v6 =	vmax.f32 v6, $0.0e+00;
	v4 =	vadd.f32 v4, v58  }
0x90: {  	v60 =	vunpack.i.l.bf16.f32 v0;
	[tilespmem:s2+$0x320] =	vst v6;
	v2 =	vmax.f32 v2, $0.0e+00;
	v1 =	vadd.f32 v3, v59  }
0x91: {  	v62 =	vunpack.i.u.bf16.f32 v0;
	[tilespmem:s2+$0x330] =	vst v2;
	v61 =	vmax.f32 v4, $0.0e+00;
	v3 =	vadd.f32 v10, v60  }
0x92: {  	v0 =	vadd.f32 v57, v62;
	[tilespmem:s2+$0x340] =	vst v61;
	v1 =	vmax.f32 v1, $0.0e+00  }
0x93: {  	[tilespmem:s2+$0x350] =	vst v1;
	v63 =	vmax.f32 v3, $0.0e+00  }
0x94: {  	v0 =	vmax.f32 v0, $0.0e+00;
	[tilespmem:s2+$0x360] =	vst v63  }
0x95: {  	[tilespmem:s2+$0x370] =	vst v0  }
0x96: {  	[spmem:s1] =	stream.indirect.scatter.add.f32 [tilespmem:s28], [sflag:$0xA], $0x80, s29, s26, $0xb8;
	[tilespmem:$0x1FB80] =	vst v63  }
.LBB2_6:
0x97: {  	s23 =	sadd.s32 s16, s7  }
0x98: {  	p2 =	sgt.u32 s23, $0x1387  }
0x99: {  	s2 =	sshll.u32 @!p2 s23, $0x4  }
0x9a: {  	s10 =	sadd.s32 @!p2 s6, s2;
	s2 =	simm.s32 @!p2 $0x0  }
0x9b: {  	[tilespmem:s2], [sflag:$0x1] =	stream.linear.gather @!p2 [hbm4b:s10+s2], $0x80, $0x38;
	[tilespmem:$0x1FB80] =	vst v63  }
0x9c: {  	s10 =	sadd.s32 s17, s7  }
0x9d: {  	p3 =	sgt.u32 s10, $0x1387  }
0x9e: {  	s24 =	simm.s32 @!p3 $0x3  }
0x9f: {  	p4 =	seq.s32 @!p3 s25, $0x0;
	_ =	swait.ge @!p3 [sflag:s24], $0x80  }
0xa0: {  	p4 =	por p4, p3;
	[sflag:s24] =	ssyncset.done @!p3 $0x0  }
0xa1: {  	[sflag:s24] =	ssyncadd.s32 @!p3 $0xFFFFFF80;
	s24 =	simm.s32 @!p4 $0xC  }
0xa2: {  	_ =	swait.ge @!p4 [sflag:s24], $0x2000  }
0xa3: {  	s8 =	simm.s32 @!p3 $0x100;
	s22 =	simm.s32 @!p3 $0x4300;
	[sflag:s24] =	ssyncset.done @!p4 $0x0  }
.Ltmp6:
0xa4: {  	[sflag:s24] =	ssyncadd.s32 @!p4 $0xFFFFE000;
	s24 =	simm.s32 @!p3 $0x40;
	(pc) =	sbr.rel @p1 .LBB2_10-.Ltmp6, $4  }
0xa5: {  	[tilespmem:s22], [sflag:$0x6] =	stream.indirect.gather @!p3 [hbm4b:s4+s24], $0x80, s8, s24, $0xb8;
	[tilespmem:$0x1FB80] =	vst v63  }
0xa6: {  	s8 =	sshll.u32 @!p3 s10, $0xA  }
0xa7: {  	s10 =	simm.s32 @!p3 $0x0;
	s22 =	simm.s32 @!p3 $0xA300;
	s8 =	sadd.s32 @!p3 s5, s8  }
0xa8: {  	[tilespmem:s22], [sflag:$0x9] =	stream.linear.gather @!p3 [hbm4b:s8+s10], $0x2000, $0x38;
	[tilespmem:$0x1FB80] =	vst v63  }
0xa9: {  	_ =	swait.ge [sflag:s30], $0x2000  }
0xaa: {  	[sflag:s30] =	ssyncset.done $0x0  }
0xab: {  	[sflag:s30] =	ssyncadd.s32 $0xFFFFE000  }
0xac: {  	_ =	swait.ge [sflag:s31], $0x2000  }
0xad: {  	[sflag:s31] =	ssyncset.done $0x0  }
0xae: {  	[sflag:s31] =	ssyncadd.s32 $0xFFFFE000  }
0xaf: {  	v0 =	vld [tilespmem:$0xC0]  }
0xb0: {  	v1 =	vld [tilespmem:$0xD0]  }
0xb1: {  	v2 =	vld [tilespmem:$0xE0]  }
0xb2: {  	v3 =	vld [tilespmem:$0xF0];
	_ =	sdelay $0x1  }
0xb3: {  	[tilespmem:$0x200] =	vst v0  }
0xb4: {  	[tilespmem:$0x210] =	vst v1  }
0xb5: {  	[tilespmem:$0x220] =	vst v2  }
0xb6: {  	s24 =	simm.s32 $0x0;
	[tilespmem:$0x230] =	vst v3  }
0xb7: {  	v3 =	vld [tilespmem:s24+$0x8300]  }
0xb8: {  	v2 =	vld [tilespmem:s24+$0x8310]  }
0xb9: {  	v1 =	vld [tilespmem:s24+$0x8320]  }
0xba: {  	v0 =	vld [tilespmem:s24+$0x8330]  }
0xbb: {  	v8 =	vld [tilespmem:s24+$0x2300]  }
0xbc: {  	v7 =	vld [tilespmem:s24+$0x2310]  }
0xbd: {  	v6 =	vld [tilespmem:s24+$0x2320]  }
0xbe: {  	v5 =	vld [tilespmem:s24+$0x2330]  }
0xbf: {  	v4 =	vld [tilespmem:s24+$0x2340];
	v10 =	vunpack.i.l.bf16.f32 v3  }
0xc0: {  	s10 =	simm.s32 $0x200;
	v9 =	vunpack.i.u.bf16.f32 v3;
	v3 =	vld [tilespmem:s24+$0x2350];
	v8 =	vadd.f32 v8, v10  }
.LBB2_8:
0xc1: {  	p1 =	sne.s32 s10, $0x7E00;
	v7 =	vadd.f32 v7, v9;
	v9 =	vunpack.i.l.bf16.f32 v2;
	v10 =	vld [tilespmem:s24+$0x2360]  }
0xc2: {  	s8 =	sshra.s32 s10, $0x2;
	v2 =	vunpack.i.u.bf16.f32 v2;
	v8 =	vmax.f32 v8, $0.0e+00;
	v6 =	vadd.f32 v6, v9;
	v9 =	vld [tilespmem:s24+$0x2370]  }
0xc3: {  	v11 =	vld [tilespmem:s8+$0x8300];
	[tilespmem:s24+$0x2300] =	vst v8;
	v7 =	vmax.f32 v7, $0.0e+00;
	v5 =	vadd.f32 v5, v2;
	v8 =	vunpack.i.l.bf16.f32 v1  }
0xc4: {  	v2 =	vld [tilespmem:s8+$0x8310];
	[tilespmem:s24+$0x2310] =	vst v7;
	v6 =	vmax.f32 v6, $0.0e+00;
	v7 =	vunpack.i.u.bf16.f32 v1;
	v4 =	vadd.f32 v4, v8  }
0xc5: {  	v1 =	vld [tilespmem:s8+$0x8320];
	[tilespmem:s24+$0x2320] =	vst v6;
	v5 =	vmax.f32 v5, $0.0e+00;
	v3 =	vadd.f32 v3, v7;
	v6 =	vunpack.i.l.bf16.f32 v0  }
0xc6: {  	[tilespmem:s24+$0x2330] =	vst v5;
	v4 =	vmax.f32 v4, $0.0e+00;
	v5 =	vunpack.i.u.bf16.f32 v0;
	v0 =	vld [tilespmem:s8+$0x8330];
	v6 =	vadd.f32 v10, v6  }
0xc7: {  	v8 =	vld [tilespmem:s8+$0x2300];
	[tilespmem:s24+$0x2340] =	vst v4;
	v3 =	vmax.f32 v3, $0.0e+00;
	v4 =	vadd.f32 v9, v5  }
.Ltmp7:
0xc8: {  	v7 =	vld [tilespmem:s8+$0x2310];
	[tilespmem:s24+$0x2350] =	vst v3;
	v3 =	vmax.f32 v6, $0.0e+00;
	(pc) =	sbr.rel @p1 .LBB2_8-.Ltmp7, $4  }
0xc9: {  	v6 =	vld [tilespmem:s8+$0x2320];
	[tilespmem:s24+$0x2360] =	vst v3;
	v3 =	vmax.f32 v4, $0.0e+00  }
0xca: {  	v5 =	vld [tilespmem:s8+$0x2330];
	[tilespmem:s24+$0x2370] =	vst v3;
	s24 =	smov.u32 s8  }
0xcb: {  	v3 =	vunpack.i.l.bf16.f32 v11;
	v4 =	vld [tilespmem:s24+$0x2340]  }
0xcc: {  	s10 =	sadd.s32 $0x200, s10;
	v9 =	vunpack.i.u.bf16.f32 v11;
	v8 =	vadd.f32 v8, v3;
	v3 =	vld [tilespmem:s24+$0x2350]  }
0xcd: {  	v7 =	vadd.f32 v7, v9;
	v55 =	vunpack.i.l.bf16.f32 v2;
	v10 =	vld [tilespmem:s24+$0x2360]  }
0xce: {  	v56 =	vunpack.i.u.bf16.f32 v2;
	v57 =	vld [tilespmem:s24+$0x2370];
	v8 =	vmax.f32 v8, $0.0e+00;
	v6 =	vadd.f32 v6, v55  }
0xcf: {  	v58 =	vunpack.i.l.bf16.f32 v1;
	[tilespmem:s24+$0x2300] =	vst v8;
	v7 =	vmax.f32 v7, $0.0e+00;
	v2 =	vadd.f32 v5, v56  }
0xd0: {  	v59 =	vunpack.i.u.bf16.f32 v1;
	[tilespmem:s24+$0x2310] =	vst v7;
	v6 =	vmax.f32 v6, $0.0e+00;
	v4 =	vadd.f32 v4, v58  }
0xd1: {  	v60 =	vunpack.i.l.bf16.f32 v0;
	[tilespmem:s24+$0x2320] =	vst v6;
	v2 =	vmax.f32 v2, $0.0e+00;
	v1 =	vadd.f32 v3, v59  }
0xd2: {  	v62 =	vunpack.i.u.bf16.f32 v0;
	[tilespmem:s24+$0x2330] =	vst v2;
	v61 =	vmax.f32 v4, $0.0e+00;
	v3 =	vadd.f32 v10, v60  }
0xd3: {  	v0 =	vadd.f32 v57, v62;
	[tilespmem:s24+$0x2340] =	vst v61;
	v1 =	vmax.f32 v1, $0.0e+00  }
0xd4: {  	[tilespmem:s24+$0x2350] =	vst v1;
	v63 =	vmax.f32 v3, $0.0e+00  }
0xd5: {  	v0 =	vmax.f32 v0, $0.0e+00;
	[tilespmem:s24+$0x2360] =	vst v63  }
0xd6: {  	[tilespmem:s24+$0x2370] =	vst v0  }
0xd7: {  	[spmem:s1] =	stream.indirect.scatter.add.f32 [tilespmem:s11], [sflag:$0xB], $0x80, s9, s26, $0xb8;
	[tilespmem:$0x1FB80] =	vst v63  }
.LBB2_10:
0xd8: {  	s8 =	sadd.s32 s18, s7  }
0xd9: {  	p1 =	sgt.u32 s8, $0x1387  }
0xda: {  	s8 =	sshll.u32 @!p1 s8, $0x4  }
0xdb: {  	s10 =	simm.s32 @!p1 $0x0;
	s22 =	simm.s32 @!p1 $0x80;
	s8 =	sadd.s32 @!p1 s6, s8  }
0xdc: {  	[tilespmem:s22], [sflag:$0x2] =	stream.linear.gather @!p1 [hbm4b:s8+s10], $0x80, $0x38;
	[tilespmem:$0x1FB80] =	vst v63  }
0xdd: {  	s8 =	simm.s32 @!p2 $0x1  }
0xde: {  	_ =	swait.ge @!p2 [sflag:s8], $0x80  }
0xdf: {  	[sflag:s8] =	ssyncset.done @!p2 $0x0  }
0xe0: {  	[sflag:s8] =	ssyncadd.s32 @!p2 $0xFFFFFF80;
	s8 =	simm.s32 @!p2 $0xA  }
0xe1: {  	_ =	swait.ge @!p2 [sflag:s8], $0x2000  }
0xe2: {  	s10 =	simm.s32 @!p2 $0x300;
	[sflag:s8] =	ssyncset.done @!p2 $0x0  }
.Ltmp8:
0xe3: {  	[sflag:s8] =	ssyncadd.s32 @!p2 $0xFFFFE000;
	s8 =	simm.s32 @!p2 $0x40;
	(pc) =	sbr.rel @p3 .LBB2_14-.Ltmp8, $4  }
0xe4: {  	[tilespmem:s10], [sflag:$0x4] =	stream.indirect.gather @!p2 [hbm4b:s4+s8], $0x80, s2, s8, $0xb8;
	[tilespmem:$0x1FB80] =	vst v63  }
0xe5: {  	s8 =	sshll.u32 @!p2 s23, $0xA  }
0xe6: {  	s10 =	simm.s32 @!p2 $0x6300;
	s8 =	sadd.s32 @!p2 s5, s8  }
0xe7: {  	[tilespmem:s10], [sflag:$0x7] =	stream.linear.gather @!p2 [hbm4b:s8+s2], $0x2000, $0x38;
	[tilespmem:$0x1FB80] =	vst v63  }
0xe8: {  	_ =	swait.ge [sflag:s12], $0x2000  }
0xe9: {  	[sflag:s12] =	ssyncset.done $0x0  }
0xea: {  	[sflag:s12] =	ssyncadd.s32 $0xFFFFE000  }
0xeb: {  	_ =	swait.ge [sflag:s13], $0x2000  }
0xec: {  	[sflag:s13] =	ssyncset.done $0x0  }
0xed: {  	[sflag:s13] =	ssyncadd.s32 $0xFFFFE000  }
0xee: {  	v0 =	vld [tilespmem:$0x140]  }
0xef: {  	v1 =	vld [tilespmem:$0x150]  }
0xf0: {  	v2 =	vld [tilespmem:$0x160]  }
0xf1: {  	v3 =	vld [tilespmem:$0x170];
	_ =	sdelay $0x1  }
0xf2: {  	[tilespmem:$0x280] =	vst v0  }
0xf3: {  	[tilespmem:$0x290] =	vst v1  }
0xf4: {  	[tilespmem:$0x2A0] =	vst v2  }
0xf5: {  	s2 =	simm.s32 $0x0;
	[tilespmem:$0x2B0] =	vst v3  }
0xf6: {  	v3 =	vld [tilespmem:s2+$0xA300]  }
0xf7: {  	v2 =	vld [tilespmem:s2+$0xA310]  }
0xf8: {  	v1 =	vld [tilespmem:s2+$0xA320]  }
0xf9: {  	v0 =	vld [tilespmem:s2+$0xA330]  }
0xfa: {  	v8 =	vld [tilespmem:s2+$0x4300]  }
0xfb: {  	v7 =	vld [tilespmem:s2+$0x4310]  }
0xfc: {  	v6 =	vld [tilespmem:s2+$0x4320]  }
0xfd: {  	v5 =	vld [tilespmem:s2+$0x4330]  }
0xfe: {  	v4 =	vld [tilespmem:s2+$0x4340];
	v10 =	vunpack.i.l.bf16.f32 v3  }
0xff: {  	s10 =	simm.s32 $0x200;
	v9 =	vunpack.i.u.bf16.f32 v3;
	v3 =	vld [tilespmem:s2+$0x4350];
	v8 =	vadd.f32 v8, v10  }
.LBB2_12:
0x100: {  	p1 =	sne.s32 s10, $0x7E00;
	v7 =	vadd.f32 v7, v9;
	v9 =	vunpack.i.l.bf16.f32 v2;
	v10 =	vld [tilespmem:s2+$0x4360]  }
0x101: {  	s8 =	sshra.s32 s10, $0x2;
	v2 =	vunpack.i.u.bf16.f32 v2;
	v8 =	vmax.f32 v8, $0.0e+00;
	v6 =	vadd.f32 v6, v9;
	v9 =	vld [tilespmem:s2+$0x4370]  }
0x102: {  	v11 =	vld [tilespmem:s8+$0xA300];
	[tilespmem:s2+$0x4300] =	vst v8;
	v7 =	vmax.f32 v7, $0.0e+00;
	v5 =	vadd.f32 v5, v2;
	v8 =	vunpack.i.l.bf16.f32 v1  }
0x103: {  	v2 =	vld [tilespmem:s8+$0xA310];
	[tilespmem:s2+$0x4310] =	vst v7;
	v6 =	vmax.f32 v6, $0.0e+00;
	v7 =	vunpack.i.u.bf16.f32 v1;
	v4 =	vadd.f32 v4, v8  }
0x104: {  	v1 =	vld [tilespmem:s8+$0xA320];
	[tilespmem:s2+$0x4320] =	vst v6;
	v5 =	vmax.f32 v5, $0.0e+00;
	v3 =	vadd.f32 v3, v7;
	v6 =	vunpack.i.l.bf16.f32 v0  }
0x105: {  	[tilespmem:s2+$0x4330] =	vst v5;
	v4 =	vmax.f32 v4, $0.0e+00;
	v5 =	vunpack.i.u.bf16.f32 v0;
	v0 =	vld [tilespmem:s8+$0xA330];
	v6 =	vadd.f32 v10, v6  }
0x106: {  	v8 =	vld [tilespmem:s8+$0x4300];
	[tilespmem:s2+$0x4340] =	vst v4;
	v3 =	vmax.f32 v3, $0.0e+00;
	v4 =	vadd.f32 v9, v5  }
.Ltmp9:
0x107: {  	v7 =	vld [tilespmem:s8+$0x4310];
	[tilespmem:s2+$0x4350] =	vst v3;
	v3 =	vmax.f32 v6, $0.0e+00;
	(pc) =	sbr.rel @p1 .LBB2_12-.Ltmp9, $4  }
0x108: {  	v6 =	vld [tilespmem:s8+$0x4320];
	[tilespmem:s2+$0x4360] =	vst v3;
	v3 =	vmax.f32 v4, $0.0e+00  }
0x109: {  	v5 =	vld [tilespmem:s8+$0x4330];
	[tilespmem:s2+$0x4370] =	vst v3;
	s2 =	smov.u32 s8  }
0x10a: {  	v3 =	vunpack.i.l.bf16.f32 v11;
	v4 =	vld [tilespmem:s2+$0x4340]  }
0x10b: {  	s10 =	sadd.s32 $0x200, s10;
	v9 =	vunpack.i.u.bf16.f32 v11;
	v8 =	vadd.f32 v8, v3;
	v3 =	vld [tilespmem:s2+$0x4350]  }
0x10c: {  	v7 =	vadd.f32 v7, v9;
	v55 =	vunpack.i.l.bf16.f32 v2;
	v10 =	vld [tilespmem:s2+$0x4360]  }
0x10d: {  	v56 =	vunpack.i.u.bf16.f32 v2;
	v57 =	vld [tilespmem:s2+$0x4370];
	v8 =	vmax.f32 v8, $0.0e+00;
	v6 =	vadd.f32 v6, v55  }
0x10e: {  	v58 =	vunpack.i.l.bf16.f32 v1;
	[tilespmem:s2+$0x4300] =	vst v8;
	v7 =	vmax.f32 v7, $0.0e+00;
	v2 =	vadd.f32 v5, v56  }
0x10f: {  	v59 =	vunpack.i.u.bf16.f32 v1;
	[tilespmem:s2+$0x4310] =	vst v7;
	v6 =	vmax.f32 v6, $0.0e+00;
	v4 =	vadd.f32 v4, v58  }
0x110: {  	v60 =	vunpack.i.l.bf16.f32 v0;
	[tilespmem:s2+$0x4320] =	vst v6;
	v2 =	vmax.f32 v2, $0.0e+00;
	v1 =	vadd.f32 v3, v59  }
0x111: {  	v62 =	vunpack.i.u.bf16.f32 v0;
	[tilespmem:s2+$0x4330] =	vst v2;
	v61 =	vmax.f32 v4, $0.0e+00;
	v3 =	vadd.f32 v10, v60  }
.Ltmp10:
0x112: {  	v0 =	vadd.f32 v57, v62;
	[tilespmem:s2+$0x4340] =	vst v61;
	v1 =	vmax.f32 v1, $0.0e+00;
	(pc) =	sbr.rel .LBB2_14-.Ltmp10, $4  }
0x113: {  	[tilespmem:s2+$0x4350] =	vst v1;
	v63 =	vmax.f32 v3, $0.0e+00  }
0x114: {  	v0 =	vmax.f32 v0, $0.0e+00;
	[tilespmem:s2+$0x4360] =	vst v63  }
0x115: {  	[tilespmem:s2+$0x4370] =	vst v0  }
0x116: {  	[spmem:s1] =	stream.indirect.scatter.add.f32 [tilespmem:s21], [sflag:$0xC], $0x80, s20, s26, $0xb8;
	[tilespmem:$0x1FB80] =	vst v63  }
.LBB2_16:
0x117: {  	_ =	sfence.sel $0x180000  }
0x118: {  	[bflag:$0x0] =	sbarrier.arrive $0xFFFF  }
0x119: {  	_ =	strace $0x9000004A  }
0x11a: {  	s0 =	stileid.u32;
	[bflag:$0x2] =	sbarrier.arrive $0xFFFF  }
0x11b: {  	p0 =	sne.s32 s0, $0x0;
	s0 =	rddreg [dreg:$0x2]  }
0x11c: {  	s0 =	sadd.s32 @!p0 $0x100000, s0  }
0x11d: {  	[sflag:s0] =	ssyncadd.tile.s32 @!p0 $0x1;
	_ =	shalt  }
.Lfunc_end2:
_tile_overlayer_lowered:
.L_overlay_start_2:
0x11e: {  	(tag) =	ssettag $0x2  }
0x11f: {  	s0 =	rddreg [dreg:$0x0];
	s2 =	stileid.u32  }
0x120: {  	s1 =	rddreg [dreg:$0x1];
	p0 =	sne.s32 s2, $0x0  }
0x121: {  	s3 =	rddreg [dreg:$0x2];
	[bflag:$0x3] =	sbarrier.arrive $0xFFFF;
	s2 =	simm.s32 @!p0 $0x1C0D  }
0x122: {  	[timem:s3], [sflag:s2] =	dma.local @!p0 [hbm:s0], s1  }
0x123: {  	s0 =	simm.s32 @!p0 $0xD  }
0x124: {  	_ =	swait.ge @!p0 [sflag:s0], s1  }
0x125: {  	s1 =	ssub.s32 @!p0 $0x0, s1;
	[sflag:s0] =	ssyncset.done @!p0 $0x0  }
0x126: {  	[sflag:s0] =	ssyncadd.s32 @!p0 s1  }
0x127: {  	[bflag:$0x3] =	sbarrier.arrive $0xFFFF  }
0x128: {  	_ =	shalt  }

// kernel: kernel.19.cloned.1.call-start
scs
__scs_entry_jumppad:
0x0: {  	(pc) =	sbr.rel $0x88, $3  }
0x1: {  	(tag) =	ssettag $0x0;
	lr =	simm.s32 $0x1  }
0x2: {  	[smem:$0x3F8E] =	sst lr;
	_ =	strace $0xD0000000  }
0x3: {  	_ = 	snop  }
0x4: {  	_ = 	snop  }
0x5: {  	_ = 	snop  }
0x6: {  	_ = 	snop  }
0x7: {  	_ = 	snop  }
__scs_overlays_trampoline_lowered:
0x8: {  	[smem:$0x3F9D] =	sst s0  }
0x9: {  	[smem:$0x3F9E] =	sst s1  }
0xa: {  	[smem:$0x3F9F] =	sst s2  }
0xb: {  	[smem:$0x3FA0] =	sst s3  }
0xc: {  	[smem:$0x3FA1] =	sst s4  }
0xd: {  	[smem:$0x3FA2] =	sst s5  }
0xe: {  	[smem:$0x3FA3] =	sst s6  }
0xf: {  	[smem:$0x3FA4] =	sst s7  }
0x10: {  	[smem:$0x3FA5] =	sst s8  }
0x11: {  	[smem:$0x3FA6] =	sst s9;
	s0 =	simm.s32 @!p0 $0x0  }
0x12: {  	s1 =	sld [smem:$0x3F8C];
	s0 =	simm.s32 @p0 $0x1  }
0x13: {  	[smem:$0x3FA7] =	sst s0;
	s0 =	simm.s32 @!p1 $0x0  }
0x14: {  	s2 =	sld [smem:$0x3F8B];
	s0 =	simm.s32 @p1 $0x1  }
0x15: {  	[smem:$0x3FA8] =	sst s0;
	s0 =	simm.s32 @!p2 $0x0  }
0x16: {  	s3 =	sld [smem:$0x3FDB];
	s0 =	simm.s32 @p2 $0x1  }
0x17: {  	s4 =	simm.s32 $0x1BF5;
	[smem:$0x3FAA] =	sst s0  }
0x18: {  	s0 =	sld [smem:$0x3F8D];
	_ =	swait.ge [sflag:s4], $0x0  }
0x19: {  	s7 =	sld [smem:$0x3F8E]  }
0x1a: {  	s8 =	sadd.s32 $0xFFFFE003, lr  }
0x1b: {  	s9 =	sadd.s32 $0xFFFFFEF7, lr;
	s5 =	simm.s32 $0xFFFFFFFF;
	p2 =	slt.u32 s8, $0xFFFFF086  }
0x1c: {  	p1 =	slt.u32 s9, $0xF7A;
	s5 =	simm.s32 @!p2 $0x0  }
0x1d: {  	s5 =	simm.s32 @p1 $0x1;
	p0 =	seq.s32 s7, s2  }
0x1e: {  	s7 =	smul.u32 @!p0 $0xF7A, s2;
	p2 =	seq.s32 @!p0 s5, $0x0  }
0x1f: {  	s9 =	smul.u32 $0xF7A, s1;
	s8 =	simm.s32 @!p0 $0x1BF5;
	p2 =	por !p2, p0  }
0x20: {  	[sflag:s8] =	ssyncset.s32 @!p0 $0xFFFFF086;
	s6 =	sadd.s32 @!p0 s3, s7;
	s7 =	simm.s32 @!p0 $0x108  }
0x21: {  	s3 =	sadd.s32 s3, s9;
	s6 =	sadd.s32 @!p0 $0x88, s6;
	s7 =	simm.s32 @p2 $0x1082  }
0x22: {  	[simem:s7], [sflag:s8] =	dma.local @!p0 [hbm:s6], $0xF7A  }
0x23: {  	s9 =	sor.u32 $0xD0000000, s2;
	s6 =	simm.s32 $0x108;
	_ =	swait.ge @!p0 [sflag:s8], $0x0  }
0x24: {  	s3 =	sadd.s32 $0x88, s3;
	s6 =	simm.s32 @!p1 $0x1082;
	[sflag:s4] =	ssyncset.s32 $0xFFFFF086  }
0x25: {  	[simem:s6], [sflag:s4] =	dma.local [hbm:s3], $0xF7A  }
0x26: {  	[smem:$0x3F8E] =	sst s1;
	(tag) =	ssettag s2;
	_ =	strace s9  }
0x27: {  	s1 =	sld [smem:$0x3F9E]  }
0x28: {  	s2 =	sld [smem:$0x3F9F]  }
0x29: {  	s4 =	sld [smem:$0x3FA1]  }
0x2a: {  	p0 =	seq.s32 s5, $0x0;
	s5 =	sld [smem:$0x3FA2]  }
0x2b: {  	s6 =	sld [smem:$0x3FA3]  }
0x2c: {  	s7 =	sld [smem:$0x3FA4]  }
0x2d: {  	s3 =	simm.s32 $0x108;
	s8 =	sld [smem:$0x3FA5]  }
0x2e: {  	s3 =	simm.s32 @!p0 $0x1082;
	s9 =	sld [smem:$0x3FA6]  }
0x2f: {  	lr =	sadd.s32 s0, s3;
	s0 =	sld [smem:$0x3F9D]  }
0x30: {  	s3 =	sld [smem:$0x3FA0]  }
0x31: {  	[smem:$0x3FA9] =	sst s10  }
0x32: {  	s10 =	sld [smem:$0x3FA7];
	_ =	sdelay $0x3  }
0x33: {  	p0 =	seq.s32 s10, $0x1;
	s10 =	sld [smem:$0x3FA9];
	_ =	sdelay $0x3  }
0x34: {  	[smem:$0x3FA9] =	sst s10  }
0x35: {  	s10 =	sld [smem:$0x3FA8];
	_ =	sdelay $0x3  }
0x36: {  	p1 =	seq.s32 s10, $0x1;
	s10 =	sld [smem:$0x3FA9];
	_ =	sdelay $0x3  }
0x37: {  	[smem:$0x3FA9] =	sst s10  }
0x38: {  	s10 =	sld [smem:$0x3FAA]  }
0x39: {  	_ = 	snop;
	(pc) =	sbr.ind lr, $3  }
0x3a: {  	_ = 	snop  }
0x3b: {  	_ = 	snop  }
0x3c: {  	p2 =	seq.s32 s10, $0x1;
	s10 =	sld [smem:$0x3FA9]  }
0x3d: {  	_ =	shalt  }
0x3e: {  	_ =	shalt  }
0x3f: {  	_ =	shalt  }
0x40: {  	_ =	shalt  }
0x41: {  	_ =	shalt  }
0x42: {  	_ =	shalt  }
0x43: {  	_ =	shalt  }
0x44: {  	_ =	shalt  }
0x45: {  	_ =	shalt  }
0x46: {  	_ =	shalt  }
0x47: {  	_ =	shalt  }
0x48: {  	_ =	shalt  }
0x49: {  	_ =	shalt  }
0x4a: {  	_ =	shalt  }
0x4b: {  	_ =	shalt  }
0x4c: {  	_ =	shalt  }
0x4d: {  	_ =	shalt  }
0x4e: {  	_ =	shalt  }
0x4f: {  	_ =	shalt  }
0x50: {  	_ =	shalt  }
0x51: {  	_ =	shalt  }
0x52: {  	_ =	shalt  }
0x53: {  	_ =	shalt  }
0x54: {  	_ =	shalt  }
0x55: {  	_ =	shalt  }
0x56: {  	_ =	shalt  }
0x57: {  	_ =	shalt  }
0x58: {  	_ =	shalt  }
0x59: {  	_ =	shalt  }
0x5a: {  	_ =	shalt  }
0x5b: {  	_ =	shalt  }
0x5c: {  	_ =	shalt  }
0x5d: {  	_ =	shalt  }
0x5e: {  	_ =	shalt  }
0x5f: {  	_ =	shalt  }
0x60: {  	_ =	shalt  }
0x61: {  	_ =	shalt  }
0x62: {  	_ =	shalt  }
0x63: {  	_ =	shalt  }
0x64: {  	_ =	shalt  }
0x65: {  	_ =	shalt  }
0x66: {  	_ =	shalt  }
0x67: {  	_ =	shalt  }
0x68: {  	_ =	shalt  }
0x69: {  	_ =	shalt  }
0x6a: {  	_ =	shalt  }
0x6b: {  	_ =	shalt  }
0x6c: {  	_ =	shalt  }
0x6d: {  	_ =	shalt  }
0x6e: {  	_ =	shalt  }
0x6f: {  	_ =	shalt  }
0x70: {  	_ =	shalt  }
0x71: {  	_ =	shalt  }
0x72: {  	_ =	shalt  }
0x73: {  	_ =	shalt  }
0x74: {  	_ =	shalt  }
0x75: {  	_ =	shalt  }
0x76: {  	_ =	shalt  }
0x77: {  	_ =	shalt  }
0x78: {  	_ =	shalt  }
0x79: {  	_ =	shalt  }
0x7a: {  	_ =	shalt  }
0x7b: {  	_ =	shalt  }
0x7c: {  	_ =	shalt  }
0x7d: {  	_ =	shalt  }
0x7e: {  	_ =	shalt  }
0x7f: {  	_ =	shalt  }
0x80: {  	_ =	shalt  }
0x81: {  	_ =	shalt  }
0x82: {  	_ =	shalt  }
0x83: {  	_ =	shalt  }
0x84: {  	_ =	shalt  }
0x85: {  	_ =	shalt  }
0x86: {  	_ =	shalt  }
0x87: {  	_ =	shalt  }
.Lfunc_end0:
.L_simem_size_0:
called_computation.2_lowered:
.L_overlay_start_0:
0x88: {  	s2 =	sld [smem:$0x3FD9]  }
0x89: {  	s3 =	sld [smem:$0x3FFE];
	_ =	sdelay $0x1  }
0x8a: {  	s1 =	srdreg.scid  }
0x8b: {  	s0 =	sand.u32 $0x1, s1  }
0x8c: {  	s16 =	sshll.u32 s0, $0xA;
	s2 =	sadd.s32 s3, s2  }
0x8d: {  	s2 =	sadd.s32 s2, s16  }
0x8e: {  	[smem:$0x3FB5] =	sst s2  }
0x8f: {  	_ = 	snop  }
0x90: {  	(tm) =	ssettm $0x1  }
0x91: {  	s17 =	sld [smem:$0x3FFB];
	_ =	sdelay $0x3  }
0x92: {  	_ =	strace s17  }
0x93: {  	s2 =	sld [smem:$0x3FFC];
	_ =	sdelay $0x3  }
0x94: {  	_ =	strace s2  }
0x95: {  	s2 =	sld [smem:$0x3FFD];
	_ =	sdelay $0x3  }
0x96: {  	_ =	strace s2  }
0x97: {  	_ =	strace $0x8FFFFFFF  }
0x98: {  	s18 =	sld [smem:$0x3FDB];
	_ =	sdelay $0x1  }
0x99: {  	s19 =	simm.s32 $_scs_section_size  }
0x9a: {  	s4 =	simm.s32 $_size__tile_overlayer_lowered;
	s5 =	simm.s32 $_tile_overlayer_lowered  }
0x9b: {  	s22 =	simm.s32 $0x1BFF;
	s21 =	sshll.u32 s5, $0x1;
	s2 =	sadd.s32 s19, s18  }
0x9c: {  	s6 =	simm.s32 $0x0;
	s20 =	sshll.u32 s4, $0x1;
	s4 =	sadd.s32 s21, s2  }
0x9d: {  	[timem:s6], [sflag:s22] =	dma.local [hbm:s4], s20  }
0x9e: {  	_ =	swait.ge [sflag:s22], s20  }
0x9f: {  	s3 =	ssub.s32 $0x0, s20;
	[sflag:s22] =	ssyncset.done $0x0  }
0xa0: {  	[sflag:s22] =	ssyncadd.s32 s3;
	_ =	sdelay $0x1  }
0xa1: {  	s23 =	simm.s32 $0x1B8B  }
0xa2: {  	_ =	swait.ge [sflag:s23], $0x1  }
0xa3: {  	[sflag:s23] =	ssyncset.done $0x0  }
0xa4: {  	s25 =	simm.s32 $0x1B8E;
	s24 =	sld [smem:$0x3FFE];
	[sflag:s23] =	ssyncadd.s32 $0xFFFFFFFF  }
0xa5: {  	s26 =	simm.s32 $execute0_lowered;
	[smem:$0x3FD2] =	sst s25  }
0xa6: {  	s4 =	sshll.u32 s26, $0x1;
	_ =	strace $0x8000004C;
	[dreg:$0x1] =	wrdreg $0xFFFFFFFF  }
0xa7: {  	s28 =	simm.s32 $_size_execute0_lowered;
	s2 =	sadd.s32 s2, s4;
	[dreg:$0x0] =	wrdreg $0x0  }
0xa8: {  	s4 =	sshll.u32 s28, $0x1;
	[dreg:$0x2] =	wrdreg s2  }
0xa9: {  	[dreg:$0x3] =	wrdreg s4  }
0xaa: {  	[dreg:$0x4] =	wrdreg $0xC0  }
0xab: {  	_ =	task [dreg:s6], $0x5FFFF  }
0xac: {  	[dreg:$0x1] =	wrdreg $0xFFFFFFFF  }
0xad: {  	[dreg:$0x0] =	wrdreg $0x60  }
0xae: {  	[dreg:$0x2] =	wrdreg s24  }
0xaf: {  	[dreg:$0x3] =	wrdreg $0xC3000  }
0xb0: {  	[dreg:$0x4] =	wrdreg $0x9  }
0xb1: {  	_ =	task.clear_ibuf [dreg:s6], $0x5FFFF;
	_ =	strace $0x9000004C  }
0xb2: {  	s29 =	simm.s32 $0x9;
	_ =	strace $0x8000004E  }
0xb3: {  	_ =	swait.ge [sflag:s29], $0x1  }
0xb4: {  	[sflag:s29] =	ssyncadd.s32 $0xFFFFFFFF  }
0xb5: {  	_ =	strace $0x9000004E  }
0xb6: {  	_ =	sfence  }
0xb7: {  	s30 =	sld [smem:$0x0];
	_ =	sdelay $0x2  }
0xb8: {  	s31 =	sshll.u32 s1, $0xD;
	s1 =	sshrl.u32 s1, $0x2  }
0xb9: {  	s3 =	sand.u32 $0x4000, s31;
	s1 =	sadd.s32 s1, s30  }
0xba: {  	s0 =	sor.u32 s3, s0;
	s1 =	sshll.u32 s1, $0x11  }
0xbb: {  	s0 =	sor.u32 s1, s0  }
0xbc: {  	s0 =	sadd.s32 $0x8F2B, s0  }
0xbd: {  	[sflag:s0] =	ssyncadd.remote.s32 $0x1  }
0xbe: {  	_ =	sfence.sel $0xFFFF  }
0xbf: {  	[dreg:$0x0] =	wrdreg $0xFFFFFFFF;
	(pc) =	sbr.abs _section_cstart, $3  }
0xc0: {  	[dreg:$0x1] =	wrdreg $0xFFFFFFFF  }
0xc1: {  	_ =	task.clear_ibuf [dreg:s6], $0x2FFFF;
	_ =	strace $0x9FFFFFFF  }
0xc2: {  	(tm) =	ssettm $0x7FFFFFFF  }
0xc3: {  	_ =	shalt  }
tec
execute0_lowered:
.L_overlay_start_1:
0x0: {  	(tag) =	ssettag $0x1  }
0x1: {  	s0 =	rddreg [dreg:$0x0]  }
0x2: {  	s1 =	rddreg [dreg:$0x1]  }
0x3: {  	s2 =	simm.s32 $0x0;
	s15 =	srdreg.scid;
	s11 =	stileid.u32  }
0x4: {  	s28 =	simm.s32 $0x300;
	s29 =	simm.s32 $0x180;
	s30 =	simm.s32 $0x5  }
0x5: {  	s13 =	simm.s32 $0x9;
	[smem:$0x7FF] =	sst s2;
	s4 =	sadd.s32 $0x8800, s0  }
0x6: {  	s31 =	simm.s32 $0x8;
	s5 =	sadd.s32 $0xF40200, s0;
	s6 =	sadd.s32 $0x4EB200, s0  }
0x7: {  	s2 =	sand.u32 $0x1, s15;
	s7 =	sadd.s32 $0xA07E00, s0;
	s8 =	smul.u32 $0x4E000, s11  }
0x8: {  	s0 =	sadd.s32 $0x2FA00, s0;
	s9 =	sshll.u32 s11, $0x6;
	s12 =	sadd.s32 $0x138000, s1  }
0x9: {  	s23 =	smul.u32 $0x13800, s11;
	p0 =	sne.s32 s11, $0xF;
	_ =	strace $0x8000004D  }
0xa: {  	s3 =	ssub.s32 $0x2, s2;
	[dreg:$0x3] =	wrdreg s7;
	s17 =	sshll.u32 s2, $0x4  }
0xb: {  	[dreg:$0x5] =	wrdreg s12;
	s2 =	smul.u32 $0x138800, s2;
	s12 =	simm.s32 $0x6  }
0xc: {  	s16 =	sshrl.u32 s3, $0x1;
	s7 =	sor.u32 s11, s17;
	s8 =	sshrl.u32 s8, $0x2  }
0xd: {  	s11 =	simm.s32 $0x2300;
	s3 =	ssub.s32 s3, s16;
	s10 =	sadd.s32 s8, s1  }
0xe: {  	s8 =	sor.u32 $0x1C0D, s9;
	s18 =	sshll.u32 s7, $0x4;
	s20 =	sshll.u32 s7, $0xA  }
0xf: {  	s14 =	sor.u32 $0x20, s7;
	s15 =	ssub.s32 $0x1388, s7;
	s16 =	sor.u32 $0x60, s7  }
0x10: {  	s17 =	sor.u32 $0x40, s7;
	s19 =	sadd.s32 s6, s18;
	s9 =	sadd.s32 s5, s20  }
0x11: {  	s18 =	sor.u32 $0x80, s7;
	s26 =	smax.u32 s3, $0x1;
	[dreg:$0x4] =	wrdreg s8  }
0x12: {  	s10 =	sshrl.u32 s10, $0x3;
	s3 =	simm.s32 $0x7;
	[dreg:$0x7] =	wrdreg s9  }
0x13: {  	s20 =	simm.s32 $0x280;
	s21 =	sadd.s32 $0x200, s19;
	[dreg:$0x6] =	wrdreg s19  }
0x14: {  	s22 =	sadd.s32 $0x400, s19;
	s9 =	sadd.s32 s23, s2;
	[dreg:$0xc] =	wrdreg s26  }
0x15: {  	s2 =	sshrl.u32 s2, $0x3;
	s19 =	sor.u32 $0xA0, s7;
	[dreg:$0xd] =	wrdreg s10  }
.Ltmp0:
0x16: {  	s26 =	simm.s32 $0x40;
	[dreg:$0x8] =	wrdreg s21;
	(pc) =	sbr.rel .LBB2_1-.Ltmp0, $4  }
0x17: {  	s23 =	simm.s32 $0x0;
	[dreg:$0x9] =	wrdreg s22;
	s24 =	sshrl.u32 s9, $0x3  }
0x18: {  	s2 =	sadd.s32 s0, s2;
	s22 =	simm.s32 $0xD;
	s0 =	sadd.s32 s0, s24  }
0x19: {  	s9 =	simm.s32 $0x200;
	s25 =	sadd.s32 $0x27000, s2;
	[dreg:$0xa] =	wrdreg s0  }
0x1a: {  	s21 =	simm.s32 $0x4300;
	[dreg:$0xb] =	wrdreg s25;
	s0 =	simm.s32 $0x4  }
.LBB2_15:
0x1b: {  	s2 =	simm.s32 $0xA  }
0x1c: {  	_ =	swait.ge [sflag:s2], $0x2000  }
0x1d: {  	[sflag:s2] =	ssyncset.done $0x0  }
0x1e: {  	s22 =	simm.s32 $0xB;
	[sflag:s2] =	ssyncadd.s32 $0xFFFFE000  }
0x1f: {  	_ =	swait.ge [sflag:s22], $0x2000  }
0x20: {  	[sflag:s22] =	ssyncset.done $0x0  }
0x21: {  	s23 =	simm.s32 $0xC;
	[sflag:s22] =	ssyncadd.s32 $0xFFFFE000  }
0x22: {  	_ =	swait.ge [sflag:s23], $0x2000  }
0x23: {  	[sflag:s23] =	ssyncset.done $0x0  }
0x24: {  	[sflag:s23] =	ssyncadd.s32 $0xFFFFE000  }
0x25: {  	[bflag:$0x0] =	sbarrier.arrive $0xFFFF  }
0x26: {  	s8 =	rddreg [dreg:$0x4]  }
0x27: {  	s24 =	rddreg [dreg:$0xa]  }
0x28: {  	s22 =	simm.s32 $0xD;
	s10 =	rddreg [dreg:$0xd]  }
0x29: {  	[hbm:s24], [sflag:s8] =	dma.local [spmem:s10], $0x2700  }
0x2a: {  	_ =	swait.ge [sflag:s22], $0x2700  }
0x2b: {  	[sflag:s22] =	ssyncset.done $0x0;
	s2 =	rddreg [dreg:$0xb]  }
0x2c: {  	s7 =	rddreg [dreg:$0xf];
	[sflag:s22] =	ssyncadd.s32 $0xFFFFD900  }
0x2d: {  	[hbm:s2], [sflag:s8] =	dma.local @!p0 [spmem:s7], $0x100  }
0x2e: {  	s2 =	simm.s32 @!p0 $0xD  }
0x2f: {  	_ =	swait.ge @!p0 [sflag:s2], $0x100  }
0x30: {  	s23 =	rddreg [dreg:$0xe]  }
0x31: {  	s25 =	rddreg [dreg:$0xc];
	s23 =	sadd.s32 $0x1, s23  }
0x32: {  	p1 =	sne.s32 s23, s25  }
.Ltmp1:
0x33: {  	_ = 	snop;
	(pc) =	sbr.rel @!p1 .LBB2_16-.Ltmp1, $3  }
0x34: {  	_ =	sdelay $0x1  }
0x35: {  	[sflag:s2] =	ssyncset.done @!p0 $0x0  }
0x36: {  	[sflag:s2] =	ssyncadd.s32 @!p0 $0xFFFFFF00  }
.LBB2_1:
0x37: {  	[dreg:$0xe] =	wrdreg s23  }
0x38: {  	s2 =	rddreg [dreg:$0x3]  }
0x39: {  	[spmem:s10], [sflag:s8] =	dma.local [hbm:s2], $0x2700  }
0x3a: {  	_ =	swait.ge [sflag:s22], $0x2700  }
0x3b: {  	s7 =	rddreg [dreg:$0x5]  }
0x3c: {  	[sflag:s22] =	ssyncset.done $0x0;
	s7 =	sshrl.u32 @!p0 s7, $0x3  }
0x3d: {  	[sflag:s22] =	ssyncadd.s32 $0xFFFFD900;
	[dreg:$0xf] =	wrdreg s7  }
0x3e: {  	[spmem:s7], [sflag:s8] =	dma.local @!p0 [hbm:s2], $0x100  }
0x3f: {  	s2 =	simm.s32 @!p0 $0xD  }
0x40: {  	_ =	swait.ge @!p0 [sflag:s2], $0x100  }
0x41: {  	[sflag:s2] =	ssyncset.done @!p0 $0x0  }
0x42: {  	[sflag:s2] =	ssyncadd.s32 @!p0 $0xFFFFFF00  }
0x43: {  	[bflag:$0x0] =	sbarrier.arrive $0xFFFF  }
0x44: {  	s25 =	simm.s32 $0x1;
	s2 =	simm.s32 $0x0;
	s24 =	rddreg [dreg:$0x6]  }
0x45: {  	[tilespmem:s2], [sflag:$0x1] =	stream.linear.gather [hbm4b:s24+s2], $0x80, $0x38;
	[tilespmem:$0x1FB80] =	vst v63  }
0x46: {  	_ =	swait.ge [sflag:s25], $0x80  }
0x47: {  	[sflag:s25] =	ssyncset.done $0x0  }
0x48: {  	[sflag:s25] =	ssyncadd.s32 $0xFFFFFF80  }
0x49: {  	[tilespmem:s28], [sflag:$0x4] =	stream.indirect.gather [hbm4b:s4+s26], $0x80, s2, s26, $0xb8;
	[tilespmem:$0x1FB80] =	vst v63  }
0x4a: {  	s10 =	simm.s32 $0x6300;
	s8 =	rddreg [dreg:$0x7]  }
0x4b: {  	[tilespmem:s10], [sflag:$0x7] =	stream.linear.gather [hbm4b:s8+s2], $0x2000, $0x38;
	[tilespmem:$0x1FB80] =	vst v63  }
.Ltmp2:
0x4c: {  	s23 =	simm.s32 $0x80;
	s22 =	rddreg [dreg:$0x8];
	(pc) =	sbr.rel .LBB2_2-.Ltmp2, $4  }
0x4d: {  	[tilespmem:s23], [sflag:$0x2] =	stream.linear.gather [hbm4b:s22+s2], $0x80, $0x38;
	[tilespmem:$0x1FB80] =	vst v63  }
0x4e: {  	s24 =	rddreg [dreg:$0x9];
	s25 =	simm.s32 $0x100  }
0x4f: {  	[tilespmem:s25], [sflag:$0x3] =	stream.linear.gather [hbm4b:s24+s2], $0x80, $0x38;
	[tilespmem:$0x1FB80] =	vst v63  }
0x50: {  	s25 =	simm.s32 $0x0  }
.LBB2_14:
0x51: {  	s2 =	sadd.s32 s19, s7  }
0x52: {  	p1 =	sgt.u32 s2, $0x1387  }
0x53: {  	s25 =	sadd.s32 $0x1, s25;
	s2 =	sshll.u32 @!p1 s2, $0x4  }
0x54: {  	s7 =	simm.s32 @!p1 $0x0;
	s8 =	simm.s32 @!p1 $0x100;
	s2 =	sadd.s32 @!p1 s6, s2  }
0x55: {  	[tilespmem:s8], [sflag:$0x3] =	stream.linear.gather @!p1 [hbm4b:s2+s7], $0x80, $0x38;
	[tilespmem:$0x1FB80] =	vst v63  }
0x56: {  	p1 =	sne.s32 s25, $0x35  }
.Ltmp3:
0x57: {  	_ = 	snop;
	(pc) =	sbr.rel @!p1 .LBB2_15-.Ltmp3, $1  }
0x58: {  	_ =	sdelay $0x3  }
.LBB2_2:
0x59: {  	s7 =	smul.u32 $0x60, s25;
	_ =	sdelay $0x1  }
0x5a: {  	s2 =	sadd.s32 s14, s7  }
0x5b: {  	p1 =	sgt.u32 s2, $0x1387  }
0x5c: {  	s10 =	simm.s32 @!p1 $0x2  }
0x5d: {  	p2 =	seq.s32 @!p1 s25, $0x0;
	_ =	swait.ge @!p1 [sflag:s10], $0x80  }
0x5e: {  	p2 =	por p2, p1;
	[sflag:s10] =	ssyncset.done @!p1 $0x0  }
0x5f: {  	[sflag:s10] =	ssyncadd.s32 @!p1 $0xFFFFFF80;
	s10 =	simm.s32 @!p2 $0xB  }
0x60: {  	_ =	swait.ge @!p2 [sflag:s10], $0x2000  }
0x61: {  	[sflag:s10] =	ssyncset.done @!p2 $0x0  }
0x62: {  	[sflag:s10] =	ssyncadd.s32 @!p2 $0xFFFFE000;
	p2 =	sge.u32 s7, s15  }
.Ltmp4:
0x63: {  	s23 =	simm.s32 @!p1 $0x80;
	(pc) =	sbr.rel @p2 .LBB2_6-.Ltmp4, $4  }
0x64: {  	s24 =	simm.s32 @!p1 $0x2300;
	s2 =	sshll.u32 @!p1 s2, $0xA;
	s10 =	simm.s32 @!p1 $0x40  }
0x65: {  	[tilespmem:s24], [sflag:$0x5] =	stream.indirect.gather @!p1 [hbm4b:s4+s10], $0x80, s23, s10, $0xb8;
	[tilespmem:$0x1FB80] =	vst v63  }
0x66: {  	s2 =	sadd.s32 @!p1 s5, s2;
	s10 =	simm.s32 @!p1 $0x0;
	s23 =	simm.s32 @!p1 $0x8300  }
0x67: {  	[tilespmem:s23], [sflag:$0x8] =	stream.linear.gather @!p1 [hbm4b:s2+s10], $0x2000, $0x38;
	[tilespmem:$0x1FB80] =	vst v63  }
0x68: {  	_ =	swait.ge [sflag:s0], $0x2000  }
0x69: {  	[sflag:s0] =	ssyncset.done $0x0  }
0x6a: {  	[sflag:s0] =	ssyncadd.s32 $0xFFFFE000  }
0x6b: {  	_ =	swait.ge [sflag:s3], $0x2000  }
0x6c: {  	[sflag:s3] =	ssyncset.done $0x0  }
0x6d: {  	[sflag:s3] =	ssyncadd.s32 $0xFFFFE000  }
0x6e: {  	v0 =	vld [tilespmem:$0x40]  }
0x6f: {  	v1 =	vld [tilespmem:$0x50]  }
0x70: {  	v2 =	vld [tilespmem:$0x60]  }
0x71: {  	v3 =	vld [tilespmem:$0x70];
	_ =	sdelay $0x1  }
0x72: {  	[tilespmem:$0x180] =	vst v0  }
0x73: {  	[tilespmem:$0x190] =	vst v1  }
0x74: {  	[tilespmem:$0x1A0] =	vst v2  }
0x75: {  	s2 =	simm.s32 $0x0;
	[tilespmem:$0x1B0] =	vst v3  }
0x76: {  	v3 =	vld [tilespmem:s2+$0x6300]  }
0x77: {  	v2 =	vld [tilespmem:s2+$0x6310]  }
0x78: {  	v1 =	vld [tilespmem:s2+$0x6320]  }
0x79: {  	v0 =	vld [tilespmem:s2+$0x6330]  }
0x7a: {  	v8 =	vld [tilespmem:s2+$0x300]  }
0x7b: {  	v7 =	vld [tilespmem:s2+$0x310]  }
0x7c: {  	v6 =	vld [tilespmem:s2+$0x320]  }
0x7d: {  	v5 =	vld [tilespmem:s2+$0x330]  }
0x7e: {  	v4 =	vld [tilespmem:s2+$0x340];
	v10 =	vunpack.i.l.bf16.f32 v3  }
0x7f: {  	s23 =	simm.s32 $0x200;
	v9 =	vunpack.i.u.bf16.f32 v3;
	v3 =	vld [tilespmem:s2+$0x350];
	v8 =	vadd.f32 v8, v10  }
.LBB2_4:
0x80: {  	p2 =	sne.s32 s23, $0x7E00;
	v7 =	vadd.f32 v7, v9;
	v9 =	vunpack.i.l.bf16.f32 v2;
	v10 =	vld [tilespmem:s2+$0x360]  }
0x81: {  	s10 =	sshra.s32 s23, $0x2;
	v2 =	vunpack.i.u.bf16.f32 v2;
	v8 =	vmax.f32 v8, $0.0e+00;
	v6 =	vadd.f32 v6, v9;
	v9 =	vld [tilespmem:s2+$0x370]  }
0x82: {  	v11 =	vld [tilespmem:s10+$0x6300];
	[tilespmem:s2+$0x300] =	vst v8;
	v7 =	vmax.f32 v7, $0.0e+00;
	v5 =	vadd.f32 v5, v2;
	v8 =	vunpack.i.l.bf16.f32 v1  }
0x83: {  	v2 =	vld [tilespmem:s10+$0x6310];
	[tilespmem:s2+$0x310] =	vst v7;
	v6 =	vmax.f32 v6, $0.0e+00;
	v7 =	vunpack.i.u.bf16.f32 v1;
	v4 =	vadd.f32 v4, v8  }
0x84: {  	v1 =	vld [tilespmem:s10+$0x6320];
	[tilespmem:s2+$0x320] =	vst v6;
	v5 =	vmax.f32 v5, $0.0e+00;
	v3 =	vadd.f32 v3, v7;
	v6 =	vunpack.i.l.bf16.f32 v0  }
0x85: {  	[tilespmem:s2+$0x330] =	vst v5;
	v4 =	vmax.f32 v4, $0.0e+00;
	v5 =	vunpack.i.u.bf16.f32 v0;
	v0 =	vld [tilespmem:s10+$0x6330];
	v6 =	vadd.f32 v10, v6  }
0x86: {  	v8 =	vld [tilespmem:s10+$0x300];
	[tilespmem:s2+$0x340] =	vst v4;
	v3 =	vmax.f32 v3, $0.0e+00;
	v4 =	vadd.f32 v9, v5  }
.Ltmp5:
0x87: {  	v7 =	vld [tilespmem:s10+$0x310];
	[tilespmem:s2+$0x350] =	vst v3;
	v3 =	vmax.f32 v6, $0.0e+00;
	(pc) =	sbr.rel @p2 .LBB2_4-.Ltmp5, $4  }
0x88: {  	v6 =	vld [tilespmem:s10+$0x320];
	[tilespmem:s2+$0x360] =	vst v3;
	v3 =	vmax.f32 v4, $0.0e+00  }
0x89: {  	v5 =	vld [tilespmem:s10+$0x330];
	[tilespmem:s2+$0x370] =	vst v3;
	s2 =	smov.u32 s10  }
0x8a: {  	v3 =	vunpack.i.l.bf16.f32 v11;
	v4 =	vld [tilespmem:s2+$0x340]  }
0x8b: {  	s23 =	sadd.s32 $0x200, s23;
	v9 =	vunpack.i.u.bf16.f32 v11;
	v8 =	vadd.f32 v8, v3;
	v3 =	vld [tilespmem:s2+$0x350]  }
0x8c: {  	v7 =	vadd.f32 v7, v9;
	v55 =	vunpack.i.l.bf16.f32 v2;
	v10 =	vld [tilespmem:s2+$0x360]  }
0x8d: {  	v56 =	vunpack.i.u.bf16.f32 v2;
	v57 =	vld [tilespmem:s2+$0x370];
	v8 =	vmax.f32 v8, $0.0e+00;
	v6 =	vadd.f32 v6, v55  }
0x8e: {  	v58 =	vunpack.i.l.bf16.f32 v1;
	[tilespmem:s2+$0x300] =	vst v8;
	v7 =	vmax.f32 v7, $0.0e+00;
	v2 =	vadd.f32 v5, v56  }
0x8f: {  	v59 =	vunpack.i.u.bf16.f32 v1;
	[tilespmem:s2+$0x310] =	vst v7;
	v6 =	vmax.f32 v6, $0.0e+00;
	v4 =	vadd.f32 v4, v58  }
0x90: {  	v60 =	vunpack.i.l.bf16.f32 v0;
	[tilespmem:s2+$0x320] =	vst v6;
	v2 =	vmax.f32 v2, $0.0e+00;
	v1 =	vadd.f32 v3, v59  }
0x91: {  	v62 =	vunpack.i.u.bf16.f32 v0;
	[tilespmem:s2+$0x330] =	vst v2;
	v61 =	vmax.f32 v4, $0.0e+00;
	v3 =	vadd.f32 v10, v60  }
0x92: {  	v0 =	vadd.f32 v57, v62;
	[tilespmem:s2+$0x340] =	vst v61;
	v1 =	vmax.f32 v1, $0.0e+00  }
0x93: {  	[tilespmem:s2+$0x350] =	vst v1;
	v63 =	vmax.f32 v3, $0.0e+00  }
0x94: {  	v0 =	vmax.f32 v0, $0.0e+00;
	[tilespmem:s2+$0x360] =	vst v63  }
0x95: {  	[tilespmem:s2+$0x370] =	vst v0  }
0x96: {  	[spmem:s1] =	stream.indirect.scatter.add.f32 [tilespmem:s28], [sflag:$0xA], $0x80, s29, s26, $0xb8;
	[tilespmem:$0x1FB80] =	vst v63  }
.LBB2_6:
0x97: {  	s23 =	sadd.s32 s16, s7  }
0x98: {  	p2 =	sgt.u32 s23, $0x1387  }
0x99: {  	s2 =	sshll.u32 @!p2 s23, $0x4  }
0x9a: {  	s10 =	sadd.s32 @!p2 s6, s2;
	s2 =	simm.s32 @!p2 $0x0  }
0x9b: {  	[tilespmem:s2], [sflag:$0x1] =	stream.linear.gather @!p2 [hbm4b:s10+s2], $0x80, $0x38;
	[tilespmem:$0x1FB80] =	vst v63  }
0x9c: {  	s10 =	sadd.s32 s17, s7  }
0x9d: {  	p3 =	sgt.u32 s10, $0x1387  }
0x9e: {  	s24 =	simm.s32 @!p3 $0x3  }
0x9f: {  	p4 =	seq.s32 @!p3 s25, $0x0;
	_ =	swait.ge @!p3 [sflag:s24], $0x80  }
0xa0: {  	p4 =	por p4, p3;
	[sflag:s24] =	ssyncset.done @!p3 $0x0  }
0xa1: {  	[sflag:s24] =	ssyncadd.s32 @!p3 $0xFFFFFF80;
	s24 =	simm.s32 @!p4 $0xC  }
0xa2: {  	_ =	swait.ge @!p4 [sflag:s24], $0x2000  }
0xa3: {  	s8 =	simm.s32 @!p3 $0x100;
	s22 =	simm.s32 @!p3 $0x4300;
	[sflag:s24] =	ssyncset.done @!p4 $0x0  }
.Ltmp6:
0xa4: {  	[sflag:s24] =	ssyncadd.s32 @!p4 $0xFFFFE000;
	s24 =	simm.s32 @!p3 $0x40;
	(pc) =	sbr.rel @p1 .LBB2_10-.Ltmp6, $4  }
0xa5: {  	[tilespmem:s22], [sflag:$0x6] =	stream.indirect.gather @!p3 [hbm4b:s4+s24], $0x80, s8, s24, $0xb8;
	[tilespmem:$0x1FB80] =	vst v63  }
0xa6: {  	s8 =	sshll.u32 @!p3 s10, $0xA  }
0xa7: {  	s10 =	simm.s32 @!p3 $0x0;
	s22 =	simm.s32 @!p3 $0xA300;
	s8 =	sadd.s32 @!p3 s5, s8  }
0xa8: {  	[tilespmem:s22], [sflag:$0x9] =	stream.linear.gather @!p3 [hbm4b:s8+s10], $0x2000, $0x38;
	[tilespmem:$0x1FB80] =	vst v63  }
0xa9: {  	_ =	swait.ge [sflag:s30], $0x2000  }
0xaa: {  	[sflag:s30] =	ssyncset.done $0x0  }
0xab: {  	[sflag:s30] =	ssyncadd.s32 $0xFFFFE000  }
0xac: {  	_ =	swait.ge [sflag:s31], $0x2000  }
0xad: {  	[sflag:s31] =	ssyncset.done $0x0  }
0xae: {  	[sflag:s31] =	ssyncadd.s32 $0xFFFFE000  }
0xaf: {  	v0 =	vld [tilespmem:$0xC0]  }
0xb0: {  	v1 =	vld [tilespmem:$0xD0]  }
0xb1: {  	v2 =	vld [tilespmem:$0xE0]  }
0xb2: {  	v3 =	vld [tilespmem:$0xF0];
	_ =	sdelay $0x1  }
0xb3: {  	[tilespmem:$0x200] =	vst v0  }
0xb4: {  	[tilespmem:$0x210] =	vst v1  }
0xb5: {  	[tilespmem:$0x220] =	vst v2  }
0xb6: {  	s24 =	simm.s32 $0x0;
	[tilespmem:$0x230] =	vst v3  }
0xb7: {  	v3 =	vld [tilespmem:s24+$0x8300]  }
0xb8: {  	v2 =	vld [tilespmem:s24+$0x8310]  }
0xb9: {  	v1 =	vld [tilespmem:s24+$0x8320]  }
0xba: {  	v0 =	vld [tilespmem:s24+$0x8330]  }
0xbb: {  	v8 =	vld [tilespmem:s24+$0x2300]  }
0xbc: {  	v7 =	vld [tilespmem:s24+$0x2310]  }
0xbd: {  	v6 =	vld [tilespmem:s24+$0x2320]  }
0xbe: {  	v5 =	vld [tilespmem:s24+$0x2330]  }
0xbf: {  	v4 =	vld [tilespmem:s24+$0x2340];
	v10 =	vunpack.i.l.bf16.f32 v3  }
0xc0: {  	s10 =	simm.s32 $0x200;
	v9 =	vunpack.i.u.bf16.f32 v3;
	v3 =	vld [tilespmem:s24+$0x2350];
	v8 =	vadd.f32 v8, v10  }
.LBB2_8:
0xc1: {  	p1 =	sne.s32 s10, $0x7E00;
	v7 =	vadd.f32 v7, v9;
	v9 =	vunpack.i.l.bf16.f32 v2;
	v10 =	vld [tilespmem:s24+$0x2360]  }
0xc2: {  	s8 =	sshra.s32 s10, $0x2;
	v2 =	vunpack.i.u.bf16.f32 v2;
	v8 =	vmax.f32 v8, $0.0e+00;
	v6 =	vadd.f32 v6, v9;
	v9 =	vld [tilespmem:s24+$0x2370]  }
0xc3: {  	v11 =	vld [tilespmem:s8+$0x8300];
	[tilespmem:s24+$0x2300] =	vst v8;
	v7 =	vmax.f32 v7, $0.0e+00;
	v5 =	vadd.f32 v5, v2;
	v8 =	vunpack.i.l.bf16.f32 v1  }
0xc4: {  	v2 =	vld [tilespmem:s8+$0x8310];
	[tilespmem:s24+$0x2310] =	vst v7;
	v6 =	vmax.f32 v6, $0.0e+00;
	v7 =	vunpack.i.u.bf16.f32 v1;
	v4 =	vadd.f32 v4, v8  }
0xc5: {  	v1 =	vld [tilespmem:s8+$0x8320];
	[tilespmem:s24+$0x2320] =	vst v6;
	v5 =	vmax.f32 v5, $0.0e+00;
	v3 =	vadd.f32 v3, v7;
	v6 =	vunpack.i.l.bf16.f32 v0  }
0xc6: {  	[tilespmem:s24+$0x2330] =	vst v5;
	v4 =	vmax.f32 v4, $0.0e+00;
	v5 =	vunpack.i.u.bf16.f32 v0;
	v0 =	vld [tilespmem:s8+$0x8330];
	v6 =	vadd.f32 v10, v6  }
0xc7: {  	v8 =	vld [tilespmem:s8+$0x2300];
	[tilespmem:s24+$0x2340] =	vst v4;
	v3 =	vmax.f32 v3, $0.0e+00;
	v4 =	vadd.f32 v9, v5  }
.Ltmp7:
0xc8: {  	v7 =	vld [tilespmem:s8+$0x2310];
	[tilespmem:s24+$0x2350] =	vst v3;
	v3 =	vmax.f32 v6, $0.0e+00;
	(pc) =	sbr.rel @p1 .LBB2_8-.Ltmp7, $4  }
0xc9: {  	v6 =	vld [tilespmem:s8+$0x2320];
	[tilespmem:s24+$0x2360] =	vst v3;
	v3 =	vmax.f32 v4, $0.0e+00  }
0xca: {  	v5 =	vld [tilespmem:s8+$0x2330];
	[tilespmem:s24+$0x2370] =	vst v3;
	s24 =	smov.u32 s8  }
0xcb: {  	v3 =	vunpack.i.l.bf16.f32 v11;
	v4 =	vld [tilespmem:s24+$0x2340]  }
0xcc: {  	s10 =	sadd.s32 $0x200, s10;
	v9 =	vunpack.i.u.bf16.f32 v11;
	v8 =	vadd.f32 v8, v3;
	v3 =	vld [tilespmem:s24+$0x2350]  }
0xcd: {  	v7 =	vadd.f32 v7, v9;
	v55 =	vunpack.i.l.bf16.f32 v2;
	v10 =	vld [tilespmem:s24+$0x2360]  }
0xce: {  	v56 =	vunpack.i.u.bf16.f32 v2;
	v57 =	vld [tilespmem:s24+$0x2370];
	v8 =	vmax.f32 v8, $0.0e+00;
	v6 =	vadd.f32 v6, v55  }
0xcf: {  	v58 =	vunpack.i.l.bf16.f32 v1;
	[tilespmem:s24+$0x2300] =	vst v8;
	v7 =	vmax.f32 v7, $0.0e+00;
	v2 =	vadd.f32 v5, v56  }
0xd0: {  	v59 =	vunpack.i.u.bf16.f32 v1;
	[tilespmem:s24+$0x2310] =	vst v7;
	v6 =	vmax.f32 v6, $0.0e+00;
	v4 =	vadd.f32 v4, v58  }
0xd1: {  	v60 =	vunpack.i.l.bf16.f32 v0;
	[tilespmem:s24+$0x2320] =	vst v6;
	v2 =	vmax.f32 v2, $0.0e+00;
	v1 =	vadd.f32 v3, v59  }
0xd2: {  	v62 =	vunpack.i.u.bf16.f32 v0;
	[tilespmem:s24+$0x2330] =	vst v2;
	v61 =	vmax.f32 v4, $0.0e+00;
	v3 =	vadd.f32 v10, v60  }
0xd3: {  	v0 =	vadd.f32 v57, v62;
	[tilespmem:s24+$0x2340] =	vst v61;
	v1 =	vmax.f32 v1, $0.0e+00  }
0xd4: {  	[tilespmem:s24+$0x2350] =	vst v1;
	v63 =	vmax.f32 v3, $0.0e+00  }
0xd5: {  	v0 =	vmax.f32 v0, $0.0e+00;
	[tilespmem:s24+$0x2360] =	vst v63  }
0xd6: {  	[tilespmem:s24+$0x2370] =	vst v0  }
0xd7: {  	[spmem:s1] =	stream.indirect.scatter.add.f32 [tilespmem:s11], [sflag:$0xB], $0x80, s9, s26, $0xb8;
	[tilespmem:$0x1FB80] =	vst v63  }
.LBB2_10:
0xd8: {  	s8 =	sadd.s32 s18, s7  }
0xd9: {  	p1 =	sgt.u32 s8, $0x1387  }
0xda: {  	s8 =	sshll.u32 @!p1 s8, $0x4  }
0xdb: {  	s10 =	simm.s32 @!p1 $0x0;
	s22 =	simm.s32 @!p1 $0x80;
	s8 =	sadd.s32 @!p1 s6, s8  }
0xdc: {  	[tilespmem:s22], [sflag:$0x2] =	stream.linear.gather @!p1 [hbm4b:s8+s10], $0x80, $0x38;
	[tilespmem:$0x1FB80] =	vst v63  }
0xdd: {  	s8 =	simm.s32 @!p2 $0x1  }
0xde: {  	_ =	swait.ge @!p2 [sflag:s8], $0x80  }
0xdf: {  	[sflag:s8] =	ssyncset.done @!p2 $0x0  }
0xe0: {  	[sflag:s8] =	ssyncadd.s32 @!p2 $0xFFFFFF80;
	s8 =	simm.s32 @!p2 $0xA  }
0xe1: {  	_ =	swait.ge @!p2 [sflag:s8], $0x2000  }
0xe2: {  	s10 =	simm.s32 @!p2 $0x300;
	[sflag:s8] =	ssyncset.done @!p2 $0x0  }
.Ltmp8:
0xe3: {  	[sflag:s8] =	ssyncadd.s32 @!p2 $0xFFFFE000;
	s8 =	simm.s32 @!p2 $0x40;
	(pc) =	sbr.rel @p3 .LBB2_14-.Ltmp8, $4  }
0xe4: {  	[tilespmem:s10], [sflag:$0x4] =	stream.indirect.gather @!p2 [hbm4b:s4+s8], $0x80, s2, s8, $0xb8;
	[tilespmem:$0x1FB80] =	vst v63  }
0xe5: {  	s8 =	sshll.u32 @!p2 s23, $0xA  }
0xe6: {  	s10 =	simm.s32 @!p2 $0x6300;
	s8 =	sadd.s32 @!p2 s5, s8  }
0xe7: {  	[tilespmem:s10], [sflag:$0x7] =	stream.linear.gather @!p2 [hbm4b:s8+s2], $0x2000, $0x38;
	[tilespmem:$0x1FB80] =	vst v63  }
0xe8: {  	_ =	swait.ge [sflag:s12], $0x2000  }
0xe9: {  	[sflag:s12] =	ssyncset.done $0x0  }
0xea: {  	[sflag:s12] =	ssyncadd.s32 $0xFFFFE000  }
0xeb: {  	_ =	swait.ge [sflag:s13], $0x2000  }
0xec: {  	[sflag:s13] =	ssyncset.done $0x0  }
0xed: {  	[sflag:s13] =	ssyncadd.s32 $0xFFFFE000  }
0xee: {  	v0 =	vld [tilespmem:$0x140]  }
0xef: {  	v1 =	vld [tilespmem:$0x150]  }
0xf0: {  	v2 =	vld [tilespmem:$0x160]  }
0xf1: {  	v3 =	vld [tilespmem:$0x170];
	_ =	sdelay $0x1  }
0xf2: {  	[tilespmem:$0x280] =	vst v0  }
0xf3: {  	[tilespmem:$0x290] =	vst v1  }
0xf4: {  	[tilespmem:$0x2A0] =	vst v2  }
0xf5: {  	s2 =	simm.s32 $0x0;
	[tilespmem:$0x2B0] =	vst v3  }
0xf6: {  	v3 =	vld [tilespmem:s2+$0xA300]  }
0xf7: {  	v2 =	vld [tilespmem:s2+$0xA310]  }
0xf8: {  	v1 =	vld [tilespmem:s2+$0xA320]  }
0xf9: {  	v0 =	vld [tilespmem:s2+$0xA330]  }
0xfa: {  	v8 =	vld [tilespmem:s2+$0x4300]  }
0xfb: {  	v7 =	vld [tilespmem:s2+$0x4310]  }
0xfc: {  	v6 =	vld [tilespmem:s2+$0x4320]  }
0xfd: {  	v5 =	vld [tilespmem:s2+$0x4330]  }
0xfe: {  	v4 =	vld [tilespmem:s2+$0x4340];
	v10 =	vunpack.i.l.bf16.f32 v3  }
0xff: {  	s10 =	simm.s32 $0x200;
	v9 =	vunpack.i.u.bf16.f32 v3;
	v3 =	vld [tilespmem:s2+$0x4350];
	v8 =	vadd.f32 v8, v10  }
.LBB2_12:
0x100: {  	p1 =	sne.s32 s10, $0x7E00;
	v7 =	vadd.f32 v7, v9;
	v9 =	vunpack.i.l.bf16.f32 v2;
	v10 =	vld [tilespmem:s2+$0x4360]  }
0x101: {  	s8 =	sshra.s32 s10, $0x2;
	v2 =	vunpack.i.u.bf16.f32 v2;
	v8 =	vmax.f32 v8, $0.0e+00;
	v6 =	vadd.f32 v6, v9;
	v9 =	vld [tilespmem:s2+$0x4370]  }
0x102: {  	v11 =	vld [tilespmem:s8+$0xA300];
	[tilespmem:s2+$0x4300] =	vst v8;
	v7 =	vmax.f32 v7, $0.0e+00;
	v5 =	vadd.f32 v5, v2;
	v8 =	vunpack.i.l.bf16.f32 v1  }
0x103: {  	v2 =	vld [tilespmem:s8+$0xA310];
	[tilespmem:s2+$0x4310] =	vst v7;
	v6 =	vmax.f32 v6, $0.0e+00;
	v7 =	vunpack.i.u.bf16.f32 v1;
	v4 =	vadd.f32 v4, v8  }
0x104: {  	v1 =	vld [tilespmem:s8+$0xA320];
	[tilespmem:s2+$0x4320] =	vst v6;
	v5 =	vmax.f32 v5, $0.0e+00;
	v3 =	vadd.f32 v3, v7;
	v6 =	vunpack.i.l.bf16.f32 v0  }
0x105: {  	[tilespmem:s2+$0x4330] =	vst v5;
	v4 =	vmax.f32 v4, $0.0e+00;
	v5 =	vunpack.i.u.bf16.f32 v0;
	v0 =	vld [tilespmem:s8+$0xA330];
	v6 =	vadd.f32 v10, v6  }
0x106: {  	v8 =	vld [tilespmem:s8+$0x4300];
	[tilespmem:s2+$0x4340] =	vst v4;
	v3 =	vmax.f32 v3, $0.0e+00;
	v4 =	vadd.f32 v9, v5  }
.Ltmp9:
0x107: {  	v7 =	vld [tilespmem:s8+$0x4310];
	[tilespmem:s2+$0x4350] =	vst v3;
	v3 =	vmax.f32 v6, $0.0e+00;
	(pc) =	sbr.rel @p1 .LBB2_12-.Ltmp9, $4  }
0x108: {  	v6 =	vld [tilespmem:s8+$0x4320];
	[tilespmem:s2+$0x4360] =	vst v3;
	v3 =	vmax.f32 v4, $0.0e+00  }
0x109: {  	v5 =	vld [tilespmem:s8+$0x4330];
	[tilespmem:s2+$0x4370] =	vst v3;
	s2 =	smov.u32 s8  }
0x10a: {  	v3 =	vunpack.i.l.bf16.f32 v11;
	v4 =	vld [tilespmem:s2+$0x4340]  }
0x10b: {  	s10 =	sadd.s32 $0x200, s10;
	v9 =	vunpack.i.u.bf16.f32 v11;
	v8 =	vadd.f32 v8, v3;
	v3 =	vld [tilespmem:s2+$0x4350]  }
0x10c: {  	v7 =	vadd.f32 v7, v9;
	v55 =	vunpack.i.l.bf16.f32 v2;
	v10 =	vld [tilespmem:s2+$0x4360]  }
0x10d: {  	v56 =	vunpack.i.u.bf16.f32 v2;
	v57 =	vld [tilespmem:s2+$0x4370];
	v8 =	vmax.f32 v8, $0.0e+00;
	v6 =	vadd.f32 v6, v55  }
0x10e: {  	v58 =	vunpack.i.l.bf16.f32 v1;
	[tilespmem:s2+$0x4300] =	vst v8;
	v7 =	vmax.f32 v7, $0.0e+00;
	v2 =	vadd.f32 v5, v56  }
0x10f: {  	v59 =	vunpack.i.u.bf16.f32 v1;
	[tilespmem:s2+$0x4310] =	vst v7;
	v6 =	vmax.f32 v6, $0.0e+00;
	v4 =	vadd.f32 v4, v58  }
0x110: {  	v60 =	vunpack.i.l.bf16.f32 v0;
	[tilespmem:s2+$0x4320] =	vst v6;
	v2 =	vmax.f32 v2, $0.0e+00;
	v1 =	vadd.f32 v3, v59  }
0x111: {  	v62 =	vunpack.i.u.bf16.f32 v0;
	[tilespmem:s2+$0x4330] =	vst v2;
	v61 =	vmax.f32 v4, $0.0e+00;
	v3 =	vadd.f32 v10, v60  }
.Ltmp10:
0x112: {  	v0 =	vadd.f32 v57, v62;
	[tilespmem:s2+$0x4340] =	vst v61;
	v1 =	vmax.f32 v1, $0.0e+00;
	(pc) =	sbr.rel .LBB2_14-.Ltmp10, $4  }
0x113: {  	[tilespmem:s2+$0x4350] =	vst v1;
	v63 =	vmax.f32 v3, $0.0e+00  }
0x114: {  	v0 =	vmax.f32 v0, $0.0e+00;
	[tilespmem:s2+$0x4360] =	vst v63  }
0x115: {  	[tilespmem:s2+$0x4370] =	vst v0  }
0x116: {  	[spmem:s1] =	stream.indirect.scatter.add.f32 [tilespmem:s21], [sflag:$0xC], $0x80, s20, s26, $0xb8;
	[tilespmem:$0x1FB80] =	vst v63  }
.LBB2_16:
0x117: {  	_ =	sfence.sel $0x180000  }
0x118: {  	[bflag:$0x0] =	sbarrier.arrive $0xFFFF  }
0x119: {  	_ =	strace $0x9000004D  }
0x11a: {  	s0 =	stileid.u32;
	[bflag:$0x2] =	sbarrier.arrive $0xFFFF  }
0x11b: {  	p0 =	sne.s32 s0, $0x0;
	s0 =	rddreg [dreg:$0x2]  }
0x11c: {  	s0 =	sadd.s32 @!p0 $0x100000, s0  }
0x11d: {  	[sflag:s0] =	ssyncadd.tile.s32 @!p0 $0x1;
	_ =	shalt  }
.Lfunc_end2:
_tile_overlayer_lowered:
.L_overlay_start_2:
0x11e: {  	(tag) =	ssettag $0x2  }
0x11f: {  	s0 =	rddreg [dreg:$0x0];
	s2 =	stileid.u32  }
0x120: {  	s1 =	rddreg [dreg:$0x1];
	p0 =	sne.s32 s2, $0x0  }
0x121: {  	s3 =	rddreg [dreg:$0x2];
	[bflag:$0x3] =	sbarrier.arrive $0xFFFF;
	s2 =	simm.s32 @!p0 $0x1C0D  }
0x122: {  	[timem:s3], [sflag:s2] =	dma.local @!p0 [hbm:s0], s1  }
0x123: {  	s0 =	simm.s32 @!p0 $0xD  }
0x124: {  	_ =	swait.ge @!p0 [sflag:s0], s1  }
0x125: {  	s1 =	ssub.s32 @!p0 $0x0, s1;
	[sflag:s0] =	ssyncset.done @!p0 $0x0  }
0x126: {  	[sflag:s0] =	ssyncadd.s32 @!p0 s1  }
0x127: {  	[bflag:$0x3] =	sbarrier.arrive $0xFFFF  }
0x128: {  	_ =	shalt  }

</sc_bundles>
